<compile_context>
chip_gen: v7x
topology: tpu7x:2x2x1
jax: 0.10.2.dev20260603
libtpu: 0.0.44.dev20260713+nightly
codegen_flags: <defaults>
</compile_context>

<pallas_src>
import functools
import jax
import jax.numpy as jnp
from jax import lax
from jax.experimental import pallas as pl
from jax.experimental.pallas import tpu as pltpu
from jax.experimental.pallas import tpu_sc as plsc

N = 10000
E = 320000
D = 128
DE = 16
NC, NS, L = 2, 16, 16
NW = NC * NS
EPW = E // NW
CH = 80
NCHUNK = EPW // CH
ROWS_PT = N // NS
ZR = 125

_MESH = dict(core_axis_name="c", subcore_axis_name="s", num_cores=NC,
             num_subcores=NS)

CH2 = 128
EPW2 = 10240
NCHUNK2 = EPW2 // CH2
PAD = EPW2 - EPW
NROW = N + 8
SB = 80
NSB = N // SB
ZB = 16


def _zero_f32_buf(ref, rows, cols):
    def body(i, _):
        r = i // (cols // L)
        k = i % (cols // L)
        ref[r, pl.ds(k * L, L)] = jnp.zeros((L,), jnp.float32)
        return 0
    lax.fori_loop(0, rows * (cols // L), body, 0)


def _striped(sid, body_fn):
    def body(i, _):
        b = sid + i * NS

        @pl.when(b < NSB)
        def _():
            body_fn(b * SB)
        return 0
    lax.fori_loop(0, (NSB + NS - 1) // NS, body, 0)



def _seg_body(x_hbm, row_hbm, col_hbm, agg_out,
              row_v, col_v, nb0, nb1, zbufD, agg_sh, sem0, sem1):
    cid = lax.axis_index("c")
    sid = lax.axis_index("s")
    wid = cid * NS + sid

    _zero_f32_buf(zbufD, ZB, D)

    def zero_blk(r0):
        for j in range(SB // ZB):
            pltpu.sync_copy(zbufD, agg_sh.at[pl.ds(r0 + j * ZB, ZB)])
    _striped(sid, zero_blk)

    pltpu.sync_copy(row_hbm.at[wid], row_v)
    pltpu.sync_copy(col_hbm.at[wid], col_v)

    plsc.subcore_barrier()

    pltpu.async_copy(x_hbm.at[row_v.at[0]], nb0, sem0)

    def pair(i, _):
        g0 = 2 * i
        pltpu.make_async_copy(x_hbm.at[row_v.at[g0]], nb0, sem0).wait()
        pltpu.async_copy(x_hbm.at[row_v.at[g0 + 1]], nb1, sem1)
        pltpu.sync_copy(nb0, agg_sh.at[col_v.at[g0]], add=True)
        pltpu.make_async_copy(x_hbm.at[row_v.at[g0 + 1]], nb1, sem1).wait()
        pltpu.async_copy(x_hbm.at[row_v.at[g0 + 2]], nb0, sem0)
        pltpu.sync_copy(nb1, agg_sh.at[col_v.at[g0 + 1]], add=True)
        return 0
    lax.fori_loop(0, NCHUNK // 2, pair, 0)

    pltpu.make_async_copy(x_hbm.at[row_v.at[NCHUNK - 1]], nb0, sem0).wait()
    pltpu.sync_copy(nb0, agg_sh.at[col_v.at[NCHUNK - 1]], add=True)

    plsc.subcore_barrier()
    _striped(sid, lambda r0: pltpu.sync_copy(
        agg_sh.at[pl.ds(r0, SB)], agg_out.at[cid, pl.ds(r0, SB)]))


_seg = pl.kernel(
    _seg_body,
    out_type=jax.ShapeDtypeStruct((NC, N, D), jnp.float32),
    mesh=plsc.VectorSubcoreMesh(**_MESH),
    compiler_params=pltpu.CompilerParams(use_tc_tiling_on_sc=False),
    scratch_types=[
        pltpu.VMEM((NCHUNK, CH), jnp.int32),
        pltpu.VMEM((NCHUNK, CH), jnp.int32),
        pltpu.VMEM((CH, D), jnp.float32),
        pltpu.VMEM((CH, D), jnp.float32),
        pltpu.VMEM((ZB, D), jnp.float32),
        pltpu.VMEM_SHARED((N, D), jnp.float32),
        pltpu.SemaphoreType.DMA,
        pltpu.SemaphoreType.DMA,
    ],
)



def _k5_body(z_hbm, gp_hbm, cf_hbm, row_hbm, col_hbm, s_out,
             rb0, rb1, cb0, cb1, cf0, cf1, zb0, zb1, gb0, gb1, cxb, s_sh,
             gsem0, gsem1, psem0, psem1, ssem0, ssem1, fsem0, fsem1):
    cid = lax.axis_index("c")
    sid = lax.axis_index("s")
    wid = cid * NS + sid

    _zero_f32_buf(gb0, SB, D)
    _striped(sid, lambda r0: pltpu.sync_copy(gb0, s_sh.at[pl.ds(r0, SB)]))

    plsc.subcore_barrier()

    def compute(zbuf, gbuf, cfb):
        def expand(q, _):
            cv = cfb[pl.ds(q * L, L)]
            for u in range(L):
                cxb[q * L + u] = jnp.full((L,), cv[u], jnp.float32)
            return 0
        lax.fori_loop(0, CH // L, expand, 0)

        @plsc.parallel_loop(0, CH)
        def edge(e):
            c16 = cxb[e]
            for k in range(D // L):
                sl = pl.ds(k * L, L)
                gbuf[e, sl] = gbuf[e, sl] + zbuf[e, sl] * c16

    def fire(g, rb, cb, zb, gb, cfb, gsem, psem, fsem):
        pltpu.sync_copy(row_hbm.at[wid, g], rb)
        pltpu.sync_copy(col_hbm.at[wid, g], cb)
        pltpu.async_copy(z_hbm.at[rb], zb, gsem)
        pltpu.async_copy(gp_hbm.at[pl.ds(wid * EPW + g * CH, CH)], gb, psem)
        pltpu.async_copy(cf_hbm.at[pl.ds(wid * EPW + g * CH, CH)], cfb, fsem)

    def wait_bank(g, rb, zb, gb, cfb, gsem, psem, fsem):
        pltpu.make_async_copy(z_hbm.at[rb], zb, gsem).wait()
        pltpu.make_async_copy(
            gp_hbm.at[pl.ds(wid * EPW + g * CH, CH)], gb, psem).wait()
        pltpu.make_async_copy(
            cf_hbm.at[pl.ds(wid * EPW + g * CH, CH)], cfb, fsem).wait()

    fire(0, rb0, cb0, zb0, gb0, cf0, gsem0, psem0, fsem0)
    fire(1, rb1, cb1, zb1, gb1, cf1, gsem1, psem1, fsem1)

    def pair(i, _):
        g0 = 2 * i
        wait_bank(g0, rb0, zb0, gb0, cf0, gsem0, psem0, fsem0)
        compute(zb0, gb0, cf0)
        pltpu.async_copy(gb0, s_sh.at[cb0], ssem0, add=True)

        wait_bank(g0 + 1, rb1, zb1, gb1, cf1, gsem1, psem1, fsem1)
        compute(zb1, gb1, cf1)
        pltpu.async_copy(gb1, s_sh.at[cb1], ssem1, add=True)

        pltpu.make_async_copy(gb0, s_sh.at[cb0], ssem0).wait()

        @pl.when(g0 + 2 < NCHUNK)
        def _():
            fire(g0 + 2, rb0, cb0, zb0, gb0, cf0, gsem0, psem0, fsem0)

        pltpu.make_async_copy(gb1, s_sh.at[cb1], ssem1).wait()

        @pl.when(g0 + 3 < NCHUNK)
        def _():
            fire(g0 + 3, rb1, cb1, zb1, gb1, cf1, gsem1, psem1, fsem1)
        return 0
    lax.fori_loop(0, NCHUNK // 2, pair, 0)

    wait_bank(NCHUNK - 1, rb0, zb0, gb0, cf0, gsem0, psem0, fsem0)
    compute(zb0, gb0, cf0)
    pltpu.sync_copy(gb0, s_sh.at[cb0], add=True)

    plsc.subcore_barrier()
    _striped(sid, lambda r0: pltpu.sync_copy(
        s_sh.at[pl.ds(r0, SB)], s_out.at[cid, pl.ds(r0, SB)]))


_k5 = pl.kernel(
    _k5_body,
    out_type=jax.ShapeDtypeStruct((NC, N, D), jnp.float32),
    mesh=plsc.VectorSubcoreMesh(**_MESH),
    compiler_params=pltpu.CompilerParams(use_tc_tiling_on_sc=False),
    scratch_types=[
        pltpu.VMEM((CH,), jnp.int32),
        pltpu.VMEM((CH,), jnp.int32),
        pltpu.VMEM((CH,), jnp.int32),
        pltpu.VMEM((CH,), jnp.int32),
        pltpu.VMEM((CH,), jnp.float32),
        pltpu.VMEM((CH,), jnp.float32),
        pltpu.VMEM((CH, D), jnp.float32),
        pltpu.VMEM((CH, D), jnp.float32),
        pltpu.VMEM((CH, D), jnp.float32),
        pltpu.VMEM((CH, D), jnp.float32),
        pltpu.VMEM((CH, L), jnp.float32),
        pltpu.VMEM_SHARED((N, D), jnp.float32),
        pltpu.SemaphoreType.DMA,
        pltpu.SemaphoreType.DMA,
        pltpu.SemaphoreType.DMA,
        pltpu.SemaphoreType.DMA,
        pltpu.SemaphoreType.DMA,
        pltpu.SemaphoreType.DMA,
        pltpu.SemaphoreType.DMA,
        pltpu.SemaphoreType.DMA,
    ],
)



BN = 1000
BE = 2000
NB_E = E // BE


def _k0_body(ef_ref, efz_ref):
    ef = ef_ref[...]
    ones = jnp.ones((BN, DE), jnp.float32)
    zeros = jnp.zeros((BN, D - 2 * DE), jnp.float32)
    efz_ref[...] = jnp.concatenate([ef, ones, zeros], axis=1)


def _run_k0(ef):
    return pl.pallas_call(
        _k0_body,
        grid=(N // BN,),
        in_specs=[pl.BlockSpec((BN, DE), lambda i: (i, 0))],
        out_specs=pl.BlockSpec((BN, D), lambda i: (i, 0)),
        out_shape=jax.ShapeDtypeStruct((N, D), jnp.float32),
    )(ef)


def _k2_body(agg_ref, nf_ref, tc_ref, wrel_ref, wroot_ref, b_ref,
             wl_ref, x1_ref, mt_ref):
    a = agg_ref[0] + agg_ref[1]
    acc = jnp.dot(a, wrel_ref[...], preferred_element_type=jnp.float32)
    acc += jnp.dot(nf_ref[...], wroot_ref[...],
                   preferred_element_type=jnp.float32)
    x1_ref[...] = jnp.maximum(acc + b_ref[...], 0.0)

    tc = tc_ref[0] + tc_ref[1]
    tsum = tc[:, :DE]
    cnt = tc[:, DE]
    mean = tsum / jnp.maximum(cnt, 1.0)[:, None]
    mt_ref[...] = jnp.dot(mean, wl_ref[...], preferred_element_type=jnp.float32)


def _run_k2(agg, nf, tc, wrel, wroot, b, wl):
    return pl.pallas_call(
        _k2_body,
        grid=(N // BN,),
        in_specs=[
            pl.BlockSpec((NC, BN, D), lambda i: (0, i, 0)),
            pl.BlockSpec((BN, D), lambda i: (i, 0)),
            pl.BlockSpec((NC, BN, D), lambda i: (0, i, 0)),
            pl.BlockSpec((D, D), lambda i: (0, 0)),
            pl.BlockSpec((D, D), lambda i: (0, 0)),
            pl.BlockSpec((1, D), lambda i: (0, 0)),
            pl.BlockSpec((DE, D), lambda i: (0, 0)),
        ],
        out_specs=[
            pl.BlockSpec((BN, D), lambda i: (i, 0)),
            pl.BlockSpec((BN, D), lambda i: (i, 0)),
        ],
        out_shape=[
            jax.ShapeDtypeStruct((N, D), jnp.float32),
            jax.ShapeDtypeStruct((N, D), jnp.float32),
        ],
    )(agg, nf, tc, wrel, wroot, b, wl)


def _k2s_body(ef_ref, w_ref, b_ref, s_ref):
    t = jnp.dot(ef_ref[...], w_ref[...],
                preferred_element_type=jnp.float32) + b_ref[...]
    s = jnp.sum(t * t, axis=1)
    s_ref[...] = jnp.where(s >= 0.0, s, 0.01 * s)[None, None, :]


def _run_k2s(ef, att_w, att_b):
    return pl.pallas_call(
        _k2s_body,
        grid=(NB_E,),
        in_specs=[
            pl.BlockSpec((BE, DE), lambda i: (i, 0)),
            pl.BlockSpec((DE, D), lambda i: (0, 0)),
            pl.BlockSpec((1, D), lambda i: (0, 0)),
        ],
        out_specs=pl.BlockSpec((1, 1, BE), lambda i: (i, 0, 0)),
        out_shape=jax.ShapeDtypeStruct((NB_E, 1, BE), jnp.float32),
    )(ef, att_w, att_b)


def _k2c_body(s_ref, c_ref):
    s = s_ref[...]
    m = jnp.max(s)
    ex = jnp.exp(s - m)
    c_ref[...] = ex / jnp.sum(ex)


def _run_k2c(scores):
    return pl.pallas_call(
        _k2c_body,
        out_shape=jax.ShapeDtypeStruct((NB_E, 1, BE), jnp.float32),
    )(scores)


def _k4a_body(agg_ref, x1_ref, wrel_ref, wroot_ref, b_ref, ftop_ref, z_ref):
    a = agg_ref[0] + agg_ref[1]
    acc = jnp.dot(a, wrel_ref[...], preferred_element_type=jnp.float32)
    acc += jnp.dot(x1_ref[...], wroot_ref[...],
                   preferred_element_type=jnp.float32)
    x2 = jnp.maximum(acc + b_ref[...], 0.0)
    z_ref[...] = jnp.dot(x2, ftop_ref[...], preferred_element_type=jnp.float32)


def _run_k4a(agg, x1, wrel, wroot, b, ftop):
    return pl.pallas_call(
        _k4a_body,
        grid=(N // BN,),
        in_specs=[
            pl.BlockSpec((NC, BN, D), lambda i: (0, i, 0)),
            pl.BlockSpec((BN, D), lambda i: (i, 0)),
            pl.BlockSpec((D, D), lambda i: (0, 0)),
            pl.BlockSpec((D, D), lambda i: (0, 0)),
            pl.BlockSpec((1, D), lambda i: (0, 0)),
            pl.BlockSpec((D, D), lambda i: (0, 0)),
        ],
        out_specs=pl.BlockSpec((BN, D), lambda i: (i, 0)),
        out_shape=jax.ShapeDtypeStruct((N, D), jnp.float32),
    )(agg, x1, wrel, wroot, b, ftop)


def _k4b_body(ef_ref, cf_ref, mt_ref, wr_ref, b_ref, fbot_ref, g_ref):
    i = pl.program_id(0)
    pre = jnp.dot(ef_ref[...], wr_ref[...],
                  preferred_element_type=jnp.float32) + b_ref[...]
    mask = jnp.where(i < N // BE, 1.0, 0.0)
    e = jnp.maximum(pre + mask * mt_ref[...], 0.0)
    w = cf_ref[0, 0, :][:, None] * e
    g_ref[...] = jnp.dot(w, fbot_ref[...], preferred_element_type=jnp.float32)


def _run_k4b(ef, coeffs, mt, wr, b, fbot):
    return pl.pallas_call(
        _k4b_body,
        grid=(NB_E,),
        in_specs=[
            pl.BlockSpec((BE, DE), lambda i: (i, 0)),
            pl.BlockSpec((1, 1, BE), lambda i: (i, 0, 0)),
            pl.BlockSpec((BE, D), lambda i: (jnp.minimum(i, N // BE - 1), 0)),
            pl.BlockSpec((DE, D), lambda i: (0, 0)),
            pl.BlockSpec((1, D), lambda i: (0, 0)),
            pl.BlockSpec((D, D), lambda i: (0, 0)),
        ],
        out_specs=pl.BlockSpec((BE, D), lambda i: (i, 0)),
        out_shape=jax.ShapeDtypeStruct((E, D), jnp.float32),
    )(ef, coeffs, mt, wr, b, fbot)


def _k6_body(z_ref, s_ref, b_ref, o_ref):
    o_ref[...] = z_ref[...] + s_ref[0] + s_ref[1] + b_ref[...]


def _run_k6(z, s, b):
    return pl.pallas_call(
        _k6_body,
        grid=(N // BN,),
        in_specs=[
            pl.BlockSpec((BN, D), lambda i: (i, 0)),
            pl.BlockSpec((NC, BN, D), lambda i: (0, i, 0)),
            pl.BlockSpec((1, D), lambda i: (0, 0)),
        ],
        out_specs=pl.BlockSpec((BN, D), lambda i: (i, 0)),
        out_shape=jax.ShapeDtypeStruct((N, D), jnp.float32),
    )(z, s, b)



@jax.jit
def kernel(node_features, edge_indices, edge_features,
           gc1_Wroot, gc1_Wrel, gc1_b,
           gc2_Wroot, gc2_Wrel, gc2_b,
           sage_Wl, sage_Wr, sage_b,
           att_W, att_b, fc_W, fc_b):
    row2 = edge_indices[0].reshape(NW, NCHUNK, CH)
    col2 = edge_indices[1].reshape(NW, NCHUNK, CH)
    b1 = gc1_b.reshape(1, D)
    b2 = gc2_b.reshape(1, D)
    bs = sage_b.reshape(1, D)
    ba = att_b.reshape(1, D)
    bf = fc_b.reshape(1, D)
    fc_top = fc_W[:D]
    fc_bot = fc_W[D:]

    efz = _run_k0(edge_features)
    agg1 = _seg(node_features, row2, col2)
    tc_acc = _seg(efz, row2, col2)
    x1, mt = _run_k2(agg1, node_features, tc_acc,
                     gc1_Wrel, gc1_Wroot, b1, sage_Wl)
    scores = _run_k2s(edge_features, att_W, ba)
    coeffs = _run_k2c(scores)
    agg2 = _seg(x1, row2, col2)
    z = _run_k4a(agg2, x1, gc2_Wrel, gc2_Wroot, b2, fc_top)
    gp = _run_k4b(edge_features, coeffs, mt, sage_Wr, bs, fc_bot)
    s_acc = _k5(z, gp, coeffs.reshape(E), row2, col2)
    return _run_k6(z, s_acc, bf)

# --- scband reference (transcript-rebuilt; emitter-appended) ---
"""Pipeline reference for scband-att-edge-aware-gcn-28312424415407 (READ-ONLY COPY).

The authoritative reference and input builder live on the scoring server;
editing this copy changes nothing except your own understanding.
"""

import jax, jax.numpy as jnp
import numpy as np

N = 10000
E = 320000
D_NODE = 128
D_EDGE = 16
H = 128
OUT = 128


def setup_inputs(seed: int = 0) -> dict:
    key = jax.random.key(seed)
    ks = jax.random.split(key, 16)
    s = 0.05
    return {
        'node_features': jax.random.normal(ks[0], (N, D_NODE), dtype=jnp.float32),
        'edge_indices': jax.random.randint(ks[1], (2, E), 0, N, dtype=jnp.int32),
        'edge_features': jax.random.normal(ks[2], (E, D_EDGE), dtype=jnp.float32),
        'gc1_Wroot': jax.random.normal(ks[3], (D_NODE, H), dtype=jnp.float32) * s,
        'gc1_Wrel': jax.random.normal(ks[4], (D_NODE, H), dtype=jnp.float32) * s,
        'gc1_b': jnp.zeros((H,), dtype=jnp.float32),
        'gc2_Wroot': jax.random.normal(ks[5], (H, H), dtype=jnp.float32) * s,
        'gc2_Wrel': jax.random.normal(ks[6], (H, H), dtype=jnp.float32) * s,
        'gc2_b': jnp.zeros((H,), dtype=jnp.float32),
        'sage_Wl': jax.random.normal(ks[7], (D_EDGE, H), dtype=jnp.float32) * s,
        'sage_Wr': jax.random.normal(ks[8], (D_EDGE, H), dtype=jnp.float32) * s,
        'sage_b': jnp.zeros((H,), dtype=jnp.float32),
        'att_W': jax.random.normal(ks[9], (D_EDGE, H), dtype=jnp.float32) * s,
        'att_b': jnp.zeros((H,), dtype=jnp.float32),
        'fc_W': jax.random.normal(ks[10], (2 * H, OUT), dtype=jnp.float32) * s,
        'fc_b': jnp.zeros((OUT,), dtype=jnp.float32),
    }


def reference(node_features, edge_indices, edge_features,
              gc1_Wroot, gc1_Wrel, gc1_b,
              gc2_Wroot, gc2_Wrel, gc2_b,
              sage_Wl, sage_Wr, sage_b,
              att_W, att_b, fc_W, fc_b):
    row = edge_indices[0]
    col = edge_indices[1]
    n_nodes = node_features.shape[0]
    n_edges = edge_features.shape[0]

    # gc1: GraphConv (sum aggregation): out = aggr(x_j) @ Wrel + x @ Wroot + b
    agg1 = jax.ops.segment_sum(node_features[row], col, num_segments=n_nodes)
    x = jax.nn.relu(agg1 @ gc1_Wrel + node_features @ gc1_Wroot + gc1_b)
    # dropout: eval mode -> identity

    # gc2
    agg2 = jax.ops.segment_sum(x[row], col, num_segments=n_nodes)
    x = jax.nn.relu(agg2 @ gc2_Wrel + x @ gc2_Wroot + gc2_b)

    # edge_gcn: SAGEConv (mean aggregation) over edge_features treated as node feats of size E
    neigh_sum = jax.ops.segment_sum(edge_features[row], col, num_segments=n_edges)
    cnt = jax.ops.segment_sum(jnp.ones((n_edges,), dtype=jnp.float32), col, num_segments=n_edges)
    neigh_mean = neigh_sum / jnp.clip(cnt, 1.0, None)[:, None]
    e = jax.nn.relu(neigh_mean @ sage_Wl + edge_features @ sage_Wr + sage_b)

    # edge attention
    t = edge_features @ att_W + att_b
    scores = jnp.sum(t * t, axis=1)
    scores = jax.nn.leaky_relu(scores, negative_slope=0.01)
    coeffs = jax.nn.softmax(scores, axis=0)

    # scatter-add aggregation (the python loop in torch == scatter add over edges)
    agg_nbr = jnp.zeros((n_nodes, H), dtype=jnp.float32).at[col].add(coeffs[:, None] * x[row])
    agg_edg = jnp.zeros((n_nodes, H), dtype=jnp.float32).at[col].add(coeffs[:, None] * e)

    out = jnp.concatenate([x + agg_nbr, agg_edg], axis=1) @ fc_W + fc_b
    return out

if __name__ == "__main__":
    import jax
    _d = setup_inputs()
    print(jax.jit(kernel)(*tuple(_d.values())))

</pallas_src>

<mosaic_0001>
#map = affine_map<(d0, d1) -> (0, 0)>
#map1 = affine_map<(d0, d1) -> (0, 0, 0)>
module attributes {stable_mosaic.version = 14 : i64} {
  func.func @_seg_body(%arg0: i32, %arg1: i32, %arg2: memref<10000x128xf32, #tpu.memory_space<hbm>>, %arg3: memref<32x125x80xi32, #tpu.memory_space<hbm>>, %arg4: memref<32x125x80xi32, #tpu.memory_space<hbm>>, %arg5: memref<2x10000x128xf32, #tpu.memory_space<hbm>>, %arg6: memref<125x80xi32, #tpu.memory_space<vmem>>, %arg7: memref<125x80xi32, #tpu.memory_space<vmem>>, %arg8: memref<80x128xf32, #tpu.memory_space<vmem>>, %arg9: memref<80x128xf32, #tpu.memory_space<vmem>>, %arg10: memref<16x128xf32, #tpu.memory_space<vmem>>, %arg11: memref<10000x128xf32, #tpu.memory_space<vmem_shared>>, %arg12: memref<!tpu.dma_semaphore, #tpu.memory_space<semaphore_mem>>, %arg13: memref<!tpu.dma_semaphore, #tpu.memory_space<semaphore_mem>>) attributes {dimension_semantics = [#tpu.dimension_semantics<core_parallel>, #tpu.dimension_semantics<subcore_parallel>], iteration_bounds = array<i64: 2, 16>, scalar_prefetch = 0 : i64, scratch_operands = 8 : i64, tpu.core_type = #tpu.core_type<sc_vector_subcore>, window_params = [{transform_indices = #map}, {transform_indices = #map1}, {transform_indices = #map1}, {transform_indices = #map1}]} {
    %mul3A = arith.constant 16 : i32
    %mul3A_0 = arith.muli %arg0, %mul3A : i32
    %add3A = arith.addi %mul3A_0, %arg1 : i32
    %scan3A = arith.constant 0 : i32
    %scan3A_1 = arith.constant 0 : i32
    %scan3A_2 = arith.constant 128 : i32
    %scan3A_3 = arith.addi %scan3A_1, %scan3A_2 : i32
    %scan3A_4 = arith.constant 1 : i32
    %scan3A_5 = scf.for %scan3A_41 = %scan3A_1 to %scan3A_3 step %scan3A_4 iter_args(%scan3A_42 = %scan3A) -> (i32)  : i32 {
      %jit3A = arith.constant 8 : i32
      %div3A = arith.divsi %scan3A_41, %jit3A : i32
      %sign3A = arith.constant 0 : i32
      %sign3A_43 = arith.cmpi sgt, %scan3A_41, %sign3A : i32
      %sign3A_44 = arith.extui %sign3A_43 : i1 to i32
      %sign3A_45 = arith.constant 0 : i32
      %sign3A_46 = arith.cmpi slt, %scan3A_41, %sign3A_45 : i32
      %sign3A_47 = arith.extui %sign3A_46 : i1 to i32
      %sign3A_48 = arith.subi %sign3A_44, %sign3A_47 : i32
      %sign3A_49 = arith.constant 0 : i32
      %sign3A_50 = arith.cmpi sgt, %jit3A, %sign3A_49 : i32
      %sign3A_51 = arith.extui %sign3A_50 : i1 to i32
      %sign3A_52 = arith.constant 0 : i32
      %sign3A_53 = arith.cmpi slt, %jit3A, %sign3A_52 : i32
      %sign3A_54 = arith.extui %sign3A_53 : i1 to i32
      %sign3A_55 = arith.subi %sign3A_51, %sign3A_54 : i32
      %ne3A = arith.cmpi ne, %sign3A_48, %sign3A_55 : i32
      %rem3A = arith.remsi %scan3A_41, %jit3A : i32
      %ne3A_56 = arith.constant 0 : i32
      %ne3A_57 = arith.cmpi ne, %rem3A, %ne3A_56 : i32
      %and3A = arith.andi %ne3A, %ne3A_57 : i1
      %sub3A = arith.constant 1 : i32
      %sub3A_58 = arith.subi %div3A, %sub3A : i32
      %select_n3A = arith.select %and3A, %sub3A_58, %div3A : i32
      %jit3A_59 = arith.constant 8 : i32
      %eq3A = arith.constant 0 : i32
      %eq3A_60 = arith.cmpi eq, %jit3A_59, %eq3A : i32
      %jit3A_61 = arith.constant 1 : i32
      %select_n3A_62 = arith.select %eq3A_60, %jit3A_61, %jit3A_59 : i32
      %rem3A_63 = arith.remsi %scan3A_41, %select_n3A_62 : i32
      %ne3A_64 = arith.constant 0 : i32
      %ne3A_65 = arith.cmpi ne, %rem3A_63, %ne3A_64 : i32
      %lt3A = arith.constant 0 : i32
      %lt3A_66 = arith.cmpi slt, %rem3A_63, %lt3A : i32
      %lt3A_67 = arith.constant 0 : i32
      %lt3A_68 = arith.cmpi slt, %select_n3A_62, %lt3A_67 : i32
      %ne3A_69 = arith.xori %lt3A_66, %lt3A_68 : i1
      %and3A_70 = arith.andi %ne3A_69, %ne3A_65 : i1
      %add3A_71 = arith.addi %rem3A_63, %select_n3A_62 : i32
      %select_n3A_72 = arith.select %and3A_70, %add3A_71, %rem3A_63 : i32
      %broadcast_in_dim3A = arith.constant 0.000000e+00 : f32
      %broadcast_in_dim3A_73 = vector.broadcast %broadcast_in_dim3A : f32 to vector<16xf32>
      %mul3A_74 = arith.constant 16 : i32
      %mul3A_75 = arith.muli %select_n3A_72, %mul3A_74 : i32
      %swap3A = arith.index_cast %select_n3A : i32 to index
      %swap3A_76 = arith.index_cast %mul3A_75 : i32 to index
      %swap3A_77 = tpu.vector_load %arg10[%swap3A, %swap3A_76] {strides = array<i32>} : memref<16x128xf32, #tpu.memory_space<vmem>>, vector<1x16xf32>,
      %swap3A_78 = vector.shape_cast %swap3A_77 : vector<1x16xf32> to vector<16xf32>
      %swap3A_79 = vector.shape_cast %broadcast_in_dim3A_73 : vector<16xf32> to vector<1x16xf32>
      tpu.vector_store %arg10[%swap3A, %swap3A_76], %swap3A_79 {strides = array<i32>} : memref<16x128xf32, #tpu.memory_space<vmem>>, vector<1x16xf32>,
      %scan3A_80 = arith.constant 0 : i32
      scf.yield %scan3A_80 : i32
    }
    %scan3A_6 = arith.constant 128 : i32
    %scan3A_7 = arith.constant 0 : i32
    %scan3A_8 = arith.constant 0 : i32
    %scan3A_9 = arith.constant 8 : i32
    %scan3A_10 = arith.addi %scan3A_8, %scan3A_9 : i32
    %scan3A_11 = arith.constant 1 : i32
    %scan3A_12 = scf.for %scan3A_41 = %scan3A_8 to %scan3A_10 step %scan3A_11 iter_args(%scan3A_42 = %scan3A_7) -> (i32)  : i32 {
      %mul3A_43 = arith.constant 16 : i32
      %mul3A_44 = arith.muli %scan3A_41, %mul3A_43 : i32
      %add3A_45 = arith.addi %arg1, %mul3A_44 : i32
      %lt3A = arith.constant 125 : i32
      %lt3A_46 = arith.cmpi slt, %add3A_45, %lt3A : i32
      %convert_element_type3A = arith.extui %lt3A_46 : i1 to i32
      %cond3A = arith.constant 0 : i32
      %cond3A_47 = arith.cmpi ne, %convert_element_type3A, %cond3A : i32
      scf.if %cond3A_47 {
        %mul3A_49 = arith.constant 80 : i32
        %mul3A_50 = arith.muli %add3A_45, %mul3A_49 : i32
        %add3A_51 = arith.constant 0 : i32
        %add3A_52 = arith.addi %mul3A_50, %add3A_51 : i32
        "tpu.region"() ({
          %run_scoped3A_61 = tpu.sem_alloc : memref<!tpu.dma_semaphore, #tpu.memory_space<semaphore_mem>>
          %dma_start3A_62 = arith.constant 0 : i32
          %dma_start3A_63 = tpu.memref_slice %arg11[%add3A_52, %dma_start3A_62] : memref<10000x128xf32, #tpu.memory_space<vmem_shared>> -> memref<16x128xf32, #tpu.memory_space<vmem_shared>>
          %dma_start3A_64 = arith.constant 0 : i32
          %dma_start3A_65 = tpu.memref_slice %arg11[%add3A_52, %dma_start3A_64] : memref<10000x128xf32, #tpu.memory_space<vmem_shared>> -> memref<16x128xf32, #tpu.memory_space<vmem_shared>>
          tpu.enqueue_dma source(%arg10 : memref<16x128xf32, #tpu.memory_space<vmem>>) target(%dma_start3A_65 : memref<16x128xf32, #tpu.memory_space<vmem_shared>>) target_semaphore(%run_scoped3A_61 : memref<!tpu.dma_semaphore, #tpu.memory_space<semaphore_mem>>)
          %dma_wait3A_66 = arith.constant 0 : i32
          %dma_wait3A_67 = tpu.memref_slice %arg11[%add3A_52, %dma_wait3A_66] : memref<10000x128xf32, #tpu.memory_space<vmem_shared>> -> memref<16x128xf32, #tpu.memory_space<vmem_shared>>
          %dma_wait3A_68 = arith.constant 0 : i32
          %dma_wait3A_69 = tpu.memref_slice %arg11[%add3A_52, %dma_wait3A_68] : memref<10000x128xf32, #tpu.memory_space<vmem_shared>> -> memref<16x128xf32, #tpu.memory_space<vmem_shared>>
          tpu.wait_dma2 semaphore(%run_scoped3A_61 : memref<!tpu.dma_semaphore, #tpu.memory_space<semaphore_mem>>) src(%arg10 : memref<16x128xf32, #tpu.memory_space<vmem>>) dst(%dma_wait3A_69 : memref<16x128xf32, #tpu.memory_space<vmem_shared>>)
          tpu.yield
        }) : () -> ()
        %add3A_53 = arith.constant 16 : i32
        %add3A_54 = arith.addi %mul3A_50, %add3A_53 : i32
        "tpu.region"() ({
          %run_scoped3A_61 = tpu.sem_alloc : memref<!tpu.dma_semaphore, #tpu.memory_space<semaphore_mem>>
          %dma_start3A_62 = arith.constant 0 : i32
          %dma_start3A_63 = tpu.memref_slice %arg11[%add3A_54, %dma_start3A_62] : memref<10000x128xf32, #tpu.memory_space<vmem_shared>> -> memref<16x128xf32, #tpu.memory_space<vmem_shared>>
          %dma_start3A_64 = arith.constant 0 : i32
          %dma_start3A_65 = tpu.memref_slice %arg11[%add3A_54, %dma_start3A_64] : memref<10000x128xf32, #tpu.memory_space<vmem_shared>> -> memref<16x128xf32, #tpu.memory_space<vmem_shared>>
          tpu.enqueue_dma source(%arg10 : memref<16x128xf32, #tpu.memory_space<vmem>>) target(%dma_start3A_65 : memref<16x128xf32, #tpu.memory_space<vmem_shared>>) target_semaphore(%run_scoped3A_61 : memref<!tpu.dma_semaphore, #tpu.memory_space<semaphore_mem>>)
          %dma_wait3A_66 = arith.constant 0 : i32
          %dma_wait3A_67 = tpu.memref_slice %arg11[%add3A_54, %dma_wait3A_66] : memref<10000x128xf32, #tpu.memory_space<vmem_shared>> -> memref<16x128xf32, #tpu.memory_space<vmem_shared>>
          %dma_wait3A_68 = arith.constant 0 : i32
          %dma_wait3A_69 = tpu.memref_slice %arg11[%add3A_54, %dma_wait3A_68] : memref<10000x128xf32, #tpu.memory_space<vmem_shared>> -> memref<16x128xf32, #tpu.memory_space<vmem_shared>>
          tpu.wait_dma2 semaphore(%run_scoped3A_61 : memref<!tpu.dma_semaphore, #tpu.memory_space<semaphore_mem>>) src(%arg10 : memref<16x128xf32, #tpu.memory_space<vmem>>) dst(%dma_wait3A_69 : memref<16x128xf32, #tpu.memory_space<vmem_shared>>)
          tpu.yield
        }) : () -> ()
        %add3A_55 = arith.constant 32 : i32
        %add3A_56 = arith.addi %mul3A_50, %add3A_55 : i32
        "tpu.region"() ({
          %run_scoped3A_61 = tpu.sem_alloc : memref<!tpu.dma_semaphore, #tpu.memory_space<semaphore_mem>>
          %dma_start3A_62 = arith.constant 0 : i32
          %dma_start3A_63 = tpu.memref_slice %arg11[%add3A_56, %dma_start3A_62] : memref<10000x128xf32, #tpu.memory_space<vmem_shared>> -> memref<16x128xf32, #tpu.memory_space<vmem_shared>>
          %dma_start3A_64 = arith.constant 0 : i32
          %dma_start3A_65 = tpu.memref_slice %arg11[%add3A_56, %dma_start3A_64] : memref<10000x128xf32, #tpu.memory_space<vmem_shared>> -> memref<16x128xf32, #tpu.memory_space<vmem_shared>>
          tpu.enqueue_dma source(%arg10 : memref<16x128xf32, #tpu.memory_space<vmem>>) target(%dma_start3A_65 : memref<16x128xf32, #tpu.memory_space<vmem_shared>>) target_semaphore(%run_scoped3A_61 : memref<!tpu.dma_semaphore, #tpu.memory_space<semaphore_mem>>)
          %dma_wait3A_66 = arith.constant 0 : i32
          %dma_wait3A_67 = tpu.memref_slice %arg11[%add3A_56, %dma_wait3A_66] : memref<10000x128xf32, #tpu.memory_space<vmem_shared>> -> memref<16x128xf32, #tpu.memory_space<vmem_shared>>
          %dma_wait3A_68 = arith.constant 0 : i32
          %dma_wait3A_69 = tpu.memref_slice %arg11[%add3A_56, %dma_wait3A_68] : memref<10000x128xf32, #tpu.memory_space<vmem_shared>> -> memref<16x128xf32, #tpu.memory_space<vmem_shared>>
          tpu.wait_dma2 semaphore(%run_scoped3A_61 : memref<!tpu.dma_semaphore, #tpu.memory_space<semaphore_mem>>) src(%arg10 : memref<16x128xf32, #tpu.memory_space<vmem>>) dst(%dma_wait3A_69 : memref<16x128xf32, #tpu.memory_space<vmem_shared>>)
          tpu.yield
        }) : () -> ()
        %add3A_57 = arith.constant 48 : i32
        %add3A_58 = arith.addi %mul3A_50, %add3A_57 : i32
        "tpu.region"() ({
          %run_scoped3A_61 = tpu.sem_alloc : memref<!tpu.dma_semaphore, #tpu.memory_space<semaphore_mem>>
          %dma_start3A_62 = arith.constant 0 : i32
          %dma_start3A_63 = tpu.memref_slice %arg11[%add3A_58, %dma_start3A_62] : memref<10000x128xf32, #tpu.memory_space<vmem_shared>> -> memref<16x128xf32, #tpu.memory_space<vmem_shared>>
          %dma_start3A_64 = arith.constant 0 : i32
          %dma_start3A_65 = tpu.memref_slice %arg11[%add3A_58, %dma_start3A_64] : memref<10000x128xf32, #tpu.memory_space<vmem_shared>> -> memref<16x128xf32, #tpu.memory_space<vmem_shared>>
          tpu.enqueue_dma source(%arg10 : memref<16x128xf32, #tpu.memory_space<vmem>>) target(%dma_start3A_65 : memref<16x128xf32, #tpu.memory_space<vmem_shared>>) target_semaphore(%run_scoped3A_61 : memref<!tpu.dma_semaphore, #tpu.memory_space<semaphore_mem>>)
          %dma_wait3A_66 = arith.constant 0 : i32
          %dma_wait3A_67 = tpu.memref_slice %arg11[%add3A_58, %dma_wait3A_66] : memref<10000x128xf32, #tpu.memory_space<vmem_shared>> -> memref<16x128xf32, #tpu.memory_space<vmem_shared>>
          %dma_wait3A_68 = arith.constant 0 : i32
          %dma_wait3A_69 = tpu.memref_slice %arg11[%add3A_58, %dma_wait3A_68] : memref<10000x128xf32, #tpu.memory_space<vmem_shared>> -> memref<16x128xf32, #tpu.memory_space<vmem_shared>>
          tpu.wait_dma2 semaphore(%run_scoped3A_61 : memref<!tpu.dma_semaphore, #tpu.memory_space<semaphore_mem>>) src(%arg10 : memref<16x128xf32, #tpu.memory_space<vmem>>) dst(%dma_wait3A_69 : memref<16x128xf32, #tpu.memory_space<vmem_shared>>)
          tpu.yield
        }) : () -> ()
        %add3A_59 = arith.constant 64 : i32
        %add3A_60 = arith.addi %mul3A_50, %add3A_59 : i32
        "tpu.region"() ({
          %run_scoped3A_61 = tpu.sem_alloc : memref<!tpu.dma_semaphore, #tpu.memory_space<semaphore_mem>>
          %dma_start3A_62 = arith.constant 0 : i32
          %dma_start3A_63 = tpu.memref_slice %arg11[%add3A_60, %dma_start3A_62] : memref<10000x128xf32, #tpu.memory_space<vmem_shared>> -> memref<16x128xf32, #tpu.memory_space<vmem_shared>>
          %dma_start3A_64 = arith.constant 0 : i32
          %dma_start3A_65 = tpu.memref_slice %arg11[%add3A_60, %dma_start3A_64] : memref<10000x128xf32, #tpu.memory_space<vmem_shared>> -> memref<16x128xf32, #tpu.memory_space<vmem_shared>>
          tpu.enqueue_dma source(%arg10 : memref<16x128xf32, #tpu.memory_space<vmem>>) target(%dma_start3A_65 : memref<16x128xf32, #tpu.memory_space<vmem_shared>>) target_semaphore(%run_scoped3A_61 : memref<!tpu.dma_semaphore, #tpu.memory_space<semaphore_mem>>)
          %dma_wait3A_66 = arith.constant 0 : i32
          %dma_wait3A_67 = tpu.memref_slice %arg11[%add3A_60, %dma_wait3A_66] : memref<10000x128xf32, #tpu.memory_space<vmem_shared>> -> memref<16x128xf32, #tpu.memory_space<vmem_shared>>
          %dma_wait3A_68 = arith.constant 0 : i32
          %dma_wait3A_69 = tpu.memref_slice %arg11[%add3A_60, %dma_wait3A_68] : memref<10000x128xf32, #tpu.memory_space<vmem_shared>> -> memref<16x128xf32, #tpu.memory_space<vmem_shared>>
          tpu.wait_dma2 semaphore(%run_scoped3A_61 : memref<!tpu.dma_semaphore, #tpu.memory_space<semaphore_mem>>) src(%arg10 : memref<16x128xf32, #tpu.memory_space<vmem>>) dst(%dma_wait3A_69 : memref<16x128xf32, #tpu.memory_space<vmem_shared>>)
          tpu.yield
        }) : () -> ()
      } else {
      }
      %scan3A_48 = arith.constant 0 : i32
      scf.yield %scan3A_48 : i32
    }
    %scan3A_13 = arith.constant 8 : i32
    "tpu.region"() ({
      %run_scoped3A_41 = tpu.sem_alloc : memref<!tpu.dma_semaphore, #tpu.memory_space<semaphore_mem>>
      %dma_start3A_42 = arith.constant 0 : i32
      %dma_start3A_43 = arith.constant 0 : i32
      %dma_start3A_44 = tpu.memref_slice %arg3[%add3A, %dma_start3A_42, %dma_start3A_43] : memref<32x125x80xi32, #tpu.memory_space<hbm>> -> memref<1x125x80xi32, #tpu.memory_space<hbm>>
      %dma_start3A_45 = tpu.memref_squeeze %dma_start3A_44 : memref<1x125x80xi32, #tpu.memory_space<hbm>> -> memref<125x80xi32, #tpu.memory_space<hbm>>
      %dma_start3A_46 = arith.constant 0 : i32
      %dma_start3A_47 = arith.constant 0 : i32
      %dma_start3A_48 = tpu.memref_slice %arg3[%add3A, %dma_start3A_46, %dma_start3A_47] : memref<32x125x80xi32, #tpu.memory_space<hbm>> -> memref<1x125x80xi32, #tpu.memory_space<hbm>>
      %dma_start3A_49 = tpu.memref_squeeze %dma_start3A_48 : memref<1x125x80xi32, #tpu.memory_space<hbm>> -> memref<125x80xi32, #tpu.memory_space<hbm>>
      tpu.enqueue_dma source(%dma_start3A_49 : memref<125x80xi32, #tpu.memory_space<hbm>>) target(%arg6 : memref<125x80xi32, #tpu.memory_space<vmem>>) target_semaphore(%run_scoped3A_41 : memref<!tpu.dma_semaphore, #tpu.memory_space<semaphore_mem>>)
      %dma_wait3A_50 = arith.constant 0 : i32
      %dma_wait3A_51 = arith.constant 0 : i32
      %dma_wait3A_52 = tpu.memref_slice %arg3[%add3A, %dma_wait3A_50, %dma_wait3A_51] : memref<32x125x80xi32, #tpu.memory_space<hbm>> -> memref<1x125x80xi32, #tpu.memory_space<hbm>>
      %dma_wait3A_53 = tpu.memref_squeeze %dma_wait3A_52 : memref<1x125x80xi32, #tpu.memory_space<hbm>> -> memref<125x80xi32, #tpu.memory_space<hbm>>
      %dma_wait3A_54 = arith.constant 0 : i32
      %dma_wait3A_55 = arith.constant 0 : i32
      %dma_wait3A_56 = tpu.memref_slice %arg3[%add3A, %dma_wait3A_54, %dma_wait3A_55] : memref<32x125x80xi32, #tpu.memory_space<hbm>> -> memref<1x125x80xi32, #tpu.memory_space<hbm>>
      %dma_wait3A_57 = tpu.memref_squeeze %dma_wait3A_56 : memref<1x125x80xi32, #tpu.memory_space<hbm>> -> memref<125x80xi32, #tpu.memory_space<hbm>>
      tpu.wait_dma2 semaphore(%run_scoped3A_41 : memref<!tpu.dma_semaphore, #tpu.memory_space<semaphore_mem>>) src(%dma_wait3A_57 : memref<125x80xi32, #tpu.memory_space<hbm>>) dst(%arg6 : memref<125x80xi32, #tpu.memory_space<vmem>>)
      tpu.yield
    }) : () -> ()
    "tpu.region"() ({
      %run_scoped3A_41 = tpu.sem_alloc : memref<!tpu.dma_semaphore, #tpu.memory_space<semaphore_mem>>
      %dma_start3A_42 = arith.constant 0 : i32
      %dma_start3A_43 = arith.constant 0 : i32
      %dma_start3A_44 = tpu.memref_slice %arg4[%add3A, %dma_start3A_42, %dma_start3A_43] : memref<32x125x80xi32, #tpu.memory_space<hbm>> -> memref<1x125x80xi32, #tpu.memory_space<hbm>>
      %dma_start3A_45 = tpu.memref_squeeze %dma_start3A_44 : memref<1x125x80xi32, #tpu.memory_space<hbm>> -> memref<125x80xi32, #tpu.memory_space<hbm>>
      %dma_start3A_46 = arith.constant 0 : i32
      %dma_start3A_47 = arith.constant 0 : i32
      %dma_start3A_48 = tpu.memref_slice %arg4[%add3A, %dma_start3A_46, %dma_start3A_47] : memref<32x125x80xi32, #tpu.memory_space<hbm>> -> memref<1x125x80xi32, #tpu.memory_space<hbm>>
      %dma_start3A_49 = tpu.memref_squeeze %dma_start3A_48 : memref<1x125x80xi32, #tpu.memory_space<hbm>> -> memref<125x80xi32, #tpu.memory_space<hbm>>
      tpu.enqueue_dma source(%dma_start3A_49 : memref<125x80xi32, #tpu.memory_space<hbm>>) target(%arg7 : memref<125x80xi32, #tpu.memory_space<vmem>>) target_semaphore(%run_scoped3A_41 : memref<!tpu.dma_semaphore, #tpu.memory_space<semaphore_mem>>)
      %dma_wait3A_50 = arith.constant 0 : i32
      %dma_wait3A_51 = arith.constant 0 : i32
      %dma_wait3A_52 = tpu.memref_slice %arg4[%add3A, %dma_wait3A_50, %dma_wait3A_51] : memref<32x125x80xi32, #tpu.memory_space<hbm>> -> memref<1x125x80xi32, #tpu.memory_space<hbm>>
      %dma_wait3A_53 = tpu.memref_squeeze %dma_wait3A_52 : memref<1x125x80xi32, #tpu.memory_space<hbm>> -> memref<125x80xi32, #tpu.memory_space<hbm>>
      %dma_wait3A_54 = arith.constant 0 : i32
      %dma_wait3A_55 = arith.constant 0 : i32
      %dma_wait3A_56 = tpu.memref_slice %arg4[%add3A, %dma_wait3A_54, %dma_wait3A_55] : memref<32x125x80xi32, #tpu.memory_space<hbm>> -> memref<1x125x80xi32, #tpu.memory_space<hbm>>
      %dma_wait3A_57 = tpu.memref_squeeze %dma_wait3A_56 : memref<1x125x80xi32, #tpu.memory_space<hbm>> -> memref<125x80xi32, #tpu.memory_space<hbm>>
      tpu.wait_dma2 semaphore(%run_scoped3A_41 : memref<!tpu.dma_semaphore, #tpu.memory_space<semaphore_mem>>) src(%dma_wait3A_57 : memref<125x80xi32, #tpu.memory_space<hbm>>) dst(%arg7 : memref<125x80xi32, #tpu.memory_space<vmem>>)
      tpu.yield
    }) : () -> ()
    %barrier3A = arith.constant 0 : index
    tpu.barrier barrier_id(%barrier3A)
    %dma_start3A = arith.constant 0 : i32
    %dma_start3A_14 = arith.constant 0 : i32
    %dma_start3A_15 = tpu.memref_slice %arg6[%dma_start3A, %dma_start3A_14] : memref<125x80xi32, #tpu.memory_space<vmem>> -> memref<1x80xi32, #tpu.memory_space<vmem>>
    %dma_start3A_16 = tpu.memref_squeeze %dma_start3A_15 : memref<1x80xi32, #tpu.memory_space<vmem>> -> memref<80xi32, #tpu.memory_space<vmem>>
    %dma_start3A_17 = arith.constant 0 : i32
    %dma_start3A_18 = arith.constant 0 : i32
    %dma_start3A_19 = tpu.memref_slice %arg2[%dma_start3A_17, %dma_start3A_18] : memref<10000x128xf32, #tpu.memory_space<hbm>> -> memref<10000x128xf32, #tpu.memory_space<hbm>>
    tpu.enqueue_indirect_dma source(%dma_start3A_19 : memref<10000x128xf32, #tpu.memory_space<hbm>>) target(%arg8 : memref<80x128xf32, #tpu.memory_space<vmem>>) offsets(%dma_start3A_16 : memref<80xi32, #tpu.memory_space<vmem>>) semaphore(%arg12 : memref<!tpu.dma_semaphore, #tpu.memory_space<semaphore_mem>>)
    %scan3A_20 = arith.constant 0 : i32
    %scan3A_21 = arith.constant 0 : i32
    %scan3A_22 = arith.constant 62 : i32
    %scan3A_23 = arith.addi %scan3A_21, %scan3A_22 : i32
    %scan3A_24 = arith.constant 1 : i32
    %scan3A_25 = scf.for %scan3A_41 = %scan3A_21 to %scan3A_23 step %scan3A_24 iter_args(%scan3A_42 = %scan3A_20) -> (i32)  : i32 {
      %mul3A_43 = arith.constant 2 : i32
      %mul3A_44 = arith.muli %mul3A_43, %scan3A_41 : i32
      %dma_wait3A_45 = arith.constant 0 : i32
      %dma_wait3A_46 = tpu.memref_slice %arg6[%mul3A_44, %dma_wait3A_45] : memref<125x80xi32, #tpu.memory_space<vmem>> -> memref<1x80xi32, #tpu.memory_space<vmem>>
      %dma_wait3A_47 = tpu.memref_squeeze %dma_wait3A_46 : memref<1x80xi32, #tpu.memory_space<vmem>> -> memref<80xi32, #tpu.memory_space<vmem>>
      %dma_wait3A_48 = arith.constant 0 : i32
      %dma_wait3A_49 = arith.constant 0 : i32
      %dma_wait3A_50 = tpu.memref_slice %arg2[%dma_wait3A_48, %dma_wait3A_49] : memref<10000x128xf32, #tpu.memory_space<hbm>> -> memref<10000x128xf32, #tpu.memory_space<hbm>>
      tpu.wait_indirect_dma semaphore(%arg12 : memref<!tpu.dma_semaphore, #tpu.memory_space<semaphore_mem>>) src(%dma_wait3A_50 : memref<10000x128xf32, #tpu.memory_space<hbm>>) dst(%arg8 : memref<80x128xf32, #tpu.memory_space<vmem>>)
      %add3A_51 = arith.constant 1 : i32
      %add3A_52 = arith.addi %mul3A_44, %add3A_51 : i32
      %dma_start3A_53 = arith.constant 0 : i32
      %dma_start3A_54 = tpu.memref_slice %arg6[%add3A_52, %dma_start3A_53] : memref<125x80xi32, #tpu.memory_space<vmem>> -> memref<1x80xi32, #tpu.memory_space<vmem>>
      %dma_start3A_55 = tpu.memref_squeeze %dma_start3A_54 : memref<1x80xi32, #tpu.memory_space<vmem>> -> memref<80xi32, #tpu.memory_space<vmem>>
      %dma_start3A_56 = arith.constant 0 : i32
      %dma_start3A_57 = arith.constant 0 : i32
      %dma_start3A_58 = tpu.memref_slice %arg2[%dma_start3A_56, %dma_start3A_57] : memref<10000x128xf32, #tpu.memory_space<hbm>> -> memref<10000x128xf32, #tpu.memory_space<hbm>>
      tpu.enqueue_indirect_dma source(%dma_start3A_58 : memref<10000x128xf32, #tpu.memory_space<hbm>>) target(%arg9 : memref<80x128xf32, #tpu.memory_space<vmem>>) offsets(%dma_start3A_55 : memref<80xi32, #tpu.memory_space<vmem>>) semaphore(%arg13 : memref<!tpu.dma_semaphore, #tpu.memory_space<semaphore_mem>>)
      "tpu.region"() ({
        %run_scoped3A_78 = tpu.sem_alloc : memref<!tpu.dma_semaphore, #tpu.memory_space<semaphore_mem>>
        %dma_start3A_79 = arith.constant 0 : i32
        %dma_start3A_80 = tpu.memref_slice %arg7[%mul3A_44, %dma_start3A_79] : memref<125x80xi32, #tpu.memory_space<vmem>> -> memref<1x80xi32, #tpu.memory_space<vmem>>
        %dma_start3A_81 = tpu.memref_squeeze %dma_start3A_80 : memref<1x80xi32, #tpu.memory_space<vmem>> -> memref<80xi32, #tpu.memory_space<vmem>>
        %dma_start3A_82 = arith.constant 0 : i32
        %dma_start3A_83 = arith.constant 0 : i32
        %dma_start3A_84 = tpu.memref_slice %arg11[%dma_start3A_82, %dma_start3A_83] : memref<10000x128xf32, #tpu.memory_space<vmem_shared>> -> memref<10000x128xf32, #tpu.memory_space<vmem_shared>>
        tpu.enqueue_indirect_dma source(%arg8 : memref<80x128xf32, #tpu.memory_space<vmem>>) target(%dma_start3A_84 : memref<10000x128xf32, #tpu.memory_space<vmem_shared>>) offsets(%dma_start3A_81 : memref<80xi32, #tpu.memory_space<vmem>>) semaphore(%run_scoped3A_78 : memref<!tpu.dma_semaphore, #tpu.memory_space<semaphore_mem>>) {add = true}
        %dma_wait3A_85 = arith.constant 0 : i32
        %dma_wait3A_86 = tpu.memref_slice %arg7[%mul3A_44, %dma_wait3A_85] : memref<125x80xi32, #tpu.memory_space<vmem>> -> memref<1x80xi32, #tpu.memory_space<vmem>>
        %dma_wait3A_87 = tpu.memref_squeeze %dma_wait3A_86 : memref<1x80xi32, #tpu.memory_space<vmem>> -> memref<80xi32, #tpu.memory_space<vmem>>
        %dma_wait3A_88 = arith.constant 0 : i32
        %dma_wait3A_89 = arith.constant 0 : i32
        %dma_wait3A_90 = tpu.memref_slice %arg11[%dma_wait3A_88, %dma_wait3A_89] : memref<10000x128xf32, #tpu.memory_space<vmem_shared>> -> memref<10000x128xf32, #tpu.memory_space<vmem_shared>>
        tpu.wait_indirect_dma semaphore(%run_scoped3A_78 : memref<!tpu.dma_semaphore, #tpu.memory_space<semaphore_mem>>) src(%arg8 : memref<80x128xf32, #tpu.memory_space<vmem>>) dst(%dma_wait3A_90 : memref<10000x128xf32, #tpu.memory_space<vmem_shared>>)
        tpu.yield
      }) : () -> ()
      %add3A_59 = arith.constant 1 : i32
      %add3A_60 = arith.addi %mul3A_44, %add3A_59 : i32
      %dma_wait3A_61 = arith.constant 0 : i32
      %dma_wait3A_62 = tpu.memref_slice %arg6[%add3A_60, %dma_wait3A_61] : memref<125x80xi32, #tpu.memory_space<vmem>> -> memref<1x80xi32, #tpu.memory_space<vmem>>
      %dma_wait3A_63 = tpu.memref_squeeze %dma_wait3A_62 : memref<1x80xi32, #tpu.memory_space<vmem>> -> memref<80xi32, #tpu.memory_space<vmem>>
      %dma_wait3A_64 = arith.constant 0 : i32
      %dma_wait3A_65 = arith.constant 0 : i32
      %dma_wait3A_66 = tpu.memref_slice %arg2[%dma_wait3A_64, %dma_wait3A_65] : memref<10000x128xf32, #tpu.memory_space<hbm>> -> memref<10000x128xf32, #tpu.memory_space<hbm>>
      tpu.wait_indirect_dma semaphore(%arg13 : memref<!tpu.dma_semaphore, #tpu.memory_space<semaphore_mem>>) src(%dma_wait3A_66 : memref<10000x128xf32, #tpu.memory_space<hbm>>) dst(%arg9 : memref<80x128xf32, #tpu.memory_space<vmem>>)
      %add3A_67 = arith.constant 2 : i32
      %add3A_68 = arith.addi %mul3A_44, %add3A_67 : i32
      %dma_start3A_69 = arith.constant 0 : i32
      %dma_start3A_70 = tpu.memref_slice %arg6[%add3A_68, %dma_start3A_69] : memref<125x80xi32, #tpu.memory_space<vmem>> -> memref<1x80xi32, #tpu.memory_space<vmem>>
      %dma_start3A_71 = tpu.memref_squeeze %dma_start3A_70 : memref<1x80xi32, #tpu.memory_space<vmem>> -> memref<80xi32, #tpu.memory_space<vmem>>
      %dma_start3A_72 = arith.constant 0 : i32
      %dma_start3A_73 = arith.constant 0 : i32
      %dma_start3A_74 = tpu.memref_slice %arg2[%dma_start3A_72, %dma_start3A_73] : memref<10000x128xf32, #tpu.memory_space<hbm>> -> memref<10000x128xf32, #tpu.memory_space<hbm>>
      tpu.enqueue_indirect_dma source(%dma_start3A_74 : memref<10000x128xf32, #tpu.memory_space<hbm>>) target(%arg8 : memref<80x128xf32, #tpu.memory_space<vmem>>) offsets(%dma_start3A_71 : memref<80xi32, #tpu.memory_space<vmem>>) semaphore(%arg12 : memref<!tpu.dma_semaphore, #tpu.memory_space<semaphore_mem>>)
      %add3A_75 = arith.constant 1 : i32
      %add3A_76 = arith.addi %mul3A_44, %add3A_75 : i32
      "tpu.region"() ({
        %run_scoped3A_78 = tpu.sem_alloc : memref<!tpu.dma_semaphore, #tpu.memory_space<semaphore_mem>>
        %dma_start3A_79 = arith.constant 0 : i32
        %dma_start3A_80 = tpu.memref_slice %arg7[%add3A_76, %dma_start3A_79] : memref<125x80xi32, #tpu.memory_space<vmem>> -> memref<1x80xi32, #tpu.memory_space<vmem>>
        %dma_start3A_81 = tpu.memref_squeeze %dma_start3A_80 : memref<1x80xi32, #tpu.memory_space<vmem>> -> memref<80xi32, #tpu.memory_space<vmem>>
        %dma_start3A_82 = arith.constant 0 : i32
        %dma_start3A_83 = arith.constant 0 : i32
        %dma_start3A_84 = tpu.memref_slice %arg11[%dma_start3A_82, %dma_start3A_83] : memref<10000x128xf32, #tpu.memory_space<vmem_shared>> -> memref<10000x128xf32, #tpu.memory_space<vmem_shared>>
        tpu.enqueue_indirect_dma source(%arg9 : memref<80x128xf32, #tpu.memory_space<vmem>>) target(%dma_start3A_84 : memref<10000x128xf32, #tpu.memory_space<vmem_shared>>) offsets(%dma_start3A_81 : memref<80xi32, #tpu.memory_space<vmem>>) semaphore(%run_scoped3A_78 : memref<!tpu.dma_semaphore, #tpu.memory_space<semaphore_mem>>) {add = true}
        %dma_wait3A_85 = arith.constant 0 : i32
        %dma_wait3A_86 = tpu.memref_slice %arg7[%add3A_76, %dma_wait3A_85] : memref<125x80xi32, #tpu.memory_space<vmem>> -> memref<1x80xi32, #tpu.memory_space<vmem>>
        %dma_wait3A_87 = tpu.memref_squeeze %dma_wait3A_86 : memref<1x80xi32, #tpu.memory_space<vmem>> -> memref<80xi32, #tpu.memory_space<vmem>>
        %dma_wait3A_88 = arith.constant 0 : i32
        %dma_wait3A_89 = arith.constant 0 : i32
        %dma_wait3A_90 = tpu.memref_slice %arg11[%dma_wait3A_88, %dma_wait3A_89] : memref<10000x128xf32, #tpu.memory_space<vmem_shared>> -> memref<10000x128xf32, #tpu.memory_space<vmem_shared>>
        tpu.wait_indirect_dma semaphore(%run_scoped3A_78 : memref<!tpu.dma_semaphore, #tpu.memory_space<semaphore_mem>>) src(%arg9 : memref<80x128xf32, #tpu.memory_space<vmem>>) dst(%dma_wait3A_90 : memref<10000x128xf32, #tpu.memory_space<vmem_shared>>)
        tpu.yield
      }) : () -> ()
      %scan3A_77 = arith.constant 0 : i32
      scf.yield %scan3A_77 : i32
    }
    %scan3A_26 = arith.constant 62 : i32
    %dma_wait3A = arith.constant 124 : i32
    %dma_wait3A_27 = arith.constant 0 : i32
    %dma_wait3A_28 = tpu.memref_slice %arg6[%dma_wait3A, %dma_wait3A_27] : memref<125x80xi32, #tpu.memory_space<vmem>> -> memref<1x80xi32, #tpu.memory_space<vmem>>
    %dma_wait3A_29 = tpu.memref_squeeze %dma_wait3A_28 : memref<1x80xi32, #tpu.memory_space<vmem>> -> memref<80xi32, #tpu.memory_space<vmem>>
    %dma_wait3A_30 = arith.constant 0 : i32
    %dma_wait3A_31 = arith.constant 0 : i32
    %dma_wait3A_32 = tpu.memref_slice %arg2[%dma_wait3A_30, %dma_wait3A_31] : memref<10000x128xf32, #tpu.memory_space<hbm>> -> memref<10000x128xf32, #tpu.memory_space<hbm>>
    tpu.wait_indirect_dma semaphore(%arg12 : memref<!tpu.dma_semaphore, #tpu.memory_space<semaphore_mem>>) src(%dma_wait3A_32 : memref<10000x128xf32, #tpu.memory_space<hbm>>) dst(%arg8 : memref<80x128xf32, #tpu.memory_space<vmem>>)
    %run_scoped3A = arith.constant 124 : i32
    "tpu.region"() ({
      %run_scoped3A_41 = tpu.sem_alloc : memref<!tpu.dma_semaphore, #tpu.memory_space<semaphore_mem>>
      %dma_start3A_42 = arith.constant 0 : i32
      %dma_start3A_43 = tpu.memref_slice %arg7[%run_scoped3A, %dma_start3A_42] : memref<125x80xi32, #tpu.memory_space<vmem>> -> memref<1x80xi32, #tpu.memory_space<vmem>>
      %dma_start3A_44 = tpu.memref_squeeze %dma_start3A_43 : memref<1x80xi32, #tpu.memory_space<vmem>> -> memref<80xi32, #tpu.memory_space<vmem>>
      %dma_start3A_45 = arith.constant 0 : i32
      %dma_start3A_46 = arith.constant 0 : i32
      %dma_start3A_47 = tpu.memref_slice %arg11[%dma_start3A_45, %dma_start3A_46] : memref<10000x128xf32, #tpu.memory_space<vmem_shared>> -> memref<10000x128xf32, #tpu.memory_space<vmem_shared>>
      tpu.enqueue_indirect_dma source(%arg8 : memref<80x128xf32, #tpu.memory_space<vmem>>) target(%dma_start3A_47 : memref<10000x128xf32, #tpu.memory_space<vmem_shared>>) offsets(%dma_start3A_44 : memref<80xi32, #tpu.memory_space<vmem>>) semaphore(%run_scoped3A_41 : memref<!tpu.dma_semaphore, #tpu.memory_space<semaphore_mem>>) {add = true}
      %dma_wait3A_48 = arith.constant 0 : i32
      %dma_wait3A_49 = tpu.memref_slice %arg7[%run_scoped3A, %dma_wait3A_48] : memref<125x80xi32, #tpu.memory_space<vmem>> -> memref<1x80xi32, #tpu.memory_space<vmem>>
      %dma_wait3A_50 = tpu.memref_squeeze %dma_wait3A_49 : memref<1x80xi32, #tpu.memory_space<vmem>> -> memref<80xi32, #tpu.memory_space<vmem>>
      %dma_wait3A_51 = arith.constant 0 : i32
      %dma_wait3A_52 = arith.constant 0 : i32
      %dma_wait3A_53 = tpu.memref_slice %arg11[%dma_wait3A_51, %dma_wait3A_52] : memref<10000x128xf32, #tpu.memory_space<vmem_shared>> -> memref<10000x128xf32, #tpu.memory_space<vmem_shared>>
      tpu.wait_indirect_dma semaphore(%run_scoped3A_41 : memref<!tpu.dma_semaphore, #tpu.memory_space<semaphore_mem>>) src(%arg8 : memref<80x128xf32, #tpu.memory_space<vmem>>) dst(%dma_wait3A_53 : memref<10000x128xf32, #tpu.memory_space<vmem_shared>>)
      tpu.yield
    }) : () -> ()
    %barrier3A_33 = arith.constant 0 : index
    tpu.barrier barrier_id(%barrier3A_33)
    %scan3A_34 = arith.constant 0 : i32
    %scan3A_35 = arith.constant 0 : i32
    %scan3A_36 = arith.constant 8 : i32
    %scan3A_37 = arith.addi %scan3A_35, %scan3A_36 : i32
    %scan3A_38 = arith.constant 1 : i32
    %scan3A_39 = scf.for %scan3A_41 = %scan3A_35 to %scan3A_37 step %scan3A_38 iter_args(%scan3A_42 = %scan3A_34) -> (i32)  : i32 {
      %mul3A_43 = arith.constant 16 : i32
      %mul3A_44 = arith.muli %scan3A_41, %mul3A_43 : i32
      %add3A_45 = arith.addi %arg1, %mul3A_44 : i32
      %lt3A = arith.constant 125 : i32
      %lt3A_46 = arith.cmpi slt, %add3A_45, %lt3A : i32
      %convert_element_type3A = arith.extui %lt3A_46 : i1 to i32
      %cond3A = arith.constant 0 : i32
      %cond3A_47 = arith.cmpi ne, %convert_element_type3A, %cond3A : i32
      scf.if %cond3A_47 {
        %mul3A_49 = arith.constant 80 : i32
        %mul3A_50 = arith.muli %add3A_45, %mul3A_49 : i32
        "tpu.region"() ({
          %run_scoped3A_51 = tpu.sem_alloc : memref<!tpu.dma_semaphore, #tpu.memory_space<semaphore_mem>>
          %dma_start3A_52 = arith.constant 0 : i32
          %dma_start3A_53 = tpu.memref_slice %arg5[%arg0, %mul3A_50, %dma_start3A_52] : memref<2x10000x128xf32, #tpu.memory_space<hbm>> -> memref<1x80x128xf32, #tpu.memory_space<hbm>>
          %dma_start3A_54 = tpu.memref_squeeze %dma_start3A_53 : memref<1x80x128xf32, #tpu.memory_space<hbm>> -> memref<80x128xf32, #tpu.memory_space<hbm>>
          %dma_start3A_55 = arith.constant 0 : i32
          %dma_start3A_56 = tpu.memref_slice %arg11[%mul3A_50, %dma_start3A_55] : memref<10000x128xf32, #tpu.memory_space<vmem_shared>> -> memref<80x128xf32, #tpu.memory_space<vmem_shared>>
          tpu.enqueue_dma source(%dma_start3A_56 : memref<80x128xf32, #tpu.memory_space<vmem_shared>>) target(%dma_start3A_54 : memref<80x128xf32, #tpu.memory_space<hbm>>) target_semaphore(%run_scoped3A_51 : memref<!tpu.dma_semaphore, #tpu.memory_space<semaphore_mem>>)
          %dma_wait3A_57 = arith.constant 0 : i32
          %dma_wait3A_58 = tpu.memref_slice %arg5[%arg0, %mul3A_50, %dma_wait3A_57] : memref<2x10000x128xf32, #tpu.memory_space<hbm>> -> memref<1x80x128xf32, #tpu.memory_space<hbm>>
          %dma_wait3A_59 = tpu.memref_squeeze %dma_wait3A_58 : memref<1x80x128xf32, #tpu.memory_space<hbm>> -> memref<80x128xf32, #tpu.memory_space<hbm>>
          %dma_wait3A_60 = arith.constant 0 : i32
          %dma_wait3A_61 = tpu.memref_slice %arg11[%mul3A_50, %dma_wait3A_60] : memref<10000x128xf32, #tpu.memory_space<vmem_shared>> -> memref<80x128xf32, #tpu.memory_space<vmem_shared>>
          tpu.wait_dma2 semaphore(%run_scoped3A_51 : memref<!tpu.dma_semaphore, #tpu.memory_space<semaphore_mem>>) src(%dma_wait3A_61 : memref<80x128xf32, #tpu.memory_space<vmem_shared>>) dst(%dma_wait3A_59 : memref<80x128xf32, #tpu.memory_space<hbm>>)
          tpu.yield
        }) : () -> ()
      } else {
      }
      %scan3A_48 = arith.constant 0 : i32
      scf.yield %scan3A_48 : i32
    }
    %scan3A_40 = arith.constant 8 : i32
    return
  }
}

#map = affine_map<(d0, d1) -> (0, 0)>
#map1 = affine_map<(d0, d1) -> (0, 0, 0)>
module attributes {stable_mosaic.version = 14 : i64} {
  func.func @_seg_body(%arg0: i32, %arg1: i32, %arg2: memref<10000x128xf32, #tpu.memory_space<hbm>>, %arg3: memref<32x125x80xi32, #tpu.memory_space<hbm>>, %arg4: memref<32x125x80xi32, #tpu.memory_space<hbm>>, %arg5: memref<2x10000x128xf32, #tpu.memory_space<hbm>>, %arg6: memref<125x80xi32, #tpu.memory_space<vmem>>, %arg7: memref<125x80xi32, #tpu.memory_space<vmem>>, %arg8: memref<80x128xf32, #tpu.memory_space<vmem>>, %arg9: memref<80x128xf32, #tpu.memory_space<vmem>>, %arg10: memref<16x128xf32, #tpu.memory_space<vmem>>, %arg11: memref<10000x128xf32, #tpu.memory_space<vmem_shared>>, %arg12: memref<!tpu.dma_semaphore, #tpu.memory_space<semaphore_mem>>, %arg13: memref<!tpu.dma_semaphore, #tpu.memory_space<semaphore_mem>>) attributes {dimension_semantics = [#tpu.dimension_semantics<core_parallel>, #tpu.dimension_semantics<subcore_parallel>], iteration_bounds = array<i64: 2, 16>, scalar_prefetch = 0 : i64, scratch_operands = 8 : i64, tpu.core_type = #tpu.core_type<sc_vector_subcore>, window_params = [{transform_indices = #map}, {transform_indices = #map1}, {transform_indices = #map1}, {transform_indices = #map1}]} {
    %mul3A = arith.constant 16 : i32
    %mul3A_0 = arith.muli %arg0, %mul3A : i32
    %add3A = arith.addi %mul3A_0, %arg1 : i32
    %scan3A = arith.constant 0 : i32
    %scan3A_1 = arith.constant 0 : i32
    %scan3A_2 = arith.constant 128 : i32
    %scan3A_3 = arith.addi %scan3A_1, %scan3A_2 : i32
    %scan3A_4 = arith.constant 1 : i32
    %scan3A_5 = scf.for %scan3A_41 = %scan3A_1 to %scan3A_3 step %scan3A_4 iter_args(%scan3A_42 = %scan3A) -> (i32)  : i32 {
      %jit3A = arith.constant 8 : i32
      %div3A = arith.divsi %scan3A_41, %jit3A : i32
      %sign3A = arith.constant 0 : i32
      %sign3A_43 = arith.cmpi sgt, %scan3A_41, %sign3A : i32
      %sign3A_44 = arith.extui %sign3A_43 : i1 to i32
      %sign3A_45 = arith.constant 0 : i32
      %sign3A_46 = arith.cmpi slt, %scan3A_41, %sign3A_45 : i32
      %sign3A_47 = arith.extui %sign3A_46 : i1 to i32
      %sign3A_48 = arith.subi %sign3A_44, %sign3A_47 : i32
      %sign3A_49 = arith.constant 0 : i32
      %sign3A_50 = arith.cmpi sgt, %jit3A, %sign3A_49 : i32
      %sign3A_51 = arith.extui %sign3A_50 : i1 to i32
      %sign3A_52 = arith.constant 0 : i32
      %sign3A_53 = arith.cmpi slt, %jit3A, %sign3A_52 : i32
      %sign3A_54 = arith.extui %sign3A_53 : i1 to i32
      %sign3A_55 = arith.subi %sign3A_51, %sign3A_54 : i32
      %ne3A = arith.cmpi ne, %sign3A_48, %sign3A_55 : i32
      %rem3A = arith.remsi %scan3A_41, %jit3A : i32
      %ne3A_56 = arith.constant 0 : i32
      %ne3A_57 = arith.cmpi ne, %rem3A, %ne3A_56 : i32
      %and3A = arith.andi %ne3A, %ne3A_57 : i1
      %sub3A = arith.constant 1 : i32
      %sub3A_58 = arith.subi %div3A, %sub3A : i32
      %select_n3A = arith.select %and3A, %sub3A_58, %div3A : i32
      %jit3A_59 = arith.constant 8 : i32
      %eq3A = arith.constant 0 : i32
      %eq3A_60 = arith.cmpi eq, %jit3A_59, %eq3A : i32
      %jit3A_61 = arith.constant 1 : i32
      %select_n3A_62 = arith.select %eq3A_60, %jit3A_61, %jit3A_59 : i32
      %rem3A_63 = arith.remsi %scan3A_41, %select_n3A_62 : i32
      %ne3A_64 = arith.constant 0 : i32
      %ne3A_65 = arith.cmpi ne, %rem3A_63, %ne3A_64 : i32
      %lt3A = arith.constant 0 : i32
      %lt3A_66 = arith.cmpi slt, %rem3A_63, %lt3A : i32
      %lt3A_67 = arith.constant 0 : i32
      %lt3A_68 = arith.cmpi slt, %select_n3A_62, %lt3A_67 : i32
      %ne3A_69 = arith.xori %lt3A_66, %lt3A_68 : i1
      %and3A_70 = arith.andi %ne3A_69, %ne3A_65 : i1
      %add3A_71 = arith.addi %rem3A_63, %select_n3A_62 : i32
      %select_n3A_72 = arith.select %and3A_70, %add3A_71, %rem3A_63 : i32
      %broadcast_in_dim3A = arith.constant 0.000000e+00 : f32
      %broadcast_in_dim3A_73 = vector.broadcast %broadcast_in_dim3A : f32 to vector<16xf32>
      %mul3A_74 = arith.constant 16 : i32
      %mul3A_75 = arith.muli %select_n3A_72, %mul3A_74 : i32
      %swap3A = arith.index_cast %select_n3A : i32 to index
      %swap3A_76 = arith.index_cast %mul3A_75 : i32 to index
      %swap3A_77 = tpu.vector_load %arg10[%swap3A, %swap3A_76] {strides = array<i32>} : memref<16x128xf32, #tpu.memory_space<vmem>>, vector<1x16xf32>,
      %swap3A_78 = vector.shape_cast %swap3A_77 : vector<1x16xf32> to vector<16xf32>
      %swap3A_79 = vector.shape_cast %broadcast_in_dim3A_73 : vector<16xf32> to vector<1x16xf32>
      tpu.vector_store %arg10[%swap3A, %swap3A_76], %swap3A_79 {strides = array<i32>} : memref<16x128xf32, #tpu.memory_space<vmem>>, vector<1x16xf32>,
      %scan3A_80 = arith.constant 0 : i32
      scf.yield %scan3A_80 : i32
    }
    %scan3A_6 = arith.constant 128 : i32
    %scan3A_7 = arith.constant 0 : i32
    %scan3A_8 = arith.constant 0 : i32
    %scan3A_9 = arith.constant 8 : i32
    %scan3A_10 = arith.addi %scan3A_8, %scan3A_9 : i32
    %scan3A_11 = arith.constant 1 : i32
    %scan3A_12 = scf.for %scan3A_41 = %scan3A_8 to %scan3A_10 step %scan3A_11 iter_args(%scan3A_42 = %scan3A_7) -> (i32)  : i32 {
      %mul3A_43 = arith.constant 16 : i32
      %mul3A_44 = arith.muli %scan3A_41, %mul3A_43 : i32
      %add3A_45 = arith.addi %arg1, %mul3A_44 : i32
      %lt3A = arith.constant 125 : i32
      %lt3A_46 = arith.cmpi slt, %add3A_45, %lt3A : i32
      %convert_element_type3A = arith.extui %lt3A_46 : i1 to i32
      %cond3A = arith.constant 0 : i32
      %cond3A_47 = arith.cmpi ne, %convert_element_type3A, %cond3A : i32
      scf.if %cond3A_47 {
        %mul3A_49 = arith.constant 80 : i32
        %mul3A_50 = arith.muli %add3A_45, %mul3A_49 : i32
        %add3A_51 = arith.constant 0 : i32
        %add3A_52 = arith.addi %mul3A_50, %add3A_51 : i32
        "tpu.region"() ({
          %run_scoped3A_61 = tpu.sem_alloc : memref<!tpu.dma_semaphore, #tpu.memory_space<semaphore_mem>>
          %dma_start3A_62 = arith.constant 0 : i32
          %dma_start3A_63 = tpu.memref_slice %arg11[%add3A_52, %dma_start3A_62] : memref<10000x128xf32, #tpu.memory_space<vmem_shared>> -> memref<16x128xf32, #tpu.memory_space<vmem_shared>>
          %dma_start3A_64 = arith.constant 0 : i32
          %dma_start3A_65 = tpu.memref_slice %arg11[%add3A_52, %dma_start3A_64] : memref<10000x128xf32, #tpu.memory_space<vmem_shared>> -> memref<16x128xf32, #tpu.memory_space<vmem_shared>>
          tpu.enqueue_dma source(%arg10 : memref<16x128xf32, #tpu.memory_space<vmem>>) target(%dma_start3A_65 : memref<16x128xf32, #tpu.memory_space<vmem_shared>>) target_semaphore(%run_scoped3A_61 : memref<!tpu.dma_semaphore, #tpu.memory_space<semaphore_mem>>)
          %dma_wait3A_66 = arith.constant 0 : i32
          %dma_wait3A_67 = tpu.memref_slice %arg11[%add3A_52, %dma_wait3A_66] : memref<10000x128xf32, #tpu.memory_space<vmem_shared>> -> memref<16x128xf32, #tpu.memory_space<vmem_shared>>
          %dma_wait3A_68 = arith.constant 0 : i32
          %dma_wait3A_69 = tpu.memref_slice %arg11[%add3A_52, %dma_wait3A_68] : memref<10000x128xf32, #tpu.memory_space<vmem_shared>> -> memref<16x128xf32, #tpu.memory_space<vmem_shared>>
          tpu.wait_dma2 semaphore(%run_scoped3A_61 : memref<!tpu.dma_semaphore, #tpu.memory_space<semaphore_mem>>) src(%arg10 : memref<16x128xf32, #tpu.memory_space<vmem>>) dst(%dma_wait3A_69 : memref<16x128xf32, #tpu.memory_space<vmem_shared>>)
          tpu.yield
        }) : () -> ()
        %add3A_53 = arith.constant 16 : i32
        %add3A_54 = arith.addi %mul3A_50, %add3A_53 : i32
        "tpu.region"() ({
          %run_scoped3A_61 = tpu.sem_alloc : memref<!tpu.dma_semaphore, #tpu.memory_space<semaphore_mem>>
          %dma_start3A_62 = arith.constant 0 : i32
          %dma_start3A_63 = tpu.memref_slice %arg11[%add3A_54, %dma_start3A_62] : memref<10000x128xf32, #tpu.memory_space<vmem_shared>> -> memref<16x128xf32, #tpu.memory_space<vmem_shared>>
          %dma_start3A_64 = arith.constant 0 : i32
          %dma_start3A_65 = tpu.memref_slice %arg11[%add3A_54, %dma_start3A_64] : memref<10000x128xf32, #tpu.memory_space<vmem_shared>> -> memref<16x128xf32, #tpu.memory_space<vmem_shared>>
          tpu.enqueue_dma source(%arg10 : memref<16x128xf32, #tpu.memory_space<vmem>>) target(%dma_start3A_65 : memref<16x128xf32, #tpu.memory_space<vmem_shared>>) target_semaphore(%run_scoped3A_61 : memref<!tpu.dma_semaphore, #tpu.memory_space<semaphore_mem>>)
          %dma_wait3A_66 = arith.constant 0 : i32
          %dma_wait3A_67 = tpu.memref_slice %arg11[%add3A_54, %dma_wait3A_66] : memref<10000x128xf32, #tpu.memory_space<vmem_shared>> -> memref<16x128xf32, #tpu.memory_space<vmem_shared>>
          %dma_wait3A_68 = arith.constant 0 : i32
          %dma_wait3A_69 = tpu.memref_slice %arg11[%add3A_54, %dma_wait3A_68] : memref<10000x128xf32, #tpu.memory_space<vmem_shared>> -> memref<16x128xf32, #tpu.memory_space<vmem_shared>>
          tpu.wait_dma2 semaphore(%run_scoped3A_61 : memref<!tpu.dma_semaphore, #tpu.memory_space<semaphore_mem>>) src(%arg10 : memref<16x128xf32, #tpu.memory_space<vmem>>) dst(%dma_wait3A_69 : memref<16x128xf32, #tpu.memory_space<vmem_shared>>)
          tpu.yield
        }) : () -> ()
        %add3A_55 = arith.constant 32 : i32
        %add3A_56 = arith.addi %mul3A_50, %add3A_55 : i32
        "tpu.region"() ({
          %run_scoped3A_61 = tpu.sem_alloc : memref<!tpu.dma_semaphore, #tpu.memory_space<semaphore_mem>>
          %dma_start3A_62 = arith.constant 0 : i32
          %dma_start3A_63 = tpu.memref_slice %arg11[%add3A_56, %dma_start3A_62] : memref<10000x128xf32, #tpu.memory_space<vmem_shared>> -> memref<16x128xf32, #tpu.memory_space<vmem_shared>>
          %dma_start3A_64 = arith.constant 0 : i32
          %dma_start3A_65 = tpu.memref_slice %arg11[%add3A_56, %dma_start3A_64] : memref<10000x128xf32, #tpu.memory_space<vmem_shared>> -> memref<16x128xf32, #tpu.memory_space<vmem_shared>>
          tpu.enqueue_dma source(%arg10 : memref<16x128xf32, #tpu.memory_space<vmem>>) target(%dma_start3A_65 : memref<16x128xf32, #tpu.memory_space<vmem_shared>>) target_semaphore(%run_scoped3A_61 : memref<!tpu.dma_semaphore, #tpu.memory_space<semaphore_mem>>)
          %dma_wait3A_66 = arith.constant 0 : i32
          %dma_wait3A_67 = tpu.memref_slice %arg11[%add3A_56, %dma_wait3A_66] : memref<10000x128xf32, #tpu.memory_space<vmem_shared>> -> memref<16x128xf32, #tpu.memory_space<vmem_shared>>
          %dma_wait3A_68 = arith.constant 0 : i32
          %dma_wait3A_69 = tpu.memref_slice %arg11[%add3A_56, %dma_wait3A_68] : memref<10000x128xf32, #tpu.memory_space<vmem_shared>> -> memref<16x128xf32, #tpu.memory_space<vmem_shared>>
          tpu.wait_dma2 semaphore(%run_scoped3A_61 : memref<!tpu.dma_semaphore, #tpu.memory_space<semaphore_mem>>) src(%arg10 : memref<16x128xf32, #tpu.memory_space<vmem>>) dst(%dma_wait3A_69 : memref<16x128xf32, #tpu.memory_space<vmem_shared>>)
          tpu.yield
        }) : () -> ()
        %add3A_57 = arith.constant 48 : i32
        %add3A_58 = arith.addi %mul3A_50, %add3A_57 : i32
        "tpu.region"() ({
          %run_scoped3A_61 = tpu.sem_alloc : memref<!tpu.dma_semaphore, #tpu.memory_space<semaphore_mem>>
          %dma_start3A_62 = arith.constant 0 : i32
          %dma_start3A_63 = tpu.memref_slice %arg11[%add3A_58, %dma_start3A_62] : memref<10000x128xf32, #tpu.memory_space<vmem_shared>> -> memref<16x128xf32, #tpu.memory_space<vmem_shared>>
          %dma_start3A_64 = arith.constant 0 : i32
          %dma_start3A_65 = tpu.memref_slice %arg11[%add3A_58, %dma_start3A_64] : memref<10000x128xf32, #tpu.memory_space<vmem_shared>> -> memref<16x128xf32, #tpu.memory_space<vmem_shared>>
          tpu.enqueue_dma source(%arg10 : memref<16x128xf32, #tpu.memory_space<vmem>>) target(%dma_start3A_65 : memref<16x128xf32, #tpu.memory_space<vmem_shared>>) target_semaphore(%run_scoped3A_61 : memref<!tpu.dma_semaphore, #tpu.memory_space<semaphore_mem>>)
          %dma_wait3A_66 = arith.constant 0 : i32
          %dma_wait3A_67 = tpu.memref_slice %arg11[%add3A_58, %dma_wait3A_66] : memref<10000x128xf32, #tpu.memory_space<vmem_shared>> -> memref<16x128xf32, #tpu.memory_space<vmem_shared>>
          %dma_wait3A_68 = arith.constant 0 : i32
          %dma_wait3A_69 = tpu.memref_slice %arg11[%add3A_58, %dma_wait3A_68] : memref<10000x128xf32, #tpu.memory_space<vmem_shared>> -> memref<16x128xf32, #tpu.memory_space<vmem_shared>>
          tpu.wait_dma2 semaphore(%run_scoped3A_61 : memref<!tpu.dma_semaphore, #tpu.memory_space<semaphore_mem>>) src(%arg10 : memref<16x128xf32, #tpu.memory_space<vmem>>) dst(%dma_wait3A_69 : memref<16x128xf32, #tpu.memory_space<vmem_shared>>)
          tpu.yield
        }) : () -> ()
        %add3A_59 = arith.constant 64 : i32
        %add3A_60 = arith.addi %mul3A_50, %add3A_59 : i32
        "tpu.region"() ({
          %run_scoped3A_61 = tpu.sem_alloc : memref<!tpu.dma_semaphore, #tpu.memory_space<semaphore_mem>>
          %dma_start3A_62 = arith.constant 0 : i32
          %dma_start3A_63 = tpu.memref_slice %arg11[%add3A_60, %dma_start3A_62] : memref<10000x128xf32, #tpu.memory_space<vmem_shared>> -> memref<16x128xf32, #tpu.memory_space<vmem_shared>>
          %dma_start3A_64 = arith.constant 0 : i32
          %dma_start3A_65 = tpu.memref_slice %arg11[%add3A_60, %dma_start3A_64] : memref<10000x128xf32, #tpu.memory_space<vmem_shared>> -> memref<16x128xf32, #tpu.memory_space<vmem_shared>>
          tpu.enqueue_dma source(%arg10 : memref<16x128xf32, #tpu.memory_space<vmem>>) target(%dma_start3A_65 : memref<16x128xf32, #tpu.memory_space<vmem_shared>>) target_semaphore(%run_scoped3A_61 : memref<!tpu.dma_semaphore, #tpu.memory_space<semaphore_mem>>)
          %dma_wait3A_66 = arith.constant 0 : i32
          %dma_wait3A_67 = tpu.memref_slice %arg11[%add3A_60, %dma_wait3A_66] : memref<10000x128xf32, #tpu.memory_space<vmem_shared>> -> memref<16x128xf32, #tpu.memory_space<vmem_shared>>
          %dma_wait3A_68 = arith.constant 0 : i32
          %dma_wait3A_69 = tpu.memref_slice %arg11[%add3A_60, %dma_wait3A_68] : memref<10000x128xf32, #tpu.memory_space<vmem_shared>> -> memref<16x128xf32, #tpu.memory_space<vmem_shared>>
          tpu.wait_dma2 semaphore(%run_scoped3A_61 : memref<!tpu.dma_semaphore, #tpu.memory_space<semaphore_mem>>) src(%arg10 : memref<16x128xf32, #tpu.memory_space<vmem>>) dst(%dma_wait3A_69 : memref<16x128xf32, #tpu.memory_space<vmem_shared>>)
          tpu.yield
        }) : () -> ()
      } else {
      }
      %scan3A_48 = arith.constant 0 : i32
      scf.yield %scan3A_48 : i32
    }
    %scan3A_13 = arith.constant 8 : i32
    "tpu.region"() ({
      %run_scoped3A_41 = tpu.sem_alloc : memref<!tpu.dma_semaphore, #tpu.memory_space<semaphore_mem>>
      %dma_start3A_42 = arith.constant 0 : i32
      %dma_start3A_43 = arith.constant 0 : i32
      %dma_start3A_44 = tpu.memref_slice %arg3[%add3A, %dma_start3A_42, %dma_start3A_43] : memref<32x125x80xi32, #tpu.memory_space<hbm>> -> memref<1x125x80xi32, #tpu.memory_space<hbm>>
      %dma_start3A_45 = tpu.memref_squeeze %dma_start3A_44 : memref<1x125x80xi32, #tpu.memory_space<hbm>> -> memref<125x80xi32, #tpu.memory_space<hbm>>
      %dma_start3A_46 = arith.constant 0 : i32
      %dma_start3A_47 = arith.constant 0 : i32
      %dma_start3A_48 = tpu.memref_slice %arg3[%add3A, %dma_start3A_46, %dma_start3A_47] : memref<32x125x80xi32, #tpu.memory_space<hbm>> -> memref<1x125x80xi32, #tpu.memory_space<hbm>>
      %dma_start3A_49 = tpu.memref_squeeze %dma_start3A_48 : memref<1x125x80xi32, #tpu.memory_space<hbm>> -> memref<125x80xi32, #tpu.memory_space<hbm>>
      tpu.enqueue_dma source(%dma_start3A_49 : memref<125x80xi32, #tpu.memory_space<hbm>>) target(%arg6 : memref<125x80xi32, #tpu.memory_space<vmem>>) target_semaphore(%run_scoped3A_41 : memref<!tpu.dma_semaphore, #tpu.memory_space<semaphore_mem>>)
      %dma_wait3A_50 = arith.constant 0 : i32
      %dma_wait3A_51 = arith.constant 0 : i32
      %dma_wait3A_52 = tpu.memref_slice %arg3[%add3A, %dma_wait3A_50, %dma_wait3A_51] : memref<32x125x80xi32, #tpu.memory_space<hbm>> -> memref<1x125x80xi32, #tpu.memory_space<hbm>>
      %dma_wait3A_53 = tpu.memref_squeeze %dma_wait3A_52 : memref<1x125x80xi32, #tpu.memory_space<hbm>> -> memref<125x80xi32, #tpu.memory_space<hbm>>
      %dma_wait3A_54 = arith.constant 0 : i32
      %dma_wait3A_55 = arith.constant 0 : i32
      %dma_wait3A_56 = tpu.memref_slice %arg3[%add3A, %dma_wait3A_54, %dma_wait3A_55] : memref<32x125x80xi32, #tpu.memory_space<hbm>> -> memref<1x125x80xi32, #tpu.memory_space<hbm>>
      %dma_wait3A_57 = tpu.memref_squeeze %dma_wait3A_56 : memref<1x125x80xi32, #tpu.memory_space<hbm>> -> memref<125x80xi32, #tpu.memory_space<hbm>>
      tpu.wait_dma2 semaphore(%run_scoped3A_41 : memref<!tpu.dma_semaphore, #tpu.memory_space<semaphore_mem>>) src(%dma_wait3A_57 : memref<125x80xi32, #tpu.memory_space<hbm>>) dst(%arg6 : memref<125x80xi32, #tpu.memory_space<vmem>>)
      tpu.yield
    }) : () -> ()
    "tpu.region"() ({
      %run_scoped3A_41 = tpu.sem_alloc : memref<!tpu.dma_semaphore, #tpu.memory_space<semaphore_mem>>
      %dma_start3A_42 = arith.constant 0 : i32
      %dma_start3A_43 = arith.constant 0 : i32
      %dma_start3A_44 = tpu.memref_slice %arg4[%add3A, %dma_start3A_42, %dma_start3A_43] : memref<32x125x80xi32, #tpu.memory_space<hbm>> -> memref<1x125x80xi32, #tpu.memory_space<hbm>>
      %dma_start3A_45 = tpu.memref_squeeze %dma_start3A_44 : memref<1x125x80xi32, #tpu.memory_space<hbm>> -> memref<125x80xi32, #tpu.memory_space<hbm>>
      %dma_start3A_46 = arith.constant 0 : i32
      %dma_start3A_47 = arith.constant 0 : i32
      %dma_start3A_48 = tpu.memref_slice %arg4[%add3A, %dma_start3A_46, %dma_start3A_47] : memref<32x125x80xi32, #tpu.memory_space<hbm>> -> memref<1x125x80xi32, #tpu.memory_space<hbm>>
      %dma_start3A_49 = tpu.memref_squeeze %dma_start3A_48 : memref<1x125x80xi32, #tpu.memory_space<hbm>> -> memref<125x80xi32, #tpu.memory_space<hbm>>
      tpu.enqueue_dma source(%dma_start3A_49 : memref<125x80xi32, #tpu.memory_space<hbm>>) target(%arg7 : memref<125x80xi32, #tpu.memory_space<vmem>>) target_semaphore(%run_scoped3A_41 : memref<!tpu.dma_semaphore, #tpu.memory_space<semaphore_mem>>)
      %dma_wait3A_50 = arith.constant 0 : i32
      %dma_wait3A_51 = arith.constant 0 : i32
      %dma_wait3A_52 = tpu.memref_slice %arg4[%add3A, %dma_wait3A_50, %dma_wait3A_51] : memref<32x125x80xi32, #tpu.memory_space<hbm>> -> memref<1x125x80xi32, #tpu.memory_space<hbm>>
      %dma_wait3A_53 = tpu.memref_squeeze %dma_wait3A_52 : memref<1x125x80xi32, #tpu.memory_space<hbm>> -> memref<125x80xi32, #tpu.memory_space<hbm>>
      %dma_wait3A_54 = arith.constant 0 : i32
      %dma_wait3A_55 = arith.constant 0 : i32
      %dma_wait3A_56 = tpu.memref_slice %arg4[%add3A, %dma_wait3A_54, %dma_wait3A_55] : memref<32x125x80xi32, #tpu.memory_space<hbm>> -> memref<1x125x80xi32, #tpu.memory_space<hbm>>
      %dma_wait3A_57 = tpu.memref_squeeze %dma_wait3A_56 : memref<1x125x80xi32, #tpu.memory_space<hbm>> -> memref<125x80xi32, #tpu.memory_space<hbm>>
      tpu.wait_dma2 semaphore(%run_scoped3A_41 : memref<!tpu.dma_semaphore, #tpu.memory_space<semaphore_mem>>) src(%dma_wait3A_57 : memref<125x80xi32, #tpu.memory_space<hbm>>) dst(%arg7 : memref<125x80xi32, #tpu.memory_space<vmem>>)
      tpu.yield
    }) : () -> ()
    %barrier3A = arith.constant 0 : index
    tpu.barrier barrier_id(%barrier3A)
    %dma_start3A = arith.constant 0 : i32
    %dma_start3A_14 = arith.constant 0 : i32
    %dma_start3A_15 = tpu.memref_slice %arg6[%dma_start3A, %dma_start3A_14] : memref<125x80xi32, #tpu.memory_space<vmem>> -> memref<1x80xi32, #tpu.memory_space<vmem>>
    %dma_start3A_16 = tpu.memref_squeeze %dma_start3A_15 : memref<1x80xi32, #tpu.memory_space<vmem>> -> memref<80xi32, #tpu.memory_space<vmem>>
    %dma_start3A_17 = arith.constant 0 : i32
    %dma_start3A_18 = arith.constant 0 : i32
    %dma_start3A_19 = tpu.memref_slice %arg2[%dma_start3A_17, %dma_start3A_18] : memref<10000x128xf32, #tpu.memory_space<hbm>> -> memref<10000x128xf32, #tpu.memory_space<hbm>>
    tpu.enqueue_indirect_dma source(%dma_start3A_19 : memref<10000x128xf32, #tpu.memory_space<hbm>>) target(%arg8 : memref<80x128xf32, #tpu.memory_space<vmem>>) offsets(%dma_start3A_16 : memref<80xi32, #tpu.memory_space<vmem>>) semaphore(%arg12 : memref<!tpu.dma_semaphore, #tpu.memory_space<semaphore_mem>>)
    %scan3A_20 = arith.constant 0 : i32
    %scan3A_21 = arith.constant 0 : i32
    %scan3A_22 = arith.constant 62 : i32
    %scan3A_23 = arith.addi %scan3A_21, %scan3A_22 : i32
    %scan3A_24 = arith.constant 1 : i32
    %scan3A_25 = scf.for %scan3A_41 = %scan3A_21 to %scan3A_23 step %scan3A_24 iter_args(%scan3A_42 = %scan3A_20) -> (i32)  : i32 {
      %mul3A_43 = arith.constant 2 : i32
      %mul3A_44 = arith.muli %mul3A_43, %scan3A_41 : i32
      %dma_wait3A_45 = arith.constant 0 : i32
      %dma_wait3A_46 = tpu.memref_slice %arg6[%mul3A_44, %dma_wait3A_45] : memref<125x80xi32, #tpu.memory_space<vmem>> -> memref<1x80xi32, #tpu.memory_space<vmem>>
      %dma_wait3A_47 = tpu.memref_squeeze %dma_wait3A_46 : memref<1x80xi32, #tpu.memory_space<vmem>> -> memref<80xi32, #tpu.memory_space<vmem>>
      %dma_wait3A_48 = arith.constant 0 : i32
      %dma_wait3A_49 = arith.constant 0 : i32
      %dma_wait3A_50 = tpu.memref_slice %arg2[%dma_wait3A_48, %dma_wait3A_49] : memref<10000x128xf32, #tpu.memory_space<hbm>> -> memref<10000x128xf32, #tpu.memory_space<hbm>>
      tpu.wait_indirect_dma semaphore(%arg12 : memref<!tpu.dma_semaphore, #tpu.memory_space<semaphore_mem>>) src(%dma_wait3A_50 : memref<10000x128xf32, #tpu.memory_space<hbm>>) dst(%arg8 : memref<80x128xf32, #tpu.memory_space<vmem>>)
      %add3A_51 = arith.constant 1 : i32
      %add3A_52 = arith.addi %mul3A_44, %add3A_51 : i32
      %dma_start3A_53 = arith.constant 0 : i32
      %dma_start3A_54 = tpu.memref_slice %arg6[%add3A_52, %dma_start3A_53] : memref<125x80xi32, #tpu.memory_space<vmem>> -> memref<1x80xi32, #tpu.memory_space<vmem>>
      %dma_start3A_55 = tpu.memref_squeeze %dma_start3A_54 : memref<1x80xi32, #tpu.memory_space<vmem>> -> memref<80xi32, #tpu.memory_space<vmem>>
      %dma_start3A_56 = arith.constant 0 : i32
      %dma_start3A_57 = arith.constant 0 : i32
      %dma_start3A_58 = tpu.memref_slice %arg2[%dma_start3A_56, %dma_start3A_57] : memref<10000x128xf32, #tpu.memory_space<hbm>> -> memref<10000x128xf32, #tpu.memory_space<hbm>>
      tpu.enqueue_indirect_dma source(%dma_start3A_58 : memref<10000x128xf32, #tpu.memory_space<hbm>>) target(%arg9 : memref<80x128xf32, #tpu.memory_space<vmem>>) offsets(%dma_start3A_55 : memref<80xi32, #tpu.memory_space<vmem>>) semaphore(%arg13 : memref<!tpu.dma_semaphore, #tpu.memory_space<semaphore_mem>>)
      "tpu.region"() ({
        %run_scoped3A_78 = tpu.sem_alloc : memref<!tpu.dma_semaphore, #tpu.memory_space<semaphore_mem>>
        %dma_start3A_79 = arith.constant 0 : i32
        %dma_start3A_80 = tpu.memref_slice %arg7[%mul3A_44, %dma_start3A_79] : memref<125x80xi32, #tpu.memory_space<vmem>> -> memref<1x80xi32, #tpu.memory_space<vmem>>
        %dma_start3A_81 = tpu.memref_squeeze %dma_start3A_80 : memref<1x80xi32, #tpu.memory_space<vmem>> -> memref<80xi32, #tpu.memory_space<vmem>>
        %dma_start3A_82 = arith.constant 0 : i32
        %dma_start3A_83 = arith.constant 0 : i32
        %dma_start3A_84 = tpu.memref_slice %arg11[%dma_start3A_82, %dma_start3A_83] : memref<10000x128xf32, #tpu.memory_space<vmem_shared>> -> memref<10000x128xf32, #tpu.memory_space<vmem_shared>>
        tpu.enqueue_indirect_dma source(%arg8 : memref<80x128xf32, #tpu.memory_space<vmem>>) target(%dma_start3A_84 : memref<10000x128xf32, #tpu.memory_space<vmem_shared>>) offsets(%dma_start3A_81 : memref<80xi32, #tpu.memory_space<vmem>>) semaphore(%run_scoped3A_78 : memref<!tpu.dma_semaphore, #tpu.memory_space<semaphore_mem>>) {add = true}
        %dma_wait3A_85 = arith.constant 0 : i32
        %dma_wait3A_86 = tpu.memref_slice %arg7[%mul3A_44, %dma_wait3A_85] : memref<125x80xi32, #tpu.memory_space<vmem>> -> memref<1x80xi32, #tpu.memory_space<vmem>>
        %dma_wait3A_87 = tpu.memref_squeeze %dma_wait3A_86 : memref<1x80xi32, #tpu.memory_space<vmem>> -> memref<80xi32, #tpu.memory_space<vmem>>
        %dma_wait3A_88 = arith.constant 0 : i32
        %dma_wait3A_89 = arith.constant 0 : i32
        %dma_wait3A_90 = tpu.memref_slice %arg11[%dma_wait3A_88, %dma_wait3A_89] : memref<10000x128xf32, #tpu.memory_space<vmem_shared>> -> memref<10000x128xf32, #tpu.memory_space<vmem_shared>>
        tpu.wait_indirect_dma semaphore(%run_scoped3A_78 : memref<!tpu.dma_semaphore, #tpu.memory_space<semaphore_mem>>) src(%arg8 : memref<80x128xf32, #tpu.memory_space<vmem>>) dst(%dma_wait3A_90 : memref<10000x128xf32, #tpu.memory_space<vmem_shared>>)
        tpu.yield
      }) : () -> ()
      %add3A_59 = arith.constant 1 : i32
      %add3A_60 = arith.addi %mul3A_44, %add3A_59 : i32
      %dma_wait3A_61 = arith.constant 0 : i32
      %dma_wait3A_62 = tpu.memref_slice %arg6[%add3A_60, %dma_wait3A_61] : memref<125x80xi32, #tpu.memory_space<vmem>> -> memref<1x80xi32, #tpu.memory_space<vmem>>
      %dma_wait3A_63 = tpu.memref_squeeze %dma_wait3A_62 : memref<1x80xi32, #tpu.memory_space<vmem>> -> memref<80xi32, #tpu.memory_space<vmem>>
      %dma_wait3A_64 = arith.constant 0 : i32
      %dma_wait3A_65 = arith.constant 0 : i32
      %dma_wait3A_66 = tpu.memref_slice %arg2[%dma_wait3A_64, %dma_wait3A_65] : memref<10000x128xf32, #tpu.memory_space<hbm>> -> memref<10000x128xf32, #tpu.memory_space<hbm>>
      tpu.wait_indirect_dma semaphore(%arg13 : memref<!tpu.dma_semaphore, #tpu.memory_space<semaphore_mem>>) src(%dma_wait3A_66 : memref<10000x128xf32, #tpu.memory_space<hbm>>) dst(%arg9 : memref<80x128xf32, #tpu.memory_space<vmem>>)
      %add3A_67 = arith.constant 2 : i32
      %add3A_68 = arith.addi %mul3A_44, %add3A_67 : i32
      %dma_start3A_69 = arith.constant 0 : i32
      %dma_start3A_70 = tpu.memref_slice %arg6[%add3A_68, %dma_start3A_69] : memref<125x80xi32, #tpu.memory_space<vmem>> -> memref<1x80xi32, #tpu.memory_space<vmem>>
      %dma_start3A_71 = tpu.memref_squeeze %dma_start3A_70 : memref<1x80xi32, #tpu.memory_space<vmem>> -> memref<80xi32, #tpu.memory_space<vmem>>
      %dma_start3A_72 = arith.constant 0 : i32
      %dma_start3A_73 = arith.constant 0 : i32
      %dma_start3A_74 = tpu.memref_slice %arg2[%dma_start3A_72, %dma_start3A_73] : memref<10000x128xf32, #tpu.memory_space<hbm>> -> memref<10000x128xf32, #tpu.memory_space<hbm>>
      tpu.enqueue_indirect_dma source(%dma_start3A_74 : memref<10000x128xf32, #tpu.memory_space<hbm>>) target(%arg8 : memref<80x128xf32, #tpu.memory_space<vmem>>) offsets(%dma_start3A_71 : memref<80xi32, #tpu.memory_space<vmem>>) semaphore(%arg12 : memref<!tpu.dma_semaphore, #tpu.memory_space<semaphore_mem>>)
      %add3A_75 = arith.constant 1 : i32
      %add3A_76 = arith.addi %mul3A_44, %add3A_75 : i32
      "tpu.region"() ({
        %run_scoped3A_78 = tpu.sem_alloc : memref<!tpu.dma_semaphore, #tpu.memory_space<semaphore_mem>>
        %dma_start3A_79 = arith.constant 0 : i32
        %dma_start3A_80 = tpu.memref_slice %arg7[%add3A_76, %dma_start3A_79] : memref<125x80xi32, #tpu.memory_space<vmem>> -> memref<1x80xi32, #tpu.memory_space<vmem>>
        %dma_start3A_81 = tpu.memref_squeeze %dma_start3A_80 : memref<1x80xi32, #tpu.memory_space<vmem>> -> memref<80xi32, #tpu.memory_space<vmem>>
        %dma_start3A_82 = arith.constant 0 : i32
        %dma_start3A_83 = arith.constant 0 : i32
        %dma_start3A_84 = tpu.memref_slice %arg11[%dma_start3A_82, %dma_start3A_83] : memref<10000x128xf32, #tpu.memory_space<vmem_shared>> -> memref<10000x128xf32, #tpu.memory_space<vmem_shared>>
        tpu.enqueue_indirect_dma source(%arg9 : memref<80x128xf32, #tpu.memory_space<vmem>>) target(%dma_start3A_84 : memref<10000x128xf32, #tpu.memory_space<vmem_shared>>) offsets(%dma_start3A_81 : memref<80xi32, #tpu.memory_space<vmem>>) semaphore(%run_scoped3A_78 : memref<!tpu.dma_semaphore, #tpu.memory_space<semaphore_mem>>) {add = true}
        %dma_wait3A_85 = arith.constant 0 : i32
        %dma_wait3A_86 = tpu.memref_slice %arg7[%add3A_76, %dma_wait3A_85] : memref<125x80xi32, #tpu.memory_space<vmem>> -> memref<1x80xi32, #tpu.memory_space<vmem>>
        %dma_wait3A_87 = tpu.memref_squeeze %dma_wait3A_86 : memref<1x80xi32, #tpu.memory_space<vmem>> -> memref<80xi32, #tpu.memory_space<vmem>>
        %dma_wait3A_88 = arith.constant 0 : i32
        %dma_wait3A_89 = arith.constant 0 : i32
        %dma_wait3A_90 = tpu.memref_slice %arg11[%dma_wait3A_88, %dma_wait3A_89] : memref<10000x128xf32, #tpu.memory_space<vmem_shared>> -> memref<10000x128xf32, #tpu.memory_space<vmem_shared>>
        tpu.wait_indirect_dma semaphore(%run_scoped3A_78 : memref<!tpu.dma_semaphore, #tpu.memory_space<semaphore_mem>>) src(%arg9 : memref<80x128xf32, #tpu.memory_space<vmem>>) dst(%dma_wait3A_90 : memref<10000x128xf32, #tpu.memory_space<vmem_shared>>)
        tpu.yield
      }) : () -> ()
      %scan3A_77 = arith.constant 0 : i32
      scf.yield %scan3A_77 : i32
    }
    %scan3A_26 = arith.constant 62 : i32
    %dma_wait3A = arith.constant 124 : i32
    %dma_wait3A_27 = arith.constant 0 : i32
    %dma_wait3A_28 = tpu.memref_slice %arg6[%dma_wait3A, %dma_wait3A_27] : memref<125x80xi32, #tpu.memory_space<vmem>> -> memref<1x80xi32, #tpu.memory_space<vmem>>
    %dma_wait3A_29 = tpu.memref_squeeze %dma_wait3A_28 : memref<1x80xi32, #tpu.memory_space<vmem>> -> memref<80xi32, #tpu.memory_space<vmem>>
    %dma_wait3A_30 = arith.constant 0 : i32
    %dma_wait3A_31 = arith.constant 0 : i32
    %dma_wait3A_32 = tpu.memref_slice %arg2[%dma_wait3A_30, %dma_wait3A_31] : memref<10000x128xf32, #tpu.memory_space<hbm>> -> memref<10000x128xf32, #tpu.memory_space<hbm>>
    tpu.wait_indirect_dma semaphore(%arg12 : memref<!tpu.dma_semaphore, #tpu.memory_space<semaphore_mem>>) src(%dma_wait3A_32 : memref<10000x128xf32, #tpu.memory_space<hbm>>) dst(%arg8 : memref<80x128xf32, #tpu.memory_space<vmem>>)
    %run_scoped3A = arith.constant 124 : i32
    "tpu.region"() ({
      %run_scoped3A_41 = tpu.sem_alloc : memref<!tpu.dma_semaphore, #tpu.memory_space<semaphore_mem>>
      %dma_start3A_42 = arith.constant 0 : i32
      %dma_start3A_43 = tpu.memref_slice %arg7[%run_scoped3A, %dma_start3A_42] : memref<125x80xi32, #tpu.memory_space<vmem>> -> memref<1x80xi32, #tpu.memory_space<vmem>>
      %dma_start3A_44 = tpu.memref_squeeze %dma_start3A_43 : memref<1x80xi32, #tpu.memory_space<vmem>> -> memref<80xi32, #tpu.memory_space<vmem>>
      %dma_start3A_45 = arith.constant 0 : i32
      %dma_start3A_46 = arith.constant 0 : i32
      %dma_start3A_47 = tpu.memref_slice %arg11[%dma_start3A_45, %dma_start3A_46] : memref<10000x128xf32, #tpu.memory_space<vmem_shared>> -> memref<10000x128xf32, #tpu.memory_space<vmem_shared>>
      tpu.enqueue_indirect_dma source(%arg8 : memref<80x128xf32, #tpu.memory_space<vmem>>) target(%dma_start3A_47 : memref<10000x128xf32, #tpu.memory_space<vmem_shared>>) offsets(%dma_start3A_44 : memref<80xi32, #tpu.memory_space<vmem>>) semaphore(%run_scoped3A_41 : memref<!tpu.dma_semaphore, #tpu.memory_space<semaphore_mem>>) {add = true}
      %dma_wait3A_48 = arith.constant 0 : i32
      %dma_wait3A_49 = tpu.memref_slice %arg7[%run_scoped3A, %dma_wait3A_48] : memref<125x80xi32, #tpu.memory_space<vmem>> -> memref<1x80xi32, #tpu.memory_space<vmem>>
      %dma_wait3A_50 = tpu.memref_squeeze %dma_wait3A_49 : memref<1x80xi32, #tpu.memory_space<vmem>> -> memref<80xi32, #tpu.memory_space<vmem>>
      %dma_wait3A_51 = arith.constant 0 : i32
      %dma_wait3A_52 = arith.constant 0 : i32
      %dma_wait3A_53 = tpu.memref_slice %arg11[%dma_wait3A_51, %dma_wait3A_52] : memref<10000x128xf32, #tpu.memory_space<vmem_shared>> -> memref<10000x128xf32, #tpu.memory_space<vmem_shared>>
      tpu.wait_indirect_dma semaphore(%run_scoped3A_41 : memref<!tpu.dma_semaphore, #tpu.memory_space<semaphore_mem>>) src(%arg8 : memref<80x128xf32, #tpu.memory_space<vmem>>) dst(%dma_wait3A_53 : memref<10000x128xf32, #tpu.memory_space<vmem_shared>>)
      tpu.yield
    }) : () -> ()
    %barrier3A_33 = arith.constant 0 : index
    tpu.barrier barrier_id(%barrier3A_33)
    %scan3A_34 = arith.constant 0 : i32
    %scan3A_35 = arith.constant 0 : i32
    %scan3A_36 = arith.constant 8 : i32
    %scan3A_37 = arith.addi %scan3A_35, %scan3A_36 : i32
    %scan3A_38 = arith.constant 1 : i32
    %scan3A_39 = scf.for %scan3A_41 = %scan3A_35 to %scan3A_37 step %scan3A_38 iter_args(%scan3A_42 = %scan3A_34) -> (i32)  : i32 {
      %mul3A_43 = arith.constant 16 : i32
      %mul3A_44 = arith.muli %scan3A_41, %mul3A_43 : i32
      %add3A_45 = arith.addi %arg1, %mul3A_44 : i32
      %lt3A = arith.constant 125 : i32
      %lt3A_46 = arith.cmpi slt, %add3A_45, %lt3A : i32
      %convert_element_type3A = arith.extui %lt3A_46 : i1 to i32
      %cond3A = arith.constant 0 : i32
      %cond3A_47 = arith.cmpi ne, %convert_element_type3A, %cond3A : i32
      scf.if %cond3A_47 {
        %mul3A_49 = arith.constant 80 : i32
        %mul3A_50 = arith.muli %add3A_45, %mul3A_49 : i32
        "tpu.region"() ({
          %run_scoped3A_51 = tpu.sem_alloc : memref<!tpu.dma_semaphore, #tpu.memory_space<semaphore_mem>>
          %dma_start3A_52 = arith.constant 0 : i32
          %dma_start3A_53 = tpu.memref_slice %arg5[%arg0, %mul3A_50, %dma_start3A_52] : memref<2x10000x128xf32, #tpu.memory_space<hbm>> -> memref<1x80x128xf32, #tpu.memory_space<hbm>>
          %dma_start3A_54 = tpu.memref_squeeze %dma_start3A_53 : memref<1x80x128xf32, #tpu.memory_space<hbm>> -> memref<80x128xf32, #tpu.memory_space<hbm>>
          %dma_start3A_55 = arith.constant 0 : i32
          %dma_start3A_56 = tpu.memref_slice %arg11[%mul3A_50, %dma_start3A_55] : memref<10000x128xf32, #tpu.memory_space<vmem_shared>> -> memref<80x128xf32, #tpu.memory_space<vmem_shared>>
          tpu.enqueue_dma source(%dma_start3A_56 : memref<80x128xf32, #tpu.memory_space<vmem_shared>>) target(%dma_start3A_54 : memref<80x128xf32, #tpu.memory_space<hbm>>) target_semaphore(%run_scoped3A_51 : memref<!tpu.dma_semaphore, #tpu.memory_space<semaphore_mem>>)
          %dma_wait3A_57 = arith.constant 0 : i32
          %dma_wait3A_58 = tpu.memref_slice %arg5[%arg0, %mul3A_50, %dma_wait3A_57] : memref<2x10000x128xf32, #tpu.memory_space<hbm>> -> memref<1x80x128xf32, #tpu.memory_space<hbm>>
          %dma_wait3A_59 = tpu.memref_squeeze %dma_wait3A_58 : memref<1x80x128xf32, #tpu.memory_space<hbm>> -> memref<80x128xf32, #tpu.memory_space<hbm>>
          %dma_wait3A_60 = arith.constant 0 : i32
          %dma_wait3A_61 = tpu.memref_slice %arg11[%mul3A_50, %dma_wait3A_60] : memref<10000x128xf32, #tpu.memory_space<vmem_shared>> -> memref<80x128xf32, #tpu.memory_space<vmem_shared>>
          tpu.wait_dma2 semaphore(%run_scoped3A_51 : memref<!tpu.dma_semaphore, #tpu.memory_space<semaphore_mem>>) src(%dma_wait3A_61 : memref<80x128xf32, #tpu.memory_space<vmem_shared>>) dst(%dma_wait3A_59 : memref<80x128xf32, #tpu.memory_space<hbm>>)
          tpu.yield
        }) : () -> ()
      } else {
      }
      %scan3A_48 = arith.constant 0 : i32
      scf.yield %scan3A_48 : i32
    }
    %scan3A_40 = arith.constant 8 : i32
    return
  }
}

#map = affine_map<(d0, d1) -> (0, 0)>
#map1 = affine_map<(d0, d1) -> (0, 0, 0)>
module attributes {stable_mosaic.version = 14 : i64} {
  func.func @_seg_body(%arg0: i32, %arg1: i32, %arg2: memref<10000x128xf32, #tpu.memory_space<hbm>>, %arg3: memref<32x125x80xi32, #tpu.memory_space<hbm>>, %arg4: memref<32x125x80xi32, #tpu.memory_space<hbm>>, %arg5: memref<2x10000x128xf32, #tpu.memory_space<hbm>>, %arg6: memref<125x80xi32, #tpu.memory_space<vmem>>, %arg7: memref<125x80xi32, #tpu.memory_space<vmem>>, %arg8: memref<80x128xf32, #tpu.memory_space<vmem>>, %arg9: memref<80x128xf32, #tpu.memory_space<vmem>>, %arg10: memref<16x128xf32, #tpu.memory_space<vmem>>, %arg11: memref<10000x128xf32, #tpu.memory_space<vmem_shared>>, %arg12: memref<!tpu.dma_semaphore, #tpu.memory_space<semaphore_mem>>, %arg13: memref<!tpu.dma_semaphore, #tpu.memory_space<semaphore_mem>>) attributes {dimension_semantics = [#tpu.dimension_semantics<core_parallel>, #tpu.dimension_semantics<subcore_parallel>], iteration_bounds = array<i64: 2, 16>, scalar_prefetch = 0 : i64, scratch_operands = 8 : i64, tpu.core_type = #tpu.core_type<sc_vector_subcore>, window_params = [{transform_indices = #map}, {transform_indices = #map1}, {transform_indices = #map1}, {transform_indices = #map1}]} {
    %mul3A = arith.constant 16 : i32
    %mul3A_0 = arith.muli %arg0, %mul3A : i32
    %add3A = arith.addi %mul3A_0, %arg1 : i32
    %scan3A = arith.constant 0 : i32
    %scan3A_1 = arith.constant 0 : i32
    %scan3A_2 = arith.constant 128 : i32
    %scan3A_3 = arith.addi %scan3A_1, %scan3A_2 : i32
    %scan3A_4 = arith.constant 1 : i32
    %scan3A_5 = scf.for %scan3A_41 = %scan3A_1 to %scan3A_3 step %scan3A_4 iter_args(%scan3A_42 = %scan3A) -> (i32)  : i32 {
      %jit3A = arith.constant 8 : i32
      %div3A = arith.divsi %scan3A_41, %jit3A : i32
      %sign3A = arith.constant 0 : i32
      %sign3A_43 = arith.cmpi sgt, %scan3A_41, %sign3A : i32
      %sign3A_44 = arith.extui %sign3A_43 : i1 to i32
      %sign3A_45 = arith.constant 0 : i32
      %sign3A_46 = arith.cmpi slt, %scan3A_41, %sign3A_45 : i32
      %sign3A_47 = arith.extui %sign3A_46 : i1 to i32
      %sign3A_48 = arith.subi %sign3A_44, %sign3A_47 : i32
      %sign3A_49 = arith.constant 0 : i32
      %sign3A_50 = arith.cmpi sgt, %jit3A, %sign3A_49 : i32
      %sign3A_51 = arith.extui %sign3A_50 : i1 to i32
      %sign3A_52 = arith.constant 0 : i32
      %sign3A_53 = arith.cmpi slt, %jit3A, %sign3A_52 : i32
      %sign3A_54 = arith.extui %sign3A_53 : i1 to i32
      %sign3A_55 = arith.subi %sign3A_51, %sign3A_54 : i32
      %ne3A = arith.cmpi ne, %sign3A_48, %sign3A_55 : i32
      %rem3A = arith.remsi %scan3A_41, %jit3A : i32
      %ne3A_56 = arith.constant 0 : i32
      %ne3A_57 = arith.cmpi ne, %rem3A, %ne3A_56 : i32
      %and3A = arith.andi %ne3A, %ne3A_57 : i1
      %sub3A = arith.constant 1 : i32
      %sub3A_58 = arith.subi %div3A, %sub3A : i32
      %select_n3A = arith.select %and3A, %sub3A_58, %div3A : i32
      %jit3A_59 = arith.constant 8 : i32
      %eq3A = arith.constant 0 : i32
      %eq3A_60 = arith.cmpi eq, %jit3A_59, %eq3A : i32
      %jit3A_61 = arith.constant 1 : i32
      %select_n3A_62 = arith.select %eq3A_60, %jit3A_61, %jit3A_59 : i32
      %rem3A_63 = arith.remsi %scan3A_41, %select_n3A_62 : i32
      %ne3A_64 = arith.constant 0 : i32
      %ne3A_65 = arith.cmpi ne, %rem3A_63, %ne3A_64 : i32
      %lt3A = arith.constant 0 : i32
      %lt3A_66 = arith.cmpi slt, %rem3A_63, %lt3A : i32
      %lt3A_67 = arith.constant 0 : i32
      %lt3A_68 = arith.cmpi slt, %select_n3A_62, %lt3A_67 : i32
      %ne3A_69 = arith.xori %lt3A_66, %lt3A_68 : i1
      %and3A_70 = arith.andi %ne3A_69, %ne3A_65 : i1
      %add3A_71 = arith.addi %rem3A_63, %select_n3A_62 : i32
      %select_n3A_72 = arith.select %and3A_70, %add3A_71, %rem3A_63 : i32
      %broadcast_in_dim3A = arith.constant 0.000000e+00 : f32
      %broadcast_in_dim3A_73 = vector.broadcast %broadcast_in_dim3A : f32 to vector<16xf32>
      %mul3A_74 = arith.constant 16 : i32
      %mul3A_75 = arith.muli %select_n3A_72, %mul3A_74 : i32
      %swap3A = arith.index_cast %select_n3A : i32 to index
      %swap3A_76 = arith.index_cast %mul3A_75 : i32 to index
      %swap3A_77 = tpu.vector_load %arg10[%swap3A, %swap3A_76] {strides = array<i32>} : memref<16x128xf32, #tpu.memory_space<vmem>>, vector<1x16xf32>,
      %swap3A_78 = vector.shape_cast %swap3A_77 : vector<1x16xf32> to vector<16xf32>
      %swap3A_79 = vector.shape_cast %broadcast_in_dim3A_73 : vector<16xf32> to vector<1x16xf32>
      tpu.vector_store %arg10[%swap3A, %swap3A_76], %swap3A_79 {strides = array<i32>} : memref<16x128xf32, #tpu.memory_space<vmem>>, vector<1x16xf32>,
      %scan3A_80 = arith.constant 0 : i32
      scf.yield %scan3A_80 : i32
    }
    %scan3A_6 = arith.constant 128 : i32
    %scan3A_7 = arith.constant 0 : i32
    %scan3A_8 = arith.constant 0 : i32
    %scan3A_9 = arith.constant 8 : i32
    %scan3A_10 = arith.addi %scan3A_8, %scan3A_9 : i32
    %scan3A_11 = arith.constant 1 : i32
    %scan3A_12 = scf.for %scan3A_41 = %scan3A_8 to %scan3A_10 step %scan3A_11 iter_args(%scan3A_42 = %scan3A_7) -> (i32)  : i32 {
      %mul3A_43 = arith.constant 16 : i32
      %mul3A_44 = arith.muli %scan3A_41, %mul3A_43 : i32
      %add3A_45 = arith.addi %arg1, %mul3A_44 : i32
      %lt3A = arith.constant 125 : i32
      %lt3A_46 = arith.cmpi slt, %add3A_45, %lt3A : i32
      %convert_element_type3A = arith.extui %lt3A_46 : i1 to i32
      %cond3A = arith.constant 0 : i32
      %cond3A_47 = arith.cmpi ne, %convert_element_type3A, %cond3A : i32
      scf.if %cond3A_47 {
        %mul3A_49 = arith.constant 80 : i32
        %mul3A_50 = arith.muli %add3A_45, %mul3A_49 : i32
        %add3A_51 = arith.constant 0 : i32
        %add3A_52 = arith.addi %mul3A_50, %add3A_51 : i32
        "tpu.region"() ({
          %run_scoped3A_61 = tpu.sem_alloc : memref<!tpu.dma_semaphore, #tpu.memory_space<semaphore_mem>>
          %dma_start3A_62 = arith.constant 0 : i32
          %dma_start3A_63 = tpu.memref_slice %arg11[%add3A_52, %dma_start3A_62] : memref<10000x128xf32, #tpu.memory_space<vmem_shared>> -> memref<16x128xf32, #tpu.memory_space<vmem_shared>>
          %dma_start3A_64 = arith.constant 0 : i32
          %dma_start3A_65 = tpu.memref_slice %arg11[%add3A_52, %dma_start3A_64] : memref<10000x128xf32, #tpu.memory_space<vmem_shared>> -> memref<16x128xf32, #tpu.memory_space<vmem_shared>>
          tpu.enqueue_dma source(%arg10 : memref<16x128xf32, #tpu.memory_space<vmem>>) target(%dma_start3A_65 : memref<16x128xf32, #tpu.memory_space<vmem_shared>>) target_semaphore(%run_scoped3A_61 : memref<!tpu.dma_semaphore, #tpu.memory_space<semaphore_mem>>)
          %dma_wait3A_66 = arith.constant 0 : i32
          %dma_wait3A_67 = tpu.memref_slice %arg11[%add3A_52, %dma_wait3A_66] : memref<10000x128xf32, #tpu.memory_space<vmem_shared>> -> memref<16x128xf32, #tpu.memory_space<vmem_shared>>
          %dma_wait3A_68 = arith.constant 0 : i32
          %dma_wait3A_69 = tpu.memref_slice %arg11[%add3A_52, %dma_wait3A_68] : memref<10000x128xf32, #tpu.memory_space<vmem_shared>> -> memref<16x128xf32, #tpu.memory_space<vmem_shared>>
          tpu.wait_dma2 semaphore(%run_scoped3A_61 : memref<!tpu.dma_semaphore, #tpu.memory_space<semaphore_mem>>) src(%arg10 : memref<16x128xf32, #tpu.memory_space<vmem>>) dst(%dma_wait3A_69 : memref<16x128xf32, #tpu.memory_space<vmem_shared>>)
          tpu.yield
        }) : () -> ()
        %add3A_53 = arith.constant 16 : i32
        %add3A_54 = arith.addi %mul3A_50, %add3A_53 : i32
        "tpu.region"() ({
          %run_scoped3A_61 = tpu.sem_alloc : memref<!tpu.dma_semaphore, #tpu.memory_space<semaphore_mem>>
          %dma_start3A_62 = arith.constant 0 : i32
          %dma_start3A_63 = tpu.memref_slice %arg11[%add3A_54, %dma_start3A_62] : memref<10000x128xf32, #tpu.memory_space<vmem_shared>> -> memref<16x128xf32, #tpu.memory_space<vmem_shared>>
          %dma_start3A_64 = arith.constant 0 : i32
          %dma_start3A_65 = tpu.memref_slice %arg11[%add3A_54, %dma_start3A_64] : memref<10000x128xf32, #tpu.memory_space<vmem_shared>> -> memref<16x128xf32, #tpu.memory_space<vmem_shared>>
          tpu.enqueue_dma source(%arg10 : memref<16x128xf32, #tpu.memory_space<vmem>>) target(%dma_start3A_65 : memref<16x128xf32, #tpu.memory_space<vmem_shared>>) target_semaphore(%run_scoped3A_61 : memref<!tpu.dma_semaphore, #tpu.memory_space<semaphore_mem>>)
          %dma_wait3A_66 = arith.constant 0 : i32
          %dma_wait3A_67 = tpu.memref_slice %arg11[%add3A_54, %dma_wait3A_66] : memref<10000x128xf32, #tpu.memory_space<vmem_shared>> -> memref<16x128xf32, #tpu.memory_space<vmem_shared>>
          %dma_wait3A_68 = arith.constant 0 : i32
          %dma_wait3A_69 = tpu.memref_slice %arg11[%add3A_54, %dma_wait3A_68] : memref<10000x128xf32, #tpu.memory_space<vmem_shared>> -> memref<16x128xf32, #tpu.memory_space<vmem_shared>>
          tpu.wait_dma2 semaphore(%run_scoped3A_61 : memref<!tpu.dma_semaphore, #tpu.memory_space<semaphore_mem>>) src(%arg10 : memref<16x128xf32, #tpu.memory_space<vmem>>) dst(%dma_wait3A_69 : memref<16x128xf32, #tpu.memory_space<vmem_shared>>)
          tpu.yield
        }) : () -> ()
        %add3A_55 = arith.constant 32 : i32
        %add3A_56 = arith.addi %mul3A_50, %add3A_55 : i32
        "tpu.region"() ({
          %run_scoped3A_61 = tpu.sem_alloc : memref<!tpu.dma_semaphore, #tpu.memory_space<semaphore_mem>>
          %dma_start3A_62 = arith.constant 0 : i32
          %dma_start3A_63 = tpu.memref_slice %arg11[%add3A_56, %dma_start3A_62] : memref<10000x128xf32, #tpu.memory_space<vmem_shared>> -> memref<16x128xf32, #tpu.memory_space<vmem_shared>>
          %dma_start3A_64 = arith.constant 0 : i32
          %dma_start3A_65 = tpu.memref_slice %arg11[%add3A_56, %dma_start3A_64] : memref<10000x128xf32, #tpu.memory_space<vmem_shared>> -> memref<16x128xf32, #tpu.memory_space<vmem_shared>>
          tpu.enqueue_dma source(%arg10 : memref<16x128xf32, #tpu.memory_space<vmem>>) target(%dma_start3A_65 : memref<16x128xf32, #tpu.memory_space<vmem_shared>>) target_semaphore(%run_scoped3A_61 : memref<!tpu.dma_semaphore, #tpu.memory_space<semaphore_mem>>)
          %dma_wait3A_66 = arith.constant 0 : i32
          %dma_wait3A_67 = tpu.memref_slice %arg11[%add3A_56, %dma_wait3A_66] : memref<10000x128xf32, #tpu.memory_space<vmem_shared>> -> memref<16x128xf32, #tpu.memory_space<vmem_shared>>
          %dma_wait3A_68 = arith.constant 0 : i32
          %dma_wait3A_69 = tpu.memref_slice %arg11[%add3A_56, %dma_wait3A_68] : memref<10000x128xf32, #tpu.memory_space<vmem_shared>> -> memref<16x128xf32, #tpu.memory_space<vmem_shared>>
          tpu.wait_dma2 semaphore(%run_scoped3A_61 : memref<!tpu.dma_semaphore, #tpu.memory_space<semaphore_mem>>) src(%arg10 : memref<16x128xf32, #tpu.memory_space<vmem>>) dst(%dma_wait3A_69 : memref<16x128xf32, #tpu.memory_space<vmem_shared>>)
          tpu.yield
        }) : () -> ()
        %add3A_57 = arith.constant 48 : i32
        %add3A_58 = arith.addi %mul3A_50, %add3A_57 : i32
        "tpu.region"() ({
          %run_scoped3A_61 = tpu.sem_alloc : memref<!tpu.dma_semaphore, #tpu.memory_space<semaphore_mem>>
          %dma_start3A_62 = arith.constant 0 : i32
          %dma_start3A_63 = tpu.memref_slice %arg11[%add3A_58, %dma_start3A_62] : memref<10000x128xf32, #tpu.memory_space<vmem_shared>> -> memref<16x128xf32, #tpu.memory_space<vmem_shared>>
          %dma_start3A_64 = arith.constant 0 : i32
          %dma_start3A_65 = tpu.memref_slice %arg11[%add3A_58, %dma_start3A_64] : memref<10000x128xf32, #tpu.memory_space<vmem_shared>> -> memref<16x128xf32, #tpu.memory_space<vmem_shared>>
          tpu.enqueue_dma source(%arg10 : memref<16x128xf32, #tpu.memory_space<vmem>>) target(%dma_start3A_65 : memref<16x128xf32, #tpu.memory_space<vmem_shared>>) target_semaphore(%run_scoped3A_61 : memref<!tpu.dma_semaphore, #tpu.memory_space<semaphore_mem>>)
          %dma_wait3A_66 = arith.constant 0 : i32
          %dma_wait3A_67 = tpu.memref_slice %arg11[%add3A_58, %dma_wait3A_66] : memref<10000x128xf32, #tpu.memory_space<vmem_shared>> -> memref<16x128xf32, #tpu.memory_space<vmem_shared>>
          %dma_wait3A_68 = arith.constant 0 : i32
          %dma_wait3A_69 = tpu.memref_slice %arg11[%add3A_58, %dma_wait3A_68] : memref<10000x128xf32, #tpu.memory_space<vmem_shared>> -> memref<16x128xf32, #tpu.memory_space<vmem_shared>>
          tpu.wait_dma2 semaphore(%run_scoped3A_61 : memref<!tpu.dma_semaphore, #tpu.memory_space<semaphore_mem>>) src(%arg10 : memref<16x128xf32, #tpu.memory_space<vmem>>) dst(%dma_wait3A_69 : memref<16x128xf32, #tpu.memory_space<vmem_shared>>)
          tpu.yield
        }) : () -> ()
        %add3A_59 = arith.constant 64 : i32
        %add3A_60 = arith.addi %mul3A_50, %add3A_59 : i32
        "tpu.region"() ({
          %run_scoped3A_61 = tpu.sem_alloc : memref<!tpu.dma_semaphore, #tpu.memory_space<semaphore_mem>>
          %dma_start3A_62 = arith.constant 0 : i32
          %dma_start3A_63 = tpu.memref_slice %arg11[%add3A_60, %dma_start3A_62] : memref<10000x128xf32, #tpu.memory_space<vmem_shared>> -> memref<16x128xf32, #tpu.memory_space<vmem_shared>>
          %dma_start3A_64 = arith.constant 0 : i32
          %dma_start3A_65 = tpu.memref_slice %arg11[%add3A_60, %dma_start3A_64] : memref<10000x128xf32, #tpu.memory_space<vmem_shared>> -> memref<16x128xf32, #tpu.memory_space<vmem_shared>>
          tpu.enqueue_dma source(%arg10 : memref<16x128xf32, #tpu.memory_space<vmem>>) target(%dma_start3A_65 : memref<16x128xf32, #tpu.memory_space<vmem_shared>>) target_semaphore(%run_scoped3A_61 : memref<!tpu.dma_semaphore, #tpu.memory_space<semaphore_mem>>)
          %dma_wait3A_66 = arith.constant 0 : i32
          %dma_wait3A_67 = tpu.memref_slice %arg11[%add3A_60, %dma_wait3A_66] : memref<10000x128xf32, #tpu.memory_space<vmem_shared>> -> memref<16x128xf32, #tpu.memory_space<vmem_shared>>
          %dma_wait3A_68 = arith.constant 0 : i32
          %dma_wait3A_69 = tpu.memref_slice %arg11[%add3A_60, %dma_wait3A_68] : memref<10000x128xf32, #tpu.memory_space<vmem_shared>> -> memref<16x128xf32, #tpu.memory_space<vmem_shared>>
          tpu.wait_dma2 semaphore(%run_scoped3A_61 : memref<!tpu.dma_semaphore, #tpu.memory_space<semaphore_mem>>) src(%arg10 : memref<16x128xf32, #tpu.memory_space<vmem>>) dst(%dma_wait3A_69 : memref<16x128xf32, #tpu.memory_space<vmem_shared>>)
          tpu.yield
        }) : () -> ()
      } else {
      }
      %scan3A_48 = arith.constant 0 : i32
      scf.yield %scan3A_48 : i32
    }
    %scan3A_13 = arith.constant 8 : i32
    "tpu.region"() ({
      %run_scoped3A_41 = tpu.sem_alloc : memref<!tpu.dma_semaphore, #tpu.memory_space<semaphore_mem>>
      %dma_start3A_42 = arith.constant 0 : i32
      %dma_start3A_43 = arith.constant 0 : i32
      %dma_start3A_44 = tpu.memref_slice %arg3[%add3A, %dma_start3A_42, %dma_start3A_43] : memref<32x125x80xi32, #tpu.memory_space<hbm>> -> memref<1x125x80xi32, #tpu.memory_space<hbm>>
      %dma_start3A_45 = tpu.memref_squeeze %dma_start3A_44 : memref<1x125x80xi32, #tpu.memory_space<hbm>> -> memref<125x80xi32, #tpu.memory_space<hbm>>
      %dma_start3A_46 = arith.constant 0 : i32
      %dma_start3A_47 = arith.constant 0 : i32
      %dma_start3A_48 = tpu.memref_slice %arg3[%add3A, %dma_start3A_46, %dma_start3A_47] : memref<32x125x80xi32, #tpu.memory_space<hbm>> -> memref<1x125x80xi32, #tpu.memory_space<hbm>>
      %dma_start3A_49 = tpu.memref_squeeze %dma_start3A_48 : memref<1x125x80xi32, #tpu.memory_space<hbm>> -> memref<125x80xi32, #tpu.memory_space<hbm>>
      tpu.enqueue_dma source(%dma_start3A_49 : memref<125x80xi32, #tpu.memory_space<hbm>>) target(%arg6 : memref<125x80xi32, #tpu.memory_space<vmem>>) target_semaphore(%run_scoped3A_41 : memref<!tpu.dma_semaphore, #tpu.memory_space<semaphore_mem>>)
      %dma_wait3A_50 = arith.constant 0 : i32
      %dma_wait3A_51 = arith.constant 0 : i32
      %dma_wait3A_52 = tpu.memref_slice %arg3[%add3A, %dma_wait3A_50, %dma_wait3A_51] : memref<32x125x80xi32, #tpu.memory_space<hbm>> -> memref<1x125x80xi32, #tpu.memory_space<hbm>>
      %dma_wait3A_53 = tpu.memref_squeeze %dma_wait3A_52 : memref<1x125x80xi32, #tpu.memory_space<hbm>> -> memref<125x80xi32, #tpu.memory_space<hbm>>
      %dma_wait3A_54 = arith.constant 0 : i32
      %dma_wait3A_55 = arith.constant 0 : i32
      %dma_wait3A_56 = tpu.memref_slice %arg3[%add3A, %dma_wait3A_54, %dma_wait3A_55] : memref<32x125x80xi32, #tpu.memory_space<hbm>> -> memref<1x125x80xi32, #tpu.memory_space<hbm>>
      %dma_wait3A_57 = tpu.memref_squeeze %dma_wait3A_56 : memref<1x125x80xi32, #tpu.memory_space<hbm>> -> memref<125x80xi32, #tpu.memory_space<hbm>>
      tpu.wait_dma2 semaphore(%run_scoped3A_41 : memref<!tpu.dma_semaphore, #tpu.memory_space<semaphore_mem>>) src(%dma_wait3A_57 : memref<125x80xi32, #tpu.memory_space<hbm>>) dst(%arg6 : memref<125x80xi32, #tpu.memory_space<vmem>>)
      tpu.yield
    }) : () -> ()
    "tpu.region"() ({
      %run_scoped3A_41 = tpu.sem_alloc : memref<!tpu.dma_semaphore, #tpu.memory_space<semaphore_mem>>
      %dma_start3A_42 = arith.constant 0 : i32
      %dma_start3A_43 = arith.constant 0 : i32
      %dma_start3A_44 = tpu.memref_slice %arg4[%add3A, %dma_start3A_42, %dma_start3A_43] : memref<32x125x80xi32, #tpu.memory_space<hbm>> -> memref<1x125x80xi32, #tpu.memory_space<hbm>>
      %dma_start3A_45 = tpu.memref_squeeze %dma_start3A_44 : memref<1x125x80xi32, #tpu.memory_space<hbm>> -> memref<125x80xi32, #tpu.memory_space<hbm>>
      %dma_start3A_46 = arith.constant 0 : i32
      %dma_start3A_47 = arith.constant 0 : i32
      %dma_start3A_48 = tpu.memref_slice %arg4[%add3A, %dma_start3A_46, %dma_start3A_47] : memref<32x125x80xi32, #tpu.memory_space<hbm>> -> memref<1x125x80xi32, #tpu.memory_space<hbm>>
      %dma_start3A_49 = tpu.memref_squeeze %dma_start3A_48 : memref<1x125x80xi32, #tpu.memory_space<hbm>> -> memref<125x80xi32, #tpu.memory_space<hbm>>
      tpu.enqueue_dma source(%dma_start3A_49 : memref<125x80xi32, #tpu.memory_space<hbm>>) target(%arg7 : memref<125x80xi32, #tpu.memory_space<vmem>>) target_semaphore(%run_scoped3A_41 : memref<!tpu.dma_semaphore, #tpu.memory_space<semaphore_mem>>)
      %dma_wait3A_50 = arith.constant 0 : i32
      %dma_wait3A_51 = arith.constant 0 : i32
      %dma_wait3A_52 = tpu.memref_slice %arg4[%add3A, %dma_wait3A_50, %dma_wait3A_51] : memref<32x125x80xi32, #tpu.memory_space<hbm>> -> memref<1x125x80xi32, #tpu.memory_space<hbm>>
      %dma_wait3A_53 = tpu.memref_squeeze %dma_wait3A_52 : memref<1x125x80xi32, #tpu.memory_space<hbm>> -> memref<125x80xi32, #tpu.memory_space<hbm>>
      %dma_wait3A_54 = arith.constant 0 : i32
      %dma_wait3A_55 = arith.constant 0 : i32
      %dma_wait3A_56 = tpu.memref_slice %arg4[%add3A, %dma_wait3A_54, %dma_wait3A_55] : memref<32x125x80xi32, #tpu.memory_space<hbm>> -> memref<1x125x80xi32, #tpu.memory_space<hbm>>
      %dma_wait3A_57 = tpu.memref_squeeze %dma_wait3A_56 : memref<1x125x80xi32, #tpu.memory_space<hbm>> -> memref<125x80xi32, #tpu.memory_space<hbm>>
      tpu.wait_dma2 semaphore(%run_scoped3A_41 : memref<!tpu.dma_semaphore, #tpu.memory_space<semaphore_mem>>) src(%dma_wait3A_57 : memref<125x80xi32, #tpu.memory_space<hbm>>) dst(%arg7 : memref<125x80xi32, #tpu.memory_space<vmem>>)
      tpu.yield
    }) : () -> ()
    %barrier3A = arith.constant 0 : index
    tpu.barrier barrier_id(%barrier3A)
    %dma_start3A = arith.constant 0 : i32
    %dma_start3A_14 = arith.constant 0 : i32
    %dma_start3A_15 = tpu.memref_slice %arg6[%dma_start3A, %dma_start3A_14] : memref<125x80xi32, #tpu.memory_space<vmem>> -> memref<1x80xi32, #tpu.memory_space<vmem>>
    %dma_start3A_16 = tpu.memref_squeeze %dma_start3A_15 : memref<1x80xi32, #tpu.memory_space<vmem>> -> memref<80xi32, #tpu.memory_space<vmem>>
    %dma_start3A_17 = arith.constant 0 : i32
    %dma_start3A_18 = arith.constant 0 : i32
    %dma_start3A_19 = tpu.memref_slice %arg2[%dma_start3A_17, %dma_start3A_18] : memref<10000x128xf32, #tpu.memory_space<hbm>> -> memref<10000x128xf32, #tpu.memory_space<hbm>>
    tpu.enqueue_indirect_dma source(%dma_start3A_19 : memref<10000x128xf32, #tpu.memory_space<hbm>>) target(%arg8 : memref<80x128xf32, #tpu.memory_space<vmem>>) offsets(%dma_start3A_16 : memref<80xi32, #tpu.memory_space<vmem>>) semaphore(%arg12 : memref<!tpu.dma_semaphore, #tpu.memory_space<semaphore_mem>>)
    %scan3A_20 = arith.constant 0 : i32
    %scan3A_21 = arith.constant 0 : i32
    %scan3A_22 = arith.constant 62 : i32
    %scan3A_23 = arith.addi %scan3A_21, %scan3A_22 : i32
    %scan3A_24 = arith.constant 1 : i32
    %scan3A_25 = scf.for %scan3A_41 = %scan3A_21 to %scan3A_23 step %scan3A_24 iter_args(%scan3A_42 = %scan3A_20) -> (i32)  : i32 {
      %mul3A_43 = arith.constant 2 : i32
      %mul3A_44 = arith.muli %mul3A_43, %scan3A_41 : i32
      %dma_wait3A_45 = arith.constant 0 : i32
      %dma_wait3A_46 = tpu.memref_slice %arg6[%mul3A_44, %dma_wait3A_45] : memref<125x80xi32, #tpu.memory_space<vmem>> -> memref<1x80xi32, #tpu.memory_space<vmem>>
      %dma_wait3A_47 = tpu.memref_squeeze %dma_wait3A_46 : memref<1x80xi32, #tpu.memory_space<vmem>> -> memref<80xi32, #tpu.memory_space<vmem>>
      %dma_wait3A_48 = arith.constant 0 : i32
      %dma_wait3A_49 = arith.constant 0 : i32
      %dma_wait3A_50 = tpu.memref_slice %arg2[%dma_wait3A_48, %dma_wait3A_49] : memref<10000x128xf32, #tpu.memory_space<hbm>> -> memref<10000x128xf32, #tpu.memory_space<hbm>>
      tpu.wait_indirect_dma semaphore(%arg12 : memref<!tpu.dma_semaphore, #tpu.memory_space<semaphore_mem>>) src(%dma_wait3A_50 : memref<10000x128xf32, #tpu.memory_space<hbm>>) dst(%arg8 : memref<80x128xf32, #tpu.memory_space<vmem>>)
      %add3A_51 = arith.constant 1 : i32
      %add3A_52 = arith.addi %mul3A_44, %add3A_51 : i32
      %dma_start3A_53 = arith.constant 0 : i32
      %dma_start3A_54 = tpu.memref_slice %arg6[%add3A_52, %dma_start3A_53] : memref<125x80xi32, #tpu.memory_space<vmem>> -> memref<1x80xi32, #tpu.memory_space<vmem>>
      %dma_start3A_55 = tpu.memref_squeeze %dma_start3A_54 : memref<1x80xi32, #tpu.memory_space<vmem>> -> memref<80xi32, #tpu.memory_space<vmem>>
      %dma_start3A_56 = arith.constant 0 : i32
      %dma_start3A_57 = arith.constant 0 : i32
      %dma_start3A_58 = tpu.memref_slice %arg2[%dma_start3A_56, %dma_start3A_57] : memref<10000x128xf32, #tpu.memory_space<hbm>> -> memref<10000x128xf32, #tpu.memory_space<hbm>>
      tpu.enqueue_indirect_dma source(%dma_start3A_58 : memref<10000x128xf32, #tpu.memory_space<hbm>>) target(%arg9 : memref<80x128xf32, #tpu.memory_space<vmem>>) offsets(%dma_start3A_55 : memref<80xi32, #tpu.memory_space<vmem>>) semaphore(%arg13 : memref<!tpu.dma_semaphore, #tpu.memory_space<semaphore_mem>>)
      "tpu.region"() ({
        %run_scoped3A_78 = tpu.sem_alloc : memref<!tpu.dma_semaphore, #tpu.memory_space<semaphore_mem>>
        %dma_start3A_79 = arith.constant 0 : i32
        %dma_start3A_80 = tpu.memref_slice %arg7[%mul3A_44, %dma_start3A_79] : memref<125x80xi32, #tpu.memory_space<vmem>> -> memref<1x80xi32, #tpu.memory_space<vmem>>
        %dma_start3A_81 = tpu.memref_squeeze %dma_start3A_80 : memref<1x80xi32, #tpu.memory_space<vmem>> -> memref<80xi32, #tpu.memory_space<vmem>>
        %dma_start3A_82 = arith.constant 0 : i32
        %dma_start3A_83 = arith.constant 0 : i32
        %dma_start3A_84 = tpu.memref_slice %arg11[%dma_start3A_82, %dma_start3A_83] : memref<10000x128xf32, #tpu.memory_space<vmem_shared>> -> memref<10000x128xf32, #tpu.memory_space<vmem_shared>>
        tpu.enqueue_indirect_dma source(%arg8 : memref<80x128xf32, #tpu.memory_space<vmem>>) target(%dma_start3A_84 : memref<10000x128xf32, #tpu.memory_space<vmem_shared>>) offsets(%dma_start3A_81 : memref<80xi32, #tpu.memory_space<vmem>>) semaphore(%run_scoped3A_78 : memref<!tpu.dma_semaphore, #tpu.memory_space<semaphore_mem>>) {add = true}
        %dma_wait3A_85 = arith.constant 0 : i32
        %dma_wait3A_86 = tpu.memref_slice %arg7[%mul3A_44, %dma_wait3A_85] : memref<125x80xi32, #tpu.memory_space<vmem>> -> memref<1x80xi32, #tpu.memory_space<vmem>>
        %dma_wait3A_87 = tpu.memref_squeeze %dma_wait3A_86 : memref<1x80xi32, #tpu.memory_space<vmem>> -> memref<80xi32, #tpu.memory_space<vmem>>
        %dma_wait3A_88 = arith.constant 0 : i32
        %dma_wait3A_89 = arith.constant 0 : i32
        %dma_wait3A_90 = tpu.memref_slice %arg11[%dma_wait3A_88, %dma_wait3A_89] : memref<10000x128xf32, #tpu.memory_space<vmem_shared>> -> memref<10000x128xf32, #tpu.memory_space<vmem_shared>>
        tpu.wait_indirect_dma semaphore(%run_scoped3A_78 : memref<!tpu.dma_semaphore, #tpu.memory_space<semaphore_mem>>) src(%arg8 : memref<80x128xf32, #tpu.memory_space<vmem>>) dst(%dma_wait3A_90 : memref<10000x128xf32, #tpu.memory_space<vmem_shared>>)
        tpu.yield
      }) : () -> ()
      %add3A_59 = arith.constant 1 : i32
      %add3A_60 = arith.addi %mul3A_44, %add3A_59 : i32
      %dma_wait3A_61 = arith.constant 0 : i32
      %dma_wait3A_62 = tpu.memref_slice %arg6[%add3A_60, %dma_wait3A_61] : memref<125x80xi32, #tpu.memory_space<vmem>> -> memref<1x80xi32, #tpu.memory_space<vmem>>
      %dma_wait3A_63 = tpu.memref_squeeze %dma_wait3A_62 : memref<1x80xi32, #tpu.memory_space<vmem>> -> memref<80xi32, #tpu.memory_space<vmem>>
      %dma_wait3A_64 = arith.constant 0 : i32
      %dma_wait3A_65 = arith.constant 0 : i32
      %dma_wait3A_66 = tpu.memref_slice %arg2[%dma_wait3A_64, %dma_wait3A_65] : memref<10000x128xf32, #tpu.memory_space<hbm>> -> memref<10000x128xf32, #tpu.memory_space<hbm>>
      tpu.wait_indirect_dma semaphore(%arg13 : memref<!tpu.dma_semaphore, #tpu.memory_space<semaphore_mem>>) src(%dma_wait3A_66 : memref<10000x128xf32, #tpu.memory_space<hbm>>) dst(%arg9 : memref<80x128xf32, #tpu.memory_space<vmem>>)
      %add3A_67 = arith.constant 2 : i32
      %add3A_68 = arith.addi %mul3A_44, %add3A_67 : i32
      %dma_start3A_69 = arith.constant 0 : i32
      %dma_start3A_70 = tpu.memref_slice %arg6[%add3A_68, %dma_start3A_69] : memref<125x80xi32, #tpu.memory_space<vmem>> -> memref<1x80xi32, #tpu.memory_space<vmem>>
      %dma_start3A_71 = tpu.memref_squeeze %dma_start3A_70 : memref<1x80xi32, #tpu.memory_space<vmem>> -> memref<80xi32, #tpu.memory_space<vmem>>
      %dma_start3A_72 = arith.constant 0 : i32
      %dma_start3A_73 = arith.constant 0 : i32
      %dma_start3A_74 = tpu.memref_slice %arg2[%dma_start3A_72, %dma_start3A_73] : memref<10000x128xf32, #tpu.memory_space<hbm>> -> memref<10000x128xf32, #tpu.memory_space<hbm>>
      tpu.enqueue_indirect_dma source(%dma_start3A_74 : memref<10000x128xf32, #tpu.memory_space<hbm>>) target(%arg8 : memref<80x128xf32, #tpu.memory_space<vmem>>) offsets(%dma_start3A_71 : memref<80xi32, #tpu.memory_space<vmem>>) semaphore(%arg12 : memref<!tpu.dma_semaphore, #tpu.memory_space<semaphore_mem>>)
      %add3A_75 = arith.constant 1 : i32
      %add3A_76 = arith.addi %mul3A_44, %add3A_75 : i32
      "tpu.region"() ({
        %run_scoped3A_78 = tpu.sem_alloc : memref<!tpu.dma_semaphore, #tpu.memory_space<semaphore_mem>>
        %dma_start3A_79 = arith.constant 0 : i32
        %dma_start3A_80 = tpu.memref_slice %arg7[%add3A_76, %dma_start3A_79] : memref<125x80xi32, #tpu.memory_space<vmem>> -> memref<1x80xi32, #tpu.memory_space<vmem>>
        %dma_start3A_81 = tpu.memref_squeeze %dma_start3A_80 : memref<1x80xi32, #tpu.memory_space<vmem>> -> memref<80xi32, #tpu.memory_space<vmem>>
        %dma_start3A_82 = arith.constant 0 : i32
        %dma_start3A_83 = arith.constant 0 : i32
        %dma_start3A_84 = tpu.memref_slice %arg11[%dma_start3A_82, %dma_start3A_83] : memref<10000x128xf32, #tpu.memory_space<vmem_shared>> -> memref<10000x128xf32, #tpu.memory_space<vmem_shared>>
        tpu.enqueue_indirect_dma source(%arg9 : memref<80x128xf32, #tpu.memory_space<vmem>>) target(%dma_start3A_84 : memref<10000x128xf32, #tpu.memory_space<vmem_shared>>) offsets(%dma_start3A_81 : memref<80xi32, #tpu.memory_space<vmem>>) semaphore(%run_scoped3A_78 : memref<!tpu.dma_semaphore, #tpu.memory_space<semaphore_mem>>) {add = true}
        %dma_wait3A_85 = arith.constant 0 : i32
        %dma_wait3A_86 = tpu.memref_slice %arg7[%add3A_76, %dma_wait3A_85] : memref<125x80xi32, #tpu.memory_space<vmem>> -> memref<1x80xi32, #tpu.memory_space<vmem>>
        %dma_wait3A_87 = tpu.memref_squeeze %dma_wait3A_86 : memref<1x80xi32, #tpu.memory_space<vmem>> -> memref<80xi32, #tpu.memory_space<vmem>>
        %dma_wait3A_88 = arith.constant 0 : i32
        %dma_wait3A_89 = arith.constant 0 : i32
        %dma_wait3A_90 = tpu.memref_slice %arg11[%dma_wait3A_88, %dma_wait3A_89] : memref<10000x128xf32, #tpu.memory_space<vmem_shared>> -> memref<10000x128xf32, #tpu.memory_space<vmem_shared>>
        tpu.wait_indirect_dma semaphore(%run_scoped3A_78 : memref<!tpu.dma_semaphore, #tpu.memory_space<semaphore_mem>>) src(%arg9 : memref<80x128xf32, #tpu.memory_space<vmem>>) dst(%dma_wait3A_90 : memref<10000x128xf32, #tpu.memory_space<vmem_shared>>)
        tpu.yield
      }) : () -> ()
      %scan3A_77 = arith.constant 0 : i32
      scf.yield %scan3A_77 : i32
    }
    %scan3A_26 = arith.constant 62 : i32
    %dma_wait3A = arith.constant 124 : i32
    %dma_wait3A_27 = arith.constant 0 : i32
    %dma_wait3A_28 = tpu.memref_slice %arg6[%dma_wait3A, %dma_wait3A_27] : memref<125x80xi32, #tpu.memory_space<vmem>> -> memref<1x80xi32, #tpu.memory_space<vmem>>
    %dma_wait3A_29 = tpu.memref_squeeze %dma_wait3A_28 : memref<1x80xi32, #tpu.memory_space<vmem>> -> memref<80xi32, #tpu.memory_space<vmem>>
    %dma_wait3A_30 = arith.constant 0 : i32
    %dma_wait3A_31 = arith.constant 0 : i32
    %dma_wait3A_32 = tpu.memref_slice %arg2[%dma_wait3A_30, %dma_wait3A_31] : memref<10000x128xf32, #tpu.memory_space<hbm>> -> memref<10000x128xf32, #tpu.memory_space<hbm>>
    tpu.wait_indirect_dma semaphore(%arg12 : memref<!tpu.dma_semaphore, #tpu.memory_space<semaphore_mem>>) src(%dma_wait3A_32 : memref<10000x128xf32, #tpu.memory_space<hbm>>) dst(%arg8 : memref<80x128xf32, #tpu.memory_space<vmem>>)
    %run_scoped3A = arith.constant 124 : i32
    "tpu.region"() ({
      %run_scoped3A_41 = tpu.sem_alloc : memref<!tpu.dma_semaphore, #tpu.memory_space<semaphore_mem>>
      %dma_start3A_42 = arith.constant 0 : i32
      %dma_start3A_43 = tpu.memref_slice %arg7[%run_scoped3A, %dma_start3A_42] : memref<125x80xi32, #tpu.memory_space<vmem>> -> memref<1x80xi32, #tpu.memory_space<vmem>>
      %dma_start3A_44 = tpu.memref_squeeze %dma_start3A_43 : memref<1x80xi32, #tpu.memory_space<vmem>> -> memref<80xi32, #tpu.memory_space<vmem>>
      %dma_start3A_45 = arith.constant 0 : i32
      %dma_start3A_46 = arith.constant 0 : i32
      %dma_start3A_47 = tpu.memref_slice %arg11[%dma_start3A_45, %dma_start3A_46] : memref<10000x128xf32, #tpu.memory_space<vmem_shared>> -> memref<10000x128xf32, #tpu.memory_space<vmem_shared>>
      tpu.enqueue_indirect_dma source(%arg8 : memref<80x128xf32, #tpu.memory_space<vmem>>) target(%dma_start3A_47 : memref<10000x128xf32, #tpu.memory_space<vmem_shared>>) offsets(%dma_start3A_44 : memref<80xi32, #tpu.memory_space<vmem>>) semaphore(%run_scoped3A_41 : memref<!tpu.dma_semaphore, #tpu.memory_space<semaphore_mem>>) {add = true}
      %dma_wait3A_48 = arith.constant 0 : i32
      %dma_wait3A_49 = tpu.memref_slice %arg7[%run_scoped3A, %dma_wait3A_48] : memref<125x80xi32, #tpu.memory_space<vmem>> -> memref<1x80xi32, #tpu.memory_space<vmem>>
      %dma_wait3A_50 = tpu.memref_squeeze %dma_wait3A_49 : memref<1x80xi32, #tpu.memory_space<vmem>> -> memref<80xi32, #tpu.memory_space<vmem>>
      %dma_wait3A_51 = arith.constant 0 : i32
      %dma_wait3A_52 = arith.constant 0 : i32
      %dma_wait3A_53 = tpu.memref_slice %arg11[%dma_wait3A_51, %dma_wait3A_52] : memref<10000x128xf32, #tpu.memory_space<vmem_shared>> -> memref<10000x128xf32, #tpu.memory_space<vmem_shared>>
      tpu.wait_indirect_dma semaphore(%run_scoped3A_41 : memref<!tpu.dma_semaphore, #tpu.memory_space<semaphore_mem>>) src(%arg8 : memref<80x128xf32, #tpu.memory_space<vmem>>) dst(%dma_wait3A_53 : memref<10000x128xf32, #tpu.memory_space<vmem_shared>>)
      tpu.yield
    }) : () -> ()
    %barrier3A_33 = arith.constant 0 : index
    tpu.barrier barrier_id(%barrier3A_33)
    %scan3A_34 = arith.constant 0 : i32
    %scan3A_35 = arith.constant 0 : i32
    %scan3A_36 = arith.constant 8 : i32
    %scan3A_37 = arith.addi %scan3A_35, %scan3A_36 : i32
    %scan3A_38 = arith.constant 1 : i32
    %scan3A_39 = scf.for %scan3A_41 = %scan3A_35 to %scan3A_37 step %scan3A_38 iter_args(%scan3A_42 = %scan3A_34) -> (i32)  : i32 {
      %mul3A_43 = arith.constant 16 : i32
      %mul3A_44 = arith.muli %scan3A_41, %mul3A_43 : i32
      %add3A_45 = arith.addi %arg1, %mul3A_44 : i32
      %lt3A = arith.constant 125 : i32
      %lt3A_46 = arith.cmpi slt, %add3A_45, %lt3A : i32
      %convert_element_type3A = arith.extui %lt3A_46 : i1 to i32
      %cond3A = arith.constant 0 : i32
      %cond3A_47 = arith.cmpi ne, %convert_element_type3A, %cond3A : i32
      scf.if %cond3A_47 {
        %mul3A_49 = arith.constant 80 : i32
        %mul3A_50 = arith.muli %add3A_45, %mul3A_49 : i32
        "tpu.region"() ({
          %run_scoped3A_51 = tpu.sem_alloc : memref<!tpu.dma_semaphore, #tpu.memory_space<semaphore_mem>>
          %dma_start3A_52 = arith.constant 0 : i32
          %dma_start3A_53 = tpu.memref_slice %arg5[%arg0, %mul3A_50, %dma_start3A_52] : memref<2x10000x128xf32, #tpu.memory_space<hbm>> -> memref<1x80x128xf32, #tpu.memory_space<hbm>>
          %dma_start3A_54 = tpu.memref_squeeze %dma_start3A_53 : memref<1x80x128xf32, #tpu.memory_space<hbm>> -> memref<80x128xf32, #tpu.memory_space<hbm>>
          %dma_start3A_55 = arith.constant 0 : i32
          %dma_start3A_56 = tpu.memref_slice %arg11[%mul3A_50, %dma_start3A_55] : memref<10000x128xf32, #tpu.memory_space<vmem_shared>> -> memref<80x128xf32, #tpu.memory_space<vmem_shared>>
          tpu.enqueue_dma source(%dma_start3A_56 : memref<80x128xf32, #tpu.memory_space<vmem_shared>>) target(%dma_start3A_54 : memref<80x128xf32, #tpu.memory_space<hbm>>) target_semaphore(%run_scoped3A_51 : memref<!tpu.dma_semaphore, #tpu.memory_space<semaphore_mem>>)
          %dma_wait3A_57 = arith.constant 0 : i32
          %dma_wait3A_58 = tpu.memref_slice %arg5[%arg0, %mul3A_50, %dma_wait3A_57] : memref<2x10000x128xf32, #tpu.memory_space<hbm>> -> memref<1x80x128xf32, #tpu.memory_space<hbm>>
          %dma_wait3A_59 = tpu.memref_squeeze %dma_wait3A_58 : memref<1x80x128xf32, #tpu.memory_space<hbm>> -> memref<80x128xf32, #tpu.memory_space<hbm>>
          %dma_wait3A_60 = arith.constant 0 : i32
          %dma_wait3A_61 = tpu.memref_slice %arg11[%mul3A_50, %dma_wait3A_60] : memref<10000x128xf32, #tpu.memory_space<vmem_shared>> -> memref<80x128xf32, #tpu.memory_space<vmem_shared>>
          tpu.wait_dma2 semaphore(%run_scoped3A_51 : memref<!tpu.dma_semaphore, #tpu.memory_space<semaphore_mem>>) src(%dma_wait3A_61 : memref<80x128xf32, #tpu.memory_space<vmem_shared>>) dst(%dma_wait3A_59 : memref<80x128xf32, #tpu.memory_space<hbm>>)
          tpu.yield
        }) : () -> ()
      } else {
      }
      %scan3A_48 = arith.constant 0 : i32
      scf.yield %scan3A_48 : i32
    }
    %scan3A_40 = arith.constant 8 : i32
    return
  }
}

#map = affine_map<(d0, d1) -> (0, 0)>
#map1 = affine_map<(d0, d1) -> (0)>
#map2 = affine_map<(d0, d1) -> (0, 0, 0)>
module attributes {stable_mosaic.version = 14 : i64} {
  func.func @_k5_body(%arg0: i32, %arg1: i32, %arg2: memref<10000x128xf32, #tpu.memory_space<hbm>>, %arg3: memref<320000x128xf32, #tpu.memory_space<hbm>>, %arg4: memref<320000xf32, #tpu.memory_space<hbm>>, %arg5: memref<32x125x80xi32, #tpu.memory_space<hbm>>, %arg6: memref<32x125x80xi32, #tpu.memory_space<hbm>>, %arg7: memref<2x10000x128xf32, #tpu.memory_space<hbm>>, %arg8: memref<80xi32, #tpu.memory_space<vmem>>, %arg9: memref<80xi32, #tpu.memory_space<vmem>>, %arg10: memref<80xi32, #tpu.memory_space<vmem>>, %arg11: memref<80xi32, #tpu.memory_space<vmem>>, %arg12: memref<80xf32, #tpu.memory_space<vmem>>, %arg13: memref<80xf32, #tpu.memory_space<vmem>>, %arg14: memref<80x128xf32, #tpu.memory_space<vmem>>, %arg15: memref<80x128xf32, #tpu.memory_space<vmem>>, %arg16: memref<80x128xf32, #tpu.memory_space<vmem>>, %arg17: memref<80x128xf32, #tpu.memory_space<vmem>>, %arg18: memref<80x16xf32, #tpu.memory_space<vmem>>, %arg19: memref<10000x128xf32, #tpu.memory_space<vmem_shared>>, %arg20: memref<!tpu.dma_semaphore, #tpu.memory_space<semaphore_mem>>, %arg21: memref<!tpu.dma_semaphore, #tpu.memory_space<semaphore_mem>>, %arg22: memref<!tpu.dma_semaphore, #tpu.memory_space<semaphore_mem>>, %arg23: memref<!tpu.dma_semaphore, #tpu.memory_space<semaphore_mem>>, %arg24: memref<!tpu.dma_semaphore, #tpu.memory_space<semaphore_mem>>, %arg25: memref<!tpu.dma_semaphore, #tpu.memory_space<semaphore_mem>>, %arg26: memref<!tpu.dma_semaphore, #tpu.memory_space<semaphore_mem>>, %arg27: memref<!tpu.dma_semaphore, #tpu.memory_space<semaphore_mem>>) attributes {dimension_semantics = [#tpu.dimension_semantics<core_parallel>, #tpu.dimension_semantics<subcore_parallel>], iteration_bounds = array<i64: 2, 16>, scalar_prefetch = 0 : i64, scratch_operands = 20 : i64, tpu.core_type = #tpu.core_type<sc_vector_subcore>, window_params = [{transform_indices = #map}, {transform_indices = #map}, {transform_indices = #map1}, {transform_indices = #map2}, {transform_indices = #map2}, {transform_indices = #map2}]} {
    %mul3A = arith.constant 16 : i32
    %mul3A_0 = arith.muli %arg0, %mul3A : i32
    %add3A = arith.addi %mul3A_0, %arg1 : i32
    %scan3A = arith.constant 0 : i32
    %scan3A_1 = arith.constant 0 : i32
    %scan3A_2 = arith.constant 640 : i32
    %scan3A_3 = arith.addi %scan3A_1, %scan3A_2 : i32
    %scan3A_4 = arith.constant 1 : i32
    %scan3A_5 = scf.for %scan3A_90 = %scan3A_1 to %scan3A_3 step %scan3A_4 iter_args(%scan3A_91 = %scan3A) -> (i32)  : i32 {
      %jit3A = arith.constant 8 : i32
      %div3A = arith.divsi %scan3A_90, %jit3A : i32
      %sign3A = arith.constant 0 : i32
      %sign3A_92 = arith.cmpi sgt, %scan3A_90, %sign3A : i32
      %sign3A_93 = arith.extui %sign3A_92 : i1 to i32
      %sign3A_94 = arith.constant 0 : i32
      %sign3A_95 = arith.cmpi slt, %scan3A_90, %sign3A_94 : i32
      %sign3A_96 = arith.extui %sign3A_95 : i1 to i32
      %sign3A_97 = arith.subi %sign3A_93, %sign3A_96 : i32
      %sign3A_98 = arith.constant 0 : i32
      %sign3A_99 = arith.cmpi sgt, %jit3A, %sign3A_98 : i32
      %sign3A_100 = arith.extui %sign3A_99 : i1 to i32
      %sign3A_101 = arith.constant 0 : i32
      %sign3A_102 = arith.cmpi slt, %jit3A, %sign3A_101 : i32
      %sign3A_103 = arith.extui %sign3A_102 : i1 to i32
      %sign3A_104 = arith.subi %sign3A_100, %sign3A_103 : i32
      %ne3A = arith.cmpi ne, %sign3A_97, %sign3A_104 : i32
      %rem3A = arith.remsi %scan3A_90, %jit3A : i32
      %ne3A_105 = arith.constant 0 : i32
      %ne3A_106 = arith.cmpi ne, %rem3A, %ne3A_105 : i32
      %and3A = arith.andi %ne3A, %ne3A_106 : i1
      %sub3A = arith.constant 1 : i32
      %sub3A_107 = arith.subi %div3A, %sub3A : i32
      %select_n3A = arith.select %and3A, %sub3A_107, %div3A : i32
      %jit3A_108 = arith.constant 8 : i32
      %eq3A = arith.constant 0 : i32
      %eq3A_109 = arith.cmpi eq, %jit3A_108, %eq3A : i32
      %jit3A_110 = arith.constant 1 : i32
      %select_n3A_111 = arith.select %eq3A_109, %jit3A_110, %jit3A_108 : i32
      %rem3A_112 = arith.remsi %scan3A_90, %select_n3A_111 : i32
      %ne3A_113 = arith.constant 0 : i32
      %ne3A_114 = arith.cmpi ne, %rem3A_112, %ne3A_113 : i32
      %lt3A = arith.constant 0 : i32
      %lt3A_115 = arith.cmpi slt, %rem3A_112, %lt3A : i32
      %lt3A_116 = arith.constant 0 : i32
      %lt3A_117 = arith.cmpi slt, %select_n3A_111, %lt3A_116 : i32
      %ne3A_118 = arith.xori %lt3A_115, %lt3A_117 : i1
      %and3A_119 = arith.andi %ne3A_118, %ne3A_114 : i1
      %add3A_120 = arith.addi %rem3A_112, %select_n3A_111 : i32
      %select_n3A_121 = arith.select %and3A_119, %add3A_120, %rem3A_112 : i32
      %broadcast_in_dim3A = arith.constant 0.000000e+00 : f32
      %broadcast_in_dim3A_122 = vector.broadcast %broadcast_in_dim3A : f32 to vector<16xf32>
      %mul3A_123 = arith.constant 16 : i32
      %mul3A_124 = arith.muli %select_n3A_121, %mul3A_123 : i32
      %swap3A = arith.index_cast %select_n3A : i32 to index
      %swap3A_125 = arith.index_cast %mul3A_124 : i32 to index
      %swap3A_126 = tpu.vector_load %arg16[%swap3A, %swap3A_125] {strides = array<i32>} : memref<80x128xf32, #tpu.memory_space<vmem>>, vector<1x16xf32>,
      %swap3A_127 = vector.shape_cast %swap3A_126 : vector<1x16xf32> to vector<16xf32>
      %swap3A_128 = vector.shape_cast %broadcast_in_dim3A_122 : vector<16xf32> to vector<1x16xf32>
      tpu.vector_store %arg16[%swap3A, %swap3A_125], %swap3A_128 {strides = array<i32>} : memref<80x128xf32, #tpu.memory_space<vmem>>, vector<1x16xf32>,
      %scan3A_129 = arith.constant 0 : i32
      scf.yield %scan3A_129 : i32
    }
    %scan3A_6 = arith.constant 640 : i32
    %scan3A_7 = arith.constant 0 : i32
    %scan3A_8 = arith.constant 0 : i32
    %scan3A_9 = arith.constant 8 : i32
    %scan3A_10 = arith.addi %scan3A_8, %scan3A_9 : i32
    %scan3A_11 = arith.constant 1 : i32
    %scan3A_12 = scf.for %scan3A_90 = %scan3A_8 to %scan3A_10 step %scan3A_11 iter_args(%scan3A_91 = %scan3A_7) -> (i32)  : i32 {
      %mul3A_92 = arith.constant 16 : i32
      %mul3A_93 = arith.muli %scan3A_90, %mul3A_92 : i32
      %add3A_94 = arith.addi %arg1, %mul3A_93 : i32
      %lt3A = arith.constant 125 : i32
      %lt3A_95 = arith.cmpi slt, %add3A_94, %lt3A : i32
      %convert_element_type3A = arith.extui %lt3A_95 : i1 to i32
      %cond3A = arith.constant 0 : i32
      %cond3A_96 = arith.cmpi ne, %convert_element_type3A, %cond3A : i32
      scf.if %cond3A_96 {
        %mul3A_98 = arith.constant 80 : i32
        %mul3A_99 = arith.muli %add3A_94, %mul3A_98 : i32
        "tpu.region"() ({
          %run_scoped3A_100 = tpu.sem_alloc : memref<!tpu.dma_semaphore, #tpu.memory_space<semaphore_mem>>
          %dma_start3A_101 = arith.constant 0 : i32
          %dma_start3A_102 = tpu.memref_slice %arg19[%mul3A_99, %dma_start3A_101] : memref<10000x128xf32, #tpu.memory_space<vmem_shared>> -> memref<80x128xf32, #tpu.memory_space<vmem_shared>>
          %dma_start3A_103 = arith.constant 0 : i32
          %dma_start3A_104 = tpu.memref_slice %arg19[%mul3A_99, %dma_start3A_103] : memref<10000x128xf32, #tpu.memory_space<vmem_shared>> -> memref<80x128xf32, #tpu.memory_space<vmem_shared>>
          tpu.enqueue_dma source(%arg16 : memref<80x128xf32, #tpu.memory_space<vmem>>) target(%dma_start3A_104 : memref<80x128xf32, #tpu.memory_space<vmem_shared>>) target_semaphore(%run_scoped3A_100 : memref<!tpu.dma_semaphore, #tpu.memory_space<semaphore_mem>>)
          %dma_wait3A_105 = arith.constant 0 : i32
          %dma_wait3A_106 = tpu.memref_slice %arg19[%mul3A_99, %dma_wait3A_105] : memref<10000x128xf32, #tpu.memory_space<vmem_shared>> -> memref<80x128xf32, #tpu.memory_space<vmem_shared>>
          %dma_wait3A_107 = arith.constant 0 : i32
          %dma_wait3A_108 = tpu.memref_slice %arg19[%mul3A_99, %dma_wait3A_107] : memref<10000x128xf32, #tpu.memory_space<vmem_shared>> -> memref<80x128xf32, #tpu.memory_space<vmem_shared>>
          tpu.wait_dma2 semaphore(%run_scoped3A_100 : memref<!tpu.dma_semaphore, #tpu.memory_space<semaphore_mem>>) src(%arg16 : memref<80x128xf32, #tpu.memory_space<vmem>>) dst(%dma_wait3A_108 : memref<80x128xf32, #tpu.memory_space<vmem_shared>>)
          tpu.yield
        }) : () -> ()
      } else {
      }
      %scan3A_97 = arith.constant 0 : i32
      scf.yield %scan3A_97 : i32
    }
    %scan3A_13 = arith.constant 8 : i32
    %barrier3A = arith.constant 0 : index
    tpu.barrier barrier_id(%barrier3A)
    %run_scoped3A = arith.constant 0 : i32
    "tpu.region"() ({
      %run_scoped3A_90 = tpu.sem_alloc : memref<!tpu.dma_semaphore, #tpu.memory_space<semaphore_mem>>
      %dma_start3A_91 = arith.constant 0 : i32
      %dma_start3A_92 = tpu.memref_slice %arg5[%add3A, %run_scoped3A, %dma_start3A_91] : memref<32x125x80xi32, #tpu.memory_space<hbm>> -> memref<1x1x80xi32, #tpu.memory_space<hbm>>
      %dma_start3A_93 = tpu.memref_squeeze %dma_start3A_92 : memref<1x1x80xi32, #tpu.memory_space<hbm>> -> memref<80xi32, #tpu.memory_space<hbm>>
      %dma_start3A_94 = arith.constant 0 : i32
      %dma_start3A_95 = tpu.memref_slice %arg5[%add3A, %run_scoped3A, %dma_start3A_94] : memref<32x125x80xi32, #tpu.memory_space<hbm>> -> memref<1x1x80xi32, #tpu.memory_space<hbm>>
      %dma_start3A_96 = tpu.memref_squeeze %dma_start3A_95 : memref<1x1x80xi32, #tpu.memory_space<hbm>> -> memref<80xi32, #tpu.memory_space<hbm>>
      tpu.enqueue_dma source(%dma_start3A_96 : memref<80xi32, #tpu.memory_space<hbm>>) target(%arg8 : memref<80xi32, #tpu.memory_space<vmem>>) target_semaphore(%run_scoped3A_90 : memref<!tpu.dma_semaphore, #tpu.memory_space<semaphore_mem>>)
      %dma_wait3A_97 = arith.constant 0 : i32
      %dma_wait3A_98 = tpu.memref_slice %arg5[%add3A, %run_scoped3A, %dma_wait3A_97] : memref<32x125x80xi32, #tpu.memory_space<hbm>> -> memref<1x1x80xi32, #tpu.memory_space<hbm>>
      %dma_wait3A_99 = tpu.memref_squeeze %dma_wait3A_98 : memref<1x1x80xi32, #tpu.memory_space<hbm>> -> memref<80xi32, #tpu.memory_space<hbm>>
      %dma_wait3A_100 = arith.constant 0 : i32
      %dma_wait3A_101 = tpu.memref_slice %arg5[%add3A, %run_scoped3A, %dma_wait3A_100] : memref<32x125x80xi32, #tpu.memory_space<hbm>> -> memref<1x1x80xi32, #tpu.memory_space<hbm>>
      %dma_wait3A_102 = tpu.memref_squeeze %dma_wait3A_101 : memref<1x1x80xi32, #tpu.memory_space<hbm>> -> memref<80xi32, #tpu.memory_space<hbm>>
      tpu.wait_dma2 semaphore(%run_scoped3A_90 : memref<!tpu.dma_semaphore, #tpu.memory_space<semaphore_mem>>) src(%dma_wait3A_102 : memref<80xi32, #tpu.memory_space<hbm>>) dst(%arg8 : memref<80xi32, #tpu.memory_space<vmem>>)
      tpu.yield
    }) : () -> ()
    %run_scoped3A_14 = arith.constant 0 : i32
    "tpu.region"() ({
      %run_scoped3A_90 = tpu.sem_alloc : memref<!tpu.dma_semaphore, #tpu.memory_space<semaphore_mem>>
      %dma_start3A_91 = arith.constant 0 : i32
      %dma_start3A_92 = tpu.memref_slice %arg6[%add3A, %run_scoped3A_14, %dma_start3A_91] : memref<32x125x80xi32, #tpu.memory_space<hbm>> -> memref<1x1x80xi32, #tpu.memory_space<hbm>>
      %dma_start3A_93 = tpu.memref_squeeze %dma_start3A_92 : memref<1x1x80xi32, #tpu.memory_space<hbm>> -> memref<80xi32, #tpu.memory_space<hbm>>
      %dma_start3A_94 = arith.constant 0 : i32
      %dma_start3A_95 = tpu.memref_slice %arg6[%add3A, %run_scoped3A_14, %dma_start3A_94] : memref<32x125x80xi32, #tpu.memory_space<hbm>> -> memref<1x1x80xi32, #tpu.memory_space<hbm>>
      %dma_start3A_96 = tpu.memref_squeeze %dma_start3A_95 : memref<1x1x80xi32, #tpu.memory_space<hbm>> -> memref<80xi32, #tpu.memory_space<hbm>>
      tpu.enqueue_dma source(%dma_start3A_96 : memref<80xi32, #tpu.memory_space<hbm>>) target(%arg10 : memref<80xi32, #tpu.memory_space<vmem>>) target_semaphore(%run_scoped3A_90 : memref<!tpu.dma_semaphore, #tpu.memory_space<semaphore_mem>>)
      %dma_wait3A_97 = arith.constant 0 : i32
      %dma_wait3A_98 = tpu.memref_slice %arg6[%add3A, %run_scoped3A_14, %dma_wait3A_97] : memref<32x125x80xi32, #tpu.memory_space<hbm>> -> memref<1x1x80xi32, #tpu.memory_space<hbm>>
      %dma_wait3A_99 = tpu.memref_squeeze %dma_wait3A_98 : memref<1x1x80xi32, #tpu.memory_space<hbm>> -> memref<80xi32, #tpu.memory_space<hbm>>
      %dma_wait3A_100 = arith.constant 0 : i32
      %dma_wait3A_101 = tpu.memref_slice %arg6[%add3A, %run_scoped3A_14, %dma_wait3A_100] : memref<32x125x80xi32, #tpu.memory_space<hbm>> -> memref<1x1x80xi32, #tpu.memory_space<hbm>>
      %dma_wait3A_102 = tpu.memref_squeeze %dma_wait3A_101 : memref<1x1x80xi32, #tpu.memory_space<hbm>> -> memref<80xi32, #tpu.memory_space<hbm>>
      tpu.wait_dma2 semaphore(%run_scoped3A_90 : memref<!tpu.dma_semaphore, #tpu.memory_space<semaphore_mem>>) src(%dma_wait3A_102 : memref<80xi32, #tpu.memory_space<hbm>>) dst(%arg10 : memref<80xi32, #tpu.memory_space<vmem>>)
      tpu.yield
    }) : () -> ()
    %dma_start3A = arith.constant 0 : i32
    %dma_start3A_15 = arith.constant 0 : i32
    %dma_start3A_16 = tpu.memref_slice %arg2[%dma_start3A, %dma_start3A_15] : memref<10000x128xf32, #tpu.memory_space<hbm>> -> memref<10000x128xf32, #tpu.memory_space<hbm>>
    tpu.enqueue_indirect_dma source(%dma_start3A_16 : memref<10000x128xf32, #tpu.memory_space<hbm>>) target(%arg14 : memref<80x128xf32, #tpu.memory_space<vmem>>) offsets(%arg8 : memref<80xi32, #tpu.memory_space<vmem>>) semaphore(%arg20 : memref<!tpu.dma_semaphore, #tpu.memory_space<semaphore_mem>>)
    %mul3A_17 = arith.constant 10000 : i32
    %mul3A_18 = arith.muli %add3A, %mul3A_17 : i32
    %add3A_19 = arith.constant 0 : i32
    %add3A_20 = arith.addi %mul3A_18, %add3A_19 : i32
    %dma_start3A_21 = arith.constant 0 : i32
    %dma_start3A_22 = tpu.memref_slice %arg3[%add3A_20, %dma_start3A_21] : memref<320000x128xf32, #tpu.memory_space<hbm>> -> memref<80x128xf32, #tpu.memory_space<hbm>>
    %dma_start3A_23 = arith.constant 0 : i32
    %dma_start3A_24 = tpu.memref_slice %arg3[%add3A_20, %dma_start3A_23] : memref<320000x128xf32, #tpu.memory_space<hbm>> -> memref<80x128xf32, #tpu.memory_space<hbm>>
    tpu.enqueue_dma source(%dma_start3A_24 : memref<80x128xf32, #tpu.memory_space<hbm>>) target(%arg16 : memref<80x128xf32, #tpu.memory_space<vmem>>) target_semaphore(%arg22 : memref<!tpu.dma_semaphore, #tpu.memory_space<semaphore_mem>>)
    %mul3A_25 = arith.constant 10000 : i32
    %mul3A_26 = arith.muli %add3A, %mul3A_25 : i32
    %add3A_27 = arith.constant 0 : i32
    %add3A_28 = arith.addi %mul3A_26, %add3A_27 : i32
    %dma_start3A_29 = tpu.memref_slice %arg4[%add3A_28] : memref<320000xf32, #tpu.memory_space<hbm>> -> memref<80xf32, #tpu.memory_space<hbm>>
    %dma_start3A_30 = tpu.memref_slice %arg4[%add3A_28] : memref<320000xf32, #tpu.memory_space<hbm>> -> memref<80xf32, #tpu.memory_space<hbm>>
    tpu.enqueue_dma source(%dma_start3A_30 : memref<80xf32, #tpu.memory_space<hbm>>) target(%arg12 : memref<80xf32, #tpu.memory_space<vmem>>) target_semaphore(%arg26 : memref<!tpu.dma_semaphore, #tpu.memory_space<semaphore_mem>>)
    %run_scoped3A_31 = arith.constant 1 : i32
    "tpu.region"() ({
      %run_scoped3A_90 = tpu.sem_alloc : memref<!tpu.dma_semaphore, #tpu.memory_space<semaphore_mem>>
      %dma_start3A_91 = arith.constant 0 : i32
      %dma_start3A_92 = tpu.memref_slice %arg5[%add3A, %run_scoped3A_31, %dma_start3A_91] : memref<32x125x80xi32, #tpu.memory_space<hbm>> -> memref<1x1x80xi32, #tpu.memory_space<hbm>>
      %dma_start3A_93 = tpu.memref_squeeze %dma_start3A_92 : memref<1x1x80xi32, #tpu.memory_space<hbm>> -> memref<80xi32, #tpu.memory_space<hbm>>
      %dma_start3A_94 = arith.constant 0 : i32
      %dma_start3A_95 = tpu.memref_slice %arg5[%add3A, %run_scoped3A_31, %dma_start3A_94] : memref<32x125x80xi32, #tpu.memory_space<hbm>> -> memref<1x1x80xi32, #tpu.memory_space<hbm>>
      %dma_start3A_96 = tpu.memref_squeeze %dma_start3A_95 : memref<1x1x80xi32, #tpu.memory_space<hbm>> -> memref<80xi32, #tpu.memory_space<hbm>>
      tpu.enqueue_dma source(%dma_start3A_96 : memref<80xi32, #tpu.memory_space<hbm>>) target(%arg9 : memref<80xi32, #tpu.memory_space<vmem>>) target_semaphore(%run_scoped3A_90 : memref<!tpu.dma_semaphore, #tpu.memory_space<semaphore_mem>>)
      %dma_wait3A_97 = arith.constant 0 : i32
      %dma_wait3A_98 = tpu.memref_slice %arg5[%add3A, %run_scoped3A_31, %dma_wait3A_97] : memref<32x125x80xi32, #tpu.memory_space<hbm>> -> memref<1x1x80xi32, #tpu.memory_space<hbm>>
      %dma_wait3A_99 = tpu.memref_squeeze %dma_wait3A_98 : memref<1x1x80xi32, #tpu.memory_space<hbm>> -> memref<80xi32, #tpu.memory_space<hbm>>
      %dma_wait3A_100 = arith.constant 0 : i32
      %dma_wait3A_101 = tpu.memref_slice %arg5[%add3A, %run_scoped3A_31, %dma_wait3A_100] : memref<32x125x80xi32, #tpu.memory_space<hbm>> -> memref<1x1x80xi32, #tpu.memory_space<hbm>>
      %dma_wait3A_102 = tpu.memref_squeeze %dma_wait3A_101 : memref<1x1x80xi32, #tpu.memory_space<hbm>> -> memref<80xi32, #tpu.memory_space<hbm>>
      tpu.wait_dma2 semaphore(%run_scoped3A_90 : memref<!tpu.dma_semaphore, #tpu.memory_space<semaphore_mem>>) src(%dma_wait3A_102 : memref<80xi32, #tpu.memory_space<hbm>>) dst(%arg9 : memref<80xi32, #tpu.memory_space<vmem>>)
      tpu.yield
    }) : () -> ()
    %run_scoped3A_32 = arith.constant 1 : i32
    "tpu.region"() ({
      %run_scoped3A_90 = tpu.sem_alloc : memref<!tpu.dma_semaphore, #tpu.memory_space<semaphore_mem>>
      %dma_start3A_91 = arith.constant 0 : i32
      %dma_start3A_92 = tpu.memref_slice %arg6[%add3A, %run_scoped3A_32, %dma_start3A_91] : memref<32x125x80xi32, #tpu.memory_space<hbm>> -> memref<1x1x80xi32, #tpu.memory_space<hbm>>
      %dma_start3A_93 = tpu.memref_squeeze %dma_start3A_92 : memref<1x1x80xi32, #tpu.memory_space<hbm>> -> memref<80xi32, #tpu.memory_space<hbm>>
      %dma_start3A_94 = arith.constant 0 : i32
      %dma_start3A_95 = tpu.memref_slice %arg6[%add3A, %run_scoped3A_32, %dma_start3A_94] : memref<32x125x80xi32, #tpu.memory_space<hbm>> -> memref<1x1x80xi32, #tpu.memory_space<hbm>>
      %dma_start3A_96 = tpu.memref_squeeze %dma_start3A_95 : memref<1x1x80xi32, #tpu.memory_space<hbm>> -> memref<80xi32, #tpu.memory_space<hbm>>
      tpu.enqueue_dma source(%dma_start3A_96 : memref<80xi32, #tpu.memory_space<hbm>>) target(%arg11 : memref<80xi32, #tpu.memory_space<vmem>>) target_semaphore(%run_scoped3A_90 : memref<!tpu.dma_semaphore, #tpu.memory_space<semaphore_mem>>)
      %dma_wait3A_97 = arith.constant 0 : i32
      %dma_wait3A_98 = tpu.memref_slice %arg6[%add3A, %run_scoped3A_32, %dma_wait3A_97] : memref<32x125x80xi32, #tpu.memory_space<hbm>> -> memref<1x1x80xi32, #tpu.memory_space<hbm>>
      %dma_wait3A_99 = tpu.memref_squeeze %dma_wait3A_98 : memref<1x1x80xi32, #tpu.memory_space<hbm>> -> memref<80xi32, #tpu.memory_space<hbm>>
      %dma_wait3A_100 = arith.constant 0 : i32
      %dma_wait3A_101 = tpu.memref_slice %arg6[%add3A, %run_scoped3A_32, %dma_wait3A_100] : memref<32x125x80xi32, #tpu.memory_space<hbm>> -> memref<1x1x80xi32, #tpu.memory_space<hbm>>
      %dma_wait3A_102 = tpu.memref_squeeze %dma_wait3A_101 : memref<1x1x80xi32, #tpu.memory_space<hbm>> -> memref<80xi32, #tpu.memory_space<hbm>>
      tpu.wait_dma2 semaphore(%run_scoped3A_90 : memref<!tpu.dma_semaphore, #tpu.memory_space<semaphore_mem>>) src(%dma_wait3A_102 : memref<80xi32, #tpu.memory_space<hbm>>) dst(%arg11 : memref<80xi32, #tpu.memory_space<vmem>>)
      tpu.yield
    }) : () -> ()
    %dma_start3A_33 = arith.constant 0 : i32
    %dma_start3A_34 = arith.constant 0 : i32
    %dma_start3A_35 = tpu.memref_slice %arg2[%dma_start3A_33, %dma_start3A_34] : memref<10000x128xf32, #tpu.memory_space<hbm>> -> memref<10000x128xf32, #tpu.memory_space<hbm>>
    tpu.enqueue_indirect_dma source(%dma_start3A_35 : memref<10000x128xf32, #tpu.memory_space<hbm>>) target(%arg15 : memref<80x128xf32, #tpu.memory_space<vmem>>) offsets(%arg9 : memref<80xi32, #tpu.memory_space<vmem>>) semaphore(%arg21 : memref<!tpu.dma_semaphore, #tpu.memory_space<semaphore_mem>>)
    %mul3A_36 = arith.constant 10000 : i32
    %mul3A_37 = arith.muli %add3A, %mul3A_36 : i32
    %add3A_38 = arith.constant 80 : i32
    %add3A_39 = arith.addi %mul3A_37, %add3A_38 : i32
    %dma_start3A_40 = arith.constant 0 : i32
    %dma_start3A_41 = tpu.memref_slice %arg3[%add3A_39, %dma_start3A_40] : memref<320000x128xf32, #tpu.memory_space<hbm>> -> memref<80x128xf32, #tpu.memory_space<hbm>>
    %dma_start3A_42 = arith.constant 0 : i32
    %dma_start3A_43 = tpu.memref_slice %arg3[%add3A_39, %dma_start3A_42] : memref<320000x128xf32, #tpu.memory_space<hbm>> -> memref<80x128xf32, #tpu.memory_space<hbm>>
    tpu.enqueue_dma source(%dma_start3A_43 : memref<80x128xf32, #tpu.memory_space<hbm>>) target(%arg17 : memref<80x128xf32, #tpu.memory_space<vmem>>) target_semaphore(%arg23 : memref<!tpu.dma_semaphore, #tpu.memory_space<semaphore_mem>>)
    %mul3A_44 = arith.constant 10000 : i32
    %mul3A_45 = arith.muli %add3A, %mul3A_44 : i32
    %add3A_46 = arith.constant 80 : i32
    %add3A_47 = arith.addi %mul3A_45, %add3A_46 : i32
    %dma_start3A_48 = tpu.memref_slice %arg4[%add3A_47] : memref<320000xf32, #tpu.memory_space<hbm>> -> memref<80xf32, #tpu.memory_space<hbm>>
    %dma_start3A_49 = tpu.memref_slice %arg4[%add3A_47] : memref<320000xf32, #tpu.memory_space<hbm>> -> memref<80xf32, #tpu.memory_space<hbm>>
    tpu.enqueue_dma source(%dma_start3A_49 : memref<80xf32, #tpu.memory_space<hbm>>) target(%arg13 : memref<80xf32, #tpu.memory_space<vmem>>) target_semaphore(%arg27 : memref<!tpu.dma_semaphore, #tpu.memory_space<semaphore_mem>>)
    %scan3A_50 = arith.constant 0 : i32
    %scan3A_51 = arith.constant 0 : i32
    %scan3A_52 = arith.constant 62 : i32
    %scan3A_53 = arith.addi %scan3A_51, %scan3A_52 : i32
    %scan3A_54 = arith.constant 1 : i32
    %scan3A_55 = scf.for %scan3A_90 = %scan3A_51 to %scan3A_53 step %scan3A_54 iter_args(%scan3A_91 = %scan3A_50) -> (i32)  : i32 {
      %mul3A_92 = arith.constant 2 : i32
      %mul3A_93 = arith.muli %mul3A_92, %scan3A_90 : i32
      %dma_wait3A_94 = arith.constant 0 : i32
      %dma_wait3A_95 = arith.constant 0 : i32
      %dma_wait3A_96 = tpu.memref_slice %arg2[%dma_wait3A_94, %dma_wait3A_95] : memref<10000x128xf32, #tpu.memory_space<hbm>> -> memref<10000x128xf32, #tpu.memory_space<hbm>>
      tpu.wait_indirect_dma semaphore(%arg20 : memref<!tpu.dma_semaphore, #tpu.memory_space<semaphore_mem>>) src(%dma_wait3A_96 : memref<10000x128xf32, #tpu.memory_space<hbm>>) dst(%arg14 : memref<80x128xf32, #tpu.memory_space<vmem>>)
      %mul3A_97 = arith.constant 10000 : i32
      %mul3A_98 = arith.muli %add3A, %mul3A_97 : i32
      %mul3A_99 = arith.constant 80 : i32
      %mul3A_100 = arith.muli %mul3A_93, %mul3A_99 : i32
      %add3A_101 = arith.addi %mul3A_98, %mul3A_100 : i32
      %dma_wait3A_102 = arith.constant 0 : i32
      %dma_wait3A_103 = tpu.memref_slice %arg3[%add3A_101, %dma_wait3A_102] : memref<320000x128xf32, #tpu.memory_space<hbm>> -> memref<80x128xf32, #tpu.memory_space<hbm>>
      %dma_wait3A_104 = arith.constant 0 : i32
      %dma_wait3A_105 = tpu.memref_slice %arg3[%add3A_101, %dma_wait3A_104] : memref<320000x128xf32, #tpu.memory_space<hbm>> -> memref<80x128xf32, #tpu.memory_space<hbm>>
      tpu.wait_dma2 semaphore(%arg22 : memref<!tpu.dma_semaphore, #tpu.memory_space<semaphore_mem>>) src(%dma_wait3A_105 : memref<80x128xf32, #tpu.memory_space<hbm>>) dst(%arg16 : memref<80x128xf32, #tpu.memory_space<vmem>>)
      %mul3A_106 = arith.constant 10000 : i32
      %mul3A_107 = arith.muli %add3A, %mul3A_106 : i32
      %mul3A_108 = arith.constant 80 : i32
      %mul3A_109 = arith.muli %mul3A_93, %mul3A_108 : i32
      %add3A_110 = arith.addi %mul3A_107, %mul3A_109 : i32
      %dma_wait3A_111 = tpu.memref_slice %arg4[%add3A_110] : memref<320000xf32, #tpu.memory_space<hbm>> -> memref<80xf32, #tpu.memory_space<hbm>>
      %dma_wait3A_112 = tpu.memref_slice %arg4[%add3A_110] : memref<320000xf32, #tpu.memory_space<hbm>> -> memref<80xf32, #tpu.memory_space<hbm>>
      tpu.wait_dma2 semaphore(%arg26 : memref<!tpu.dma_semaphore, #tpu.memory_space<semaphore_mem>>) src(%dma_wait3A_112 : memref<80xf32, #tpu.memory_space<hbm>>) dst(%arg12 : memref<80xf32, #tpu.memory_space<vmem>>)
      %scan3A_113 = arith.constant 0 : i32
      %scan3A_114 = arith.constant 0 : i32
      %scan3A_115 = arith.constant 5 : i32
      %scan3A_116 = arith.addi %scan3A_114, %scan3A_115 : i32
      %scan3A_117 = arith.constant 1 : i32
      %scan3A_118 = scf.for %scan3A_178 = %scan3A_114 to %scan3A_116 step %scan3A_117 iter_args(%scan3A_179 = %scan3A_113) -> (i32)  : i32 {
        %mul3A_180 = arith.constant 16 : i32
        %mul3A_181 = arith.muli %scan3A_178, %mul3A_180 : i32
        %get3A = arith.index_cast %mul3A_181 : i32 to index
        %get3A_182 = tpu.vector_load %arg12[%get3A] {strides = array<i32>} : memref<80xf32, #tpu.memory_space<vmem>>, vector<16xf32>,
        %get3A_183 = vector.shape_cast %get3A_182 : vector<16xf32> to vector<16xf32>
        %slice3A = vector.extract_strided_slice %get3A_183 {offsets = [0], sizes = [1], strides = [1]} : vector<16xf32> to vector<1xf32>
        %squeeze3A = vector.extract %slice3A[0] : f32 from vector<1xf32>
        %broadcast_in_dim3A = vector.broadcast %squeeze3A : f32 to vector<16xf32>
        %mul3A_184 = arith.constant 16 : i32
        %mul3A_185 = arith.muli %scan3A_178, %mul3A_184 : i32
        %add3A_186 = arith.constant 0 : i32
        %add3A_187 = arith.addi %mul3A_185, %add3A_186 : i32
        %swap3A = arith.index_cast %add3A_187 : i32 to index
        %swap3A_188 = arith.constant 0 : index
        %swap3A_189 = tpu.vector_load %arg18[%swap3A, %swap3A_188] {strides = array<i32>} : memref<80x16xf32, #tpu.memory_space<vmem>>, vector<1x16xf32>,
        %swap3A_190 = vector.shape_cast %swap3A_189 : vector<1x16xf32> to vector<16xf32>
        %swap3A_191 = vector.shape_cast %broadcast_in_dim3A : vector<16xf32> to vector<1x16xf32>
        tpu.vector_store %arg18[%swap3A, %swap3A_188], %swap3A_191 {strides = array<i32>} : memref<80x16xf32, #tpu.memory_space<vmem>>, vector<1x16xf32>,
        %slice3A_192 = vector.extract_strided_slice %get3A_183 {offsets = [1], sizes = [1], strides = [1]} : vector<16xf32> to vector<1xf32>
        %squeeze3A_193 = vector.extract %slice3A_192[0] : f32 from vector<1xf32>
        %broadcast_in_dim3A_194 = vector.broadcast %squeeze3A_193 : f32 to vector<16xf32>
        %mul3A_195 = arith.constant 16 : i32
        %mul3A_196 = arith.muli %scan3A_178, %mul3A_195 : i32
        %add3A_197 = arith.constant 1 : i32
        %add3A_198 = arith.addi %mul3A_196, %add3A_197 : i32
        %swap3A_199 = arith.index_cast %add3A_198 : i32 to index
        %swap3A_200 = arith.constant 0 : index
        %swap3A_201 = tpu.vector_load %arg18[%swap3A_199, %swap3A_200] {strides = array<i32>} : memref<80x16xf32, #tpu.memory_space<vmem>>, vector<1x16xf32>,
        %swap3A_202 = vector.shape_cast %swap3A_201 : vector<1x16xf32> to vector<16xf32>
        %swap3A_203 = vector.shape_cast %broadcast_in_dim3A_194 : vector<16xf32> to vector<1x16xf32>
        tpu.vector_store %arg18[%swap3A_199, %swap3A_200], %swap3A_203 {strides = array<i32>} : memref<80x16xf32, #tpu.memory_space<vmem>>, vector<1x16xf32>,
        %slice3A_204 = vector.extract_strided_slice %get3A_183 {offsets = [2], sizes = [1], strides = [1]} : vector<16xf32> to vector<1xf32>
        %squeeze3A_205 = vector.extract %slice3A_204[0] : f32 from vector<1xf32>
        %broadcast_in_dim3A_206 = vector.broadcast %squeeze3A_205 : f32 to vector<16xf32>
        %mul3A_207 = arith.constant 16 : i32
        %mul3A_208 = arith.muli %scan3A_178, %mul3A_207 : i32
        %add3A_209 = arith.constant 2 : i32
        %add3A_210 = arith.addi %mul3A_208, %add3A_209 : i32
        %swap3A_211 = arith.index_cast %add3A_210 : i32 to index
        %swap3A_212 = arith.constant 0 : index
        %swap3A_213 = tpu.vector_load %arg18[%swap3A_211, %swap3A_212] {strides = array<i32>} : memref<80x16xf32, #tpu.memory_space<vmem>>, vector<1x16xf32>,
        %swap3A_214 = vector.shape_cast %swap3A_213 : vector<1x16xf32> to vector<16xf32>
        %swap3A_215 = vector.shape_cast %broadcast_in_dim3A_206 : vector<16xf32> to vector<1x16xf32>
        tpu.vector_store %arg18[%swap3A_211, %swap3A_212], %swap3A_215 {strides = array<i32>} : memref<80x16xf32, #tpu.memory_space<vmem>>, vector<1x16xf32>,
        %slice3A_216 = vector.extract_strided_slice %get3A_183 {offsets = [3], sizes = [1], strides = [1]} : vector<16xf32> to vector<1xf32>
        %squeeze3A_217 = vector.extract %slice3A_216[0] : f32 from vector<1xf32>
        %broadcast_in_dim3A_218 = vector.broadcast %squeeze3A_217 : f32 to vector<16xf32>
        %mul3A_219 = arith.constant 16 : i32
        %mul3A_220 = arith.muli %scan3A_178, %mul3A_219 : i32
        %add3A_221 = arith.constant 3 : i32
        %add3A_222 = arith.addi %mul3A_220, %add3A_221 : i32
        %swap3A_223 = arith.index_cast %add3A_222 : i32 to index
        %swap3A_224 = arith.constant 0 : index
        %swap3A_225 = tpu.vector_load %arg18[%swap3A_223, %swap3A_224] {strides = array<i32>} : memref<80x16xf32, #tpu.memory_space<vmem>>, vector<1x16xf32>,
        %swap3A_226 = vector.shape_cast %swap3A_225 : vector<1x16xf32> to vector<16xf32>
        %swap3A_227 = vector.shape_cast %broadcast_in_dim3A_218 : vector<16xf32> to vector<1x16xf32>
        tpu.vector_store %arg18[%swap3A_223, %swap3A_224], %swap3A_227 {strides = array<i32>} : memref<80x16xf32, #tpu.memory_space<vmem>>, vector<1x16xf32>,
        %slice3A_228 = vector.extract_strided_slice %get3A_183 {offsets = [4], sizes = [1], strides = [1]} : vector<16xf32> to vector<1xf32>
        %squeeze3A_229 = vector.extract %slice3A_228[0] : f32 from vector<1xf32>
        %broadcast_in_dim3A_230 = vector.broadcast %squeeze3A_229 : f32 to vector<16xf32>
        %mul3A_231 = arith.constant 16 : i32
        %mul3A_232 = arith.muli %scan3A_178, %mul3A_231 : i32
        %add3A_233 = arith.constant 4 : i32
        %add3A_234 = arith.addi %mul3A_232, %add3A_233 : i32
        %swap3A_235 = arith.index_cast %add3A_234 : i32 to index
        %swap3A_236 = arith.constant 0 : index
        %swap3A_237 = tpu.vector_load %arg18[%swap3A_235, %swap3A_236] {strides = array<i32>} : memref<80x16xf32, #tpu.memory_space<vmem>>, vector<1x16xf32>,
        %swap3A_238 = vector.shape_cast %swap3A_237 : vector<1x16xf32> to vector<16xf32>
        %swap3A_239 = vector.shape_cast %broadcast_in_dim3A_230 : vector<16xf32> to vector<1x16xf32>
        tpu.vector_store %arg18[%swap3A_235, %swap3A_236], %swap3A_239 {strides = array<i32>} : memref<80x16xf32, #tpu.memory_space<vmem>>, vector<1x16xf32>,
        %slice3A_240 = vector.extract_strided_slice %get3A_183 {offsets = [5], sizes = [1], strides = [1]} : vector<16xf32> to vector<1xf32>
        %squeeze3A_241 = vector.extract %slice3A_240[0] : f32 from vector<1xf32>
        %broadcast_in_dim3A_242 = vector.broadcast %squeeze3A_241 : f32 to vector<16xf32>
        %mul3A_243 = arith.constant 16 : i32
        %mul3A_244 = arith.muli %scan3A_178, %mul3A_243 : i32
        %add3A_245 = arith.constant 5 : i32
        %add3A_246 = arith.addi %mul3A_244, %add3A_245 : i32
        %swap3A_247 = arith.index_cast %add3A_246 : i32 to index
        %swap3A_248 = arith.constant 0 : index
        %swap3A_249 = tpu.vector_load %arg18[%swap3A_247, %swap3A_248] {strides = array<i32>} : memref<80x16xf32, #tpu.memory_space<vmem>>, vector<1x16xf32>,
        %swap3A_250 = vector.shape_cast %swap3A_249 : vector<1x16xf32> to vector<16xf32>
        %swap3A_251 = vector.shape_cast %broadcast_in_dim3A_242 : vector<16xf32> to vector<1x16xf32>
        tpu.vector_store %arg18[%swap3A_247, %swap3A_248], %swap3A_251 {strides = array<i32>} : memref<80x16xf32, #tpu.memory_space<vmem>>, vector<1x16xf32>,
        %slice3A_252 = vector.extract_strided_slice %get3A_183 {offsets = [6], sizes = [1], strides = [1]} : vector<16xf32> to vector<1xf32>
        %squeeze3A_253 = vector.extract %slice3A_252[0] : f32 from vector<1xf32>
        %broadcast_in_dim3A_254 = vector.broadcast %squeeze3A_253 : f32 to vector<16xf32>
        %mul3A_255 = arith.constant 16 : i32
        %mul3A_256 = arith.muli %scan3A_178, %mul3A_255 : i32
        %add3A_257 = arith.constant 6 : i32
        %add3A_258 = arith.addi %mul3A_256, %add3A_257 : i32
        %swap3A_259 = arith.index_cast %add3A_258 : i32 to index
        %swap3A_260 = arith.constant 0 : index
        %swap3A_261 = tpu.vector_load %arg18[%swap3A_259, %swap3A_260] {strides = array<i32>} : memref<80x16xf32, #tpu.memory_space<vmem>>, vector<1x16xf32>,
        %swap3A_262 = vector.shape_cast %swap3A_261 : vector<1x16xf32> to vector<16xf32>
        %swap3A_263 = vector.shape_cast %broadcast_in_dim3A_254 : vector<16xf32> to vector<1x16xf32>
        tpu.vector_store %arg18[%swap3A_259, %swap3A_260], %swap3A_263 {strides = array<i32>} : memref<80x16xf32, #tpu.memory_space<vmem>>, vector<1x16xf32>,
        %slice3A_264 = vector.extract_strided_slice %get3A_183 {offsets = [7], sizes = [1], strides = [1]} : vector<16xf32> to vector<1xf32>
        %squeeze3A_265 = vector.extract %slice3A_264[0] : f32 from vector<1xf32>
        %broadcast_in_dim3A_266 = vector.broadcast %squeeze3A_265 : f32 to vector<16xf32>
        %mul3A_267 = arith.constant 16 : i32
        %mul3A_268 = arith.muli %scan3A_178, %mul3A_267 : i32
        %add3A_269 = arith.constant 7 : i32
        %add3A_270 = arith.addi %mul3A_268, %add3A_269 : i32
        %swap3A_271 = arith.index_cast %add3A_270 : i32 to index
        %swap3A_272 = arith.constant 0 : index
        %swap3A_273 = tpu.vector_load %arg18[%swap3A_271, %swap3A_272] {strides = array<i32>} : memref<80x16xf32, #tpu.memory_space<vmem>>, vector<1x16xf32>,
        %swap3A_274 = vector.shape_cast %swap3A_273 : vector<1x16xf32> to vector<16xf32>
        %swap3A_275 = vector.shape_cast %broadcast_in_dim3A_266 : vector<16xf32> to vector<1x16xf32>
        tpu.vector_store %arg18[%swap3A_271, %swap3A_272], %swap3A_275 {strides = array<i32>} : memref<80x16xf32, #tpu.memory_space<vmem>>, vector<1x16xf32>,
        %slice3A_276 = vector.extract_strided_slice %get3A_183 {offsets = [8], sizes = [1], strides = [1]} : vector<16xf32> to vector<1xf32>
        %squeeze3A_277 = vector.extract %slice3A_276[0] : f32 from vector<1xf32>
        %broadcast_in_dim3A_278 = vector.broadcast %squeeze3A_277 : f32 to vector<16xf32>
        %mul3A_279 = arith.constant 16 : i32
        %mul3A_280 = arith.muli %scan3A_178, %mul3A_279 : i32
        %add3A_281 = arith.constant 8 : i32
        %add3A_282 = arith.addi %mul3A_280, %add3A_281 : i32
        %swap3A_283 = arith.index_cast %add3A_282 : i32 to index
        %swap3A_284 = arith.constant 0 : index
        %swap3A_285 = tpu.vector_load %arg18[%swap3A_283, %swap3A_284] {strides = array<i32>} : memref<80x16xf32, #tpu.memory_space<vmem>>, vector<1x16xf32>,
        %swap3A_286 = vector.shape_cast %swap3A_285 : vector<1x16xf32> to vector<16xf32>
        %swap3A_287 = vector.shape_cast %broadcast_in_dim3A_278 : vector<16xf32> to vector<1x16xf32>
        tpu.vector_store %arg18[%swap3A_283, %swap3A_284], %swap3A_287 {strides = array<i32>} : memref<80x16xf32, #tpu.memory_space<vmem>>, vector<1x16xf32>,
        %slice3A_288 = vector.extract_strided_slice %get3A_183 {offsets = [9], sizes = [1], strides = [1]} : vector<16xf32> to vector<1xf32>
        %squeeze3A_289 = vector.extract %slice3A_288[0] : f32 from vector<1xf32>
        %broadcast_in_dim3A_290 = vector.broadcast %squeeze3A_289 : f32 to vector<16xf32>
        %mul3A_291 = arith.constant 16 : i32
        %mul3A_292 = arith.muli %scan3A_178, %mul3A_291 : i32
        %add3A_293 = arith.constant 9 : i32
        %add3A_294 = arith.addi %mul3A_292, %add3A_293 : i32
        %swap3A_295 = arith.index_cast %add3A_294 : i32 to index
        %swap3A_296 = arith.constant 0 : index
        %swap3A_297 = tpu.vector_load %arg18[%swap3A_295, %swap3A_296] {strides = array<i32>} : memref<80x16xf32, #tpu.memory_space<vmem>>, vector<1x16xf32>,
        %swap3A_298 = vector.shape_cast %swap3A_297 : vector<1x16xf32> to vector<16xf32>
        %swap3A_299 = vector.shape_cast %broadcast_in_dim3A_290 : vector<16xf32> to vector<1x16xf32>
        tpu.vector_store %arg18[%swap3A_295, %swap3A_296], %swap3A_299 {strides = array<i32>} : memref<80x16xf32, #tpu.memory_space<vmem>>, vector<1x16xf32>,
        %slice3A_300 = vector.extract_strided_slice %get3A_183 {offsets = [10], sizes = [1], strides = [1]} : vector<16xf32> to vector<1xf32>
        %squeeze3A_301 = vector.extract %slice3A_300[0] : f32 from vector<1xf32>
        %broadcast_in_dim3A_302 = vector.broadcast %squeeze3A_301 : f32 to vector<16xf32>
        %mul3A_303 = arith.constant 16 : i32
        %mul3A_304 = arith.muli %scan3A_178, %mul3A_303 : i32
        %add3A_305 = arith.constant 10 : i32
        %add3A_306 = arith.addi %mul3A_304, %add3A_305 : i32
        %swap3A_307 = arith.index_cast %add3A_306 : i32 to index
        %swap3A_308 = arith.constant 0 : index
        %swap3A_309 = tpu.vector_load %arg18[%swap3A_307, %swap3A_308] {strides = array<i32>} : memref<80x16xf32, #tpu.memory_space<vmem>>, vector<1x16xf32>,
        %swap3A_310 = vector.shape_cast %swap3A_309 : vector<1x16xf32> to vector<16xf32>
        %swap3A_311 = vector.shape_cast %broadcast_in_dim3A_302 : vector<16xf32> to vector<1x16xf32>
        tpu.vector_store %arg18[%swap3A_307, %swap3A_308], %swap3A_311 {strides = array<i32>} : memref<80x16xf32, #tpu.memory_space<vmem>>, vector<1x16xf32>,
        %slice3A_312 = vector.extract_strided_slice %get3A_183 {offsets = [11], sizes = [1], strides = [1]} : vector<16xf32> to vector<1xf32>
        %squeeze3A_313 = vector.extract %slice3A_312[0] : f32 from vector<1xf32>
        %broadcast_in_dim3A_314 = vector.broadcast %squeeze3A_313 : f32 to vector<16xf32>
        %mul3A_315 = arith.constant 16 : i32
        %mul3A_316 = arith.muli %scan3A_178, %mul3A_315 : i32
        %add3A_317 = arith.constant 11 : i32
        %add3A_318 = arith.addi %mul3A_316, %add3A_317 : i32
        %swap3A_319 = arith.index_cast %add3A_318 : i32 to index
        %swap3A_320 = arith.constant 0 : index
        %swap3A_321 = tpu.vector_load %arg18[%swap3A_319, %swap3A_320] {strides = array<i32>} : memref<80x16xf32, #tpu.memory_space<vmem>>, vector<1x16xf32>,
        %swap3A_322 = vector.shape_cast %swap3A_321 : vector<1x16xf32> to vector<16xf32>
        %swap3A_323 = vector.shape_cast %broadcast_in_dim3A_314 : vector<16xf32> to vector<1x16xf32>
        tpu.vector_store %arg18[%swap3A_319, %swap3A_320], %swap3A_323 {strides = array<i32>} : memref<80x16xf32, #tpu.memory_space<vmem>>, vector<1x16xf32>,
        %slice3A_324 = vector.extract_strided_slice %get3A_183 {offsets = [12], sizes = [1], strides = [1]} : vector<16xf32> to vector<1xf32>
        %squeeze3A_325 = vector.extract %slice3A_324[0] : f32 from vector<1xf32>
        %broadcast_in_dim3A_326 = vector.broadcast %squeeze3A_325 : f32 to vector<16xf32>
        %mul3A_327 = arith.constant 16 : i32
        %mul3A_328 = arith.muli %scan3A_178, %mul3A_327 : i32
        %add3A_329 = arith.constant 12 : i32
        %add3A_330 = arith.addi %mul3A_328, %add3A_329 : i32
        %swap3A_331 = arith.index_cast %add3A_330 : i32 to index
        %swap3A_332 = arith.constant 0 : index
        %swap3A_333 = tpu.vector_load %arg18[%swap3A_331, %swap3A_332] {strides = array<i32>} : memref<80x16xf32, #tpu.memory_space<vmem>>, vector<1x16xf32>,
        %swap3A_334 = vector.shape_cast %swap3A_333 : vector<1x16xf32> to vector<16xf32>
        %swap3A_335 = vector.shape_cast %broadcast_in_dim3A_326 : vector<16xf32> to vector<1x16xf32>
        tpu.vector_store %arg18[%swap3A_331, %swap3A_332], %swap3A_335 {strides = array<i32>} : memref<80x16xf32, #tpu.memory_space<vmem>>, vector<1x16xf32>,
        %slice3A_336 = vector.extract_strided_slice %get3A_183 {offsets = [13], sizes = [1], strides = [1]} : vector<16xf32> to vector<1xf32>
        %squeeze3A_337 = vector.extract %slice3A_336[0] : f32 from vector<1xf32>
        %broadcast_in_dim3A_338 = vector.broadcast %squeeze3A_337 : f32 to vector<16xf32>
        %mul3A_339 = arith.constant 16 : i32
        %mul3A_340 = arith.muli %scan3A_178, %mul3A_339 : i32
        %add3A_341 = arith.constant 13 : i32
        %add3A_342 = arith.addi %mul3A_340, %add3A_341 : i32
        %swap3A_343 = arith.index_cast %add3A_342 : i32 to index
        %swap3A_344 = arith.constant 0 : index
        %swap3A_345 = tpu.vector_load %arg18[%swap3A_343, %swap3A_344] {strides = array<i32>} : memref<80x16xf32, #tpu.memory_space<vmem>>, vector<1x16xf32>,
        %swap3A_346 = vector.shape_cast %swap3A_345 : vector<1x16xf32> to vector<16xf32>
        %swap3A_347 = vector.shape_cast %broadcast_in_dim3A_338 : vector<16xf32> to vector<1x16xf32>
        tpu.vector_store %arg18[%swap3A_343, %swap3A_344], %swap3A_347 {strides = array<i32>} : memref<80x16xf32, #tpu.memory_space<vmem>>, vector<1x16xf32>,
        %slice3A_348 = vector.extract_strided_slice %get3A_183 {offsets = [14], sizes = [1], strides = [1]} : vector<16xf32> to vector<1xf32>
        %squeeze3A_349 = vector.extract %slice3A_348[0] : f32 from vector<1xf32>
        %broadcast_in_dim3A_350 = vector.broadcast %squeeze3A_349 : f32 to vector<16xf32>
        %mul3A_351 = arith.constant 16 : i32
        %mul3A_352 = arith.muli %scan3A_178, %mul3A_351 : i32
        %add3A_353 = arith.constant 14 : i32
        %add3A_354 = arith.addi %mul3A_352, %add3A_353 : i32
        %swap3A_355 = arith.index_cast %add3A_354 : i32 to index
        %swap3A_356 = arith.constant 0 : index
        %swap3A_357 = tpu.vector_load %arg18[%swap3A_355, %swap3A_356] {strides = array<i32>} : memref<80x16xf32, #tpu.memory_space<vmem>>, vector<1x16xf32>,
        %swap3A_358 = vector.shape_cast %swap3A_357 : vector<1x16xf32> to vector<16xf32>
        %swap3A_359 = vector.shape_cast %broadcast_in_dim3A_350 : vector<16xf32> to vector<1x16xf32>
        tpu.vector_store %arg18[%swap3A_355, %swap3A_356], %swap3A_359 {strides = array<i32>} : memref<80x16xf32, #tpu.memory_space<vmem>>, vector<1x16xf32>,
        %slice3A_360 = vector.extract_strided_slice %get3A_183 {offsets = [15], sizes = [1], strides = [1]} : vector<16xf32> to vector<1xf32>
        %squeeze3A_361 = vector.extract %slice3A_360[0] : f32 from vector<1xf32>
        %broadcast_in_dim3A_362 = vector.broadcast %squeeze3A_361 : f32 to vector<16xf32>
        %mul3A_363 = arith.constant 16 : i32
        %mul3A_364 = arith.muli %scan3A_178, %mul3A_363 : i32
        %add3A_365 = arith.constant 15 : i32
        %add3A_366 = arith.addi %mul3A_364, %add3A_365 : i32
        %swap3A_367 = arith.index_cast %add3A_366 : i32 to index
        %swap3A_368 = arith.constant 0 : index
        %swap3A_369 = tpu.vector_load %arg18[%swap3A_367, %swap3A_368] {strides = array<i32>} : memref<80x16xf32, #tpu.memory_space<vmem>>, vector<1x16xf32>,
        %swap3A_370 = vector.shape_cast %swap3A_369 : vector<1x16xf32> to vector<16xf32>
        %swap3A_371 = vector.shape_cast %broadcast_in_dim3A_362 : vector<16xf32> to vector<1x16xf32>
        tpu.vector_store %arg18[%swap3A_367, %swap3A_368], %swap3A_371 {strides = array<i32>} : memref<80x16xf32, #tpu.memory_space<vmem>>, vector<1x16xf32>,
        %scan3A_372 = arith.constant 0 : i32
        scf.yield %scan3A_372 : i32
      }
      %scan3A_119 = arith.constant 5 : i32
      %parallel_loop3A_120 = arith.constant 0 : i32
      %parallel_loop3A_121 = arith.constant 80 : i32
      %parallel_loop3A_122 = arith.constant 1 : i32
      scf.for %parallel_loop3A_178 = %parallel_loop3A_120 to %parallel_loop3A_121 step %parallel_loop3A_122  : i32 {
        %parallel_loop3A_179 = arith.index_cast %parallel_loop3A_178 : i32 to index
        %parallel_loop3A_180 = arith.constant 0 : index
        %parallel_loop3A_181 = tpu.vector_load %arg18[%parallel_loop3A_179, %parallel_loop3A_180] {strides = array<i32>} : memref<80x16xf32, #tpu.memory_space<vmem>>, vector<1x16xf32>,
        %parallel_loop3A_182 = vector.shape_cast %parallel_loop3A_181 : vector<1x16xf32> to vector<16xf32>
        %parallel_loop3A_183 = arith.index_cast %parallel_loop3A_178 : i32 to index
        %parallel_loop3A_184 = arith.constant 0 : index
        %parallel_loop3A_185 = tpu.vector_load %arg16[%parallel_loop3A_183, %parallel_loop3A_184] {strides = array<i32>} : memref<80x128xf32, #tpu.memory_space<vmem>>, vector<1x16xf32>,
        %parallel_loop3A_186 = vector.shape_cast %parallel_loop3A_185 : vector<1x16xf32> to vector<16xf32>
        %parallel_loop3A_187 = arith.index_cast %parallel_loop3A_178 : i32 to index
        %parallel_loop3A_188 = arith.constant 0 : index
        %parallel_loop3A_189 = tpu.vector_load %arg14[%parallel_loop3A_187, %parallel_loop3A_188] {strides = array<i32>} : memref<80x128xf32, #tpu.memory_space<vmem>>, vector<1x16xf32>,
        %parallel_loop3A_190 = vector.shape_cast %parallel_loop3A_189 : vector<1x16xf32> to vector<16xf32>
        %parallel_loop3A_191 = arith.mulf %parallel_loop3A_190, %parallel_loop3A_182 : vector<16xf32>
        %parallel_loop3A_192 = arith.addf %parallel_loop3A_186, %parallel_loop3A_191 : vector<16xf32>
        %parallel_loop3A_193 = arith.index_cast %parallel_loop3A_178 : i32 to index
        %parallel_loop3A_194 = arith.constant 0 : index
        %parallel_loop3A_195 = tpu.vector_load %arg16[%parallel_loop3A_193, %parallel_loop3A_194] {strides = array<i32>} : memref<80x128xf32, #tpu.memory_space<vmem>>, vector<1x16xf32>,
        %parallel_loop3A_196 = vector.shape_cast %parallel_loop3A_195 : vector<1x16xf32> to vector<16xf32>
        %parallel_loop3A_197 = vector.shape_cast %parallel_loop3A_192 : vector<16xf32> to vector<1x16xf32>
        tpu.vector_store %arg16[%parallel_loop3A_193, %parallel_loop3A_194], %parallel_loop3A_197 {strides = array<i32>} : memref<80x128xf32, #tpu.memory_space<vmem>>, vector<1x16xf32>,
        %parallel_loop3A_198 = arith.index_cast %parallel_loop3A_178 : i32 to index
        %parallel_loop3A_199 = arith.constant 16 : index
        %parallel_loop3A_200 = tpu.vector_load %arg16[%parallel_loop3A_198, %parallel_loop3A_199] {strides = array<i32>} : memref<80x128xf32, #tpu.memory_space<vmem>>, vector<1x16xf32>,
        %parallel_loop3A_201 = vector.shape_cast %parallel_loop3A_200 : vector<1x16xf32> to vector<16xf32>
        %parallel_loop3A_202 = arith.index_cast %parallel_loop3A_178 : i32 to index
        %parallel_loop3A_203 = arith.constant 16 : index
        %parallel_loop3A_204 = tpu.vector_load %arg14[%parallel_loop3A_202, %parallel_loop3A_203] {strides = array<i32>} : memref<80x128xf32, #tpu.memory_space<vmem>>, vector<1x16xf32>,
        %parallel_loop3A_205 = vector.shape_cast %parallel_loop3A_204 : vector<1x16xf32> to vector<16xf32>
        %parallel_loop3A_206 = arith.mulf %parallel_loop3A_205, %parallel_loop3A_182 : vector<16xf32>
        %parallel_loop3A_207 = arith.addf %parallel_loop3A_201, %parallel_loop3A_206 : vector<16xf32>
        %parallel_loop3A_208 = arith.index_cast %parallel_loop3A_178 : i32 to index
        %parallel_loop3A_209 = arith.constant 16 : index
        %parallel_loop3A_210 = tpu.vector_load %arg16[%parallel_loop3A_208, %parallel_loop3A_209] {strides = array<i32>} : memref<80x128xf32, #tpu.memory_space<vmem>>, vector<1x16xf32>,
        %parallel_loop3A_211 = vector.shape_cast %parallel_loop3A_210 : vector<1x16xf32> to vector<16xf32>
        %parallel_loop3A_212 = vector.shape_cast %parallel_loop3A_207 : vector<16xf32> to vector<1x16xf32>
        tpu.vector_store %arg16[%parallel_loop3A_208, %parallel_loop3A_209], %parallel_loop3A_212 {strides = array<i32>} : memref<80x128xf32, #tpu.memory_space<vmem>>, vector<1x16xf32>,
        %parallel_loop3A_213 = arith.index_cast %parallel_loop3A_178 : i32 to index
        %parallel_loop3A_214 = arith.constant 32 : index
        %parallel_loop3A_215 = tpu.vector_load %arg16[%parallel_loop3A_213, %parallel_loop3A_214] {strides = array<i32>} : memref<80x128xf32, #tpu.memory_space<vmem>>, vector<1x16xf32>,
        %parallel_loop3A_216 = vector.shape_cast %parallel_loop3A_215 : vector<1x16xf32> to vector<16xf32>
        %parallel_loop3A_217 = arith.index_cast %parallel_loop3A_178 : i32 to index
        %parallel_loop3A_218 = arith.constant 32 : index
        %parallel_loop3A_219 = tpu.vector_load %arg14[%parallel_loop3A_217, %parallel_loop3A_218] {strides = array<i32>} : memref<80x128xf32, #tpu.memory_space<vmem>>, vector<1x16xf32>,
        %parallel_loop3A_220 = vector.shape_cast %parallel_loop3A_219 : vector<1x16xf32> to vector<16xf32>
        %parallel_loop3A_221 = arith.mulf %parallel_loop3A_220, %parallel_loop3A_182 : vector<16xf32>
        %parallel_loop3A_222 = arith.addf %parallel_loop3A_216, %parallel_loop3A_221 : vector<16xf32>
        %parallel_loop3A_223 = arith.index_cast %parallel_loop3A_178 : i32 to index
        %parallel_loop3A_224 = arith.constant 32 : index
        %parallel_loop3A_225 = tpu.vector_load %arg16[%parallel_loop3A_223, %parallel_loop3A_224] {strides = array<i32>} : memref<80x128xf32, #tpu.memory_space<vmem>>, vector<1x16xf32>,
        %parallel_loop3A_226 = vector.shape_cast %parallel_loop3A_225 : vector<1x16xf32> to vector<16xf32>
        %parallel_loop3A_227 = vector.shape_cast %parallel_loop3A_222 : vector<16xf32> to vector<1x16xf32>
        tpu.vector_store %arg16[%parallel_loop3A_223, %parallel_loop3A_224], %parallel_loop3A_227 {strides = array<i32>} : memref<80x128xf32, #tpu.memory_space<vmem>>, vector<1x16xf32>,
        %parallel_loop3A_228 = arith.index_cast %parallel_loop3A_178 : i32 to index
        %parallel_loop3A_229 = arith.constant 48 : index
        %parallel_loop3A_230 = tpu.vector_load %arg16[%parallel_loop3A_228, %parallel_loop3A_229] {strides = array<i32>} : memref<80x128xf32, #tpu.memory_space<vmem>>, vector<1x16xf32>,
        %parallel_loop3A_231 = vector.shape_cast %parallel_loop3A_230 : vector<1x16xf32> to vector<16xf32>
        %parallel_loop3A_232 = arith.index_cast %parallel_loop3A_178 : i32 to index
        %parallel_loop3A_233 = arith.constant 48 : index
        %parallel_loop3A_234 = tpu.vector_load %arg14[%parallel_loop3A_232, %parallel_loop3A_233] {strides = array<i32>} : memref<80x128xf32, #tpu.memory_space<vmem>>, vector<1x16xf32>,
        %parallel_loop3A_235 = vector.shape_cast %parallel_loop3A_234 : vector<1x16xf32> to vector<16xf32>
        %parallel_loop3A_236 = arith.mulf %parallel_loop3A_235, %parallel_loop3A_182 : vector<16xf32>
        %parallel_loop3A_237 = arith.addf %parallel_loop3A_231, %parallel_loop3A_236 : vector<16xf32>
        %parallel_loop3A_238 = arith.index_cast %parallel_loop3A_178 : i32 to index
        %parallel_loop3A_239 = arith.constant 48 : index
        %parallel_loop3A_240 = tpu.vector_load %arg16[%parallel_loop3A_238, %parallel_loop3A_239] {strides = array<i32>} : memref<80x128xf32, #tpu.memory_space<vmem>>, vector<1x16xf32>,
        %parallel_loop3A_241 = vector.shape_cast %parallel_loop3A_240 : vector<1x16xf32> to vector<16xf32>
        %parallel_loop3A_242 = vector.shape_cast %parallel_loop3A_237 : vector<16xf32> to vector<1x16xf32>
        tpu.vector_store %arg16[%parallel_loop3A_238, %parallel_loop3A_239], %parallel_loop3A_242 {strides = array<i32>} : memref<80x128xf32, #tpu.memory_space<vmem>>, vector<1x16xf32>,
        %parallel_loop3A_243 = arith.index_cast %parallel_loop3A_178 : i32 to index
        %parallel_loop3A_244 = arith.constant 64 : index
        %parallel_loop3A_245 = tpu.vector_load %arg16[%parallel_loop3A_243, %parallel_loop3A_244] {strides = array<i32>} : memref<80x128xf32, #tpu.memory_space<vmem>>, vector<1x16xf32>,
        %parallel_loop3A_246 = vector.shape_cast %parallel_loop3A_245 : vector<1x16xf32> to vector<16xf32>
        %parallel_loop3A_247 = arith.index_cast %parallel_loop3A_178 : i32 to index
        %parallel_loop3A_248 = arith.constant 64 : index
        %parallel_loop3A_249 = tpu.vector_load %arg14[%parallel_loop3A_247, %parallel_loop3A_248] {strides = array<i32>} : memref<80x128xf32, #tpu.memory_space<vmem>>, vector<1x16xf32>,
        %parallel_loop3A_250 = vector.shape_cast %parallel_loop3A_249 : vector<1x16xf32> to vector<16xf32>
        %parallel_loop3A_251 = arith.mulf %parallel_loop3A_250, %parallel_loop3A_182 : vector<16xf32>
        %parallel_loop3A_252 = arith.addf %parallel_loop3A_246, %parallel_loop3A_251 : vector<16xf32>
        %parallel_loop3A_253 = arith.index_cast %parallel_loop3A_178 : i32 to index
        %parallel_loop3A_254 = arith.constant 64 : index
        %parallel_loop3A_255 = tpu.vector_load %arg16[%parallel_loop3A_253, %parallel_loop3A_254] {strides = array<i32>} : memref<80x128xf32, #tpu.memory_space<vmem>>, vector<1x16xf32>,
        %parallel_loop3A_256 = vector.shape_cast %parallel_loop3A_255 : vector<1x16xf32> to vector<16xf32>
        %parallel_loop3A_257 = vector.shape_cast %parallel_loop3A_252 : vector<16xf32> to vector<1x16xf32>
        tpu.vector_store %arg16[%parallel_loop3A_253, %parallel_loop3A_254], %parallel_loop3A_257 {strides = array<i32>} : memref<80x128xf32, #tpu.memory_space<vmem>>, vector<1x16xf32>,
        %parallel_loop3A_258 = arith.index_cast %parallel_loop3A_178 : i32 to index
        %parallel_loop3A_259 = arith.constant 80 : index
        %parallel_loop3A_260 = tpu.vector_load %arg16[%parallel_loop3A_258, %parallel_loop3A_259] {strides = array<i32>} : memref<80x128xf32, #tpu.memory_space<vmem>>, vector<1x16xf32>,
        %parallel_loop3A_261 = vector.shape_cast %parallel_loop3A_260 : vector<1x16xf32> to vector<16xf32>
        %parallel_loop3A_262 = arith.index_cast %parallel_loop3A_178 : i32 to index
        %parallel_loop3A_263 = arith.constant 80 : index
        %parallel_loop3A_264 = tpu.vector_load %arg14[%parallel_loop3A_262, %parallel_loop3A_263] {strides = array<i32>} : memref<80x128xf32, #tpu.memory_space<vmem>>, vector<1x16xf32>,
        %parallel_loop3A_265 = vector.shape_cast %parallel_loop3A_264 : vector<1x16xf32> to vector<16xf32>
        %parallel_loop3A_266 = arith.mulf %parallel_loop3A_265, %parallel_loop3A_182 : vector<16xf32>
        %parallel_loop3A_267 = arith.addf %parallel_loop3A_261, %parallel_loop3A_266 : vector<16xf32>
        %parallel_loop3A_268 = arith.index_cast %parallel_loop3A_178 : i32 to index
        %parallel_loop3A_269 = arith.constant 80 : index
        %parallel_loop3A_270 = tpu.vector_load %arg16[%parallel_loop3A_268, %parallel_loop3A_269] {strides = array<i32>} : memref<80x128xf32, #tpu.memory_space<vmem>>, vector<1x16xf32>,
        %parallel_loop3A_271 = vector.shape_cast %parallel_loop3A_270 : vector<1x16xf32> to vector<16xf32>
        %parallel_loop3A_272 = vector.shape_cast %parallel_loop3A_267 : vector<16xf32> to vector<1x16xf32>
        tpu.vector_store %arg16[%parallel_loop3A_268, %parallel_loop3A_269], %parallel_loop3A_272 {strides = array<i32>} : memref<80x128xf32, #tpu.memory_space<vmem>>, vector<1x16xf32>,
        %parallel_loop3A_273 = arith.index_cast %parallel_loop3A_178 : i32 to index
        %parallel_loop3A_274 = arith.constant 96 : index
        %parallel_loop3A_275 = tpu.vector_load %arg16[%parallel_loop3A_273, %parallel_loop3A_274] {strides = array<i32>} : memref<80x128xf32, #tpu.memory_space<vmem>>, vector<1x16xf32>,
        %parallel_loop3A_276 = vector.shape_cast %parallel_loop3A_275 : vector<1x16xf32> to vector<16xf32>
        %parallel_loop3A_277 = arith.index_cast %parallel_loop3A_178 : i32 to index
        %parallel_loop3A_278 = arith.constant 96 : index
        %parallel_loop3A_279 = tpu.vector_load %arg14[%parallel_loop3A_277, %parallel_loop3A_278] {strides = array<i32>} : memref<80x128xf32, #tpu.memory_space<vmem>>, vector<1x16xf32>,
        %parallel_loop3A_280 = vector.shape_cast %parallel_loop3A_279 : vector<1x16xf32> to vector<16xf32>
        %parallel_loop3A_281 = arith.mulf %parallel_loop3A_280, %parallel_loop3A_182 : vector<16xf32>
        %parallel_loop3A_282 = arith.addf %parallel_loop3A_276, %parallel_loop3A_281 : vector<16xf32>
        %parallel_loop3A_283 = arith.index_cast %parallel_loop3A_178 : i32 to index
        %parallel_loop3A_284 = arith.constant 96 : index
        %parallel_loop3A_285 = tpu.vector_load %arg16[%parallel_loop3A_283, %parallel_loop3A_284] {strides = array<i32>} : memref<80x128xf32, #tpu.memory_space<vmem>>, vector<1x16xf32>,
        %parallel_loop3A_286 = vector.shape_cast %parallel_loop3A_285 : vector<1x16xf32> to vector<16xf32>
        %parallel_loop3A_287 = vector.shape_cast %parallel_loop3A_282 : vector<16xf32> to vector<1x16xf32>
        tpu.vector_store %arg16[%parallel_loop3A_283, %parallel_loop3A_284], %parallel_loop3A_287 {strides = array<i32>} : memref<80x128xf32, #tpu.memory_space<vmem>>, vector<1x16xf32>,
        %parallel_loop3A_288 = arith.index_cast %parallel_loop3A_178 : i32 to index
        %parallel_loop3A_289 = arith.constant 112 : index
        %parallel_loop3A_290 = tpu.vector_load %arg16[%parallel_loop3A_288, %parallel_loop3A_289] {strides = array<i32>} : memref<80x128xf32, #tpu.memory_space<vmem>>, vector<1x16xf32>,
        %parallel_loop3A_291 = vector.shape_cast %parallel_loop3A_290 : vector<1x16xf32> to vector<16xf32>
        %parallel_loop3A_292 = arith.index_cast %parallel_loop3A_178 : i32 to index
        %parallel_loop3A_293 = arith.constant 112 : index
        %parallel_loop3A_294 = tpu.vector_load %arg14[%parallel_loop3A_292, %parallel_loop3A_293] {strides = array<i32>} : memref<80x128xf32, #tpu.memory_space<vmem>>, vector<1x16xf32>,
        %parallel_loop3A_295 = vector.shape_cast %parallel_loop3A_294 : vector<1x16xf32> to vector<16xf32>
        %parallel_loop3A_296 = arith.mulf %parallel_loop3A_295, %parallel_loop3A_182 : vector<16xf32>
        %parallel_loop3A_297 = arith.addf %parallel_loop3A_291, %parallel_loop3A_296 : vector<16xf32>
        %parallel_loop3A_298 = arith.index_cast %parallel_loop3A_178 : i32 to index
        %parallel_loop3A_299 = arith.constant 112 : index
        %parallel_loop3A_300 = tpu.vector_load %arg16[%parallel_loop3A_298, %parallel_loop3A_299] {strides = array<i32>} : memref<80x128xf32, #tpu.memory_space<vmem>>, vector<1x16xf32>,
        %parallel_loop3A_301 = vector.shape_cast %parallel_loop3A_300 : vector<1x16xf32> to vector<16xf32>
        %parallel_loop3A_302 = vector.shape_cast %parallel_loop3A_297 : vector<16xf32> to vector<1x16xf32>
        tpu.vector_store %arg16[%parallel_loop3A_298, %parallel_loop3A_299], %parallel_loop3A_302 {strides = array<i32>} : memref<80x128xf32, #tpu.memory_space<vmem>>, vector<1x16xf32>,
      } {sc.loop_unroll_factor = 1 : i64, sc.parallel_access}
      %dma_start3A_123 = arith.constant 0 : i32
      %dma_start3A_124 = arith.constant 0 : i32
      %dma_start3A_125 = tpu.memref_slice %arg19[%dma_start3A_123, %dma_start3A_124] : memref<10000x128xf32, #tpu.memory_space<vmem_shared>> -> memref<10000x128xf32, #tpu.memory_space<vmem_shared>>
      tpu.enqueue_indirect_dma source(%arg16 : memref<80x128xf32, #tpu.memory_space<vmem>>) target(%dma_start3A_125 : memref<10000x128xf32, #tpu.memory_space<vmem_shared>>) offsets(%arg10 : memref<80xi32, #tpu.memory_space<vmem>>) semaphore(%arg24 : memref<!tpu.dma_semaphore, #tpu.memory_space<semaphore_mem>>) {add = true}
      %add3A_126 = arith.constant 1 : i32
      %add3A_127 = arith.addi %mul3A_93, %add3A_126 : i32
      %dma_wait3A_128 = arith.constant 0 : i32
      %dma_wait3A_129 = arith.constant 0 : i32
      %dma_wait3A_130 = tpu.memref_slice %arg2[%dma_wait3A_128, %dma_wait3A_129] : memref<10000x128xf32, #tpu.memory_space<hbm>> -> memref<10000x128xf32, #tpu.memory_space<hbm>>
      tpu.wait_indirect_dma semaphore(%arg21 : memref<!tpu.dma_semaphore, #tpu.memory_space<semaphore_mem>>) src(%dma_wait3A_130 : memref<10000x128xf32, #tpu.memory_space<hbm>>) dst(%arg15 : memref<80x128xf32, #tpu.memory_space<vmem>>)
      %mul3A_131 = arith.constant 10000 : i32
      %mul3A_132 = arith.muli %add3A, %mul3A_131 : i32
      %mul3A_133 = arith.constant 80 : i32
      %mul3A_134 = arith.muli %add3A_127, %mul3A_133 : i32
      %add3A_135 = arith.addi %mul3A_132, %mul3A_134 : i32
      %dma_wait3A_136 = arith.constant 0 : i32
      %dma_wait3A_137 = tpu.memref_slice %arg3[%add3A_135, %dma_wait3A_136] : memref<320000x128xf32, #tpu.memory_space<hbm>> -> memref<80x128xf32, #tpu.memory_space<hbm>>
      %dma_wait3A_138 = arith.constant 0 : i32
      %dma_wait3A_139 = tpu.memref_slice %arg3[%add3A_135, %dma_wait3A_138] : memref<320000x128xf32, #tpu.memory_space<hbm>> -> memref<80x128xf32, #tpu.memory_space<hbm>>
      tpu.wait_dma2 semaphore(%arg23 : memref<!tpu.dma_semaphore, #tpu.memory_space<semaphore_mem>>) src(%dma_wait3A_139 : memref<80x128xf32, #tpu.memory_space<hbm>>) dst(%arg17 : memref<80x128xf32, #tpu.memory_space<vmem>>)
      %mul3A_140 = arith.constant 10000 : i32
      %mul3A_141 = arith.muli %add3A, %mul3A_140 : i32
      %mul3A_142 = arith.constant 80 : i32
      %mul3A_143 = arith.muli %add3A_127, %mul3A_142 : i32
      %add3A_144 = arith.addi %mul3A_141, %mul3A_143 : i32
      %dma_wait3A_145 = tpu.memref_slice %arg4[%add3A_144] : memref<320000xf32, #tpu.memory_space<hbm>> -> memref<80xf32, #tpu.memory_space<hbm>>
      %dma_wait3A_146 = tpu.memref_slice %arg4[%add3A_144] : memref<320000xf32, #tpu.memory_space<hbm>> -> memref<80xf32, #tpu.memory_space<hbm>>
      tpu.wait_dma2 semaphore(%arg27 : memref<!tpu.dma_semaphore, #tpu.memory_space<semaphore_mem>>) src(%dma_wait3A_146 : memref<80xf32, #tpu.memory_space<hbm>>) dst(%arg13 : memref<80xf32, #tpu.memory_space<vmem>>)
      %scan3A_147 = arith.constant 0 : i32
      %scan3A_148 = arith.constant 0 : i32
      %scan3A_149 = arith.constant 5 : i32
      %scan3A_150 = arith.addi %scan3A_148, %scan3A_149 : i32
      %scan3A_151 = arith.constant 1 : i32
      %scan3A_152 = scf.for %scan3A_178 = %scan3A_148 to %scan3A_150 step %scan3A_151 iter_args(%scan3A_179 = %scan3A_147) -> (i32)  : i32 {
        %mul3A_180 = arith.constant 16 : i32
        %mul3A_181 = arith.muli %scan3A_178, %mul3A_180 : i32
        %get3A = arith.index_cast %mul3A_181 : i32 to index
        %get3A_182 = tpu.vector_load %arg13[%get3A] {strides = array<i32>} : memref<80xf32, #tpu.memory_space<vmem>>, vector<16xf32>,
        %get3A_183 = vector.shape_cast %get3A_182 : vector<16xf32> to vector<16xf32>
        %slice3A = vector.extract_strided_slice %get3A_183 {offsets = [0], sizes = [1], strides = [1]} : vector<16xf32> to vector<1xf32>
        %squeeze3A = vector.extract %slice3A[0] : f32 from vector<1xf32>
        %broadcast_in_dim3A = vector.broadcast %squeeze3A : f32 to vector<16xf32>
        %mul3A_184 = arith.constant 16 : i32
        %mul3A_185 = arith.muli %scan3A_178, %mul3A_184 : i32
        %add3A_186 = arith.constant 0 : i32
        %add3A_187 = arith.addi %mul3A_185, %add3A_186 : i32
        %swap3A = arith.index_cast %add3A_187 : i32 to index
        %swap3A_188 = arith.constant 0 : index
        %swap3A_189 = tpu.vector_load %arg18[%swap3A, %swap3A_188] {strides = array<i32>} : memref<80x16xf32, #tpu.memory_space<vmem>>, vector<1x16xf32>,
        %swap3A_190 = vector.shape_cast %swap3A_189 : vector<1x16xf32> to vector<16xf32>
        %swap3A_191 = vector.shape_cast %broadcast_in_dim3A : vector<16xf32> to vector<1x16xf32>
        tpu.vector_store %arg18[%swap3A, %swap3A_188], %swap3A_191 {strides = array<i32>} : memref<80x16xf32, #tpu.memory_space<vmem>>, vector<1x16xf32>,
        %slice3A_192 = vector.extract_strided_slice %get3A_183 {offsets = [1], sizes = [1], strides = [1]} : vector<16xf32> to vector<1xf32>
        %squeeze3A_193 = vector.extract %slice3A_192[0] : f32 from vector<1xf32>
        %broadcast_in_dim3A_194 = vector.broadcast %squeeze3A_193 : f32 to vector<16xf32>
        %mul3A_195 = arith.constant 16 : i32
        %mul3A_196 = arith.muli %scan3A_178, %mul3A_195 : i32
        %add3A_197 = arith.constant 1 : i32
        %add3A_198 = arith.addi %mul3A_196, %add3A_197 : i32
        %swap3A_199 = arith.index_cast %add3A_198 : i32 to index
        %swap3A_200 = arith.constant 0 : index
        %swap3A_201 = tpu.vector_load %arg18[%swap3A_199, %swap3A_200] {strides = array<i32>} : memref<80x16xf32, #tpu.memory_space<vmem>>, vector<1x16xf32>,
        %swap3A_202 = vector.shape_cast %swap3A_201 : vector<1x16xf32> to vector<16xf32>
        %swap3A_203 = vector.shape_cast %broadcast_in_dim3A_194 : vector<16xf32> to vector<1x16xf32>
        tpu.vector_store %arg18[%swap3A_199, %swap3A_200], %swap3A_203 {strides = array<i32>} : memref<80x16xf32, #tpu.memory_space<vmem>>, vector<1x16xf32>,
        %slice3A_204 = vector.extract_strided_slice %get3A_183 {offsets = [2], sizes = [1], strides = [1]} : vector<16xf32> to vector<1xf32>
        %squeeze3A_205 = vector.extract %slice3A_204[0] : f32 from vector<1xf32>
        %broadcast_in_dim3A_206 = vector.broadcast %squeeze3A_205 : f32 to vector<16xf32>
        %mul3A_207 = arith.constant 16 : i32
        %mul3A_208 = arith.muli %scan3A_178, %mul3A_207 : i32
        %add3A_209 = arith.constant 2 : i32
        %add3A_210 = arith.addi %mul3A_208, %add3A_209 : i32
        %swap3A_211 = arith.index_cast %add3A_210 : i32 to index
        %swap3A_212 = arith.constant 0 : index
        %swap3A_213 = tpu.vector_load %arg18[%swap3A_211, %swap3A_212] {strides = array<i32>} : memref<80x16xf32, #tpu.memory_space<vmem>>, vector<1x16xf32>,
        %swap3A_214 = vector.shape_cast %swap3A_213 : vector<1x16xf32> to vector<16xf32>
        %swap3A_215 = vector.shape_cast %broadcast_in_dim3A_206 : vector<16xf32> to vector<1x16xf32>
        tpu.vector_store %arg18[%swap3A_211, %swap3A_212], %swap3A_215 {strides = array<i32>} : memref<80x16xf32, #tpu.memory_space<vmem>>, vector<1x16xf32>,
        %slice3A_216 = vector.extract_strided_slice %get3A_183 {offsets = [3], sizes = [1], strides = [1]} : vector<16xf32> to vector<1xf32>
        %squeeze3A_217 = vector.extract %slice3A_216[0] : f32 from vector<1xf32>
        %broadcast_in_dim3A_218 = vector.broadcast %squeeze3A_217 : f32 to vector<16xf32>
        %mul3A_219 = arith.constant 16 : i32
        %mul3A_220 = arith.muli %scan3A_178, %mul3A_219 : i32
        %add3A_221 = arith.constant 3 : i32
        %add3A_222 = arith.addi %mul3A_220, %add3A_221 : i32
        %swap3A_223 = arith.index_cast %add3A_222 : i32 to index
        %swap3A_224 = arith.constant 0 : index
        %swap3A_225 = tpu.vector_load %arg18[%swap3A_223, %swap3A_224] {strides = array<i32>} : memref<80x16xf32, #tpu.memory_space<vmem>>, vector<1x16xf32>,
        %swap3A_226 = vector.shape_cast %swap3A_225 : vector<1x16xf32> to vector<16xf32>
        %swap3A_227 = vector.shape_cast %broadcast_in_dim3A_218 : vector<16xf32> to vector<1x16xf32>
        tpu.vector_store %arg18[%swap3A_223, %swap3A_224], %swap3A_227 {strides = array<i32>} : memref<80x16xf32, #tpu.memory_space<vmem>>, vector<1x16xf32>,
        %slice3A_228 = vector.extract_strided_slice %get3A_183 {offsets = [4], sizes = [1], strides = [1]} : vector<16xf32> to vector<1xf32>
        %squeeze3A_229 = vector.extract %slice3A_228[0] : f32 from vector<1xf32>
        %broadcast_in_dim3A_230 = vector.broadcast %squeeze3A_229 : f32 to vector<16xf32>
        %mul3A_231 = arith.constant 16 : i32
        %mul3A_232 = arith.muli %scan3A_178, %mul3A_231 : i32
        %add3A_233 = arith.constant 4 : i32
        %add3A_234 = arith.addi %mul3A_232, %add3A_233 : i32
        %swap3A_235 = arith.index_cast %add3A_234 : i32 to index
        %swap3A_236 = arith.constant 0 : index
        %swap3A_237 = tpu.vector_load %arg18[%swap3A_235, %swap3A_236] {strides = array<i32>} : memref<80x16xf32, #tpu.memory_space<vmem>>, vector<1x16xf32>,
        %swap3A_238 = vector.shape_cast %swap3A_237 : vector<1x16xf32> to vector<16xf32>
        %swap3A_239 = vector.shape_cast %broadcast_in_dim3A_230 : vector<16xf32> to vector<1x16xf32>
        tpu.vector_store %arg18[%swap3A_235, %swap3A_236], %swap3A_239 {strides = array<i32>} : memref<80x16xf32, #tpu.memory_space<vmem>>, vector<1x16xf32>,
        %slice3A_240 = vector.extract_strided_slice %get3A_183 {offsets = [5], sizes = [1], strides = [1]} : vector<16xf32> to vector<1xf32>
        %squeeze3A_241 = vector.extract %slice3A_240[0] : f32 from vector<1xf32>
        %broadcast_in_dim3A_242 = vector.broadcast %squeeze3A_241 : f32 to vector<16xf32>
        %mul3A_243 = arith.constant 16 : i32
        %mul3A_244 = arith.muli %scan3A_178, %mul3A_243 : i32
        %add3A_245 = arith.constant 5 : i32
        %add3A_246 = arith.addi %mul3A_244, %add3A_245 : i32
        %swap3A_247 = arith.index_cast %add3A_246 : i32 to index
        %swap3A_248 = arith.constant 0 : index
        %swap3A_249 = tpu.vector_load %arg18[%swap3A_247, %swap3A_248] {strides = array<i32>} : memref<80x16xf32, #tpu.memory_space<vmem>>, vector<1x16xf32>,
        %swap3A_250 = vector.shape_cast %swap3A_249 : vector<1x16xf32> to vector<16xf32>
        %swap3A_251 = vector.shape_cast %broadcast_in_dim3A_242 : vector<16xf32> to vector<1x16xf32>
        tpu.vector_store %arg18[%swap3A_247, %swap3A_248], %swap3A_251 {strides = array<i32>} : memref<80x16xf32, #tpu.memory_space<vmem>>, vector<1x16xf32>,
        %slice3A_252 = vector.extract_strided_slice %get3A_183 {offsets = [6], sizes = [1], strides = [1]} : vector<16xf32> to vector<1xf32>
        %squeeze3A_253 = vector.extract %slice3A_252[0] : f32 from vector<1xf32>
        %broadcast_in_dim3A_254 = vector.broadcast %squeeze3A_253 : f32 to vector<16xf32>
        %mul3A_255 = arith.constant 16 : i32
        %mul3A_256 = arith.muli %scan3A_178, %mul3A_255 : i32
        %add3A_257 = arith.constant 6 : i32
        %add3A_258 = arith.addi %mul3A_256, %add3A_257 : i32
        %swap3A_259 = arith.index_cast %add3A_258 : i32 to index
        %swap3A_260 = arith.constant 0 : index
        %swap3A_261 = tpu.vector_load %arg18[%swap3A_259, %swap3A_260] {strides = array<i32>} : memref<80x16xf32, #tpu.memory_space<vmem>>, vector<1x16xf32>,
        %swap3A_262 = vector.shape_cast %swap3A_261 : vector<1x16xf32> to vector<16xf32>
        %swap3A_263 = vector.shape_cast %broadcast_in_dim3A_254 : vector<16xf32> to vector<1x16xf32>
        tpu.vector_store %arg18[%swap3A_259, %swap3A_260], %swap3A_263 {strides = array<i32>} : memref<80x16xf32, #tpu.memory_space<vmem>>, vector<1x16xf32>,
        %slice3A_264 = vector.extract_strided_slice %get3A_183 {offsets = [7], sizes = [1], strides = [1]} : vector<16xf32> to vector<1xf32>
        %squeeze3A_265 = vector.extract %slice3A_264[0] : f32 from vector<1xf32>
        %broadcast_in_dim3A_266 = vector.broadcast %squeeze3A_265 : f32 to vector<16xf32>
        %mul3A_267 = arith.constant 16 : i32
        %mul3A_268 = arith.muli %scan3A_178, %mul3A_267 : i32
        %add3A_269 = arith.constant 7 : i32
        %add3A_270 = arith.addi %mul3A_268, %add3A_269 : i32
        %swap3A_271 = arith.index_cast %add3A_270 : i32 to index
        %swap3A_272 = arith.constant 0 : index
        %swap3A_273 = tpu.vector_load %arg18[%swap3A_271, %swap3A_272] {strides = array<i32>} : memref<80x16xf32, #tpu.memory_space<vmem>>, vector<1x16xf32>,
        %swap3A_274 = vector.shape_cast %swap3A_273 : vector<1x16xf32> to vector<16xf32>
        %swap3A_275 = vector.shape_cast %broadcast_in_dim3A_266 : vector<16xf32> to vector<1x16xf32>
        tpu.vector_store %arg18[%swap3A_271, %swap3A_272], %swap3A_275 {strides = array<i32>} : memref<80x16xf32, #tpu.memory_space<vmem>>, vector<1x16xf32>,
        %slice3A_276 = vector.extract_strided_slice %get3A_183 {offsets = [8], sizes = [1], strides = [1]} : vector<16xf32> to vector<1xf32>
        %squeeze3A_277 = vector.extract %slice3A_276[0] : f32 from vector<1xf32>
        %broadcast_in_dim3A_278 = vector.broadcast %squeeze3A_277 : f32 to vector<16xf32>
        %mul3A_279 = arith.constant 16 : i32
        %mul3A_280 = arith.muli %scan3A_178, %mul3A_279 : i32
        %add3A_281 = arith.constant 8 : i32
        %add3A_282 = arith.addi %mul3A_280, %add3A_281 : i32
        %swap3A_283 = arith.index_cast %add3A_282 : i32 to index
        %swap3A_284 = arith.constant 0 : index
        %swap3A_285 = tpu.vector_load %arg18[%swap3A_283, %swap3A_284] {strides = array<i32>} : memref<80x16xf32, #tpu.memory_space<vmem>>, vector<1x16xf32>,
        %swap3A_286 = vector.shape_cast %swap3A_285 : vector<1x16xf32> to vector<16xf32>
        %swap3A_287 = vector.shape_cast %broadcast_in_dim3A_278 : vector<16xf32> to vector<1x16xf32>
        tpu.vector_store %arg18[%swap3A_283, %swap3A_284], %swap3A_287 {strides = array<i32>} : memref<80x16xf32, #tpu.memory_space<vmem>>, vector<1x16xf32>,
        %slice3A_288 = vector.extract_strided_slice %get3A_183 {offsets = [9], sizes = [1], strides = [1]} : vector<16xf32> to vector<1xf32>
        %squeeze3A_289 = vector.extract %slice3A_288[0] : f32 from vector<1xf32>
        %broadcast_in_dim3A_290 = vector.broadcast %squeeze3A_289 : f32 to vector<16xf32>
        %mul3A_291 = arith.constant 16 : i32
        %mul3A_292 = arith.muli %scan3A_178, %mul3A_291 : i32
        %add3A_293 = arith.constant 9 : i32
        %add3A_294 = arith.addi %mul3A_292, %add3A_293 : i32
        %swap3A_295 = arith.index_cast %add3A_294 : i32 to index
        %swap3A_296 = arith.constant 0 : index
        %swap3A_297 = tpu.vector_load %arg18[%swap3A_295, %swap3A_296] {strides = array<i32>} : memref<80x16xf32, #tpu.memory_space<vmem>>, vector<1x16xf32>,
        %swap3A_298 = vector.shape_cast %swap3A_297 : vector<1x16xf32> to vector<16xf32>
        %swap3A_299 = vector.shape_cast %broadcast_in_dim3A_290 : vector<16xf32> to vector<1x16xf32>
        tpu.vector_store %arg18[%swap3A_295, %swap3A_296], %swap3A_299 {strides = array<i32>} : memref<80x16xf32, #tpu.memory_space<vmem>>, vector<1x16xf32>,
        %slice3A_300 = vector.extract_strided_slice %get3A_183 {offsets = [10], sizes = [1], strides = [1]} : vector<16xf32> to vector<1xf32>
        %squeeze3A_301 = vector.extract %slice3A_300[0] : f32 from vector<1xf32>
        %broadcast_in_dim3A_302 = vector.broadcast %squeeze3A_301 : f32 to vector<16xf32>
        %mul3A_303 = arith.constant 16 : i32
        %mul3A_304 = arith.muli %scan3A_178, %mul3A_303 : i32
        %add3A_305 = arith.constant 10 : i32
        %add3A_306 = arith.addi %mul3A_304, %add3A_305 : i32
        %swap3A_307 = arith.index_cast %add3A_306 : i32 to index
        %swap3A_308 = arith.constant 0 : index
        %swap3A_309 = tpu.vector_load %arg18[%swap3A_307, %swap3A_308] {strides = array<i32>} : memref<80x16xf32, #tpu.memory_space<vmem>>, vector<1x16xf32>,
        %swap3A_310 = vector.shape_cast %swap3A_309 : vector<1x16xf32> to vector<16xf32>
        %swap3A_311 = vector.shape_cast %broadcast_in_dim3A_302 : vector<16xf32> to vector<1x16xf32>
        tpu.vector_store %arg18[%swap3A_307, %swap3A_308], %swap3A_311 {strides = array<i32>} : memref<80x16xf32, #tpu.memory_space<vmem>>, vector<1x16xf32>,
        %slice3A_312 = vector.extract_strided_slice %get3A_183 {offsets = [11], sizes = [1], strides = [1]} : vector<16xf32> to vector<1xf32>
        %squeeze3A_313 = vector.extract %slice3A_312[0] : f32 from vector<1xf32>
        %broadcast_in_dim3A_314 = vector.broadcast %squeeze3A_313 : f32 to vector<16xf32>
        %mul3A_315 = arith.constant 16 : i32
        %mul3A_316 = arith.muli %scan3A_178, %mul3A_315 : i32
        %add3A_317 = arith.constant 11 : i32
        %add3A_318 = arith.addi %mul3A_316, %add3A_317 : i32
        %swap3A_319 = arith.index_cast %add3A_318 : i32 to index
        %swap3A_320 = arith.constant 0 : index
        %swap3A_321 = tpu.vector_load %arg18[%swap3A_319, %swap3A_320] {strides = array<i32>} : memref<80x16xf32, #tpu.memory_space<vmem>>, vector<1x16xf32>,
        %swap3A_322 = vector.shape_cast %swap3A_321 : vector<1x16xf32> to vector<16xf32>
        %swap3A_323 = vector.shape_cast %broadcast_in_dim3A_314 : vector<16xf32> to vector<1x16xf32>
        tpu.vector_store %arg18[%swap3A_319, %swap3A_320], %swap3A_323 {strides = array<i32>} : memref<80x16xf32, #tpu.memory_space<vmem>>, vector<1x16xf32>,
        %slice3A_324 = vector.extract_strided_slice %get3A_183 {offsets = [12], sizes = [1], strides = [1]} : vector<16xf32> to vector<1xf32>
        %squeeze3A_325 = vector.extract %slice3A_324[0] : f32 from vector<1xf32>
        %broadcast_in_dim3A_326 = vector.broadcast %squeeze3A_325 : f32 to vector<16xf32>
        %mul3A_327 = arith.constant 16 : i32
        %mul3A_328 = arith.muli %scan3A_178, %mul3A_327 : i32
        %add3A_329 = arith.constant 12 : i32
        %add3A_330 = arith.addi %mul3A_328, %add3A_329 : i32
        %swap3A_331 = arith.index_cast %add3A_330 : i32 to index
        %swap3A_332 = arith.constant 0 : index
        %swap3A_333 = tpu.vector_load %arg18[%swap3A_331, %swap3A_332] {strides = array<i32>} : memref<80x16xf32, #tpu.memory_space<vmem>>, vector<1x16xf32>,
        %swap3A_334 = vector.shape_cast %swap3A_333 : vector<1x16xf32> to vector<16xf32>
        %swap3A_335 = vector.shape_cast %broadcast_in_dim3A_326 : vector<16xf32> to vector<1x16xf32>
        tpu.vector_store %arg18[%swap3A_331, %swap3A_332], %swap3A_335 {strides = array<i32>} : memref<80x16xf32, #tpu.memory_space<vmem>>, vector<1x16xf32>,
        %slice3A_336 = vector.extract_strided_slice %get3A_183 {offsets = [13], sizes = [1], strides = [1]} : vector<16xf32> to vector<1xf32>
        %squeeze3A_337 = vector.extract %slice3A_336[0] : f32 from vector<1xf32>
        %broadcast_in_dim3A_338 = vector.broadcast %squeeze3A_337 : f32 to vector<16xf32>
        %mul3A_339 = arith.constant 16 : i32
        %mul3A_340 = arith.muli %scan3A_178, %mul3A_339 : i32
        %add3A_341 = arith.constant 13 : i32
        %add3A_342 = arith.addi %mul3A_340, %add3A_341 : i32
        %swap3A_343 = arith.index_cast %add3A_342 : i32 to index
        %swap3A_344 = arith.constant 0 : index
        %swap3A_345 = tpu.vector_load %arg18[%swap3A_343, %swap3A_344] {strides = array<i32>} : memref<80x16xf32, #tpu.memory_space<vmem>>, vector<1x16xf32>,
        %swap3A_346 = vector.shape_cast %swap3A_345 : vector<1x16xf32> to vector<16xf32>
        %swap3A_347 = vector.shape_cast %broadcast_in_dim3A_338 : vector<16xf32> to vector<1x16xf32>
        tpu.vector_store %arg18[%swap3A_343, %swap3A_344], %swap3A_347 {strides = array<i32>} : memref<80x16xf32, #tpu.memory_space<vmem>>, vector<1x16xf32>,
        %slice3A_348 = vector.extract_strided_slice %get3A_183 {offsets = [14], sizes = [1], strides = [1]} : vector<16xf32> to vector<1xf32>
        %squeeze3A_349 = vector.extract %slice3A_348[0] : f32 from vector<1xf32>
        %broadcast_in_dim3A_350 = vector.broadcast %squeeze3A_349 : f32 to vector<16xf32>
        %mul3A_351 = arith.constant 16 : i32
        %mul3A_352 = arith.muli %scan3A_178, %mul3A_351 : i32
        %add3A_353 = arith.constant 14 : i32
        %add3A_354 = arith.addi %mul3A_352, %add3A_353 : i32
        %swap3A_355 = arith.index_cast %add3A_354 : i32 to index
        %swap3A_356 = arith.constant 0 : index
        %swap3A_357 = tpu.vector_load %arg18[%swap3A_355, %swap3A_356] {strides = array<i32>} : memref<80x16xf32, #tpu.memory_space<vmem>>, vector<1x16xf32>,
        %swap3A_358 = vector.shape_cast %swap3A_357 : vector<1x16xf32> to vector<16xf32>
        %swap3A_359 = vector.shape_cast %broadcast_in_dim3A_350 : vector<16xf32> to vector<1x16xf32>
        tpu.vector_store %arg18[%swap3A_355, %swap3A_356], %swap3A_359 {strides = array<i32>} : memref<80x16xf32, #tpu.memory_space<vmem>>, vector<1x16xf32>,
        %slice3A_360 = vector.extract_strided_slice %get3A_183 {offsets = [15], sizes = [1], strides = [1]} : vector<16xf32> to vector<1xf32>
        %squeeze3A_361 = vector.extract %slice3A_360[0] : f32 from vector<1xf32>
        %broadcast_in_dim3A_362 = vector.broadcast %squeeze3A_361 : f32 to vector<16xf32>
        %mul3A_363 = arith.constant 16 : i32
        %mul3A_364 = arith.muli %scan3A_178, %mul3A_363 : i32
        %add3A_365 = arith.constant 15 : i32
        %add3A_366 = arith.addi %mul3A_364, %add3A_365 : i32
        %swap3A_367 = arith.index_cast %add3A_366 : i32 to index
        %swap3A_368 = arith.constant 0 : index
        %swap3A_369 = tpu.vector_load %arg18[%swap3A_367, %swap3A_368] {strides = array<i32>} : memref<80x16xf32, #tpu.memory_space<vmem>>, vector<1x16xf32>,
        %swap3A_370 = vector.shape_cast %swap3A_369 : vector<1x16xf32> to vector<16xf32>
        %swap3A_371 = vector.shape_cast %broadcast_in_dim3A_362 : vector<16xf32> to vector<1x16xf32>
        tpu.vector_store %arg18[%swap3A_367, %swap3A_368], %swap3A_371 {strides = array<i32>} : memref<80x16xf32, #tpu.memory_space<vmem>>, vector<1x16xf32>,
        %scan3A_372 = arith.constant 0 : i32
        scf.yield %scan3A_372 : i32
      }
      %scan3A_153 = arith.constant 5 : i32
      %parallel_loop3A_154 = arith.constant 0 : i32
      %parallel_loop3A_155 = arith.constant 80 : i32
      %parallel_loop3A_156 = arith.constant 1 : i32
      scf.for %parallel_loop3A_178 = %parallel_loop3A_154 to %parallel_loop3A_155 step %parallel_loop3A_156  : i32 {
        %parallel_loop3A_179 = arith.index_cast %parallel_loop3A_178 : i32 to index
        %parallel_loop3A_180 = arith.constant 0 : index
        %parallel_loop3A_181 = tpu.vector_load %arg18[%parallel_loop3A_179, %parallel_loop3A_180] {strides = array<i32>} : memref<80x16xf32, #tpu.memory_space<vmem>>, vector<1x16xf32>,
        %parallel_loop3A_182 = vector.shape_cast %parallel_loop3A_181 : vector<1x16xf32> to vector<16xf32>
        %parallel_loop3A_183 = arith.index_cast %parallel_loop3A_178 : i32 to index
        %parallel_loop3A_184 = arith.constant 0 : index
        %parallel_loop3A_185 = tpu.vector_load %arg17[%parallel_loop3A_183, %parallel_loop3A_184] {strides = array<i32>} : memref<80x128xf32, #tpu.memory_space<vmem>>, vector<1x16xf32>,
        %parallel_loop3A_186 = vector.shape_cast %parallel_loop3A_185 : vector<1x16xf32> to vector<16xf32>
        %parallel_loop3A_187 = arith.index_cast %parallel_loop3A_178 : i32 to index
        %parallel_loop3A_188 = arith.constant 0 : index
        %parallel_loop3A_189 = tpu.vector_load %arg15[%parallel_loop3A_187, %parallel_loop3A_188] {strides = array<i32>} : memref<80x128xf32, #tpu.memory_space<vmem>>, vector<1x16xf32>,
        %parallel_loop3A_190 = vector.shape_cast %parallel_loop3A_189 : vector<1x16xf32> to vector<16xf32>
        %parallel_loop3A_191 = arith.mulf %parallel_loop3A_190, %parallel_loop3A_182 : vector<16xf32>
        %parallel_loop3A_192 = arith.addf %parallel_loop3A_186, %parallel_loop3A_191 : vector<16xf32>
        %parallel_loop3A_193 = arith.index_cast %parallel_loop3A_178 : i32 to index
        %parallel_loop3A_194 = arith.constant 0 : index
        %parallel_loop3A_195 = tpu.vector_load %arg17[%parallel_loop3A_193, %parallel_loop3A_194] {strides = array<i32>} : memref<80x128xf32, #tpu.memory_space<vmem>>, vector<1x16xf32>,
        %parallel_loop3A_196 = vector.shape_cast %parallel_loop3A_195 : vector<1x16xf32> to vector<16xf32>
        %parallel_loop3A_197 = vector.shape_cast %parallel_loop3A_192 : vector<16xf32> to vector<1x16xf32>
        tpu.vector_store %arg17[%parallel_loop3A_193, %parallel_loop3A_194], %parallel_loop3A_197 {strides = array<i32>} : memref<80x128xf32, #tpu.memory_space<vmem>>, vector<1x16xf32>,
        %parallel_loop3A_198 = arith.index_cast %parallel_loop3A_178 : i32 to index
        %parallel_loop3A_199 = arith.constant 16 : index
        %parallel_loop3A_200 = tpu.vector_load %arg17[%parallel_loop3A_198, %parallel_loop3A_199] {strides = array<i32>} : memref<80x128xf32, #tpu.memory_space<vmem>>, vector<1x16xf32>,
        %parallel_loop3A_201 = vector.shape_cast %parallel_loop3A_200 : vector<1x16xf32> to vector<16xf32>
        %parallel_loop3A_202 = arith.index_cast %parallel_loop3A_178 : i32 to index
        %parallel_loop3A_203 = arith.constant 16 : index
        %parallel_loop3A_204 = tpu.vector_load %arg15[%parallel_loop3A_202, %parallel_loop3A_203] {strides = array<i32>} : memref<80x128xf32, #tpu.memory_space<vmem>>, vector<1x16xf32>,
        %parallel_loop3A_205 = vector.shape_cast %parallel_loop3A_204 : vector<1x16xf32> to vector<16xf32>
        %parallel_loop3A_206 = arith.mulf %parallel_loop3A_205, %parallel_loop3A_182 : vector<16xf32>
        %parallel_loop3A_207 = arith.addf %parallel_loop3A_201, %parallel_loop3A_206 : vector<16xf32>
        %parallel_loop3A_208 = arith.index_cast %parallel_loop3A_178 : i32 to index
        %parallel_loop3A_209 = arith.constant 16 : index
        %parallel_loop3A_210 = tpu.vector_load %arg17[%parallel_loop3A_208, %parallel_loop3A_209] {strides = array<i32>} : memref<80x128xf32, #tpu.memory_space<vmem>>, vector<1x16xf32>,
        %parallel_loop3A_211 = vector.shape_cast %parallel_loop3A_210 : vector<1x16xf32> to vector<16xf32>
        %parallel_loop3A_212 = vector.shape_cast %parallel_loop3A_207 : vector<16xf32> to vector<1x16xf32>
        tpu.vector_store %arg17[%parallel_loop3A_208, %parallel_loop3A_209], %parallel_loop3A_212 {strides = array<i32>} : memref<80x128xf32, #tpu.memory_space<vmem>>, vector<1x16xf32>,
        %parallel_loop3A_213 = arith.index_cast %parallel_loop3A_178 : i32 to index
        %parallel_loop3A_214 = arith.constant 32 : index
        %parallel_loop3A_215 = tpu.vector_load %arg17[%parallel_loop3A_213, %parallel_loop3A_214] {strides = array<i32>} : memref<80x128xf32, #tpu.memory_space<vmem>>, vector<1x16xf32>,
        %parallel_loop3A_216 = vector.shape_cast %parallel_loop3A_215 : vector<1x16xf32> to vector<16xf32>
        %parallel_loop3A_217 = arith.index_cast %parallel_loop3A_178 : i32 to index
        %parallel_loop3A_218 = arith.constant 32 : index
        %parallel_loop3A_219 = tpu.vector_load %arg15[%parallel_loop3A_217, %parallel_loop3A_218] {strides = array<i32>} : memref<80x128xf32, #tpu.memory_space<vmem>>, vector<1x16xf32>,
        %parallel_loop3A_220 = vector.shape_cast %parallel_loop3A_219 : vector<1x16xf32> to vector<16xf32>
        %parallel_loop3A_221 = arith.mulf %parallel_loop3A_220, %parallel_loop3A_182 : vector<16xf32>
        %parallel_loop3A_222 = arith.addf %parallel_loop3A_216, %parallel_loop3A_221 : vector<16xf32>
        %parallel_loop3A_223 = arith.index_cast %parallel_loop3A_178 : i32 to index
        %parallel_loop3A_224 = arith.constant 32 : index
        %parallel_loop3A_225 = tpu.vector_load %arg17[%parallel_loop3A_223, %parallel_loop3A_224] {strides = array<i32>} : memref<80x128xf32, #tpu.memory_space<vmem>>, vector<1x16xf32>,
        %parallel_loop3A_226 = vector.shape_cast %parallel_loop3A_225 : vector<1x16xf32> to vector<16xf32>
        %parallel_loop3A_227 = vector.shape_cast %parallel_loop3A_222 : vector<16xf32> to vector<1x16xf32>
        tpu.vector_store %arg17[%parallel_loop3A_223, %parallel_loop3A_224], %parallel_loop3A_227 {strides = array<i32>} : memref<80x128xf32, #tpu.memory_space<vmem>>, vector<1x16xf32>,
        %parallel_loop3A_228 = arith.index_cast %parallel_loop3A_178 : i32 to index
        %parallel_loop3A_229 = arith.constant 48 : index
        %parallel_loop3A_230 = tpu.vector_load %arg17[%parallel_loop3A_228, %parallel_loop3A_229] {strides = array<i32>} : memref<80x128xf32, #tpu.memory_space<vmem>>, vector<1x16xf32>,
        %parallel_loop3A_231 = vector.shape_cast %parallel_loop3A_230 : vector<1x16xf32> to vector<16xf32>
        %parallel_loop3A_232 = arith.index_cast %parallel_loop3A_178 : i32 to index
        %parallel_loop3A_233 = arith.constant 48 : index
        %parallel_loop3A_234 = tpu.vector_load %arg15[%parallel_loop3A_232, %parallel_loop3A_233] {strides = array<i32>} : memref<80x128xf32, #tpu.memory_space<vmem>>, vector<1x16xf32>,
        %parallel_loop3A_235 = vector.shape_cast %parallel_loop3A_234 : vector<1x16xf32> to vector<16xf32>
        %parallel_loop3A_236 = arith.mulf %parallel_loop3A_235, %parallel_loop3A_182 : vector<16xf32>
        %parallel_loop3A_237 = arith.addf %parallel_loop3A_231, %parallel_loop3A_236 : vector<16xf32>
        %parallel_loop3A_238 = arith.index_cast %parallel_loop3A_178 : i32 to index
        %parallel_loop3A_239 = arith.constant 48 : index
        %parallel_loop3A_240 = tpu.vector_load %arg17[%parallel_loop3A_238, %parallel_loop3A_239] {strides = array<i32>} : memref<80x128xf32, #tpu.memory_space<vmem>>, vector<1x16xf32>,
        %parallel_loop3A_241 = vector.shape_cast %parallel_loop3A_240 : vector<1x16xf32> to vector<16xf32>
        %parallel_loop3A_242 = vector.shape_cast %parallel_loop3A_237 : vector<16xf32> to vector<1x16xf32>
        tpu.vector_store %arg17[%parallel_loop3A_238, %parallel_loop3A_239], %parallel_loop3A_242 {strides = array<i32>} : memref<80x128xf32, #tpu.memory_space<vmem>>, vector<1x16xf32>,
        %parallel_loop3A_243 = arith.index_cast %parallel_loop3A_178 : i32 to index
        %parallel_loop3A_244 = arith.constant 64 : index
        %parallel_loop3A_245 = tpu.vector_load %arg17[%parallel_loop3A_243, %parallel_loop3A_244] {strides = array<i32>} : memref<80x128xf32, #tpu.memory_space<vmem>>, vector<1x16xf32>,
        %parallel_loop3A_246 = vector.shape_cast %parallel_loop3A_245 : vector<1x16xf32> to vector<16xf32>
        %parallel_loop3A_247 = arith.index_cast %parallel_loop3A_178 : i32 to index
        %parallel_loop3A_248 = arith.constant 64 : index
        %parallel_loop3A_249 = tpu.vector_load %arg15[%parallel_loop3A_247, %parallel_loop3A_248] {strides = array<i32>} : memref<80x128xf32, #tpu.memory_space<vmem>>, vector<1x16xf32>,
        %parallel_loop3A_250 = vector.shape_cast %parallel_loop3A_249 : vector<1x16xf32> to vector<16xf32>
        %parallel_loop3A_251 = arith.mulf %parallel_loop3A_250, %parallel_loop3A_182 : vector<16xf32>
        %parallel_loop3A_252 = arith.addf %parallel_loop3A_246, %parallel_loop3A_251 : vector<16xf32>
        %parallel_loop3A_253 = arith.index_cast %parallel_loop3A_178 : i32 to index
        %parallel_loop3A_254 = arith.constant 64 : index
        %parallel_loop3A_255 = tpu.vector_load %arg17[%parallel_loop3A_253, %parallel_loop3A_254] {strides = array<i32>} : memref<80x128xf32, #tpu.memory_space<vmem>>, vector<1x16xf32>,
        %parallel_loop3A_256 = vector.shape_cast %parallel_loop3A_255 : vector<1x16xf32> to vector<16xf32>
        %parallel_loop3A_257 = vector.shape_cast %parallel_loop3A_252 : vector<16xf32> to vector<1x16xf32>
        tpu.vector_store %arg17[%parallel_loop3A_253, %parallel_loop3A_254], %parallel_loop3A_257 {strides = array<i32>} : memref<80x128xf32, #tpu.memory_space<vmem>>, vector<1x16xf32>,
        %parallel_loop3A_258 = arith.index_cast %parallel_loop3A_178 : i32 to index
        %parallel_loop3A_259 = arith.constant 80 : index
        %parallel_loop3A_260 = tpu.vector_load %arg17[%parallel_loop3A_258, %parallel_loop3A_259] {strides = array<i32>} : memref<80x128xf32, #tpu.memory_space<vmem>>, vector<1x16xf32>,
        %parallel_loop3A_261 = vector.shape_cast %parallel_loop3A_260 : vector<1x16xf32> to vector<16xf32>
        %parallel_loop3A_262 = arith.index_cast %parallel_loop3A_178 : i32 to index
        %parallel_loop3A_263 = arith.constant 80 : index
        %parallel_loop3A_264 = tpu.vector_load %arg15[%parallel_loop3A_262, %parallel_loop3A_263] {strides = array<i32>} : memref<80x128xf32, #tpu.memory_space<vmem>>, vector<1x16xf32>,
        %parallel_loop3A_265 = vector.shape_cast %parallel_loop3A_264 : vector<1x16xf32> to vector<16xf32>
        %parallel_loop3A_266 = arith.mulf %parallel_loop3A_265, %parallel_loop3A_182 : vector<16xf32>
        %parallel_loop3A_267 = arith.addf %parallel_loop3A_261, %parallel_loop3A_266 : vector<16xf32>
        %parallel_loop3A_268 = arith.index_cast %parallel_loop3A_178 : i32 to index
        %parallel_loop3A_269 = arith.constant 80 : index
        %parallel_loop3A_270 = tpu.vector_load %arg17[%parallel_loop3A_268, %parallel_loop3A_269] {strides = array<i32>} : memref<80x128xf32, #tpu.memory_space<vmem>>, vector<1x16xf32>,
        %parallel_loop3A_271 = vector.shape_cast %parallel_loop3A_270 : vector<1x16xf32> to vector<16xf32>
        %parallel_loop3A_272 = vector.shape_cast %parallel_loop3A_267 : vector<16xf32> to vector<1x16xf32>
        tpu.vector_store %arg17[%parallel_loop3A_268, %parallel_loop3A_269], %parallel_loop3A_272 {strides = array<i32>} : memref<80x128xf32, #tpu.memory_space<vmem>>, vector<1x16xf32>,
        %parallel_loop3A_273 = arith.index_cast %parallel_loop3A_178 : i32 to index
        %parallel_loop3A_274 = arith.constant 96 : index
        %parallel_loop3A_275 = tpu.vector_load %arg17[%parallel_loop3A_273, %parallel_loop3A_274] {strides = array<i32>} : memref<80x128xf32, #tpu.memory_space<vmem>>, vector<1x16xf32>,
        %parallel_loop3A_276 = vector.shape_cast %parallel_loop3A_275 : vector<1x16xf32> to vector<16xf32>
        %parallel_loop3A_277 = arith.index_cast %parallel_loop3A_178 : i32 to index
        %parallel_loop3A_278 = arith.constant 96 : index
        %parallel_loop3A_279 = tpu.vector_load %arg15[%parallel_loop3A_277, %parallel_loop3A_278] {strides = array<i32>} : memref<80x128xf32, #tpu.memory_space<vmem>>, vector<1x16xf32>,
        %parallel_loop3A_280 = vector.shape_cast %parallel_loop3A_279 : vector<1x16xf32> to vector<16xf32>
        %parallel_loop3A_281 = arith.mulf %parallel_loop3A_280, %parallel_loop3A_182 : vector<16xf32>
        %parallel_loop3A_282 = arith.addf %parallel_loop3A_276, %parallel_loop3A_281 : vector<16xf32>
        %parallel_loop3A_283 = arith.index_cast %parallel_loop3A_178 : i32 to index
        %parallel_loop3A_284 = arith.constant 96 : index
        %parallel_loop3A_285 = tpu.vector_load %arg17[%parallel_loop3A_283, %parallel_loop3A_284] {strides = array<i32>} : memref<80x128xf32, #tpu.memory_space<vmem>>, vector<1x16xf32>,
        %parallel_loop3A_286 = vector.shape_cast %parallel_loop3A_285 : vector<1x16xf32> to vector<16xf32>
        %parallel_loop3A_287 = vector.shape_cast %parallel_loop3A_282 : vector<16xf32> to vector<1x16xf32>
        tpu.vector_store %arg17[%parallel_loop3A_283, %parallel_loop3A_284], %parallel_loop3A_287 {strides = array<i32>} : memref<80x128xf32, #tpu.memory_space<vmem>>, vector<1x16xf32>,
        %parallel_loop3A_288 = arith.index_cast %parallel_loop3A_178 : i32 to index
        %parallel_loop3A_289 = arith.constant 112 : index
        %parallel_loop3A_290 = tpu.vector_load %arg17[%parallel_loop3A_288, %parallel_loop3A_289] {strides = array<i32>} : memref<80x128xf32, #tpu.memory_space<vmem>>, vector<1x16xf32>,
        %parallel_loop3A_291 = vector.shape_cast %parallel_loop3A_290 : vector<1x16xf32> to vector<16xf32>
        %parallel_loop3A_292 = arith.index_cast %parallel_loop3A_178 : i32 to index
        %parallel_loop3A_293 = arith.constant 112 : index
        %parallel_loop3A_294 = tpu.vector_load %arg15[%parallel_loop3A_292, %parallel_loop3A_293] {strides = array<i32>} : memref<80x128xf32, #tpu.memory_space<vmem>>, vector<1x16xf32>,
        %parallel_loop3A_295 = vector.shape_cast %parallel_loop3A_294 : vector<1x16xf32> to vector<16xf32>
        %parallel_loop3A_296 = arith.mulf %parallel_loop3A_295, %parallel_loop3A_182 : vector<16xf32>
        %parallel_loop3A_297 = arith.addf %parallel_loop3A_291, %parallel_loop3A_296 : vector<16xf32>
        %parallel_loop3A_298 = arith.index_cast %parallel_loop3A_178 : i32 to index
        %parallel_loop3A_299 = arith.constant 112 : index
        %parallel_loop3A_300 = tpu.vector_load %arg17[%parallel_loop3A_298, %parallel_loop3A_299] {strides = array<i32>} : memref<80x128xf32, #tpu.memory_space<vmem>>, vector<1x16xf32>,
        %parallel_loop3A_301 = vector.shape_cast %parallel_loop3A_300 : vector<1x16xf32> to vector<16xf32>
        %parallel_loop3A_302 = vector.shape_cast %parallel_loop3A_297 : vector<16xf32> to vector<1x16xf32>
        tpu.vector_store %arg17[%parallel_loop3A_298, %parallel_loop3A_299], %parallel_loop3A_302 {strides = array<i32>} : memref<80x128xf32, #tpu.memory_space<vmem>>, vector<1x16xf32>,
      } {sc.loop_unroll_factor = 1 : i64, sc.parallel_access}
      %dma_start3A_157 = arith.constant 0 : i32
      %dma_start3A_158 = arith.constant 0 : i32
      %dma_start3A_159 = tpu.memref_slice %arg19[%dma_start3A_157, %dma_start3A_158] : memref<10000x128xf32, #tpu.memory_space<vmem_shared>> -> memref<10000x128xf32, #tpu.memory_space<vmem_shared>>
      tpu.enqueue_indirect_dma source(%arg17 : memref<80x128xf32, #tpu.memory_space<vmem>>) target(%dma_start3A_159 : memref<10000x128xf32, #tpu.memory_space<vmem_shared>>) offsets(%arg11 : memref<80xi32, #tpu.memory_space<vmem>>) semaphore(%arg25 : memref<!tpu.dma_semaphore, #tpu.memory_space<semaphore_mem>>) {add = true}
      %dma_wait3A_160 = arith.constant 0 : i32
      %dma_wait3A_161 = arith.constant 0 : i32
      %dma_wait3A_162 = tpu.memref_slice %arg19[%dma_wait3A_160, %dma_wait3A_161] : memref<10000x128xf32, #tpu.memory_space<vmem_shared>> -> memref<10000x128xf32, #tpu.memory_space<vmem_shared>>
      tpu.wait_indirect_dma semaphore(%arg24 : memref<!tpu.dma_semaphore, #tpu.memory_space<semaphore_mem>>) src(%arg16 : memref<80x128xf32, #tpu.memory_space<vmem>>) dst(%dma_wait3A_162 : memref<10000x128xf32, #tpu.memory_space<vmem_shared>>)
      %add3A_163 = arith.constant 2 : i32
      %add3A_164 = arith.addi %mul3A_93, %add3A_163 : i32
      %lt3A = arith.constant 125 : i32
      %lt3A_165 = arith.cmpi slt, %add3A_164, %lt3A : i32
      %convert_element_type3A = arith.extui %lt3A_165 : i1 to i32
      %cond3A = arith.constant 0 : i32
      %cond3A_166 = arith.cmpi ne, %convert_element_type3A, %cond3A : i32
      scf.if %cond3A_166 {
        %add3A_178 = arith.constant 2 : i32
        %add3A_179 = arith.addi %mul3A_93, %add3A_178 : i32
        "tpu.region"() ({
          %run_scoped3A_199 = tpu.sem_alloc : memref<!tpu.dma_semaphore, #tpu.memory_space<semaphore_mem>>
          %dma_start3A_200 = arith.constant 0 : i32
          %dma_start3A_201 = tpu.memref_slice %arg5[%add3A, %add3A_179, %dma_start3A_200] : memref<32x125x80xi32, #tpu.memory_space<hbm>> -> memref<1x1x80xi32, #tpu.memory_space<hbm>>
          %dma_start3A_202 = tpu.memref_squeeze %dma_start3A_201 : memref<1x1x80xi32, #tpu.memory_space<hbm>> -> memref<80xi32, #tpu.memory_space<hbm>>
          %dma_start3A_203 = arith.constant 0 : i32
          %dma_start3A_204 = tpu.memref_slice %arg5[%add3A, %add3A_179, %dma_start3A_203] : memref<32x125x80xi32, #tpu.memory_space<hbm>> -> memref<1x1x80xi32, #tpu.memory_space<hbm>>
          %dma_start3A_205 = tpu.memref_squeeze %dma_start3A_204 : memref<1x1x80xi32, #tpu.memory_space<hbm>> -> memref<80xi32, #tpu.memory_space<hbm>>
          tpu.enqueue_dma source(%dma_start3A_205 : memref<80xi32, #tpu.memory_space<hbm>>) target(%arg8 : memref<80xi32, #tpu.memory_space<vmem>>) target_semaphore(%run_scoped3A_199 : memref<!tpu.dma_semaphore, #tpu.memory_space<semaphore_mem>>)
          %dma_wait3A_206 = arith.constant 0 : i32
          %dma_wait3A_207 = tpu.memref_slice %arg5[%add3A, %add3A_179, %dma_wait3A_206] : memref<32x125x80xi32, #tpu.memory_space<hbm>> -> memref<1x1x80xi32, #tpu.memory_space<hbm>>
          %dma_wait3A_208 = tpu.memref_squeeze %dma_wait3A_207 : memref<1x1x80xi32, #tpu.memory_space<hbm>> -> memref<80xi32, #tpu.memory_space<hbm>>
          %dma_wait3A_209 = arith.constant 0 : i32
          %dma_wait3A_210 = tpu.memref_slice %arg5[%add3A, %add3A_179, %dma_wait3A_209] : memref<32x125x80xi32, #tpu.memory_space<hbm>> -> memref<1x1x80xi32, #tpu.memory_space<hbm>>
          %dma_wait3A_211 = tpu.memref_squeeze %dma_wait3A_210 : memref<1x1x80xi32, #tpu.memory_space<hbm>> -> memref<80xi32, #tpu.memory_space<hbm>>
          tpu.wait_dma2 semaphore(%run_scoped3A_199 : memref<!tpu.dma_semaphore, #tpu.memory_space<semaphore_mem>>) src(%dma_wait3A_211 : memref<80xi32, #tpu.memory_space<hbm>>) dst(%arg8 : memref<80xi32, #tpu.memory_space<vmem>>)
          tpu.yield
        }) : () -> ()
        "tpu.region"() ({
          %run_scoped3A_199 = tpu.sem_alloc : memref<!tpu.dma_semaphore, #tpu.memory_space<semaphore_mem>>
          %dma_start3A_200 = arith.constant 0 : i32
          %dma_start3A_201 = tpu.memref_slice %arg6[%add3A, %add3A_179, %dma_start3A_200] : memref<32x125x80xi32, #tpu.memory_space<hbm>> -> memref<1x1x80xi32, #tpu.memory_space<hbm>>
          %dma_start3A_202 = tpu.memref_squeeze %dma_start3A_201 : memref<1x1x80xi32, #tpu.memory_space<hbm>> -> memref<80xi32, #tpu.memory_space<hbm>>
          %dma_start3A_203 = arith.constant 0 : i32
          %dma_start3A_204 = tpu.memref_slice %arg6[%add3A, %add3A_179, %dma_start3A_203] : memref<32x125x80xi32, #tpu.memory_space<hbm>> -> memref<1x1x80xi32, #tpu.memory_space<hbm>>
          %dma_start3A_205 = tpu.memref_squeeze %dma_start3A_204 : memref<1x1x80xi32, #tpu.memory_space<hbm>> -> memref<80xi32, #tpu.memory_space<hbm>>
          tpu.enqueue_dma source(%dma_start3A_205 : memref<80xi32, #tpu.memory_space<hbm>>) target(%arg10 : memref<80xi32, #tpu.memory_space<vmem>>) target_semaphore(%run_scoped3A_199 : memref<!tpu.dma_semaphore, #tpu.memory_space<semaphore_mem>>)
          %dma_wait3A_206 = arith.constant 0 : i32
          %dma_wait3A_207 = tpu.memref_slice %arg6[%add3A, %add3A_179, %dma_wait3A_206] : memref<32x125x80xi32, #tpu.memory_space<hbm>> -> memref<1x1x80xi32, #tpu.memory_space<hbm>>
          %dma_wait3A_208 = tpu.memref_squeeze %dma_wait3A_207 : memref<1x1x80xi32, #tpu.memory_space<hbm>> -> memref<80xi32, #tpu.memory_space<hbm>>
          %dma_wait3A_209 = arith.constant 0 : i32
          %dma_wait3A_210 = tpu.memref_slice %arg6[%add3A, %add3A_179, %dma_wait3A_209] : memref<32x125x80xi32, #tpu.memory_space<hbm>> -> memref<1x1x80xi32, #tpu.memory_space<hbm>>
          %dma_wait3A_211 = tpu.memref_squeeze %dma_wait3A_210 : memref<1x1x80xi32, #tpu.memory_space<hbm>> -> memref<80xi32, #tpu.memory_space<hbm>>
          tpu.wait_dma2 semaphore(%run_scoped3A_199 : memref<!tpu.dma_semaphore, #tpu.memory_space<semaphore_mem>>) src(%dma_wait3A_211 : memref<80xi32, #tpu.memory_space<hbm>>) dst(%arg10 : memref<80xi32, #tpu.memory_space<vmem>>)
          tpu.yield
        }) : () -> ()
        %dma_start3A_180 = arith.constant 0 : i32
        %dma_start3A_181 = arith.constant 0 : i32
        %dma_start3A_182 = tpu.memref_slice %arg2[%dma_start3A_180, %dma_start3A_181] : memref<10000x128xf32, #tpu.memory_space<hbm>> -> memref<10000x128xf32, #tpu.memory_space<hbm>>
        tpu.enqueue_indirect_dma source(%dma_start3A_182 : memref<10000x128xf32, #tpu.memory_space<hbm>>) target(%arg14 : memref<80x128xf32, #tpu.memory_space<vmem>>) offsets(%arg8 : memref<80xi32, #tpu.memory_space<vmem>>) semaphore(%arg20 : memref<!tpu.dma_semaphore, #tpu.memory_space<semaphore_mem>>)
        %mul3A_183 = arith.constant 10000 : i32
        %mul3A_184 = arith.muli %add3A, %mul3A_183 : i32
        %mul3A_185 = arith.constant 80 : i32
        %mul3A_186 = arith.muli %add3A_179, %mul3A_185 : i32
        %add3A_187 = arith.addi %mul3A_184, %mul3A_186 : i32
        %dma_start3A_188 = arith.constant 0 : i32
        %dma_start3A_189 = tpu.memref_slice %arg3[%add3A_187, %dma_start3A_188] : memref<320000x128xf32, #tpu.memory_space<hbm>> -> memref<80x128xf32, #tpu.memory_space<hbm>>
        %dma_start3A_190 = arith.constant 0 : i32
        %dma_start3A_191 = tpu.memref_slice %arg3[%add3A_187, %dma_start3A_190] : memref<320000x128xf32, #tpu.memory_space<hbm>> -> memref<80x128xf32, #tpu.memory_space<hbm>>
        tpu.enqueue_dma source(%dma_start3A_191 : memref<80x128xf32, #tpu.memory_space<hbm>>) target(%arg16 : memref<80x128xf32, #tpu.memory_space<vmem>>) target_semaphore(%arg22 : memref<!tpu.dma_semaphore, #tpu.memory_space<semaphore_mem>>)
        %mul3A_192 = arith.constant 10000 : i32
        %mul3A_193 = arith.muli %add3A, %mul3A_192 : i32
        %mul3A_194 = arith.constant 80 : i32
        %mul3A_195 = arith.muli %add3A_179, %mul3A_194 : i32
        %add3A_196 = arith.addi %mul3A_193, %mul3A_195 : i32
        %dma_start3A_197 = tpu.memref_slice %arg4[%add3A_196] : memref<320000xf32, #tpu.memory_space<hbm>> -> memref<80xf32, #tpu.memory_space<hbm>>
        %dma_start3A_198 = tpu.memref_slice %arg4[%add3A_196] : memref<320000xf32, #tpu.memory_space<hbm>> -> memref<80xf32, #tpu.memory_space<hbm>>
        tpu.enqueue_dma source(%dma_start3A_198 : memref<80xf32, #tpu.memory_space<hbm>>) target(%arg12 : memref<80xf32, #tpu.memory_space<vmem>>) target_semaphore(%arg26 : memref<!tpu.dma_semaphore, #tpu.memory_space<semaphore_mem>>)
      } else {
      }
      %dma_wait3A_167 = arith.constant 0 : i32
      %dma_wait3A_168 = arith.constant 0 : i32
      %dma_wait3A_169 = tpu.memref_slice %arg19[%dma_wait3A_167, %dma_wait3A_168] : memref<10000x128xf32, #tpu.memory_space<vmem_shared>> -> memref<10000x128xf32, #tpu.memory_space<vmem_shared>>
      tpu.wait_indirect_dma semaphore(%arg25 : memref<!tpu.dma_semaphore, #tpu.memory_space<semaphore_mem>>) src(%arg17 : memref<80x128xf32, #tpu.memory_space<vmem>>) dst(%dma_wait3A_169 : memref<10000x128xf32, #tpu.memory_space<vmem_shared>>)
      %add3A_170 = arith.constant 3 : i32
      %add3A_171 = arith.addi %mul3A_93, %add3A_170 : i32
      %lt3A_172 = arith.constant 125 : i32
      %lt3A_173 = arith.cmpi slt, %add3A_171, %lt3A_172 : i32
      %convert_element_type3A_174 = arith.extui %lt3A_173 : i1 to i32
      %cond3A_175 = arith.constant 0 : i32
      %cond3A_176 = arith.cmpi ne, %convert_element_type3A_174, %cond3A_175 : i32
      scf.if %cond3A_176 {
        %add3A_178 = arith.constant 3 : i32
        %add3A_179 = arith.addi %mul3A_93, %add3A_178 : i32
        "tpu.region"() ({
          %run_scoped3A_199 = tpu.sem_alloc : memref<!tpu.dma_semaphore, #tpu.memory_space<semaphore_mem>>
          %dma_start3A_200 = arith.constant 0 : i32
          %dma_start3A_201 = tpu.memref_slice %arg5[%add3A, %add3A_179, %dma_start3A_200] : memref<32x125x80xi32, #tpu.memory_space<hbm>> -> memref<1x1x80xi32, #tpu.memory_space<hbm>>
          %dma_start3A_202 = tpu.memref_squeeze %dma_start3A_201 : memref<1x1x80xi32, #tpu.memory_space<hbm>> -> memref<80xi32, #tpu.memory_space<hbm>>
          %dma_start3A_203 = arith.constant 0 : i32
          %dma_start3A_204 = tpu.memref_slice %arg5[%add3A, %add3A_179, %dma_start3A_203] : memref<32x125x80xi32, #tpu.memory_space<hbm>> -> memref<1x1x80xi32, #tpu.memory_space<hbm>>
          %dma_start3A_205 = tpu.memref_squeeze %dma_start3A_204 : memref<1x1x80xi32, #tpu.memory_space<hbm>> -> memref<80xi32, #tpu.memory_space<hbm>>
          tpu.enqueue_dma source(%dma_start3A_205 : memref<80xi32, #tpu.memory_space<hbm>>) target(%arg9 : memref<80xi32, #tpu.memory_space<vmem>>) target_semaphore(%run_scoped3A_199 : memref<!tpu.dma_semaphore, #tpu.memory_space<semaphore_mem>>)
          %dma_wait3A_206 = arith.constant 0 : i32
          %dma_wait3A_207 = tpu.memref_slice %arg5[%add3A, %add3A_179, %dma_wait3A_206] : memref<32x125x80xi32, #tpu.memory_space<hbm>> -> memref<1x1x80xi32, #tpu.memory_space<hbm>>
          %dma_wait3A_208 = tpu.memref_squeeze %dma_wait3A_207 : memref<1x1x80xi32, #tpu.memory_space<hbm>> -> memref<80xi32, #tpu.memory_space<hbm>>
          %dma_wait3A_209 = arith.constant 0 : i32
          %dma_wait3A_210 = tpu.memref_slice %arg5[%add3A, %add3A_179, %dma_wait3A_209] : memref<32x125x80xi32, #tpu.memory_space<hbm>> -> memref<1x1x80xi32, #tpu.memory_space<hbm>>
          %dma_wait3A_211 = tpu.memref_squeeze %dma_wait3A_210 : memref<1x1x80xi32, #tpu.memory_space<hbm>> -> memref<80xi32, #tpu.memory_space<hbm>>
          tpu.wait_dma2 semaphore(%run_scoped3A_199 : memref<!tpu.dma_semaphore, #tpu.memory_space<semaphore_mem>>) src(%dma_wait3A_211 : memref<80xi32, #tpu.memory_space<hbm>>) dst(%arg9 : memref<80xi32, #tpu.memory_space<vmem>>)
          tpu.yield
        }) : () -> ()
        "tpu.region"() ({
          %run_scoped3A_199 = tpu.sem_alloc : memref<!tpu.dma_semaphore, #tpu.memory_space<semaphore_mem>>
          %dma_start3A_200 = arith.constant 0 : i32
          %dma_start3A_201 = tpu.memref_slice %arg6[%add3A, %add3A_179, %dma_start3A_200] : memref<32x125x80xi32, #tpu.memory_space<hbm>> -> memref<1x1x80xi32, #tpu.memory_space<hbm>>
          %dma_start3A_202 = tpu.memref_squeeze %dma_start3A_201 : memref<1x1x80xi32, #tpu.memory_space<hbm>> -> memref<80xi32, #tpu.memory_space<hbm>>
          %dma_start3A_203 = arith.constant 0 : i32
          %dma_start3A_204 = tpu.memref_slice %arg6[%add3A, %add3A_179, %dma_start3A_203] : memref<32x125x80xi32, #tpu.memory_space<hbm>> -> memref<1x1x80xi32, #tpu.memory_space<hbm>>
          %dma_start3A_205 = tpu.memref_squeeze %dma_start3A_204 : memref<1x1x80xi32, #tpu.memory_space<hbm>> -> memref<80xi32, #tpu.memory_space<hbm>>
          tpu.enqueue_dma source(%dma_start3A_205 : memref<80xi32, #tpu.memory_space<hbm>>) target(%arg11 : memref<80xi32, #tpu.memory_space<vmem>>) target_semaphore(%run_scoped3A_199 : memref<!tpu.dma_semaphore, #tpu.memory_space<semaphore_mem>>)
          %dma_wait3A_206 = arith.constant 0 : i32
          %dma_wait3A_207 = tpu.memref_slice %arg6[%add3A, %add3A_179, %dma_wait3A_206] : memref<32x125x80xi32, #tpu.memory_space<hbm>> -> memref<1x1x80xi32, #tpu.memory_space<hbm>>
          %dma_wait3A_208 = tpu.memref_squeeze %dma_wait3A_207 : memref<1x1x80xi32, #tpu.memory_space<hbm>> -> memref<80xi32, #tpu.memory_space<hbm>>
          %dma_wait3A_209 = arith.constant 0 : i32
          %dma_wait3A_210 = tpu.memref_slice %arg6[%add3A, %add3A_179, %dma_wait3A_209] : memref<32x125x80xi32, #tpu.memory_space<hbm>> -> memref<1x1x80xi32, #tpu.memory_space<hbm>>
          %dma_wait3A_211 = tpu.memref_squeeze %dma_wait3A_210 : memref<1x1x80xi32, #tpu.memory_space<hbm>> -> memref<80xi32, #tpu.memory_space<hbm>>
          tpu.wait_dma2 semaphore(%run_scoped3A_199 : memref<!tpu.dma_semaphore, #tpu.memory_space<semaphore_mem>>) src(%dma_wait3A_211 : memref<80xi32, #tpu.memory_space<hbm>>) dst(%arg11 : memref<80xi32, #tpu.memory_space<vmem>>)
          tpu.yield
        }) : () -> ()
        %dma_start3A_180 = arith.constant 0 : i32
        %dma_start3A_181 = arith.constant 0 : i32
        %dma_start3A_182 = tpu.memref_slice %arg2[%dma_start3A_180, %dma_start3A_181] : memref<10000x128xf32, #tpu.memory_space<hbm>> -> memref<10000x128xf32, #tpu.memory_space<hbm>>
        tpu.enqueue_indirect_dma source(%dma_start3A_182 : memref<10000x128xf32, #tpu.memory_space<hbm>>) target(%arg15 : memref<80x128xf32, #tpu.memory_space<vmem>>) offsets(%arg9 : memref<80xi32, #tpu.memory_space<vmem>>) semaphore(%arg21 : memref<!tpu.dma_semaphore, #tpu.memory_space<semaphore_mem>>)
        %mul3A_183 = arith.constant 10000 : i32
        %mul3A_184 = arith.muli %add3A, %mul3A_183 : i32
        %mul3A_185 = arith.constant 80 : i32
        %mul3A_186 = arith.muli %add3A_179, %mul3A_185 : i32
        %add3A_187 = arith.addi %mul3A_184, %mul3A_186 : i32
        %dma_start3A_188 = arith.constant 0 : i32
        %dma_start3A_189 = tpu.memref_slice %arg3[%add3A_187, %dma_start3A_188] : memref<320000x128xf32, #tpu.memory_space<hbm>> -> memref<80x128xf32, #tpu.memory_space<hbm>>
        %dma_start3A_190 = arith.constant 0 : i32
        %dma_start3A_191 = tpu.memref_slice %arg3[%add3A_187, %dma_start3A_190] : memref<320000x128xf32, #tpu.memory_space<hbm>> -> memref<80x128xf32, #tpu.memory_space<hbm>>
        tpu.enqueue_dma source(%dma_start3A_191 : memref<80x128xf32, #tpu.memory_space<hbm>>) target(%arg17 : memref<80x128xf32, #tpu.memory_space<vmem>>) target_semaphore(%arg23 : memref<!tpu.dma_semaphore, #tpu.memory_space<semaphore_mem>>)
        %mul3A_192 = arith.constant 10000 : i32
        %mul3A_193 = arith.muli %add3A, %mul3A_192 : i32
        %mul3A_194 = arith.constant 80 : i32
        %mul3A_195 = arith.muli %add3A_179, %mul3A_194 : i32
        %add3A_196 = arith.addi %mul3A_193, %mul3A_195 : i32
        %dma_start3A_197 = tpu.memref_slice %arg4[%add3A_196] : memref<320000xf32, #tpu.memory_space<hbm>> -> memref<80xf32, #tpu.memory_space<hbm>>
        %dma_start3A_198 = tpu.memref_slice %arg4[%add3A_196] : memref<320000xf32, #tpu.memory_space<hbm>> -> memref<80xf32, #tpu.memory_space<hbm>>
        tpu.enqueue_dma source(%dma_start3A_198 : memref<80xf32, #tpu.memory_space<hbm>>) target(%arg13 : memref<80xf32, #tpu.memory_space<vmem>>) target_semaphore(%arg27 : memref<!tpu.dma_semaphore, #tpu.memory_space<semaphore_mem>>)
      } else {
      }
      %scan3A_177 = arith.constant 0 : i32
      scf.yield %scan3A_177 : i32
    }
    %scan3A_56 = arith.constant 62 : i32
    %dma_wait3A = arith.constant 0 : i32
    %dma_wait3A_57 = arith.constant 0 : i32
    %dma_wait3A_58 = tpu.memref_slice %arg2[%dma_wait3A, %dma_wait3A_57] : memref<10000x128xf32, #tpu.memory_space<hbm>> -> memref<10000x128xf32, #tpu.memory_space<hbm>>
    tpu.wait_indirect_dma semaphore(%arg20 : memref<!tpu.dma_semaphore, #tpu.memory_space<semaphore_mem>>) src(%dma_wait3A_58 : memref<10000x128xf32, #tpu.memory_space<hbm>>) dst(%arg14 : memref<80x128xf32, #tpu.memory_space<vmem>>)
    %mul3A_59 = arith.constant 10000 : i32
    %mul3A_60 = arith.muli %add3A, %mul3A_59 : i32
    %add3A_61 = arith.constant 9920 : i32
    %add3A_62 = arith.addi %mul3A_60, %add3A_61 : i32
    %dma_wait3A_63 = arith.constant 0 : i32
    %dma_wait3A_64 = tpu.memref_slice %arg3[%add3A_62, %dma_wait3A_63] : memref<320000x128xf32, #tpu.memory_space<hbm>> -> memref<80x128xf32, #tpu.memory_space<hbm>>
    %dma_wait3A_65 = arith.constant 0 : i32
    %dma_wait3A_66 = tpu.memref_slice %arg3[%add3A_62, %dma_wait3A_65] : memref<320000x128xf32, #tpu.memory_space<hbm>> -> memref<80x128xf32, #tpu.memory_space<hbm>>
    tpu.wait_dma2 semaphore(%arg22 : memref<!tpu.dma_semaphore, #tpu.memory_space<semaphore_mem>>) src(%dma_wait3A_66 : memref<80x128xf32, #tpu.memory_space<hbm>>) dst(%arg16 : memref<80x128xf32, #tpu.memory_space<vmem>>)
    %mul3A_67 = arith.constant 10000 : i32
    %mul3A_68 = arith.muli %add3A, %mul3A_67 : i32
    %add3A_69 = arith.constant 9920 : i32
    %add3A_70 = arith.addi %mul3A_68, %add3A_69 : i32
    %dma_wait3A_71 = tpu.memref_slice %arg4[%add3A_70] : memref<320000xf32, #tpu.memory_space<hbm>> -> memref<80xf32, #tpu.memory_space<hbm>>
    %dma_wait3A_72 = tpu.memref_slice %arg4[%add3A_70] : memref<320000xf32, #tpu.memory_space<hbm>> -> memref<80xf32, #tpu.memory_space<hbm>>
    tpu.wait_dma2 semaphore(%arg26 : memref<!tpu.dma_semaphore, #tpu.memory_space<semaphore_mem>>) src(%dma_wait3A_72 : memref<80xf32, #tpu.memory_space<hbm>>) dst(%arg12 : memref<80xf32, #tpu.memory_space<vmem>>)
    %scan3A_73 = arith.constant 0 : i32
    %scan3A_74 = arith.constant 0 : i32
    %scan3A_75 = arith.constant 5 : i32
    %scan3A_76 = arith.addi %scan3A_74, %scan3A_75 : i32
    %scan3A_77 = arith.constant 1 : i32
    %scan3A_78 = scf.for %scan3A_90 = %scan3A_74 to %scan3A_76 step %scan3A_77 iter_args(%scan3A_91 = %scan3A_73) -> (i32)  : i32 {
      %mul3A_92 = arith.constant 16 : i32
      %mul3A_93 = arith.muli %scan3A_90, %mul3A_92 : i32
      %get3A = arith.index_cast %mul3A_93 : i32 to index
      %get3A_94 = tpu.vector_load %arg12[%get3A] {strides = array<i32>} : memref<80xf32, #tpu.memory_space<vmem>>, vector<16xf32>,
      %get3A_95 = vector.shape_cast %get3A_94 : vector<16xf32> to vector<16xf32>
      %slice3A = vector.extract_strided_slice %get3A_95 {offsets = [0], sizes = [1], strides = [1]} : vector<16xf32> to vector<1xf32>
      %squeeze3A = vector.extract %slice3A[0] : f32 from vector<1xf32>
      %broadcast_in_dim3A = vector.broadcast %squeeze3A : f32 to vector<16xf32>
      %mul3A_96 = arith.constant 16 : i32
      %mul3A_97 = arith.muli %scan3A_90, %mul3A_96 : i32
      %add3A_98 = arith.constant 0 : i32
      %add3A_99 = arith.addi %mul3A_97, %add3A_98 : i32
      %swap3A = arith.index_cast %add3A_99 : i32 to index
      %swap3A_100 = arith.constant 0 : index
      %swap3A_101 = tpu.vector_load %arg18[%swap3A, %swap3A_100] {strides = array<i32>} : memref<80x16xf32, #tpu.memory_space<vmem>>, vector<1x16xf32>,
      %swap3A_102 = vector.shape_cast %swap3A_101 : vector<1x16xf32> to vector<16xf32>
      %swap3A_103 = vector.shape_cast %broadcast_in_dim3A : vector<16xf32> to vector<1x16xf32>
      tpu.vector_store %arg18[%swap3A, %swap3A_100], %swap3A_103 {strides = array<i32>} : memref<80x16xf32, #tpu.memory_space<vmem>>, vector<1x16xf32>,
      %slice3A_104 = vector.extract_strided_slice %get3A_95 {offsets = [1], sizes = [1], strides = [1]} : vector<16xf32> to vector<1xf32>
      %squeeze3A_105 = vector.extract %slice3A_104[0] : f32 from vector<1xf32>
      %broadcast_in_dim3A_106 = vector.broadcast %squeeze3A_105 : f32 to vector<16xf32>
      %mul3A_107 = arith.constant 16 : i32
      %mul3A_108 = arith.muli %scan3A_90, %mul3A_107 : i32
      %add3A_109 = arith.constant 1 : i32
      %add3A_110 = arith.addi %mul3A_108, %add3A_109 : i32
      %swap3A_111 = arith.index_cast %add3A_110 : i32 to index
      %swap3A_112 = arith.constant 0 : index
      %swap3A_113 = tpu.vector_load %arg18[%swap3A_111, %swap3A_112] {strides = array<i32>} : memref<80x16xf32, #tpu.memory_space<vmem>>, vector<1x16xf32>,
      %swap3A_114 = vector.shape_cast %swap3A_113 : vector<1x16xf32> to vector<16xf32>
      %swap3A_115 = vector.shape_cast %broadcast_in_dim3A_106 : vector<16xf32> to vector<1x16xf32>
      tpu.vector_store %arg18[%swap3A_111, %swap3A_112], %swap3A_115 {strides = array<i32>} : memref<80x16xf32, #tpu.memory_space<vmem>>, vector<1x16xf32>,
      %slice3A_116 = vector.extract_strided_slice %get3A_95 {offsets = [2], sizes = [1], strides = [1]} : vector<16xf32> to vector<1xf32>
      %squeeze3A_117 = vector.extract %slice3A_116[0] : f32 from vector<1xf32>
      %broadcast_in_dim3A_118 = vector.broadcast %squeeze3A_117 : f32 to vector<16xf32>
      %mul3A_119 = arith.constant 16 : i32
      %mul3A_120 = arith.muli %scan3A_90, %mul3A_119 : i32
      %add3A_121 = arith.constant 2 : i32
      %add3A_122 = arith.addi %mul3A_120, %add3A_121 : i32
      %swap3A_123 = arith.index_cast %add3A_122 : i32 to index
      %swap3A_124 = arith.constant 0 : index
      %swap3A_125 = tpu.vector_load %arg18[%swap3A_123, %swap3A_124] {strides = array<i32>} : memref<80x16xf32, #tpu.memory_space<vmem>>, vector<1x16xf32>,
      %swap3A_126 = vector.shape_cast %swap3A_125 : vector<1x16xf32> to vector<16xf32>
      %swap3A_127 = vector.shape_cast %broadcast_in_dim3A_118 : vector<16xf32> to vector<1x16xf32>
      tpu.vector_store %arg18[%swap3A_123, %swap3A_124], %swap3A_127 {strides = array<i32>} : memref<80x16xf32, #tpu.memory_space<vmem>>, vector<1x16xf32>,
      %slice3A_128 = vector.extract_strided_slice %get3A_95 {offsets = [3], sizes = [1], strides = [1]} : vector<16xf32> to vector<1xf32>
      %squeeze3A_129 = vector.extract %slice3A_128[0] : f32 from vector<1xf32>
      %broadcast_in_dim3A_130 = vector.broadcast %squeeze3A_129 : f32 to vector<16xf32>
      %mul3A_131 = arith.constant 16 : i32
      %mul3A_132 = arith.muli %scan3A_90, %mul3A_131 : i32
      %add3A_133 = arith.constant 3 : i32
      %add3A_134 = arith.addi %mul3A_132, %add3A_133 : i32
      %swap3A_135 = arith.index_cast %add3A_134 : i32 to index
      %swap3A_136 = arith.constant 0 : index
      %swap3A_137 = tpu.vector_load %arg18[%swap3A_135, %swap3A_136] {strides = array<i32>} : memref<80x16xf32, #tpu.memory_space<vmem>>, vector<1x16xf32>,
      %swap3A_138 = vector.shape_cast %swap3A_137 : vector<1x16xf32> to vector<16xf32>
      %swap3A_139 = vector.shape_cast %broadcast_in_dim3A_130 : vector<16xf32> to vector<1x16xf32>
      tpu.vector_store %arg18[%swap3A_135, %swap3A_136], %swap3A_139 {strides = array<i32>} : memref<80x16xf32, #tpu.memory_space<vmem>>, vector<1x16xf32>,
      %slice3A_140 = vector.extract_strided_slice %get3A_95 {offsets = [4], sizes = [1], strides = [1]} : vector<16xf32> to vector<1xf32>
      %squeeze3A_141 = vector.extract %slice3A_140[0] : f32 from vector<1xf32>
      %broadcast_in_dim3A_142 = vector.broadcast %squeeze3A_141 : f32 to vector<16xf32>
      %mul3A_143 = arith.constant 16 : i32
      %mul3A_144 = arith.muli %scan3A_90, %mul3A_143 : i32
      %add3A_145 = arith.constant 4 : i32
      %add3A_146 = arith.addi %mul3A_144, %add3A_145 : i32
      %swap3A_147 = arith.index_cast %add3A_146 : i32 to index
      %swap3A_148 = arith.constant 0 : index
      %swap3A_149 = tpu.vector_load %arg18[%swap3A_147, %swap3A_148] {strides = array<i32>} : memref<80x16xf32, #tpu.memory_space<vmem>>, vector<1x16xf32>,
      %swap3A_150 = vector.shape_cast %swap3A_149 : vector<1x16xf32> to vector<16xf32>
      %swap3A_151 = vector.shape_cast %broadcast_in_dim3A_142 : vector<16xf32> to vector<1x16xf32>
      tpu.vector_store %arg18[%swap3A_147, %swap3A_148], %swap3A_151 {strides = array<i32>} : memref<80x16xf32, #tpu.memory_space<vmem>>, vector<1x16xf32>,
      %slice3A_152 = vector.extract_strided_slice %get3A_95 {offsets = [5], sizes = [1], strides = [1]} : vector<16xf32> to vector<1xf32>
      %squeeze3A_153 = vector.extract %slice3A_152[0] : f32 from vector<1xf32>
      %broadcast_in_dim3A_154 = vector.broadcast %squeeze3A_153 : f32 to vector<16xf32>
      %mul3A_155 = arith.constant 16 : i32
      %mul3A_156 = arith.muli %scan3A_90, %mul3A_155 : i32
      %add3A_157 = arith.constant 5 : i32
      %add3A_158 = arith.addi %mul3A_156, %add3A_157 : i32
      %swap3A_159 = arith.index_cast %add3A_158 : i32 to index
      %swap3A_160 = arith.constant 0 : index
      %swap3A_161 = tpu.vector_load %arg18[%swap3A_159, %swap3A_160] {strides = array<i32>} : memref<80x16xf32, #tpu.memory_space<vmem>>, vector<1x16xf32>,
      %swap3A_162 = vector.shape_cast %swap3A_161 : vector<1x16xf32> to vector<16xf32>
      %swap3A_163 = vector.shape_cast %broadcast_in_dim3A_154 : vector<16xf32> to vector<1x16xf32>
      tpu.vector_store %arg18[%swap3A_159, %swap3A_160], %swap3A_163 {strides = array<i32>} : memref<80x16xf32, #tpu.memory_space<vmem>>, vector<1x16xf32>,
      %slice3A_164 = vector.extract_strided_slice %get3A_95 {offsets = [6], sizes = [1], strides = [1]} : vector<16xf32> to vector<1xf32>
      %squeeze3A_165 = vector.extract %slice3A_164[0] : f32 from vector<1xf32>
      %broadcast_in_dim3A_166 = vector.broadcast %squeeze3A_165 : f32 to vector<16xf32>
      %mul3A_167 = arith.constant 16 : i32
      %mul3A_168 = arith.muli %scan3A_90, %mul3A_167 : i32
      %add3A_169 = arith.constant 6 : i32
      %add3A_170 = arith.addi %mul3A_168, %add3A_169 : i32
      %swap3A_171 = arith.index_cast %add3A_170 : i32 to index
      %swap3A_172 = arith.constant 0 : index
      %swap3A_173 = tpu.vector_load %arg18[%swap3A_171, %swap3A_172] {strides = array<i32>} : memref<80x16xf32, #tpu.memory_space<vmem>>, vector<1x16xf32>,
      %swap3A_174 = vector.shape_cast %swap3A_173 : vector<1x16xf32> to vector<16xf32>
      %swap3A_175 = vector.shape_cast %broadcast_in_dim3A_166 : vector<16xf32> to vector<1x16xf32>
      tpu.vector_store %arg18[%swap3A_171, %swap3A_172], %swap3A_175 {strides = array<i32>} : memref<80x16xf32, #tpu.memory_space<vmem>>, vector<1x16xf32>,
      %slice3A_176 = vector.extract_strided_slice %get3A_95 {offsets = [7], sizes = [1], strides = [1]} : vector<16xf32> to vector<1xf32>
      %squeeze3A_177 = vector.extract %slice3A_176[0] : f32 from vector<1xf32>
      %broadcast_in_dim3A_178 = vector.broadcast %squeeze3A_177 : f32 to vector<16xf32>
      %mul3A_179 = arith.constant 16 : i32
      %mul3A_180 = arith.muli %scan3A_90, %mul3A_179 : i32
      %add3A_181 = arith.constant 7 : i32
      %add3A_182 = arith.addi %mul3A_180, %add3A_181 : i32
      %swap3A_183 = arith.index_cast %add3A_182 : i32 to index
      %swap3A_184 = arith.constant 0 : index
      %swap3A_185 = tpu.vector_load %arg18[%swap3A_183, %swap3A_184] {strides = array<i32>} : memref<80x16xf32, #tpu.memory_space<vmem>>, vector<1x16xf32>,
      %swap3A_186 = vector.shape_cast %swap3A_185 : vector<1x16xf32> to vector<16xf32>
      %swap3A_187 = vector.shape_cast %broadcast_in_dim3A_178 : vector<16xf32> to vector<1x16xf32>
      tpu.vector_store %arg18[%swap3A_183, %swap3A_184], %swap3A_187 {strides = array<i32>} : memref<80x16xf32, #tpu.memory_space<vmem>>, vector<1x16xf32>,
      %slice3A_188 = vector.extract_strided_slice %get3A_95 {offsets = [8], sizes = [1], strides = [1]} : vector<16xf32> to vector<1xf32>
      %squeeze3A_189 = vector.extract %slice3A_188[0] : f32 from vector<1xf32>
      %broadcast_in_dim3A_190 = vector.broadcast %squeeze3A_189 : f32 to vector<16xf32>
      %mul3A_191 = arith.constant 16 : i32
      %mul3A_192 = arith.muli %scan3A_90, %mul3A_191 : i32
      %add3A_193 = arith.constant 8 : i32
      %add3A_194 = arith.addi %mul3A_192, %add3A_193 : i32
      %swap3A_195 = arith.index_cast %add3A_194 : i32 to index
      %swap3A_196 = arith.constant 0 : index
      %swap3A_197 = tpu.vector_load %arg18[%swap3A_195, %swap3A_196] {strides = array<i32>} : memref<80x16xf32, #tpu.memory_space<vmem>>, vector<1x16xf32>,
      %swap3A_198 = vector.shape_cast %swap3A_197 : vector<1x16xf32> to vector<16xf32>
      %swap3A_199 = vector.shape_cast %broadcast_in_dim3A_190 : vector<16xf32> to vector<1x16xf32>
      tpu.vector_store %arg18[%swap3A_195, %swap3A_196], %swap3A_199 {strides = array<i32>} : memref<80x16xf32, #tpu.memory_space<vmem>>, vector<1x16xf32>,
      %slice3A_200 = vector.extract_strided_slice %get3A_95 {offsets = [9], sizes = [1], strides = [1]} : vector<16xf32> to vector<1xf32>
      %squeeze3A_201 = vector.extract %slice3A_200[0] : f32 from vector<1xf32>
      %broadcast_in_dim3A_202 = vector.broadcast %squeeze3A_201 : f32 to vector<16xf32>
      %mul3A_203 = arith.constant 16 : i32
      %mul3A_204 = arith.muli %scan3A_90, %mul3A_203 : i32
      %add3A_205 = arith.constant 9 : i32
      %add3A_206 = arith.addi %mul3A_204, %add3A_205 : i32
      %swap3A_207 = arith.index_cast %add3A_206 : i32 to index
      %swap3A_208 = arith.constant 0 : index
      %swap3A_209 = tpu.vector_load %arg18[%swap3A_207, %swap3A_208] {strides = array<i32>} : memref<80x16xf32, #tpu.memory_space<vmem>>, vector<1x16xf32>,
      %swap3A_210 = vector.shape_cast %swap3A_209 : vector<1x16xf32> to vector<16xf32>
      %swap3A_211 = vector.shape_cast %broadcast_in_dim3A_202 : vector<16xf32> to vector<1x16xf32>
      tpu.vector_store %arg18[%swap3A_207, %swap3A_208], %swap3A_211 {strides = array<i32>} : memref<80x16xf32, #tpu.memory_space<vmem>>, vector<1x16xf32>,
      %slice3A_212 = vector.extract_strided_slice %get3A_95 {offsets = [10], sizes = [1], strides = [1]} : vector<16xf32> to vector<1xf32>
      %squeeze3A_213 = vector.extract %slice3A_212[0] : f32 from vector<1xf32>
      %broadcast_in_dim3A_214 = vector.broadcast %squeeze3A_213 : f32 to vector<16xf32>
      %mul3A_215 = arith.constant 16 : i32
      %mul3A_216 = arith.muli %scan3A_90, %mul3A_215 : i32
      %add3A_217 = arith.constant 10 : i32
      %add3A_218 = arith.addi %mul3A_216, %add3A_217 : i32
      %swap3A_219 = arith.index_cast %add3A_218 : i32 to index
      %swap3A_220 = arith.constant 0 : index
      %swap3A_221 = tpu.vector_load %arg18[%swap3A_219, %swap3A_220] {strides = array<i32>} : memref<80x16xf32, #tpu.memory_space<vmem>>, vector<1x16xf32>,
      %swap3A_222 = vector.shape_cast %swap3A_221 : vector<1x16xf32> to vector<16xf32>
      %swap3A_223 = vector.shape_cast %broadcast_in_dim3A_214 : vector<16xf32> to vector<1x16xf32>
      tpu.vector_store %arg18[%swap3A_219, %swap3A_220], %swap3A_223 {strides = array<i32>} : memref<80x16xf32, #tpu.memory_space<vmem>>, vector<1x16xf32>,
      %slice3A_224 = vector.extract_strided_slice %get3A_95 {offsets = [11], sizes = [1], strides = [1]} : vector<16xf32> to vector<1xf32>
      %squeeze3A_225 = vector.extract %slice3A_224[0] : f32 from vector<1xf32>
      %broadcast_in_dim3A_226 = vector.broadcast %squeeze3A_225 : f32 to vector<16xf32>
      %mul3A_227 = arith.constant 16 : i32
      %mul3A_228 = arith.muli %scan3A_90, %mul3A_227 : i32
      %add3A_229 = arith.constant 11 : i32
      %add3A_230 = arith.addi %mul3A_228, %add3A_229 : i32
      %swap3A_231 = arith.index_cast %add3A_230 : i32 to index
      %swap3A_232 = arith.constant 0 : index
      %swap3A_233 = tpu.vector_load %arg18[%swap3A_231, %swap3A_232] {strides = array<i32>} : memref<80x16xf32, #tpu.memory_space<vmem>>, vector<1x16xf32>,
      %swap3A_234 = vector.shape_cast %swap3A_233 : vector<1x16xf32> to vector<16xf32>
      %swap3A_235 = vector.shape_cast %broadcast_in_dim3A_226 : vector<16xf32> to vector<1x16xf32>
      tpu.vector_store %arg18[%swap3A_231, %swap3A_232], %swap3A_235 {strides = array<i32>} : memref<80x16xf32, #tpu.memory_space<vmem>>, vector<1x16xf32>,
      %slice3A_236 = vector.extract_strided_slice %get3A_95 {offsets = [12], sizes = [1], strides = [1]} : vector<16xf32> to vector<1xf32>
      %squeeze3A_237 = vector.extract %slice3A_236[0] : f32 from vector<1xf32>
      %broadcast_in_dim3A_238 = vector.broadcast %squeeze3A_237 : f32 to vector<16xf32>
      %mul3A_239 = arith.constant 16 : i32
      %mul3A_240 = arith.muli %scan3A_90, %mul3A_239 : i32
      %add3A_241 = arith.constant 12 : i32
      %add3A_242 = arith.addi %mul3A_240, %add3A_241 : i32
      %swap3A_243 = arith.index_cast %add3A_242 : i32 to index
      %swap3A_244 = arith.constant 0 : index
      %swap3A_245 = tpu.vector_load %arg18[%swap3A_243, %swap3A_244] {strides = array<i32>} : memref<80x16xf32, #tpu.memory_space<vmem>>, vector<1x16xf32>,
      %swap3A_246 = vector.shape_cast %swap3A_245 : vector<1x16xf32> to vector<16xf32>
      %swap3A_247 = vector.shape_cast %broadcast_in_dim3A_238 : vector<16xf32> to vector<1x16xf32>
      tpu.vector_store %arg18[%swap3A_243, %swap3A_244], %swap3A_247 {strides = array<i32>} : memref<80x16xf32, #tpu.memory_space<vmem>>, vector<1x16xf32>,
      %slice3A_248 = vector.extract_strided_slice %get3A_95 {offsets = [13], sizes = [1], strides = [1]} : vector<16xf32> to vector<1xf32>
      %squeeze3A_249 = vector.extract %slice3A_248[0] : f32 from vector<1xf32>
      %broadcast_in_dim3A_250 = vector.broadcast %squeeze3A_249 : f32 to vector<16xf32>
      %mul3A_251 = arith.constant 16 : i32
      %mul3A_252 = arith.muli %scan3A_90, %mul3A_251 : i32
      %add3A_253 = arith.constant 13 : i32
      %add3A_254 = arith.addi %mul3A_252, %add3A_253 : i32
      %swap3A_255 = arith.index_cast %add3A_254 : i32 to index
      %swap3A_256 = arith.constant 0 : index
      %swap3A_257 = tpu.vector_load %arg18[%swap3A_255, %swap3A_256] {strides = array<i32>} : memref<80x16xf32, #tpu.memory_space<vmem>>, vector<1x16xf32>,
      %swap3A_258 = vector.shape_cast %swap3A_257 : vector<1x16xf32> to vector<16xf32>
      %swap3A_259 = vector.shape_cast %broadcast_in_dim3A_250 : vector<16xf32> to vector<1x16xf32>
      tpu.vector_store %arg18[%swap3A_255, %swap3A_256], %swap3A_259 {strides = array<i32>} : memref<80x16xf32, #tpu.memory_space<vmem>>, vector<1x16xf32>,
      %slice3A_260 = vector.extract_strided_slice %get3A_95 {offsets = [14], sizes = [1], strides = [1]} : vector<16xf32> to vector<1xf32>
      %squeeze3A_261 = vector.extract %slice3A_260[0] : f32 from vector<1xf32>
      %broadcast_in_dim3A_262 = vector.broadcast %squeeze3A_261 : f32 to vector<16xf32>
      %mul3A_263 = arith.constant 16 : i32
      %mul3A_264 = arith.muli %scan3A_90, %mul3A_263 : i32
      %add3A_265 = arith.constant 14 : i32
      %add3A_266 = arith.addi %mul3A_264, %add3A_265 : i32
      %swap3A_267 = arith.index_cast %add3A_266 : i32 to index
      %swap3A_268 = arith.constant 0 : index
      %swap3A_269 = tpu.vector_load %arg18[%swap3A_267, %swap3A_268] {strides = array<i32>} : memref<80x16xf32, #tpu.memory_space<vmem>>, vector<1x16xf32>,
      %swap3A_270 = vector.shape_cast %swap3A_269 : vector<1x16xf32> to vector<16xf32>
      %swap3A_271 = vector.shape_cast %broadcast_in_dim3A_262 : vector<16xf32> to vector<1x16xf32>
      tpu.vector_store %arg18[%swap3A_267, %swap3A_268], %swap3A_271 {strides = array<i32>} : memref<80x16xf32, #tpu.memory_space<vmem>>, vector<1x16xf32>,
      %slice3A_272 = vector.extract_strided_slice %get3A_95 {offsets = [15], sizes = [1], strides = [1]} : vector<16xf32> to vector<1xf32>
      %squeeze3A_273 = vector.extract %slice3A_272[0] : f32 from vector<1xf32>
      %broadcast_in_dim3A_274 = vector.broadcast %squeeze3A_273 : f32 to vector<16xf32>
      %mul3A_275 = arith.constant 16 : i32
      %mul3A_276 = arith.muli %scan3A_90, %mul3A_275 : i32
      %add3A_277 = arith.constant 15 : i32
      %add3A_278 = arith.addi %mul3A_276, %add3A_277 : i32
      %swap3A_279 = arith.index_cast %add3A_278 : i32 to index
      %swap3A_280 = arith.constant 0 : index
      %swap3A_281 = tpu.vector_load %arg18[%swap3A_279, %swap3A_280] {strides = array<i32>} : memref<80x16xf32, #tpu.memory_space<vmem>>, vector<1x16xf32>,
      %swap3A_282 = vector.shape_cast %swap3A_281 : vector<1x16xf32> to vector<16xf32>
      %swap3A_283 = vector.shape_cast %broadcast_in_dim3A_274 : vector<16xf32> to vector<1x16xf32>
      tpu.vector_store %arg18[%swap3A_279, %swap3A_280], %swap3A_283 {strides = array<i32>} : memref<80x16xf32, #tpu.memory_space<vmem>>, vector<1x16xf32>,
      %scan3A_284 = arith.constant 0 : i32
      scf.yield %scan3A_284 : i32
    }
    %scan3A_79 = arith.constant 5 : i32
    %parallel_loop3A = arith.constant 0 : i32
    %parallel_loop3A_80 = arith.constant 80 : i32
    %parallel_loop3A_81 = arith.constant 1 : i32
    scf.for %parallel_loop3A_90 = %parallel_loop3A to %parallel_loop3A_80 step %parallel_loop3A_81  : i32 {
      %parallel_loop3A_91 = arith.index_cast %parallel_loop3A_90 : i32 to index
      %parallel_loop3A_92 = arith.constant 0 : index
      %parallel_loop3A_93 = tpu.vector_load %arg18[%parallel_loop3A_91, %parallel_loop3A_92] {strides = array<i32>} : memref<80x16xf32, #tpu.memory_space<vmem>>, vector<1x16xf32>,
      %parallel_loop3A_94 = vector.shape_cast %parallel_loop3A_93 : vector<1x16xf32> to vector<16xf32>
      %parallel_loop3A_95 = arith.index_cast %parallel_loop3A_90 : i32 to index
      %parallel_loop3A_96 = arith.constant 0 : index
      %parallel_loop3A_97 = tpu.vector_load %arg16[%parallel_loop3A_95, %parallel_loop3A_96] {strides = array<i32>} : memref<80x128xf32, #tpu.memory_space<vmem>>, vector<1x16xf32>,
      %parallel_loop3A_98 = vector.shape_cast %parallel_loop3A_97 : vector<1x16xf32> to vector<16xf32>
      %parallel_loop3A_99 = arith.index_cast %parallel_loop3A_90 : i32 to index
      %parallel_loop3A_100 = arith.constant 0 : index
      %parallel_loop3A_101 = tpu.vector_load %arg14[%parallel_loop3A_99, %parallel_loop3A_100] {strides = array<i32>} : memref<80x128xf32, #tpu.memory_space<vmem>>, vector<1x16xf32>,
      %parallel_loop3A_102 = vector.shape_cast %parallel_loop3A_101 : vector<1x16xf32> to vector<16xf32>
      %parallel_loop3A_103 = arith.mulf %parallel_loop3A_102, %parallel_loop3A_94 : vector<16xf32>
      %parallel_loop3A_104 = arith.addf %parallel_loop3A_98, %parallel_loop3A_103 : vector<16xf32>
      %parallel_loop3A_105 = arith.index_cast %parallel_loop3A_90 : i32 to index
      %parallel_loop3A_106 = arith.constant 0 : index
      %parallel_loop3A_107 = tpu.vector_load %arg16[%parallel_loop3A_105, %parallel_loop3A_106] {strides = array<i32>} : memref<80x128xf32, #tpu.memory_space<vmem>>, vector<1x16xf32>,
      %parallel_loop3A_108 = vector.shape_cast %parallel_loop3A_107 : vector<1x16xf32> to vector<16xf32>
      %parallel_loop3A_109 = vector.shape_cast %parallel_loop3A_104 : vector<16xf32> to vector<1x16xf32>
      tpu.vector_store %arg16[%parallel_loop3A_105, %parallel_loop3A_106], %parallel_loop3A_109 {strides = array<i32>} : memref<80x128xf32, #tpu.memory_space<vmem>>, vector<1x16xf32>,
      %parallel_loop3A_110 = arith.index_cast %parallel_loop3A_90 : i32 to index
      %parallel_loop3A_111 = arith.constant 16 : index
      %parallel_loop3A_112 = tpu.vector_load %arg16[%parallel_loop3A_110, %parallel_loop3A_111] {strides = array<i32>} : memref<80x128xf32, #tpu.memory_space<vmem>>, vector<1x16xf32>,
      %parallel_loop3A_113 = vector.shape_cast %parallel_loop3A_112 : vector<1x16xf32> to vector<16xf32>
      %parallel_loop3A_114 = arith.index_cast %parallel_loop3A_90 : i32 to index
      %parallel_loop3A_115 = arith.constant 16 : index
      %parallel_loop3A_116 = tpu.vector_load %arg14[%parallel_loop3A_114, %parallel_loop3A_115] {strides = array<i32>} : memref<80x128xf32, #tpu.memory_space<vmem>>, vector<1x16xf32>,
      %parallel_loop3A_117 = vector.shape_cast %parallel_loop3A_116 : vector<1x16xf32> to vector<16xf32>
      %parallel_loop3A_118 = arith.mulf %parallel_loop3A_117, %parallel_loop3A_94 : vector<16xf32>
      %parallel_loop3A_119 = arith.addf %parallel_loop3A_113, %parallel_loop3A_118 : vector<16xf32>
      %parallel_loop3A_120 = arith.index_cast %parallel_loop3A_90 : i32 to index
      %parallel_loop3A_121 = arith.constant 16 : index
      %parallel_loop3A_122 = tpu.vector_load %arg16[%parallel_loop3A_120, %parallel_loop3A_121] {strides = array<i32>} : memref<80x128xf32, #tpu.memory_space<vmem>>, vector<1x16xf32>,
      %parallel_loop3A_123 = vector.shape_cast %parallel_loop3A_122 : vector<1x16xf32> to vector<16xf32>
      %parallel_loop3A_124 = vector.shape_cast %parallel_loop3A_119 : vector<16xf32> to vector<1x16xf32>
      tpu.vector_store %arg16[%parallel_loop3A_120, %parallel_loop3A_121], %parallel_loop3A_124 {strides = array<i32>} : memref<80x128xf32, #tpu.memory_space<vmem>>, vector<1x16xf32>,
      %parallel_loop3A_125 = arith.index_cast %parallel_loop3A_90 : i32 to index
      %parallel_loop3A_126 = arith.constant 32 : index
      %parallel_loop3A_127 = tpu.vector_load %arg16[%parallel_loop3A_125, %parallel_loop3A_126] {strides = array<i32>} : memref<80x128xf32, #tpu.memory_space<vmem>>, vector<1x16xf32>,
      %parallel_loop3A_128 = vector.shape_cast %parallel_loop3A_127 : vector<1x16xf32> to vector<16xf32>
      %parallel_loop3A_129 = arith.index_cast %parallel_loop3A_90 : i32 to index
      %parallel_loop3A_130 = arith.constant 32 : index
      %parallel_loop3A_131 = tpu.vector_load %arg14[%parallel_loop3A_129, %parallel_loop3A_130] {strides = array<i32>} : memref<80x128xf32, #tpu.memory_space<vmem>>, vector<1x16xf32>,
      %parallel_loop3A_132 = vector.shape_cast %parallel_loop3A_131 : vector<1x16xf32> to vector<16xf32>
      %parallel_loop3A_133 = arith.mulf %parallel_loop3A_132, %parallel_loop3A_94 : vector<16xf32>
      %parallel_loop3A_134 = arith.addf %parallel_loop3A_128, %parallel_loop3A_133 : vector<16xf32>
      %parallel_loop3A_135 = arith.index_cast %parallel_loop3A_90 : i32 to index
      %parallel_loop3A_136 = arith.constant 32 : index
      %parallel_loop3A_137 = tpu.vector_load %arg16[%parallel_loop3A_135, %parallel_loop3A_136] {strides = array<i32>} : memref<80x128xf32, #tpu.memory_space<vmem>>, vector<1x16xf32>,
      %parallel_loop3A_138 = vector.shape_cast %parallel_loop3A_137 : vector<1x16xf32> to vector<16xf32>
      %parallel_loop3A_139 = vector.shape_cast %parallel_loop3A_134 : vector<16xf32> to vector<1x16xf32>
      tpu.vector_store %arg16[%parallel_loop3A_135, %parallel_loop3A_136], %parallel_loop3A_139 {strides = array<i32>} : memref<80x128xf32, #tpu.memory_space<vmem>>, vector<1x16xf32>,
      %parallel_loop3A_140 = arith.index_cast %parallel_loop3A_90 : i32 to index
      %parallel_loop3A_141 = arith.constant 48 : index
      %parallel_loop3A_142 = tpu.vector_load %arg16[%parallel_loop3A_140, %parallel_loop3A_141] {strides = array<i32>} : memref<80x128xf32, #tpu.memory_space<vmem>>, vector<1x16xf32>,
      %parallel_loop3A_143 = vector.shape_cast %parallel_loop3A_142 : vector<1x16xf32> to vector<16xf32>
      %parallel_loop3A_144 = arith.index_cast %parallel_loop3A_90 : i32 to index
      %parallel_loop3A_145 = arith.constant 48 : index
      %parallel_loop3A_146 = tpu.vector_load %arg14[%parallel_loop3A_144, %parallel_loop3A_145] {strides = array<i32>} : memref<80x128xf32, #tpu.memory_space<vmem>>, vector<1x16xf32>,
      %parallel_loop3A_147 = vector.shape_cast %parallel_loop3A_146 : vector<1x16xf32> to vector<16xf32>
      %parallel_loop3A_148 = arith.mulf %parallel_loop3A_147, %parallel_loop3A_94 : vector<16xf32>
      %parallel_loop3A_149 = arith.addf %parallel_loop3A_143, %parallel_loop3A_148 : vector<16xf32>
      %parallel_loop3A_150 = arith.index_cast %parallel_loop3A_90 : i32 to index
      %parallel_loop3A_151 = arith.constant 48 : index
      %parallel_loop3A_152 = tpu.vector_load %arg16[%parallel_loop3A_150, %parallel_loop3A_151] {strides = array<i32>} : memref<80x128xf32, #tpu.memory_space<vmem>>, vector<1x16xf32>,
      %parallel_loop3A_153 = vector.shape_cast %parallel_loop3A_152 : vector<1x16xf32> to vector<16xf32>
      %parallel_loop3A_154 = vector.shape_cast %parallel_loop3A_149 : vector<16xf32> to vector<1x16xf32>
      tpu.vector_store %arg16[%parallel_loop3A_150, %parallel_loop3A_151], %parallel_loop3A_154 {strides = array<i32>} : memref<80x128xf32, #tpu.memory_space<vmem>>, vector<1x16xf32>,
      %parallel_loop3A_155 = arith.index_cast %parallel_loop3A_90 : i32 to index
      %parallel_loop3A_156 = arith.constant 64 : index
      %parallel_loop3A_157 = tpu.vector_load %arg16[%parallel_loop3A_155, %parallel_loop3A_156] {strides = array<i32>} : memref<80x128xf32, #tpu.memory_space<vmem>>, vector<1x16xf32>,
      %parallel_loop3A_158 = vector.shape_cast %parallel_loop3A_157 : vector<1x16xf32> to vector<16xf32>
      %parallel_loop3A_159 = arith.index_cast %parallel_loop3A_90 : i32 to index
      %parallel_loop3A_160 = arith.constant 64 : index
      %parallel_loop3A_161 = tpu.vector_load %arg14[%parallel_loop3A_159, %parallel_loop3A_160] {strides = array<i32>} : memref<80x128xf32, #tpu.memory_space<vmem>>, vector<1x16xf32>,
      %parallel_loop3A_162 = vector.shape_cast %parallel_loop3A_161 : vector<1x16xf32> to vector<16xf32>
      %parallel_loop3A_163 = arith.mulf %parallel_loop3A_162, %parallel_loop3A_94 : vector<16xf32>
      %parallel_loop3A_164 = arith.addf %parallel_loop3A_158, %parallel_loop3A_163 : vector<16xf32>
      %parallel_loop3A_165 = arith.index_cast %parallel_loop3A_90 : i32 to index
      %parallel_loop3A_166 = arith.constant 64 : index
      %parallel_loop3A_167 = tpu.vector_load %arg16[%parallel_loop3A_165, %parallel_loop3A_166] {strides = array<i32>} : memref<80x128xf32, #tpu.memory_space<vmem>>, vector<1x16xf32>,
      %parallel_loop3A_168 = vector.shape_cast %parallel_loop3A_167 : vector<1x16xf32> to vector<16xf32>
      %parallel_loop3A_169 = vector.shape_cast %parallel_loop3A_164 : vector<16xf32> to vector<1x16xf32>
      tpu.vector_store %arg16[%parallel_loop3A_165, %parallel_loop3A_166], %parallel_loop3A_169 {strides = array<i32>} : memref<80x128xf32, #tpu.memory_space<vmem>>, vector<1x16xf32>,
      %parallel_loop3A_170 = arith.index_cast %parallel_loop3A_90 : i32 to index
      %parallel_loop3A_171 = arith.constant 80 : index
      %parallel_loop3A_172 = tpu.vector_load %arg16[%parallel_loop3A_170, %parallel_loop3A_171] {strides = array<i32>} : memref<80x128xf32, #tpu.memory_space<vmem>>, vector<1x16xf32>,
      %parallel_loop3A_173 = vector.shape_cast %parallel_loop3A_172 : vector<1x16xf32> to vector<16xf32>
      %parallel_loop3A_174 = arith.index_cast %parallel_loop3A_90 : i32 to index
      %parallel_loop3A_175 = arith.constant 80 : index
      %parallel_loop3A_176 = tpu.vector_load %arg14[%parallel_loop3A_174, %parallel_loop3A_175] {strides = array<i32>} : memref<80x128xf32, #tpu.memory_space<vmem>>, vector<1x16xf32>,
      %parallel_loop3A_177 = vector.shape_cast %parallel_loop3A_176 : vector<1x16xf32> to vector<16xf32>
      %parallel_loop3A_178 = arith.mulf %parallel_loop3A_177, %parallel_loop3A_94 : vector<16xf32>
      %parallel_loop3A_179 = arith.addf %parallel_loop3A_173, %parallel_loop3A_178 : vector<16xf32>
      %parallel_loop3A_180 = arith.index_cast %parallel_loop3A_90 : i32 to index
      %parallel_loop3A_181 = arith.constant 80 : index
      %parallel_loop3A_182 = tpu.vector_load %arg16[%parallel_loop3A_180, %parallel_loop3A_181] {strides = array<i32>} : memref<80x128xf32, #tpu.memory_space<vmem>>, vector<1x16xf32>,
      %parallel_loop3A_183 = vector.shape_cast %parallel_loop3A_182 : vector<1x16xf32> to vector<16xf32>
      %parallel_loop3A_184 = vector.shape_cast %parallel_loop3A_179 : vector<16xf32> to vector<1x16xf32>
      tpu.vector_store %arg16[%parallel_loop3A_180, %parallel_loop3A_181], %parallel_loop3A_184 {strides = array<i32>} : memref<80x128xf32, #tpu.memory_space<vmem>>, vector<1x16xf32>,
      %parallel_loop3A_185 = arith.index_cast %parallel_loop3A_90 : i32 to index
      %parallel_loop3A_186 = arith.constant 96 : index
      %parallel_loop3A_187 = tpu.vector_load %arg16[%parallel_loop3A_185, %parallel_loop3A_186] {strides = array<i32>} : memref<80x128xf32, #tpu.memory_space<vmem>>, vector<1x16xf32>,
      %parallel_loop3A_188 = vector.shape_cast %parallel_loop3A_187 : vector<1x16xf32> to vector<16xf32>
      %parallel_loop3A_189 = arith.index_cast %parallel_loop3A_90 : i32 to index
      %parallel_loop3A_190 = arith.constant 96 : index
      %parallel_loop3A_191 = tpu.vector_load %arg14[%parallel_loop3A_189, %parallel_loop3A_190] {strides = array<i32>} : memref<80x128xf32, #tpu.memory_space<vmem>>, vector<1x16xf32>,
      %parallel_loop3A_192 = vector.shape_cast %parallel_loop3A_191 : vector<1x16xf32> to vector<16xf32>
      %parallel_loop3A_193 = arith.mulf %parallel_loop3A_192, %parallel_loop3A_94 : vector<16xf32>
      %parallel_loop3A_194 = arith.addf %parallel_loop3A_188, %parallel_loop3A_193 : vector<16xf32>
      %parallel_loop3A_195 = arith.index_cast %parallel_loop3A_90 : i32 to index
      %parallel_loop3A_196 = arith.constant 96 : index
      %parallel_loop3A_197 = tpu.vector_load %arg16[%parallel_loop3A_195, %parallel_loop3A_196] {strides = array<i32>} : memref<80x128xf32, #tpu.memory_space<vmem>>, vector<1x16xf32>,
      %parallel_loop3A_198 = vector.shape_cast %parallel_loop3A_197 : vector<1x16xf32> to vector<16xf32>
      %parallel_loop3A_199 = vector.shape_cast %parallel_loop3A_194 : vector<16xf32> to vector<1x16xf32>
      tpu.vector_store %arg16[%parallel_loop3A_195, %parallel_loop3A_196], %parallel_loop3A_199 {strides = array<i32>} : memref<80x128xf32, #tpu.memory_space<vmem>>, vector<1x16xf32>,
      %parallel_loop3A_200 = arith.index_cast %parallel_loop3A_90 : i32 to index
      %parallel_loop3A_201 = arith.constant 112 : index
      %parallel_loop3A_202 = tpu.vector_load %arg16[%parallel_loop3A_200, %parallel_loop3A_201] {strides = array<i32>} : memref<80x128xf32, #tpu.memory_space<vmem>>, vector<1x16xf32>,
      %parallel_loop3A_203 = vector.shape_cast %parallel_loop3A_202 : vector<1x16xf32> to vector<16xf32>
      %parallel_loop3A_204 = arith.index_cast %parallel_loop3A_90 : i32 to index
      %parallel_loop3A_205 = arith.constant 112 : index
      %parallel_loop3A_206 = tpu.vector_load %arg14[%parallel_loop3A_204, %parallel_loop3A_205] {strides = array<i32>} : memref<80x128xf32, #tpu.memory_space<vmem>>, vector<1x16xf32>,
      %parallel_loop3A_207 = vector.shape_cast %parallel_loop3A_206 : vector<1x16xf32> to vector<16xf32>
      %parallel_loop3A_208 = arith.mulf %parallel_loop3A_207, %parallel_loop3A_94 : vector<16xf32>
      %parallel_loop3A_209 = arith.addf %parallel_loop3A_203, %parallel_loop3A_208 : vector<16xf32>
      %parallel_loop3A_210 = arith.index_cast %parallel_loop3A_90 : i32 to index
      %parallel_loop3A_211 = arith.constant 112 : index
      %parallel_loop3A_212 = tpu.vector_load %arg16[%parallel_loop3A_210, %parallel_loop3A_211] {strides = array<i32>} : memref<80x128xf32, #tpu.memory_space<vmem>>, vector<1x16xf32>,
      %parallel_loop3A_213 = vector.shape_cast %parallel_loop3A_212 : vector<1x16xf32> to vector<16xf32>
      %parallel_loop3A_214 = vector.shape_cast %parallel_loop3A_209 : vector<16xf32> to vector<1x16xf32>
      tpu.vector_store %arg16[%parallel_loop3A_210, %parallel_loop3A_211], %parallel_loop3A_214 {strides = array<i32>} : memref<80x128xf32, #tpu.memory_space<vmem>>, vector<1x16xf32>,
    } {sc.loop_unroll_factor = 1 : i64, sc.parallel_access}
    "tpu.region"() ({
      %run_scoped3A_90 = tpu.sem_alloc : memref<!tpu.dma_semaphore, #tpu.memory_space<semaphore_mem>>
      %dma_start3A_91 = arith.constant 0 : i32
      %dma_start3A_92 = arith.constant 0 : i32
      %dma_start3A_93 = tpu.memref_slice %arg19[%dma_start3A_91, %dma_start3A_92] : memref<10000x128xf32, #tpu.memory_space<vmem_shared>> -> memref<10000x128xf32, #tpu.memory_space<vmem_shared>>
      tpu.enqueue_indirect_dma source(%arg16 : memref<80x128xf32, #tpu.memory_space<vmem>>) target(%dma_start3A_93 : memref<10000x128xf32, #tpu.memory_space<vmem_shared>>) offsets(%arg10 : memref<80xi32, #tpu.memory_space<vmem>>) semaphore(%run_scoped3A_90 : memref<!tpu.dma_semaphore, #tpu.memory_space<semaphore_mem>>) {add = true}
      %dma_wait3A_94 = arith.constant 0 : i32
      %dma_wait3A_95 = arith.constant 0 : i32
      %dma_wait3A_96 = tpu.memref_slice %arg19[%dma_wait3A_94, %dma_wait3A_95] : memref<10000x128xf32, #tpu.memory_space<vmem_shared>> -> memref<10000x128xf32, #tpu.memory_space<vmem_shared>>
      tpu.wait_indirect_dma semaphore(%run_scoped3A_90 : memref<!tpu.dma_semaphore, #tpu.memory_space<semaphore_mem>>) src(%arg16 : memref<80x128xf32, #tpu.memory_space<vmem>>) dst(%dma_wait3A_96 : memref<10000x128xf32, #tpu.memory_space<vmem_shared>>)
      tpu.yield
    }) : () -> ()
    %barrier3A_82 = arith.constant 0 : index
    tpu.barrier barrier_id(%barrier3A_82)
    %scan3A_83 = arith.constant 0 : i32
    %scan3A_84 = arith.constant 0 : i32
    %scan3A_85 = arith.constant 8 : i32
    %scan3A_86 = arith.addi %scan3A_84, %scan3A_85 : i32
    %scan3A_87 = arith.constant 1 : i32
    %scan3A_88 = scf.for %scan3A_90 = %scan3A_84 to %scan3A_86 step %scan3A_87 iter_args(%scan3A_91 = %scan3A_83) -> (i32)  : i32 {
      %mul3A_92 = arith.constant 16 : i32
      %mul3A_93 = arith.muli %scan3A_90, %mul3A_92 : i32
      %add3A_94 = arith.addi %arg1, %mul3A_93 : i32
      %lt3A = arith.constant 125 : i32
      %lt3A_95 = arith.cmpi slt, %add3A_94, %lt3A : i32
      %convert_element_type3A = arith.extui %lt3A_95 : i1 to i32
      %cond3A = arith.constant 0 : i32
      %cond3A_96 = arith.cmpi ne, %convert_element_type3A, %cond3A : i32
      scf.if %cond3A_96 {
        %mul3A_98 = arith.constant 80 : i32
        %mul3A_99 = arith.muli %add3A_94, %mul3A_98 : i32
        "tpu.region"() ({
          %run_scoped3A_100 = tpu.sem_alloc : memref<!tpu.dma_semaphore, #tpu.memory_space<semaphore_mem>>
          %dma_start3A_101 = arith.constant 0 : i32
          %dma_start3A_102 = tpu.memref_slice %arg7[%arg0, %mul3A_99, %dma_start3A_101] : memref<2x10000x128xf32, #tpu.memory_space<hbm>> -> memref<1x80x128xf32, #tpu.memory_space<hbm>>
          %dma_start3A_103 = tpu.memref_squeeze %dma_start3A_102 : memref<1x80x128xf32, #tpu.memory_space<hbm>> -> memref<80x128xf32, #tpu.memory_space<hbm>>
          %dma_start3A_104 = arith.constant 0 : i32
          %dma_start3A_105 = tpu.memref_slice %arg19[%mul3A_99, %dma_start3A_104] : memref<10000x128xf32, #tpu.memory_space<vmem_shared>> -> memref<80x128xf32, #tpu.memory_space<vmem_shared>>
          tpu.enqueue_dma source(%dma_start3A_105 : memref<80x128xf32, #tpu.memory_space<vmem_shared>>) target(%dma_start3A_103 : memref<80x128xf32, #tpu.memory_space<hbm>>) target_semaphore(%run_scoped3A_100 : memref<!tpu.dma_semaphore, #tpu.memory_space<semaphore_mem>>)
          %dma_wait3A_106 = arith.constant 0 : i32
          %dma_wait3A_107 = tpu.memref_slice %arg7[%arg0, %mul3A_99, %dma_wait3A_106] : memref<2x10000x128xf32, #tpu.memory_space<hbm>> -> memref<1x80x128xf32, #tpu.memory_space<hbm>>
          %dma_wait3A_108 = tpu.memref_squeeze %dma_wait3A_107 : memref<1x80x128xf32, #tpu.memory_space<hbm>> -> memref<80x128xf32, #tpu.memory_space<hbm>>
          %dma_wait3A_109 = arith.constant 0 : i32
          %dma_wait3A_110 = tpu.memref_slice %arg19[%mul3A_99, %dma_wait3A_109] : memref<10000x128xf32, #tpu.memory_space<vmem_shared>> -> memref<80x128xf32, #tpu.memory_space<vmem_shared>>
          tpu.wait_dma2 semaphore(%run_scoped3A_100 : memref<!tpu.dma_semaphore, #tpu.memory_space<semaphore_mem>>) src(%dma_wait3A_110 : memref<80x128xf32, #tpu.memory_space<vmem_shared>>) dst(%dma_wait3A_108 : memref<80x128xf32, #tpu.memory_space<hbm>>)
          tpu.yield
        }) : () -> ()
      } else {
      }
      %scan3A_97 = arith.constant 0 : i32
      scf.yield %scan3A_97 : i32
    }
    %scan3A_89 = arith.constant 8 : i32
    return
  }
}

module attributes {stable_mosaic.version = 14 : i64} {
  func.func @_k0_body(%arg0: i32, %arg1: memref<1000x16xf32, #tpu.memory_space<vmem>>, %arg2: memref<1000x128xf32, #tpu.memory_space<vmem>>) attributes {dimension_semantics = [#tpu.dimension_semantics<arbitrary>], iteration_bounds = array<i64: 10>, scalar_prefetch = 0 : i64, scratch_operands = 0 : i64, tpu.core_type = #tpu.core_type<tc>, window_params = [{transform_indices = @transform_0, window_bounds = array<i64: 1000, 16>}, {transform_indices = @transform_1, window_bounds = array<i64: 1000, 128>}]} {
    %get3A = arith.constant 0 : index
    %get3A_0 = arith.constant 0 : index
    %get3A_1 = vector.load %arg1[%get3A, %get3A_0] : memref<1000x16xf32, #tpu.memory_space<vmem>>, vector<1000x16xf32>
    %broadcast_in_dim3A = arith.constant 1.000000e+00 : f32
    %broadcast_in_dim3A_2 = vector.broadcast %broadcast_in_dim3A : f32 to vector<1000x16xf32>
    %broadcast_in_dim3A_3 = arith.constant 0.000000e+00 : f32
    %broadcast_in_dim3A_4 = vector.broadcast %broadcast_in_dim3A_3 : f32 to vector<1000x96xf32>
    %concatenate3A = tpu.concatenate %get3A_1, %broadcast_in_dim3A_2, %broadcast_in_dim3A_4 in 1 : vector<1000x16xf32>, vector<1000x16xf32>, vector<1000x96xf32> -> vector<1000x128xf32>
    %swap3A = arith.constant 0 : index
    %swap3A_5 = arith.constant 0 : index
    %swap3A_6 = vector.load %arg2[%swap3A, %swap3A_5] : memref<1000x128xf32, #tpu.memory_space<vmem>>, vector<1000x128xf32>
    tpu.vector_store %arg2[%swap3A, %swap3A_5], %concatenate3A {strides = array<i32>} : memref<1000x128xf32, #tpu.memory_space<vmem>>, vector<1000x128xf32>,
    return
  }
  func.func @transform_0(%arg0: i32) -> (i32, i32) {
    %c0_i32 = arith.constant 0 : i32
    %c0_i32_0 = arith.constant 0 : i32
    return %arg0, %c0_i32 : i32, i32
  }
  func.func @transform_1(%arg0: i32) -> (i32, i32) {
    %c0_i32 = arith.constant 0 : i32
    %c0_i32_0 = arith.constant 0 : i32
    return %arg0, %c0_i32 : i32, i32
  }
}

module attributes {stable_mosaic.version = 14 : i64} {
  func.func @_k2_body(%arg0: i32, %arg1: memref<2x1000x128xf32, #tpu.memory_space<vmem>>, %arg2: memref<1000x128xf32, #tpu.memory_space<vmem>>, %arg3: memref<2x1000x128xf32, #tpu.memory_space<vmem>>, %arg4: memref<128x128xf32, #tpu.memory_space<vmem>>, %arg5: memref<128x128xf32, #tpu.memory_space<vmem>>, %arg6: memref<1x128xf32, #tpu.memory_space<vmem>>, %arg7: memref<16x128xf32, #tpu.memory_space<vmem>>, %arg8: memref<1000x128xf32, #tpu.memory_space<vmem>>, %arg9: memref<1000x128xf32, #tpu.memory_space<vmem>>) attributes {dimension_semantics = [#tpu.dimension_semantics<arbitrary>], iteration_bounds = array<i64: 10>, scalar_prefetch = 0 : i64, scratch_operands = 0 : i64, tpu.core_type = #tpu.core_type<tc>, window_params = [{transform_indices = @transform_0, window_bounds = array<i64: 2, 1000, 128>}, {transform_indices = @transform_1, window_bounds = array<i64: 1000, 128>}, {transform_indices = @transform_2, window_bounds = array<i64: 2, 1000, 128>}, {pipeline_mode = #tpu.pipeline_mode<synchronous>, transform_indices = @transform_3, window_bounds = array<i64: 128, 128>}, {pipeline_mode = #tpu.pipeline_mode<synchronous>, transform_indices = @transform_4, window_bounds = array<i64: 128, 128>}, {pipeline_mode = #tpu.pipeline_mode<synchronous>, transform_indices = @transform_5, window_bounds = array<i64: 1, 128>}, {pipeline_mode = #tpu.pipeline_mode<synchronous>, transform_indices = @transform_6, window_bounds = array<i64: 16, 128>}, {transform_indices = @transform_7, window_bounds = array<i64: 1000, 128>}, {transform_indices = @transform_8, window_bounds = array<i64: 1000, 128>}]} {
    %get3A = arith.constant 0 : index
    %get3A_0 = arith.constant 0 : index
    %get3A_1 = arith.constant 0 : index
    %get3A_2 = vector.load %arg1[%get3A, %get3A_0, %get3A_1] : memref<2x1000x128xf32, #tpu.memory_space<vmem>>, vector<1x1000x128xf32>
    %get3A_3 = vector.shape_cast %get3A_2 : vector<1x1000x128xf32> to vector<1000x128xf32>
    %get3A_4 = arith.constant 1 : index
    %get3A_5 = arith.constant 0 : index
    %get3A_6 = arith.constant 0 : index
    %get3A_7 = vector.load %arg1[%get3A_4, %get3A_5, %get3A_6] : memref<2x1000x128xf32, #tpu.memory_space<vmem>>, vector<1x1000x128xf32>
    %get3A_8 = vector.shape_cast %get3A_7 : vector<1x1000x128xf32> to vector<1000x128xf32>
    %add3A = arith.addf %get3A_3, %get3A_8 : vector<1000x128xf32>
    %get3A_9 = arith.constant 0 : index
    %get3A_10 = arith.constant 0 : index
    %get3A_11 = vector.load %arg4[%get3A_9, %get3A_10] : memref<128x128xf32, #tpu.memory_space<vmem>>, vector<128x128xf32>
    %dot_general3A = arith.constant dense<0.000000e+00> : vector<1000x128xf32>
    %dot_general3A_12 = tpu.matmul %add3A, %get3A_11, %dot_general3A {dimension_numbers = #tpu.dot_dimension_numbers<[1], [0], [0], [1], [0, 0, 1, 1], [], []>, transpose_lhs_hint = false} : vector<1000x128xf32>, vector<128x128xf32>, vector<1000x128xf32> -> vector<1000x128xf32>
    %get3A_13 = arith.constant 0 : index
    %get3A_14 = arith.constant 0 : index
    %get3A_15 = vector.load %arg2[%get3A_13, %get3A_14] : memref<1000x128xf32, #tpu.memory_space<vmem>>, vector<1000x128xf32>
    %get3A_16 = arith.constant 0 : index
    %get3A_17 = arith.constant 0 : index
    %get3A_18 = vector.load %arg5[%get3A_16, %get3A_17] : memref<128x128xf32, #tpu.memory_space<vmem>>, vector<128x128xf32>
    %dot_general3A_19 = arith.constant dense<0.000000e+00> : vector<1000x128xf32>
    %dot_general3A_20 = tpu.matmul %get3A_15, %get3A_18, %dot_general3A_19 {dimension_numbers = #tpu.dot_dimension_numbers<[1], [0], [0], [1], [0, 0, 1, 1], [], []>, transpose_lhs_hint = false} : vector<1000x128xf32>, vector<128x128xf32>, vector<1000x128xf32> -> vector<1000x128xf32>
    %add3A_21 = arith.addf %dot_general3A_12, %dot_general3A_20 : vector<1000x128xf32>
    %get3A_22 = arith.constant 0 : index
    %get3A_23 = arith.constant 0 : index
    %get3A_24 = vector.load %arg6[%get3A_22, %get3A_23] : memref<1x128xf32, #tpu.memory_space<vmem>>, vector<1x128xf32>
    %add3A_25 = vector.broadcast %get3A_24 : vector<1x128xf32> to vector<1000x128xf32>
    %add3A_26 = arith.addf %add3A_21, %add3A_25 : vector<1000x128xf32>
    %max3A = arith.constant 0.000000e+00 : f32
    %max3A_27 = vector.broadcast %max3A : f32 to vector<1000x128xf32>
    %max3A_28 = arith.maximumf %add3A_26, %max3A_27 : vector<1000x128xf32>
    %swap3A = arith.constant 0 : index
    %swap3A_29 = arith.constant 0 : index
    %swap3A_30 = vector.load %arg8[%swap3A, %swap3A_29] : memref<1000x128xf32, #tpu.memory_space<vmem>>, vector<1000x128xf32>
    tpu.vector_store %arg8[%swap3A, %swap3A_29], %max3A_28 {strides = array<i32>} : memref<1000x128xf32, #tpu.memory_space<vmem>>, vector<1000x128xf32>,
    %get3A_31 = arith.constant 0 : index
    %get3A_32 = arith.constant 0 : index
    %get3A_33 = arith.constant 0 : index
    %get3A_34 = vector.load %arg3[%get3A_31, %get3A_32, %get3A_33] : memref<2x1000x128xf32, #tpu.memory_space<vmem>>, vector<1x1000x128xf32>
    %get3A_35 = vector.shape_cast %get3A_34 : vector<1x1000x128xf32> to vector<1000x128xf32>
    %get3A_36 = arith.constant 1 : index
    %get3A_37 = arith.constant 0 : index
    %get3A_38 = arith.constant 0 : index
    %get3A_39 = vector.load %arg3[%get3A_36, %get3A_37, %get3A_38] : memref<2x1000x128xf32, #tpu.memory_space<vmem>>, vector<1x1000x128xf32>
    %get3A_40 = vector.shape_cast %get3A_39 : vector<1x1000x128xf32> to vector<1000x128xf32>
    %add3A_41 = arith.addf %get3A_35, %get3A_40 : vector<1000x128xf32>
    %slice3A = vector.extract_strided_slice %add3A_41 {offsets = [0, 0], sizes = [1000, 16], strides = [1, 1]} : vector<1000x128xf32> to vector<1000x16xf32>
    %slice3A_42 = vector.extract_strided_slice %add3A_41 {offsets = [0, 16], sizes = [1000, 1], strides = [1, 1]} : vector<1000x128xf32> to vector<1000x1xf32>
    %squeeze3A = vector.shape_cast %slice3A_42 : vector<1000x1xf32> to vector<1000xf32>
    %max3A_43 = arith.constant 1.000000e+00 : f32
    %max3A_44 = vector.broadcast %max3A_43 : f32 to vector<1000xf32>
    %max3A_45 = arith.maximumf %squeeze3A, %max3A_44 : vector<1000xf32>
    %broadcast_in_dim3A = vector.shape_cast %max3A_45 : vector<1000xf32> to vector<1000x1xf32>
    %div3A = vector.broadcast %broadcast_in_dim3A : vector<1000x1xf32> to vector<1000x16xf32>
    %div3A_46 = arith.divf %slice3A, %div3A : vector<1000x16xf32>
    %get3A_47 = arith.constant 0 : index
    %get3A_48 = arith.constant 0 : index
    %get3A_49 = vector.load %arg7[%get3A_47, %get3A_48] : memref<16x128xf32, #tpu.memory_space<vmem>>, vector<16x128xf32>
    %dot_general3A_50 = arith.constant dense<0.000000e+00> : vector<1000x128xf32>
    %dot_general3A_51 = tpu.matmul %div3A_46, %get3A_49, %dot_general3A_50 {dimension_numbers = #tpu.dot_dimension_numbers<[1], [0], [0], [1], [0, 0, 1, 1], [], []>, transpose_lhs_hint = false} : vector<1000x16xf32>, vector<16x128xf32>, vector<1000x128xf32> -> vector<1000x128xf32>
    %swap3A_52 = arith.constant 0 : index
    %swap3A_53 = arith.constant 0 : index
    %swap3A_54 = vector.load %arg9[%swap3A_52, %swap3A_53] : memref<1000x128xf32, #tpu.memory_space<vmem>>, vector<1000x128xf32>
    tpu.vector_store %arg9[%swap3A_52, %swap3A_53], %dot_general3A_51 {strides = array<i32>} : memref<1000x128xf32, #tpu.memory_space<vmem>>, vector<1000x128xf32>,
    return
  }
  func.func @transform_0(%arg0: i32) -> (i32, i32, i32) {
    %c0_i32 = arith.constant 0 : i32
    %c0_i32_0 = arith.constant 0 : i32
    %c0_i32_1 = arith.constant 0 : i32
    return %c0_i32, %arg0, %c0_i32_0 : i32, i32, i32
  }
  func.func @transform_1(%arg0: i32) -> (i32, i32) {
    %c0_i32 = arith.constant 0 : i32
    %c0_i32_0 = arith.constant 0 : i32
    return %arg0, %c0_i32 : i32, i32
  }
  func.func @transform_2(%arg0: i32) -> (i32, i32, i32) {
    %c0_i32 = arith.constant 0 : i32
    %c0_i32_0 = arith.constant 0 : i32
    %c0_i32_1 = arith.constant 0 : i32
    return %c0_i32, %arg0, %c0_i32_0 : i32, i32, i32
  }
  func.func @transform_3(%arg0: i32) -> (i32, i32) {
    %c0_i32 = arith.constant 0 : i32
    %c0_i32_0 = arith.constant 0 : i32
    %c0_i32_1 = arith.constant 0 : i32
    return %c0_i32, %c0_i32_0 : i32, i32
  }
  func.func @transform_4(%arg0: i32) -> (i32, i32) {
    %c0_i32 = arith.constant 0 : i32
    %c0_i32_0 = arith.constant 0 : i32
    %c0_i32_1 = arith.constant 0 : i32
    return %c0_i32, %c0_i32_0 : i32, i32
  }
  func.func @transform_5(%arg0: i32) -> (i32, i32) {
    %c0_i32 = arith.constant 0 : i32
    %c0_i32_0 = arith.constant 0 : i32
    %c0_i32_1 = arith.constant 0 : i32
    return %c0_i32, %c0_i32_0 : i32, i32
  }
  func.func @transform_6(%arg0: i32) -> (i32, i32) {
    %c0_i32 = arith.constant 0 : i32
    %c0_i32_0 = arith.constant 0 : i32
    %c0_i32_1 = arith.constant 0 : i32
    return %c0_i32, %c0_i32_0 : i32, i32
  }
  func.func @transform_7(%arg0: i32) -> (i32, i32) {
    %c0_i32 = arith.constant 0 : i32
    %c0_i32_0 = arith.constant 0 : i32
    return %arg0, %c0_i32 : i32, i32
  }
  func.func @transform_8(%arg0: i32) -> (i32, i32) {
    %c0_i32 = arith.constant 0 : i32
    %c0_i32_0 = arith.constant 0 : i32
    return %arg0, %c0_i32 : i32, i32
  }
}

module attributes {stable_mosaic.version = 14 : i64} {
  func.func @_k2s_body(%arg0: i32, %arg1: memref<2000x16xf32, #tpu.memory_space<vmem>>, %arg2: memref<16x128xf32, #tpu.memory_space<vmem>>, %arg3: memref<1x128xf32, #tpu.memory_space<vmem>>, %arg4: memref<1x1x2000xf32, #tpu.memory_space<vmem>>) attributes {dimension_semantics = [#tpu.dimension_semantics<arbitrary>], iteration_bounds = array<i64: 160>, scalar_prefetch = 0 : i64, scratch_operands = 0 : i64, tpu.core_type = #tpu.core_type<tc>, window_params = [{transform_indices = @transform_0, window_bounds = array<i64: 2000, 16>}, {pipeline_mode = #tpu.pipeline_mode<synchronous>, transform_indices = @transform_1, window_bounds = array<i64: 16, 128>}, {pipeline_mode = #tpu.pipeline_mode<synchronous>, transform_indices = @transform_2, window_bounds = array<i64: 1, 128>}, {transform_indices = @transform_3, window_bounds = array<i64: 1, 1, 2000>}]} {
    %get3A = arith.constant 0 : index
    %get3A_0 = arith.constant 0 : index
    %get3A_1 = vector.load %arg1[%get3A, %get3A_0] : memref<2000x16xf32, #tpu.memory_space<vmem>>, vector<2000x16xf32>
    %get3A_2 = arith.constant 0 : index
    %get3A_3 = arith.constant 0 : index
    %get3A_4 = vector.load %arg2[%get3A_2, %get3A_3] : memref<16x128xf32, #tpu.memory_space<vmem>>, vector<16x128xf32>
    %dot_general3A = arith.constant dense<0.000000e+00> : vector<2000x128xf32>
    %dot_general3A_5 = tpu.matmul %get3A_1, %get3A_4, %dot_general3A {dimension_numbers = #tpu.dot_dimension_numbers<[1], [0], [0], [1], [0, 0, 1, 1], [], []>, transpose_lhs_hint = false} : vector<2000x16xf32>, vector<16x128xf32>, vector<2000x128xf32> -> vector<2000x128xf32>
    %get3A_6 = arith.constant 0 : index
    %get3A_7 = arith.constant 0 : index
    %get3A_8 = vector.load %arg3[%get3A_6, %get3A_7] : memref<1x128xf32, #tpu.memory_space<vmem>>, vector<1x128xf32>
    %add3A = vector.broadcast %get3A_8 : vector<1x128xf32> to vector<2000x128xf32>
    %add3A_9 = arith.addf %dot_general3A_5, %add3A : vector<2000x128xf32>
    %mul3A = arith.mulf %add3A_9, %add3A_9 : vector<2000x128xf32>
    %reduce_sum3A = arith.constant dense<0.000000e+00> : vector<2000xf32>
    %reduce_sum3A_10 = vector.multi_reduction <add>, %mul3A, %reduce_sum3A [1] : vector<2000x128xf32> to vector<2000xf32>
    %ge3A = arith.constant 0.000000e+00 : f32
    %ge3A_11 = vector.broadcast %ge3A : f32 to vector<2000xf32>
    %ge3A_12 = arith.cmpf oge, %reduce_sum3A_10, %ge3A_11 : vector<2000xf32>
    %mul3A_13 = arith.constant 0.00999999977 : f32
    %mul3A_14 = vector.broadcast %mul3A_13 : f32 to vector<2000xf32>
    %mul3A_15 = arith.mulf %mul3A_14, %reduce_sum3A_10 : vector<2000xf32>
    %select_n3A = arith.select %ge3A_12, %reduce_sum3A_10, %mul3A_15 : vector<2000xi1>, vector<2000xf32>
    %broadcast_in_dim3A = vector.shape_cast %select_n3A : vector<2000xf32> to vector<1x1x2000xf32>
    %swap3A = arith.constant 0 : index
    %swap3A_16 = arith.constant 0 : index
    %swap3A_17 = arith.constant 0 : index
    %swap3A_18 = vector.load %arg4[%swap3A, %swap3A_16, %swap3A_17] : memref<1x1x2000xf32, #tpu.memory_space<vmem>>, vector<1x1x2000xf32>
    tpu.vector_store %arg4[%swap3A, %swap3A_16, %swap3A_17], %broadcast_in_dim3A {strides = array<i32>} : memref<1x1x2000xf32, #tpu.memory_space<vmem>>, vector<1x1x2000xf32>,
    return
  }
  func.func @transform_0(%arg0: i32) -> (i32, i32) {
    %c0_i32 = arith.constant 0 : i32
    %c0_i32_0 = arith.constant 0 : i32
    return %arg0, %c0_i32 : i32, i32
  }
  func.func @transform_1(%arg0: i32) -> (i32, i32) {
    %c0_i32 = arith.constant 0 : i32
    %c0_i32_0 = arith.constant 0 : i32
    %c0_i32_1 = arith.constant 0 : i32
    return %c0_i32, %c0_i32_0 : i32, i32
  }
  func.func @transform_2(%arg0: i32) -> (i32, i32) {
    %c0_i32 = arith.constant 0 : i32
    %c0_i32_0 = arith.constant 0 : i32
    %c0_i32_1 = arith.constant 0 : i32
    return %c0_i32, %c0_i32_0 : i32, i32
  }
  func.func @transform_3(%arg0: i32) -> (i32, i32, i32) {
    %c0_i32 = arith.constant 0 : i32
    %c0_i32_0 = arith.constant 0 : i32
    %c0_i32_1 = arith.constant 0 : i32
    return %arg0, %c0_i32, %c0_i32_0 : i32, i32, i32
  }
}

module attributes {stable_mosaic.version = 14 : i64} {
  func.func @_k2c_body(%arg0: memref<160x1x2000xf32, #tpu.memory_space<vmem>>, %arg1: memref<160x1x2000xf32, #tpu.memory_space<vmem>>) attributes {dimension_semantics = [], scalar_prefetch = 0 : i64, scratch_operands = 0 : i64, tpu.core_type = #tpu.core_type<tc>} {
    %get3A = arith.constant 0 : index
    %get3A_0 = arith.constant 0 : index
    %get3A_1 = arith.constant 0 : index
    %get3A_2 = vector.load %arg0[%get3A, %get3A_0, %get3A_1] : memref<160x1x2000xf32, #tpu.memory_space<vmem>>, vector<160x1x2000xf32>
    %reduce_max3A = vector.shape_cast %get3A_2 : vector<160x1x2000xf32> to vector<1x160x1x2000xf32>
    %reduce_max3A_3 = arith.constant dense<0xFF800000> : vector<1xf32>
    %reduce_max3A_4 = vector.multi_reduction <maximumf>, %reduce_max3A, %reduce_max3A_3 [1, 2, 3] : vector<1x160x1x2000xf32> to vector<1xf32>
    %reduce_max3A_5 = vector.shape_cast %reduce_max3A_4 : vector<1xf32> to vector<1x1x1x1xf32>
    %reduce_max3A_6 = vector.extract %reduce_max3A_5[0, 0, 0, 0] : f32 from vector<1x1x1x1xf32>
    %sub3A = vector.broadcast %reduce_max3A_6 : f32 to vector<160x1x2000xf32>
    %sub3A_7 = arith.subf %get3A_2, %sub3A : vector<160x1x2000xf32>
    %exp3A = math.exp %sub3A_7 : vector<160x1x2000xf32>
    %reduce_sum3A = vector.shape_cast %exp3A : vector<160x1x2000xf32> to vector<1x160x1x2000xf32>
    %reduce_sum3A_8 = arith.constant dense<0.000000e+00> : vector<1xf32>
    %reduce_sum3A_9 = vector.multi_reduction <add>, %reduce_sum3A, %reduce_sum3A_8 [1, 2, 3] : vector<1x160x1x2000xf32> to vector<1xf32>
    %reduce_sum3A_10 = vector.shape_cast %reduce_sum3A_9 : vector<1xf32> to vector<1x1x1x1xf32>
    %reduce_sum3A_11 = vector.extract %reduce_sum3A_10[0, 0, 0, 0] : f32 from vector<1x1x1x1xf32>
    %div3A = vector.broadcast %reduce_sum3A_11 : f32 to vector<160x1x2000xf32>
    %div3A_12 = arith.divf %exp3A, %div3A : vector<160x1x2000xf32>
    %swap3A = arith.constant 0 : index
    %swap3A_13 = arith.constant 0 : index
    %swap3A_14 = arith.constant 0 : index
    %swap3A_15 = vector.load %arg1[%swap3A, %swap3A_13, %swap3A_14] : memref<160x1x2000xf32, #tpu.memory_space<vmem>>, vector<160x1x2000xf32>
    tpu.vector_store %arg1[%swap3A, %swap3A_13, %swap3A_14], %div3A_12 {strides = array<i32>} : memref<160x1x2000xf32, #tpu.memory_space<vmem>>, vector<160x1x2000xf32>,
    return
  }
}

module attributes {stable_mosaic.version = 14 : i64} {
  func.func @_k4b_body(%arg0: i32, %arg1: memref<2000x16xf32, #tpu.memory_space<vmem>>, %arg2: memref<1x1x2000xf32, #tpu.memory_space<vmem>>, %arg3: memref<2000x128xf32, #tpu.memory_space<vmem>>, %arg4: memref<16x128xf32, #tpu.memory_space<vmem>>, %arg5: memref<1x128xf32, #tpu.memory_space<vmem>>, %arg6: memref<128x128xf32, #tpu.memory_space<vmem>>, %arg7: memref<2000x128xf32, #tpu.memory_space<vmem>>) attributes {dimension_semantics = [#tpu.dimension_semantics<arbitrary>], iteration_bounds = array<i64: 160>, scalar_prefetch = 0 : i64, scratch_operands = 0 : i64, tpu.core_type = #tpu.core_type<tc>, window_params = [{transform_indices = @transform_0, window_bounds = array<i64: 2000, 16>}, {transform_indices = @transform_1, window_bounds = array<i64: 1, 1, 2000>}, {transform_indices = @transform_2, window_bounds = array<i64: 2000, 128>}, {pipeline_mode = #tpu.pipeline_mode<synchronous>, transform_indices = @transform_3, window_bounds = array<i64: 16, 128>}, {pipeline_mode = #tpu.pipeline_mode<synchronous>, transform_indices = @transform_4, window_bounds = array<i64: 1, 128>}, {pipeline_mode = #tpu.pipeline_mode<synchronous>, transform_indices = @transform_5, window_bounds = array<i64: 128, 128>}, {transform_indices = @transform_6, window_bounds = array<i64: 2000, 128>}]} {
    %get3A = arith.constant 0 : index
    %get3A_0 = arith.constant 0 : index
    %get3A_1 = vector.load %arg1[%get3A, %get3A_0] : memref<2000x16xf32, #tpu.memory_space<vmem>>, vector<2000x16xf32>
    %get3A_2 = arith.constant 0 : index
    %get3A_3 = arith.constant 0 : index
    %get3A_4 = vector.load %arg4[%get3A_2, %get3A_3] : memref<16x128xf32, #tpu.memory_space<vmem>>, vector<16x128xf32>
    %dot_general3A = arith.constant dense<0.000000e+00> : vector<2000x128xf32>
    %dot_general3A_5 = tpu.matmul %get3A_1, %get3A_4, %dot_general3A {dimension_numbers = #tpu.dot_dimension_numbers<[1], [0], [0], [1], [0, 0, 1, 1], [], []>, transpose_lhs_hint = false} : vector<2000x16xf32>, vector<16x128xf32>, vector<2000x128xf32> -> vector<2000x128xf32>
    %get3A_6 = arith.constant 0 : index
    %get3A_7 = arith.constant 0 : index
    %get3A_8 = vector.load %arg5[%get3A_6, %get3A_7] : memref<1x128xf32, #tpu.memory_space<vmem>>, vector<1x128xf32>
    %add3A = vector.broadcast %get3A_8 : vector<1x128xf32> to vector<2000x128xf32>
    %add3A_9 = arith.addf %dot_general3A_5, %add3A : vector<2000x128xf32>
    %lt3A = arith.constant 5 : i32
    %lt3A_10 = arith.cmpi slt, %arg0, %lt3A : i32
    %jit3A = arith.constant 1.000000e+00 : f32
    %jit3A_11 = arith.constant 0.000000e+00 : f32
    %select_n3A = arith.select %lt3A_10, %jit3A, %jit3A_11 : f32
    %get3A_12 = arith.constant 0 : index
    %get3A_13 = arith.constant 0 : index
    %get3A_14 = vector.load %arg3[%get3A_12, %get3A_13] : memref<2000x128xf32, #tpu.memory_space<vmem>>, vector<2000x128xf32>
    %mul3A = vector.broadcast %select_n3A : f32 to vector<2000x128xf32>
    %mul3A_15 = arith.mulf %mul3A, %get3A_14 : vector<2000x128xf32>
    %add3A_16 = arith.addf %add3A_9, %mul3A_15 : vector<2000x128xf32>
    %max3A = arith.constant 0.000000e+00 : f32
    %max3A_17 = vector.broadcast %max3A : f32 to vector<2000x128xf32>
    %max3A_18 = arith.maximumf %add3A_16, %max3A_17 : vector<2000x128xf32>
    %get3A_19 = arith.constant 0 : index
    %get3A_20 = arith.constant 0 : index
    %get3A_21 = arith.constant 0 : index
    %get3A_22 = vector.load %arg2[%get3A_19, %get3A_20, %get3A_21] : memref<1x1x2000xf32, #tpu.memory_space<vmem>>, vector<1x1x2000xf32>
    %get3A_23 = vector.shape_cast %get3A_22 : vector<1x1x2000xf32> to vector<2000xf32>
    %broadcast_in_dim3A = vector.shape_cast %get3A_23 : vector<2000xf32> to vector<2000x1xf32>
    %mul3A_24 = vector.broadcast %broadcast_in_dim3A : vector<2000x1xf32> to vector<2000x128xf32>
    %mul3A_25 = arith.mulf %mul3A_24, %max3A_18 : vector<2000x128xf32>
    %get3A_26 = arith.constant 0 : index
    %get3A_27 = arith.constant 0 : index
    %get3A_28 = vector.load %arg6[%get3A_26, %get3A_27] : memref<128x128xf32, #tpu.memory_space<vmem>>, vector<128x128xf32>
    %dot_general3A_29 = arith.constant dense<0.000000e+00> : vector<2000x128xf32>
    %dot_general3A_30 = tpu.matmul %mul3A_25, %get3A_28, %dot_general3A_29 {dimension_numbers = #tpu.dot_dimension_numbers<[1], [0], [0], [1], [0, 0, 1, 1], [], []>, transpose_lhs_hint = false} : vector<2000x128xf32>, vector<128x128xf32>, vector<2000x128xf32> -> vector<2000x128xf32>
    %swap3A = arith.constant 0 : index
    %swap3A_31 = arith.constant 0 : index
    %swap3A_32 = vector.load %arg7[%swap3A, %swap3A_31] : memref<2000x128xf32, #tpu.memory_space<vmem>>, vector<2000x128xf32>
    tpu.vector_store %arg7[%swap3A, %swap3A_31], %dot_general3A_30 {strides = array<i32>} : memref<2000x128xf32, #tpu.memory_space<vmem>>, vector<2000x128xf32>,
    return
  }
  func.func @transform_0(%arg0: i32) -> (i32, i32) {
    %c0_i32 = arith.constant 0 : i32
    %c0_i32_0 = arith.constant 0 : i32
    return %arg0, %c0_i32 : i32, i32
  }
  func.func @transform_1(%arg0: i32) -> (i32, i32, i32) {
    %c0_i32 = arith.constant 0 : i32
    %c0_i32_0 = arith.constant 0 : i32
    %c0_i32_1 = arith.constant 0 : i32
    return %arg0, %c0_i32, %c0_i32_0 : i32, i32, i32
  }
  func.func @transform_2(%arg0: i32) -> (i32, i32) {
    %min3A = arith.constant 4 : i32
    %min3A_0 = arith.minsi %arg0, %min3A : i32
    %c0_i32 = arith.constant 0 : i32
    %c0_i32_1 = arith.constant 0 : i32
    return %min3A_0, %c0_i32 : i32, i32
  }
  func.func @transform_3(%arg0: i32) -> (i32, i32) {
    %c0_i32 = arith.constant 0 : i32
    %c0_i32_0 = arith.constant 0 : i32
    %c0_i32_1 = arith.constant 0 : i32
    return %c0_i32, %c0_i32_0 : i32, i32
  }
  func.func @transform_4(%arg0: i32) -> (i32, i32) {
    %c0_i32 = arith.constant 0 : i32
    %c0_i32_0 = arith.constant 0 : i32
    %c0_i32_1 = arith.constant 0 : i32
    return %c0_i32, %c0_i32_0 : i32, i32
  }
  func.func @transform_5(%arg0: i32) -> (i32, i32) {
    %c0_i32 = arith.constant 0 : i32
    %c0_i32_0 = arith.constant 0 : i32
    %c0_i32_1 = arith.constant 0 : i32
    return %c0_i32, %c0_i32_0 : i32, i32
  }
  func.func @transform_6(%arg0: i32) -> (i32, i32) {
    %c0_i32 = arith.constant 0 : i32
    %c0_i32_0 = arith.constant 0 : i32
    return %arg0, %c0_i32 : i32, i32
  }
}

module attributes {stable_mosaic.version = 14 : i64} {
  func.func @_k4a_body(%arg0: i32, %arg1: memref<2x1000x128xf32, #tpu.memory_space<vmem>>, %arg2: memref<1000x128xf32, #tpu.memory_space<vmem>>, %arg3: memref<128x128xf32, #tpu.memory_space<vmem>>, %arg4: memref<128x128xf32, #tpu.memory_space<vmem>>, %arg5: memref<1x128xf32, #tpu.memory_space<vmem>>, %arg6: memref<128x128xf32, #tpu.memory_space<vmem>>, %arg7: memref<1000x128xf32, #tpu.memory_space<vmem>>) attributes {dimension_semantics = [#tpu.dimension_semantics<arbitrary>], iteration_bounds = array<i64: 10>, scalar_prefetch = 0 : i64, scratch_operands = 0 : i64, tpu.core_type = #tpu.core_type<tc>, window_params = [{transform_indices = @transform_0, window_bounds = array<i64: 2, 1000, 128>}, {transform_indices = @transform_1, window_bounds = array<i64: 1000, 128>}, {pipeline_mode = #tpu.pipeline_mode<synchronous>, transform_indices = @transform_2, window_bounds = array<i64: 128, 128>}, {pipeline_mode = #tpu.pipeline_mode<synchronous>, transform_indices = @transform_3, window_bounds = array<i64: 128, 128>}, {pipeline_mode = #tpu.pipeline_mode<synchronous>, transform_indices = @transform_4, window_bounds = array<i64: 1, 128>}, {pipeline_mode = #tpu.pipeline_mode<synchronous>, transform_indices = @transform_5, window_bounds = array<i64: 128, 128>}, {transform_indices = @transform_6, window_bounds = array<i64: 1000, 128>}]} {
    %get3A = arith.constant 0 : index
    %get3A_0 = arith.constant 0 : index
    %get3A_1 = arith.constant 0 : index
    %get3A_2 = vector.load %arg1[%get3A, %get3A_0, %get3A_1] : memref<2x1000x128xf32, #tpu.memory_space<vmem>>, vector<1x1000x128xf32>
    %get3A_3 = vector.shape_cast %get3A_2 : vector<1x1000x128xf32> to vector<1000x128xf32>
    %get3A_4 = arith.constant 1 : index
    %get3A_5 = arith.constant 0 : index
    %get3A_6 = arith.constant 0 : index
    %get3A_7 = vector.load %arg1[%get3A_4, %get3A_5, %get3A_6] : memref<2x1000x128xf32, #tpu.memory_space<vmem>>, vector<1x1000x128xf32>
    %get3A_8 = vector.shape_cast %get3A_7 : vector<1x1000x128xf32> to vector<1000x128xf32>
    %add3A = arith.addf %get3A_3, %get3A_8 : vector<1000x128xf32>
    %get3A_9 = arith.constant 0 : index
    %get3A_10 = arith.constant 0 : index
    %get3A_11 = vector.load %arg3[%get3A_9, %get3A_10] : memref<128x128xf32, #tpu.memory_space<vmem>>, vector<128x128xf32>
    %dot_general3A = arith.constant dense<0.000000e+00> : vector<1000x128xf32>
    %dot_general3A_12 = tpu.matmul %add3A, %get3A_11, %dot_general3A {dimension_numbers = #tpu.dot_dimension_numbers<[1], [0], [0], [1], [0, 0, 1, 1], [], []>, transpose_lhs_hint = false} : vector<1000x128xf32>, vector<128x128xf32>, vector<1000x128xf32> -> vector<1000x128xf32>
    %get3A_13 = arith.constant 0 : index
    %get3A_14 = arith.constant 0 : index
    %get3A_15 = vector.load %arg2[%get3A_13, %get3A_14] : memref<1000x128xf32, #tpu.memory_space<vmem>>, vector<1000x128xf32>
    %get3A_16 = arith.constant 0 : index
    %get3A_17 = arith.constant 0 : index
    %get3A_18 = vector.load %arg4[%get3A_16, %get3A_17] : memref<128x128xf32, #tpu.memory_space<vmem>>, vector<128x128xf32>
    %dot_general3A_19 = arith.constant dense<0.000000e+00> : vector<1000x128xf32>
    %dot_general3A_20 = tpu.matmul %get3A_15, %get3A_18, %dot_general3A_19 {dimension_numbers = #tpu.dot_dimension_numbers<[1], [0], [0], [1], [0, 0, 1, 1], [], []>, transpose_lhs_hint = false} : vector<1000x128xf32>, vector<128x128xf32>, vector<1000x128xf32> -> vector<1000x128xf32>
    %add3A_21 = arith.addf %dot_general3A_12, %dot_general3A_20 : vector<1000x128xf32>
    %get3A_22 = arith.constant 0 : index
    %get3A_23 = arith.constant 0 : index
    %get3A_24 = vector.load %arg5[%get3A_22, %get3A_23] : memref<1x128xf32, #tpu.memory_space<vmem>>, vector<1x128xf32>
    %add3A_25 = vector.broadcast %get3A_24 : vector<1x128xf32> to vector<1000x128xf32>
    %add3A_26 = arith.addf %add3A_21, %add3A_25 : vector<1000x128xf32>
    %max3A = arith.constant 0.000000e+00 : f32
    %max3A_27 = vector.broadcast %max3A : f32 to vector<1000x128xf32>
    %max3A_28 = arith.maximumf %add3A_26, %max3A_27 : vector<1000x128xf32>
    %get3A_29 = arith.constant 0 : index
    %get3A_30 = arith.constant 0 : index
    %get3A_31 = vector.load %arg6[%get3A_29, %get3A_30] : memref<128x128xf32, #tpu.memory_space<vmem>>, vector<128x128xf32>
    %dot_general3A_32 = arith.constant dense<0.000000e+00> : vector<1000x128xf32>
    %dot_general3A_33 = tpu.matmul %max3A_28, %get3A_31, %dot_general3A_32 {dimension_numbers = #tpu.dot_dimension_numbers<[1], [0], [0], [1], [0, 0, 1, 1], [], []>, transpose_lhs_hint = false} : vector<1000x128xf32>, vector<128x128xf32>, vector<1000x128xf32> -> vector<1000x128xf32>
    %swap3A = arith.constant 0 : index
    %swap3A_34 = arith.constant 0 : index
    %swap3A_35 = vector.load %arg7[%swap3A, %swap3A_34] : memref<1000x128xf32, #tpu.memory_space<vmem>>, vector<1000x128xf32>
    tpu.vector_store %arg7[%swap3A, %swap3A_34], %dot_general3A_33 {strides = array<i32>} : memref<1000x128xf32, #tpu.memory_space<vmem>>, vector<1000x128xf32>,
    return
  }
  func.func @transform_0(%arg0: i32) -> (i32, i32, i32) {
    %c0_i32 = arith.constant 0 : i32
    %c0_i32_0 = arith.constant 0 : i32
    %c0_i32_1 = arith.constant 0 : i32
    return %c0_i32, %arg0, %c0_i32_0 : i32, i32, i32
  }
  func.func @transform_1(%arg0: i32) -> (i32, i32) {
    %c0_i32 = arith.constant 0 : i32
    %c0_i32_0 = arith.constant 0 : i32
    return %arg0, %c0_i32 : i32, i32
  }
  func.func @transform_2(%arg0: i32) -> (i32, i32) {
    %c0_i32 = arith.constant 0 : i32
    %c0_i32_0 = arith.constant 0 : i32
    %c0_i32_1 = arith.constant 0 : i32
    return %c0_i32, %c0_i32_0 : i32, i32
  }
  func.func @transform_3(%arg0: i32) -> (i32, i32) {
    %c0_i32 = arith.constant 0 : i32
    %c0_i32_0 = arith.constant 0 : i32
    %c0_i32_1 = arith.constant 0 : i32
    return %c0_i32, %c0_i32_0 : i32, i32
  }
  func.func @transform_4(%arg0: i32) -> (i32, i32) {
    %c0_i32 = arith.constant 0 : i32
    %c0_i32_0 = arith.constant 0 : i32
    %c0_i32_1 = arith.constant 0 : i32
    return %c0_i32, %c0_i32_0 : i32, i32
  }
  func.func @transform_5(%arg0: i32) -> (i32, i32) {
    %c0_i32 = arith.constant 0 : i32
    %c0_i32_0 = arith.constant 0 : i32
    %c0_i32_1 = arith.constant 0 : i32
    return %c0_i32, %c0_i32_0 : i32, i32
  }
  func.func @transform_6(%arg0: i32) -> (i32, i32) {
    %c0_i32 = arith.constant 0 : i32
    %c0_i32_0 = arith.constant 0 : i32
    return %arg0, %c0_i32 : i32, i32
  }
}

module attributes {stable_mosaic.version = 14 : i64} {
  func.func @_k6_body(%arg0: i32, %arg1: memref<1000x128xf32, #tpu.memory_space<vmem>>, %arg2: memref<2x1000x128xf32, #tpu.memory_space<vmem>>, %arg3: memref<1x128xf32, #tpu.memory_space<vmem>>, %arg4: memref<1000x128xf32, #tpu.memory_space<vmem>>) attributes {dimension_semantics = [#tpu.dimension_semantics<arbitrary>], iteration_bounds = array<i64: 10>, scalar_prefetch = 0 : i64, scratch_operands = 0 : i64, tpu.core_type = #tpu.core_type<tc>, window_params = [{transform_indices = @transform_0, window_bounds = array<i64: 1000, 128>}, {transform_indices = @transform_1, window_bounds = array<i64: 2, 1000, 128>}, {pipeline_mode = #tpu.pipeline_mode<synchronous>, transform_indices = @transform_2, window_bounds = array<i64: 1, 128>}, {transform_indices = @transform_3, window_bounds = array<i64: 1000, 128>}]} {
    %get3A = arith.constant 0 : index
    %get3A_0 = arith.constant 0 : index
    %get3A_1 = vector.load %arg1[%get3A, %get3A_0] : memref<1000x128xf32, #tpu.memory_space<vmem>>, vector<1000x128xf32>
    %get3A_2 = arith.constant 0 : index
    %get3A_3 = arith.constant 0 : index
    %get3A_4 = arith.constant 0 : index
    %get3A_5 = vector.load %arg2[%get3A_2, %get3A_3, %get3A_4] : memref<2x1000x128xf32, #tpu.memory_space<vmem>>, vector<1x1000x128xf32>
    %get3A_6 = vector.shape_cast %get3A_5 : vector<1x1000x128xf32> to vector<1000x128xf32>
    %add3A = arith.addf %get3A_1, %get3A_6 : vector<1000x128xf32>
    %get3A_7 = arith.constant 1 : index
    %get3A_8 = arith.constant 0 : index
    %get3A_9 = arith.constant 0 : index
    %get3A_10 = vector.load %arg2[%get3A_7, %get3A_8, %get3A_9] : memref<2x1000x128xf32, #tpu.memory_space<vmem>>, vector<1x1000x128xf32>
    %get3A_11 = vector.shape_cast %get3A_10 : vector<1x1000x128xf32> to vector<1000x128xf32>
    %add3A_12 = arith.addf %add3A, %get3A_11 : vector<1000x128xf32>
    %get3A_13 = arith.constant 0 : index
    %get3A_14 = arith.constant 0 : index
    %get3A_15 = vector.load %arg3[%get3A_13, %get3A_14] : memref<1x128xf32, #tpu.memory_space<vmem>>, vector<1x128xf32>
    %add3A_16 = vector.broadcast %get3A_15 : vector<1x128xf32> to vector<1000x128xf32>
    %add3A_17 = arith.addf %add3A_12, %add3A_16 : vector<1000x128xf32>
    %swap3A = arith.constant 0 : index
    %swap3A_18 = arith.constant 0 : index
    %swap3A_19 = vector.load %arg4[%swap3A, %swap3A_18] : memref<1000x128xf32, #tpu.memory_space<vmem>>, vector<1000x128xf32>
    tpu.vector_store %arg4[%swap3A, %swap3A_18], %add3A_17 {strides = array<i32>} : memref<1000x128xf32, #tpu.memory_space<vmem>>, vector<1000x128xf32>,
    return
  }
  func.func @transform_0(%arg0: i32) -> (i32, i32) {
    %c0_i32 = arith.constant 0 : i32
    %c0_i32_0 = arith.constant 0 : i32
    return %arg0, %c0_i32 : i32, i32
  }
  func.func @transform_1(%arg0: i32) -> (i32, i32, i32) {
    %c0_i32 = arith.constant 0 : i32
    %c0_i32_0 = arith.constant 0 : i32
    %c0_i32_1 = arith.constant 0 : i32
    return %c0_i32, %arg0, %c0_i32_0 : i32, i32, i32
  }
  func.func @transform_2(%arg0: i32) -> (i32, i32) {
    %c0_i32 = arith.constant 0 : i32
    %c0_i32_0 = arith.constant 0 : i32
    %c0_i32_1 = arith.constant 0 : i32
    return %c0_i32, %c0_i32_0 : i32, i32
  }
  func.func @transform_3(%arg0: i32) -> (i32, i32) {
    %c0_i32 = arith.constant 0 : i32
    %c0_i32_0 = arith.constant 0 : i32
    return %arg0, %c0_i32 : i32, i32
  }
}

</mosaic_0001>

<sc_bundles>
// kernel: kernel.13.cloned.1.call-start
scs
__scs_entry_jumppad:
0x0: {  	(pc) =	sbr.rel $0x88, $3  }
0x1: {  	(tag) =	ssettag $0x0;
	lr =	simm.s32 $0x1  }
0x2: {  	[smem:$0x3F91] =	sst lr;
	_ =	strace $0xD0000000  }
0x3: {  	_ = 	snop  }
0x4: {  	_ = 	snop  }
0x5: {  	_ = 	snop  }
0x6: {  	_ = 	snop  }
0x7: {  	_ = 	snop  }
__scs_overlays_trampoline_lowered:
0x8: {  	[smem:$0x3FA0] =	sst s0  }
0x9: {  	[smem:$0x3FA1] =	sst s1  }
0xa: {  	[smem:$0x3FA2] =	sst s2  }
0xb: {  	[smem:$0x3FA3] =	sst s3  }
0xc: {  	[smem:$0x3FA4] =	sst s4  }
0xd: {  	[smem:$0x3FA5] =	sst s5  }
0xe: {  	[smem:$0x3FA6] =	sst s6  }
0xf: {  	[smem:$0x3FA7] =	sst s7  }
0x10: {  	[smem:$0x3FA8] =	sst s8  }
0x11: {  	[smem:$0x3FA9] =	sst s9;
	s0 =	simm.s32 @!p0 $0x0  }
0x12: {  	s1 =	sld [smem:$0x3F8F];
	s0 =	simm.s32 @p0 $0x1  }
0x13: {  	[smem:$0x3FAA] =	sst s0;
	s0 =	simm.s32 @!p1 $0x0  }
0x14: {  	s2 =	sld [smem:$0x3F8E];
	s0 =	simm.s32 @p1 $0x1  }
0x15: {  	[smem:$0x3FAB] =	sst s0;
	s0 =	simm.s32 @!p2 $0x0  }
0x16: {  	s3 =	sld [smem:$0x3FDB];
	s0 =	simm.s32 @p2 $0x1  }
0x17: {  	s4 =	simm.s32 $0x1BF5;
	[smem:$0x3FAD] =	sst s0  }
0x18: {  	s0 =	sld [smem:$0x3F90];
	_ =	swait.ge [sflag:s4], $0x0  }
0x19: {  	s7 =	sld [smem:$0x3F91]  }
0x1a: {  	s8 =	sadd.s32 $0xFFFFE003, lr  }
0x1b: {  	s9 =	sadd.s32 $0xFFFFFEF7, lr;
	s5 =	simm.s32 $0xFFFFFFFF;
	p2 =	slt.u32 s8, $0xFFFFF086  }
0x1c: {  	p1 =	slt.u32 s9, $0xF7A;
	s5 =	simm.s32 @!p2 $0x0  }
0x1d: {  	s5 =	simm.s32 @p1 $0x1;
	p0 =	seq.s32 s7, s2  }
0x1e: {  	s7 =	smul.u32 @!p0 $0xF7A, s2;
	p2 =	seq.s32 @!p0 s5, $0x0  }
0x1f: {  	s9 =	smul.u32 $0xF7A, s1;
	s8 =	simm.s32 @!p0 $0x1BF5;
	p2 =	por !p2, p0  }
0x20: {  	[sflag:s8] =	ssyncset.s32 @!p0 $0xFFFFF086;
	s6 =	sadd.s32 @!p0 s3, s7;
	s7 =	simm.s32 @!p0 $0x108  }
0x21: {  	s3 =	sadd.s32 s3, s9;
	s6 =	sadd.s32 @!p0 $0x88, s6;
	s7 =	simm.s32 @p2 $0x1082  }
0x22: {  	[simem:s7], [sflag:s8] =	dma.local @!p0 [hbm:s6], $0xF7A  }
0x23: {  	s9 =	sor.u32 $0xD0000000, s2;
	s6 =	simm.s32 $0x108;
	_ =	swait.ge @!p0 [sflag:s8], $0x0  }
0x24: {  	s3 =	sadd.s32 $0x88, s3;
	s6 =	simm.s32 @!p1 $0x1082;
	[sflag:s4] =	ssyncset.s32 $0xFFFFF086  }
0x25: {  	[simem:s6], [sflag:s4] =	dma.local [hbm:s3], $0xF7A  }
0x26: {  	[smem:$0x3F91] =	sst s1;
	(tag) =	ssettag s2;
	_ =	strace s9  }
0x27: {  	s1 =	sld [smem:$0x3FA1]  }
0x28: {  	s2 =	sld [smem:$0x3FA2]  }
0x29: {  	s4 =	sld [smem:$0x3FA4]  }
0x2a: {  	p0 =	seq.s32 s5, $0x0;
	s5 =	sld [smem:$0x3FA5]  }
0x2b: {  	s6 =	sld [smem:$0x3FA6]  }
0x2c: {  	s7 =	sld [smem:$0x3FA7]  }
0x2d: {  	s3 =	simm.s32 $0x108;
	s8 =	sld [smem:$0x3FA8]  }
0x2e: {  	s3 =	simm.s32 @!p0 $0x1082;
	s9 =	sld [smem:$0x3FA9]  }
0x2f: {  	lr =	sadd.s32 s0, s3;
	s0 =	sld [smem:$0x3FA0]  }
0x30: {  	s3 =	sld [smem:$0x3FA3]  }
0x31: {  	[smem:$0x3FAC] =	sst s10  }
0x32: {  	s10 =	sld [smem:$0x3FAA];
	_ =	sdelay $0x3  }
0x33: {  	p0 =	seq.s32 s10, $0x1;
	s10 =	sld [smem:$0x3FAC];
	_ =	sdelay $0x3  }
0x34: {  	[smem:$0x3FAC] =	sst s10  }
0x35: {  	s10 =	sld [smem:$0x3FAB];
	_ =	sdelay $0x3  }
0x36: {  	p1 =	seq.s32 s10, $0x1;
	s10 =	sld [smem:$0x3FAC];
	_ =	sdelay $0x3  }
0x37: {  	[smem:$0x3FAC] =	sst s10  }
0x38: {  	s10 =	sld [smem:$0x3FAD]  }
0x39: {  	_ = 	snop;
	(pc) =	sbr.ind lr, $3  }
0x3a: {  	_ = 	snop  }
0x3b: {  	_ = 	snop  }
0x3c: {  	p2 =	seq.s32 s10, $0x1;
	s10 =	sld [smem:$0x3FAC]  }
0x3d: {  	_ =	shalt  }
0x3e: {  	_ =	shalt  }
0x3f: {  	_ =	shalt  }
0x40: {  	_ =	shalt  }
0x41: {  	_ =	shalt  }
0x42: {  	_ =	shalt  }
0x43: {  	_ =	shalt  }
0x44: {  	_ =	shalt  }
0x45: {  	_ =	shalt  }
0x46: {  	_ =	shalt  }
0x47: {  	_ =	shalt  }
0x48: {  	_ =	shalt  }
0x49: {  	_ =	shalt  }
0x4a: {  	_ =	shalt  }
0x4b: {  	_ =	shalt  }
0x4c: {  	_ =	shalt  }
0x4d: {  	_ =	shalt  }
0x4e: {  	_ =	shalt  }
0x4f: {  	_ =	shalt  }
0x50: {  	_ =	shalt  }
0x51: {  	_ =	shalt  }
0x52: {  	_ =	shalt  }
0x53: {  	_ =	shalt  }
0x54: {  	_ =	shalt  }
0x55: {  	_ =	shalt  }
0x56: {  	_ =	shalt  }
0x57: {  	_ =	shalt  }
0x58: {  	_ =	shalt  }
0x59: {  	_ =	shalt  }
0x5a: {  	_ =	shalt  }
0x5b: {  	_ =	shalt  }
0x5c: {  	_ =	shalt  }
0x5d: {  	_ =	shalt  }
0x5e: {  	_ =	shalt  }
0x5f: {  	_ =	shalt  }
0x60: {  	_ =	shalt  }
0x61: {  	_ =	shalt  }
0x62: {  	_ =	shalt  }
0x63: {  	_ =	shalt  }
0x64: {  	_ =	shalt  }
0x65: {  	_ =	shalt  }
0x66: {  	_ =	shalt  }
0x67: {  	_ =	shalt  }
0x68: {  	_ =	shalt  }
0x69: {  	_ =	shalt  }
0x6a: {  	_ =	shalt  }
0x6b: {  	_ =	shalt  }
0x6c: {  	_ =	shalt  }
0x6d: {  	_ =	shalt  }
0x6e: {  	_ =	shalt  }
0x6f: {  	_ =	shalt  }
0x70: {  	_ =	shalt  }
0x71: {  	_ =	shalt  }
0x72: {  	_ =	shalt  }
0x73: {  	_ =	shalt  }
0x74: {  	_ =	shalt  }
0x75: {  	_ =	shalt  }
0x76: {  	_ =	shalt  }
0x77: {  	_ =	shalt  }
0x78: {  	_ =	shalt  }
0x79: {  	_ =	shalt  }
0x7a: {  	_ =	shalt  }
0x7b: {  	_ =	shalt  }
0x7c: {  	_ =	shalt  }
0x7d: {  	_ =	shalt  }
0x7e: {  	_ =	shalt  }
0x7f: {  	_ =	shalt  }
0x80: {  	_ =	shalt  }
0x81: {  	_ =	shalt  }
0x82: {  	_ =	shalt  }
0x83: {  	_ =	shalt  }
0x84: {  	_ =	shalt  }
0x85: {  	_ =	shalt  }
0x86: {  	_ =	shalt  }
0x87: {  	_ =	shalt  }
.Lfunc_end0:
.L_simem_size_0:
called_computation_lowered:
.L_overlay_start_0:
0x88: {  	s2 =	sld [smem:$0x3FD9]  }
0x89: {  	s3 =	sld [smem:$0x3FFE];
	_ =	sdelay $0x1  }
0x8a: {  	s1 =	srdreg.scid  }
0x8b: {  	s0 =	sand.u32 $0x1, s1  }
0x8c: {  	s17 =	sshll.u32 s0, $0xA;
	s2 =	sadd.s32 s3, s2  }
0x8d: {  	s2 =	sadd.s32 s2, s17  }
0x8e: {  	[smem:$0x3FB8] =	sst s2  }
0x8f: {  	_ = 	snop  }
0x90: {  	s18 =	sld [smem:$0x3FC9];
	(tm) =	ssettm $0x1  }
0x91: {  	s19 =	sld [smem:$0x3FFB];
	_ =	sdelay $0x3  }
0x92: {  	_ =	strace s19  }
0x93: {  	s2 =	sld [smem:$0x3FFC];
	_ =	sdelay $0x3  }
0x94: {  	_ =	strace s2  }
0x95: {  	s2 =	sld [smem:$0x3FFD];
	_ =	sdelay $0x3  }
0x96: {  	_ =	strace s2  }
0x97: {  	_ =	strace $0x8FFFFFFF  }
0x98: {  	s20 =	sld [smem:$0x3FDB];
	_ =	sdelay $0x1  }
0x99: {  	s4 =	simm.s32 $_scs_section_size  }
0x9a: {  	s5 =	simm.s32 $_size__tile_overlayer_lowered;
	s6 =	simm.s32 $_tile_overlayer_lowered  }
0x9b: {  	s7 =	simm.s32 $0x1BFF;
	s21 =	sshll.u32 s6, $0x1;
	s4 =	sadd.s32 s4, s20  }
0x9c: {  	s22 =	simm.s32 $0x0;
	s5 =	sshll.u32 s5, $0x1;
	s6 =	sadd.s32 s21, s4  }
0x9d: {  	[timem:s22], [sflag:s7] =	dma.local [hbm:s6], s5  }
0x9e: {  	_ =	swait.ge [sflag:s7], s5  }
0x9f: {  	s5 =	ssub.s32 $0x0, s5;
	[sflag:s7] =	ssyncset.done $0x0  }
0xa0: {  	[sflag:s7] =	ssyncadd.s32 s5;
	_ =	sdelay $0x1  }
0xa1: {  	s23 =	simm.s32 $0x1B8B  }
0xa2: {  	_ =	swait.ge [sflag:s23], $0x1  }
0xa3: {  	[sflag:s23] =	ssyncset.done $0x0  }
0xa4: {  	[sflag:s23] =	ssyncadd.s32 $0xFFFFFFFF  }
0xa5: {  	s5 =	sld [smem:$0x0]  }
0xa6: {  	s6 =	sand.u32 $0xFFFFFFFE, s1  }
0xa7: {  	p0 =	sne.s32 s1, s6  }
0xa8: {  	s6 =	sshll.u32 @p0 s6, $0xE  }
0xa9: {  	s6 =	sadd.s32 @p0 $0x11B8D, s6;
	s7 =	sshll.u32 @p0 s5, $0x11  }
0xaa: {  	s6 =	sor.u32 @p0 s7, s6  }
0xab: {  	[sflag:s6] =	ssyncadd.remote.s32 @p0 $0x1;
	_ =	sdelay $0x1  }
0xac: {  	s6 =	simm.s32 @p0 $0x1B8D  }
0xad: {  	_ =	swait.eq @p0 [sflag:s6], $0x1  }
0xae: {  	[sflag:s6] =	ssyncadd.s32 @p0 $0xFFFFFFFF  }
0xaf: {  	s7 =	sshll.u32 @!p0 s1, $0xE  }
0xb0: {  	s7 =	sor.u32 @!p0 $0x4000, s7;
	s6 =	simm.s32 @!p0 $0x1B8D  }
0xb1: {  	s5 =	sshll.u32 @!p0 s5, $0x11;
	s7 =	sadd.s32 @!p0 $0x11B8D, s7;
	_ =	swait.eq @!p0 [sflag:s6], $0x1  }
0xb2: {  	s5 =	sor.u32 @!p0 s5, s7;
	[sflag:s6] =	ssyncadd.s32 @!p0 $0xFFFFFFFF  }
0xb3: {  	s25 =	simm.s32 $0x1B8E;
	s24 =	sld [smem:$0x3FFE];
	[sflag:s5] =	ssyncadd.remote.s32 @!p0 $0x1  }
0xb4: {  	s26 =	simm.s32 $execute0_lowered;
	[smem:$0x3FD2] =	sst s25  }
0xb5: {  	s6 =	sshll.u32 s26, $0x1;
	_ =	strace $0x80000049;
	[dreg:$0x1] =	wrdreg $0xFFFFFFFF  }
0xb6: {  	s28 =	simm.s32 $_size_execute0_lowered;
	s4 =	sadd.s32 s4, s6;
	[dreg:$0x0] =	wrdreg $0x0  }
0xb7: {  	s6 =	sshll.u32 s28, $0x1;
	[dreg:$0x2] =	wrdreg s4  }
0xb8: {  	[dreg:$0x3] =	wrdreg s6  }
0xb9: {  	[dreg:$0x4] =	wrdreg $0xC0  }
0xba: {  	_ =	task [dreg:s22], $0x5FFFF  }
0xbb: {  	[dreg:$0x1] =	wrdreg $0xFFFFFFFF  }
0xbc: {  	[dreg:$0x0] =	wrdreg $0x60  }
0xbd: {  	[dreg:$0x2] =	wrdreg s18  }
0xbe: {  	[dreg:$0x3] =	wrdreg s24  }
0xbf: {  	[dreg:$0x4] =	wrdreg $0xA6200  }
0xc0: {  	[dreg:$0x5] =	wrdreg $0x9  }
0xc1: {  	_ =	task.clear_ibuf [dreg:s22], $0x6FFFF;
	_ =	strace $0x90000049  }
0xc2: {  	s29 =	simm.s32 $0x9;
	_ =	strace $0x8000004B  }
0xc3: {  	_ =	swait.ge [sflag:s29], $0x1  }
0xc4: {  	[sflag:s29] =	ssyncadd.s32 $0xFFFFFFFF  }
0xc5: {  	_ =	strace $0x9000004B  }
0xc6: {  	_ =	sfence  }
0xc7: {  	s30 =	sld [smem:$0x0];
	_ =	sdelay $0x2  }
0xc8: {  	s31 =	sshll.u32 s1, $0xD;
	s1 =	sshrl.u32 s1, $0x2  }
0xc9: {  	s4 =	sand.u32 $0x4000, s31;
	s1 =	sadd.s32 s1, s30  }
0xca: {  	s0 =	sor.u32 s4, s0;
	s1 =	sshll.u32 s1, $0x11  }
0xcb: {  	s0 =	sor.u32 s1, s0  }
0xcc: {  	s0 =	sadd.s32 $0x8F2B, s0  }
0xcd: {  	[sflag:s0] =	ssyncadd.remote.s32 $0x1  }
0xce: {  	_ =	sfence.sel $0xFFFF  }
0xcf: {  	[dreg:$0x0] =	wrdreg $0xFFFFFFFF;
	(pc) =	sbr.abs _section_cstart, $3  }
0xd0: {  	[dreg:$0x1] =	wrdreg $0xFFFFFFFF  }
0xd1: {  	_ =	task.clear_ibuf [dreg:s22], $0x2FFFF;
	_ =	strace $0x9FFFFFFF  }
0xd2: {  	(tm) =	ssettm $0x7FFFFFFF  }
0xd3: {  	_ =	shalt  }
tec
execute0_lowered:
.L_overlay_start_1:
0x0: {  	(tag) =	ssettag $0x1  }
0x1: {  	s1 =	rddreg [dreg:$0x0]  }
0x2: {  	s5 =	rddreg [dreg:$0x1]  }
0x3: {  	s0 =	srdreg.scid;
	s3 =	rddreg [dreg:$0x2]  }
0x4: {  	s28 =	simm.s32 $0x50;
	s2 =	sand.u32 $0x1, s0;
	s0 =	stileid.u32  }
0x5: {  	s4 =	sshll.u32 s2, $0x4;
	s7 =	ssub.s32 $0x2, s2;
	s2 =	smul.u32 $0x138800, s2  }
0x6: {  	s29 =	simm.s32 $0x4E20;
	s30 =	simm.s32 $0x1;
	s13 =	smul.u32 $0x2800, s0  }
0x7: {  	s31 =	simm.s32 $0x7620;
	s11 =	smul.u32 $0xA000, s0;
	s6 =	sor.u32 s0, s4  }
0x8: {  	s4 =	simm.s32 $0x0;
	s8 =	sshrl.u32 s7, $0x1;
	s6 =	smul.u32 $0x4E2, s6  }
0x9: {  	[smem:$0x7FF] =	sst s4;
	s7 =	ssub.s32 s7, s8;
	s20 =	sadd.s32 s2, s13  }
0xa: {  	s21 =	sadd.s32 $0x28000, s13;
	s23 =	sadd.s32 $0x50000, s13;
	s18 =	sadd.s32 s13, s3  }
0xb: {  	s16 =	sadd.s32 $0x78000, s13;
	s17 =	sadd.s32 $0xA0000, s13;
	_ =	strace $0x8000004A  }
0xc: {  	s7 =	smax.u32 s7, $0x1;
	s22 =	sadd.s32 s2, s21;
	s10 =	sadd.s32 s2, s23  }
0xd: {  	s25 =	sadd.s32 s2, s16;
	s8 =	sadd.s32 s23, s3;
	s26 =	sadd.s32 s2, s17  }
0xe: {  	s12 =	sadd.s32 s16, s3;
	s18 =	sshrl.u32 s18, $0x3;
	s6 =	sadd.s32 s6, s5  }
0xf: {  	s5 =	sadd.s32 $0x547A00, s5;
	[dreg:$0x6] =	wrdreg s7;
	s19 =	sadd.s32 $0xDA00, s6  }
0x10: {  	s24 =	sshrl.u32 s10, $0x3;
	s6 =	sadd.s32 $0x3C00, s6;
	[dreg:$0x4] =	wrdreg s19  }
0x11: {  	s7 =	sadd.s32 s21, s3;
	[dreg:$0x5] =	wrdreg s6;
	s6 =	sshrl.u32 s20, $0x3  }
0x12: {  	s19 =	sor.u32 $0x70, s0;
	s20 =	sadd.s32 $0xC8000, s13;
	s6 =	sadd.s32 s5, s6  }
0x13: {  	s21 =	smul.u32 $0x2800, s19;
	s9 =	sadd.s32 s2, s20;
	s23 =	sadd.s32 s20, s3  }
0x14: {  	p0 =	sgt.u32 s19, $0x7C;
	s19 =	sshrl.u32 s7, $0x3;
	s20 =	sshrl.u32 s8, $0x3  }
0x15: {  	[dreg:$0x7] =	wrdreg s6;
	s6 =	sshrl.u32 s22, $0x3;
	s22 =	sadd.s32 $0xF0000, s13  }
0x16: {  	s23 =	sshrl.u32 s23, $0x3;
	s6 =	sadd.s32 s5, s6;
	s14 =	sadd.s32 s2, s22  }
0x17: {  	s2 =	sadd.s32 s2, s21;
	[dreg:$0x8] =	wrdreg s6;
	s6 =	sadd.s32 s5, s24  }
0x18: {  	s10 =	sshrl.u32 s14, $0x3;
	s2 =	sshrl.u32 s2, $0x3;
	s24 =	sadd.s32 s22, s3  }
0x19: {  	[dreg:$0x9] =	wrdreg s6;
	s6 =	sshrl.u32 s25, $0x3;
	s14 =	sadd.s32 s5, s10  }
0x1a: {  	s15 =	sadd.s32 s5, s2;
	s25 =	sadd.s32 s21, s3;
	s2 =	sshrl.u32 s11, $0x2  }
0x1b: {  	s21 =	sshrl.u32 s12, $0x3;
	s24 =	sshrl.u32 s24, $0x3;
	s6 =	sadd.s32 s5, s6  }
0x1c: {  	s16 =	sadd.s32 s2, s3;
	[dreg:$0xa] =	wrdreg s6;
	s6 =	sshrl.u32 s26, $0x3  }
0x1d: {  	s25 =	sshrl.u32 @!p0 s25, $0x3;
	s2 =	simm.s32 $0x2;
	s6 =	sadd.s32 s5, s6  }
0x1e: {  	s26 =	sadd.s32 s17, s3;
	[dreg:$0xb] =	wrdreg s6;
	s6 =	sshrl.u32 s9, $0x3  }
0x1f: {  	v0 =	vimm.f32 $0.0e+00;
	s17 =	simm.s32 $0x3;
	s22 =	sshrl.u32 s26, $0x3;
	s13 =	sadd.s32 s5, s6  }
.LBB2_1:
0x20: {  	s5 =	simm.s32 $0x0;
	s6 =	simm.s32 $0x0  }
.LBB2_2:
0x21: {  	p1 =	sne.s32 s6, $0x1FC0  }
.Ltmp0:
0x22: {  	_ = 	snop;
	(pc) =	sbr.rel @p1 .LBB2_2-.Ltmp0, $4  }
0x23: {  	s7 =	sand.u32 $0x1E00, s6  }
0x24: {  	s8 =	sand.u32 $0x70, s5;
	s7 =	sshrl.u32 s7, $0x2  }
0x25: {  	s7 =	sor.u32 s8, s7  }
0x26: {  	s5 =	sadd.s32 $0x10, s5;
	s6 =	sadd.s32 $0x40, s6;
	[tilespmem:s7+$0x9E20] =	vst v0  }
0x27: {  	p2 =	sgt.u32 s0, $0x7C  }
0x28: {  	s6 =	simm.s32 @!p2 $0x9E20;
	s5 =	sadd.s32 @!p2 $0x0, s16;
	s7 =	simm.s32 @!p2 $0x4  }
0x29: {  	[spmem:s5] =	stream.linear.scatter @!p2 [tilespmem:s6], [sflag:$0x4], $0x800, $0x38;
	[tilespmem:$0x1DEA0] =	vst v63  }
0x2a: {  	_ =	swait.ge @!p2 [sflag:s7], $0x800  }
0x2b: {  	[sflag:s7] =	ssyncset.done @!p2 $0x0  }
0x2c: {  	s8 =	sadd.s32 @!p2 $0x800, s5;
	[sflag:s7] =	ssyncadd.s32 @!p2 $0xFFFFF800  }
0x2d: {  	[spmem:s8] =	stream.linear.scatter @!p2 [tilespmem:s6], [sflag:$0x4], $0x800, $0x38;
	[tilespmem:$0x1DEA0] =	vst v63  }
0x2e: {  	p1 =	por p2, p2;
	_ =	swait.ge @!p2 [sflag:s7], $0x800  }
0x2f: {  	[sflag:s7] =	ssyncset.done @!p1 $0x0  }
0x30: {  	s8 =	sadd.s32 @!p2 $0x1000, s5;
	[sflag:s7] =	ssyncadd.s32 @!p1 $0xFFFFF800  }
0x31: {  	[spmem:s8] =	stream.linear.scatter @!p1 [tilespmem:s6], [sflag:$0x4], $0x800, $0x38;
	[tilespmem:$0x1DEA0] =	vst v63  }
0x32: {  	_ =	swait.ge @!p1 [sflag:s7], $0x800  }
0x33: {  	[sflag:s7] =	ssyncset.done @!p1 $0x0  }
0x34: {  	s8 =	sadd.s32 @!p2 $0x1800, s5;
	[sflag:s7] =	ssyncadd.s32 @!p1 $0xFFFFF800  }
0x35: {  	[spmem:s8] =	stream.linear.scatter @!p1 [tilespmem:s6], [sflag:$0x4], $0x800, $0x38;
	[tilespmem:$0x1DEA0] =	vst v63  }
0x36: {  	_ =	swait.ge @!p1 [sflag:s7], $0x800  }
0x37: {  	s8 =	sadd.s32 @!p2 $0x2000, s5;
	s5 =	sadd.s32 $0x10, s0;
	[sflag:s7] =	ssyncset.done @!p1 $0x0  }
0x38: {  	p2 =	sgt.u32 s5, $0x7C;
	[sflag:s7] =	ssyncadd.s32 @!p1 $0xFFFFF800;
	s7 =	simm.s32 @!p1 $0x3  }
0x39: {  	[spmem:s8] =	stream.linear.scatter @!p1 [tilespmem:s6], [sflag:$0x3], $0x800, $0x38;
	[tilespmem:$0x1DEA0] =	vst v63  }
0x3a: {  	s26 =	simm.s32 @!p2 $0x9E20;
	_ =	swait.ge @!p1 [sflag:s7], $0x800  }
0x3b: {  	s6 =	simm.s32 $0x140000;
	s8 =	simm.s32 @!p2 $0x28000;
	[sflag:s7] =	ssyncset.done @!p1 $0x0  }
.LBB2_4:
0x3c: {  	s8 =	sadd.s32 @!p2 s8, s16;
	s9 =	simm.s32 @!p2 $0x4;
	[sflag:s7] =	ssyncadd.s32 @!p1 $0xFFFFF800  }
0x3d: {  	[spmem:s8] =	stream.linear.scatter @!p2 [tilespmem:s26], [sflag:$0x4], $0x800, $0x38;
	[tilespmem:$0x1DEA0] =	vst v63  }
0x3e: {  	s7 =	sadd.s32 @!p2 $0x800, s8;
	s10 =	sadd.s32 @!p2 $0x1000, s8;
	_ =	swait.ge @!p2 [sflag:s9], $0x800  }
0x3f: {  	s11 =	sadd.s32 @!p2 $0x1800, s8;
	s8 =	sadd.s32 @!p2 $0x2000, s8;
	[sflag:s9] =	ssyncset.done @!p2 $0x0  }
0x40: {  	s12 =	smov.u32 s6;
	s6 =	sadd.s32 $0xA0000, s6;
	[sflag:s9] =	ssyncadd.s32 @!p2 $0xFFFFF800  }
0x41: {  	[spmem:s7] =	stream.linear.scatter @!p2 [tilespmem:s26], [sflag:$0x4], $0x800, $0x38;
	[tilespmem:$0x1DEA0] =	vst v63  }
0x42: {  	p1 =	por p2, p2;
	p3 =	sne.s32 s6, $0x500000;
	_ =	swait.ge @!p2 [sflag:s9], $0x800  }
0x43: {  	[sflag:s9] =	ssyncset.done @!p1 $0x0  }
0x44: {  	[sflag:s9] =	ssyncadd.s32 @!p1 $0xFFFFF800  }
0x45: {  	[spmem:s10] =	stream.linear.scatter @!p1 [tilespmem:s26], [sflag:$0x4], $0x800, $0x38;
	[tilespmem:$0x1DEA0] =	vst v63  }
0x46: {  	_ =	swait.ge @!p1 [sflag:s9], $0x800  }
0x47: {  	[sflag:s9] =	ssyncset.done @!p1 $0x0  }
0x48: {  	[sflag:s9] =	ssyncadd.s32 @!p1 $0xFFFFF800  }
0x49: {  	[spmem:s11] =	stream.linear.scatter @!p1 [tilespmem:s26], [sflag:$0x4], $0x800, $0x38;
	[tilespmem:$0x1DEA0] =	vst v63  }
0x4a: {  	_ =	swait.ge @!p1 [sflag:s9], $0x800  }
.Ltmp1:
0x4b: {  	[sflag:s9] =	ssyncset.done @!p1 $0x0;
	(pc) =	sbr.rel @p3 .LBB2_4-.Ltmp1, $4  }
0x4c: {  	s5 =	sadd.s32 $0x10, s5;
	s7 =	simm.s32 @!p1 $0x3;
	[sflag:s9] =	ssyncadd.s32 @!p1 $0xFFFFF800  }
0x4d: {  	[spmem:s8] =	stream.linear.scatter @!p1 [tilespmem:s26], [sflag:$0x3], $0x800, $0x38;
	[tilespmem:$0x1DEA0] =	vst v63  }
0x4e: {  	p2 =	sgt.u32 s5, $0x7C;
	_ =	swait.ge @!p1 [sflag:s7], $0x800  }
0x4f: {  	s8 =	sshra.s32 @!p2 s12, $0x2;
	s26 =	simm.s32 @!p2 $0x9E20;
	[sflag:s7] =	ssyncset.done @!p1 $0x0  }
0x50: {  	s5 =	sadd.s32 @!p2 s8, s16;
	s6 =	simm.s32 @!p2 $0x4;
	[sflag:s7] =	ssyncadd.s32 @!p1 $0xFFFFF800  }
0x51: {  	[spmem:s5] =	stream.linear.scatter @!p2 [tilespmem:s26], [sflag:$0x4], $0x800, $0x38;
	[tilespmem:$0x1DEA0] =	vst v63  }
0x52: {  	_ =	swait.ge @!p2 [sflag:s6], $0x800  }
0x53: {  	[sflag:s6] =	ssyncset.done @!p2 $0x0  }
0x54: {  	s7 =	sadd.s32 @!p2 $0x800, s5;
	[sflag:s6] =	ssyncadd.s32 @!p2 $0xFFFFF800  }
0x55: {  	[spmem:s7] =	stream.linear.scatter @!p2 [tilespmem:s26], [sflag:$0x4], $0x800, $0x38;
	[tilespmem:$0x1DEA0] =	vst v63  }
0x56: {  	p1 =	por p2, p2;
	_ =	swait.ge @!p2 [sflag:s6], $0x800  }
0x57: {  	[sflag:s6] =	ssyncset.done @!p1 $0x0  }
0x58: {  	s7 =	sadd.s32 @!p2 $0x1000, s5;
	[sflag:s6] =	ssyncadd.s32 @!p1 $0xFFFFF800  }
0x59: {  	[spmem:s7] =	stream.linear.scatter @!p1 [tilespmem:s26], [sflag:$0x4], $0x800, $0x38;
	[tilespmem:$0x1DEA0] =	vst v63  }
0x5a: {  	_ =	swait.ge @!p1 [sflag:s6], $0x800  }
0x5b: {  	[sflag:s6] =	ssyncset.done @!p1 $0x0  }
0x5c: {  	s7 =	sadd.s32 @!p2 $0x1800, s5;
	[sflag:s6] =	ssyncadd.s32 @!p1 $0xFFFFF800  }
0x5d: {  	[spmem:s7] =	stream.linear.scatter @!p1 [tilespmem:s26], [sflag:$0x4], $0x800, $0x38;
	[tilespmem:$0x1DEA0] =	vst v63  }
0x5e: {  	_ =	swait.ge @!p1 [sflag:s6], $0x800  }
0x5f: {  	[sflag:s6] =	ssyncset.done @!p1 $0x0  }
0x60: {  	s5 =	sadd.s32 @!p2 $0x2000, s5;
	[sflag:s6] =	ssyncadd.s32 @!p1 $0xFFFFF800;
	s6 =	simm.s32 @!p1 $0x3  }
0x61: {  	[spmem:s5] =	stream.linear.scatter @!p1 [tilespmem:s26], [sflag:$0x3], $0x800, $0x38;
	[tilespmem:$0x1DEA0] =	vst v63  }
0x62: {  	_ =	swait.ge @!p1 [sflag:s6], $0x800  }
0x63: {  	[sflag:s6] =	ssyncset.done @!p1 $0x0  }
0x64: {  	s26 =	simm.s32 $0x0;
	s7 =	rddreg [dreg:$0x4];
	[sflag:s6] =	ssyncadd.s32 @!p1 $0xFFFFF800  }
0x65: {  	[tilespmem:s26], [sflag:$0x3] =	stream.linear.gather [hbm4b:s7+s26], $0x2710, $0x38;
	[tilespmem:$0x1DEA0] =	vst v63  }
0x66: {  	_ =	swait.ge [sflag:s17], $0x2710  }
0x67: {  	[sflag:s17] =	ssyncset.done $0x0  }
0x68: {  	s9 =	simm.s32 $0x2710;
	s8 =	rddreg [dreg:$0x5];
	[sflag:s17] =	ssyncadd.s32 $0xFFFFD8F0  }
0x69: {  	[tilespmem:s9], [sflag:$0x3] =	stream.linear.gather [hbm4b:s8+s26], $0x2710, $0x38;
	[tilespmem:$0x1DEA0] =	vst v63  }
0x6a: {  	_ =	swait.ge [sflag:s17], $0x2710  }
0x6b: {  	[sflag:s17] =	ssyncset.done $0x0  }
0x6c: {  	[sflag:s17] =	ssyncadd.s32 $0xFFFFD8F0  }
0x6d: {  	[bflag:$0x0] =	sbarrier.arrive $0xFFFF  }
0x6e: {  	[tilespmem:s29], [sflag:$0x1] =	stream.indirect.gather [hbm4b:s1+s28], $0x80, s26, s28, $0xb8;
	[tilespmem:$0x1DEA0] =	vst v63  }
0x6f: {  	_ =	swait.ge [sflag:s30], $0x2800  }
0x70: {  	[sflag:s30] =	ssyncset.done $0x0  }
0x71: {  	s10 =	simm.s32 $0x50;
	[sflag:s30] =	ssyncadd.s32 $0xFFFFD800  }
0x72: {  	[tilespmem:s31], [sflag:$0x2] =	stream.indirect.gather [hbm4b:s1+s28], $0x80, s10, s28, $0xb8;
	[tilespmem:$0x1DEA0] =	vst v63  }
0x73: {  	s11 =	simm.s32 $0x2710  }
0x74: {  	[spmem:s3] =	stream.indirect.scatter.add.f32 [tilespmem:s29], [sflag:$0x3], $0x80, s11, s28, $0xb8;
	[tilespmem:$0x1DEA0] =	vst v63  }
0x75: {  	_ =	swait.ge [sflag:s17], $0x2800  }
0x76: {  	[sflag:s17] =	ssyncset.done $0x0  }
0x77: {  	[sflag:s17] =	ssyncadd.s32 $0xFFFFD800  }
0x78: {  	_ =	swait.ge [sflag:s2], $0x2800  }
0x79: {  	[sflag:s2] =	ssyncset.done $0x0  }
0x7a: {  	s12 =	simm.s32 $0xA0;
	[sflag:s2] =	ssyncadd.s32 $0xFFFFD800  }
0x7b: {  	[tilespmem:s29], [sflag:$0x1] =	stream.indirect.gather [hbm4b:s1+s28], $0x80, s12, s28, $0xb8;
	[tilespmem:$0x1DEA0] =	vst v63  }
0x7c: {  	s26 =	simm.s32 $0x2760  }
0x7d: {  	[spmem:s3] =	stream.indirect.scatter.add.f32 [tilespmem:s31], [sflag:$0x3], $0x80, s26, s28, $0xb8;
	[tilespmem:$0x1DEA0] =	vst v63  }
0x7e: {  	_ =	swait.ge [sflag:s17], $0x2800  }
0x7f: {  	s5 =	simm.s32 $0x280;
	[sflag:s17] =	ssyncset.done $0x0  }
.LBB2_6:
0x80: {  	p1 =	sne.s32 s5, $0x9880  }
0x81: {  	[sflag:s17] =	ssyncadd.s32 $0xFFFFD800;
	s6 =	smov.u32 s5;
	s5 =	sadd.s32 $0x280, s5  }
0x82: {  	_ = 	snop  }
0x83: {  	_ =	swait.ge [sflag:s30], $0x2800  }
0x84: {  	s6 =	sshra.s32 s6, $0x2;
	[sflag:s30] =	ssyncset.done $0x0  }
0x85: {  	s7 =	sadd.s32 $0x50, s6;
	[sflag:s30] =	ssyncadd.s32 $0xFFFFD800  }
0x86: {  	[tilespmem:s31], [sflag:$0x2] =	stream.indirect.gather [hbm4b:s1+s28], $0x80, s7, s28, $0xb8;
	[tilespmem:$0x1DEA0] =	vst v63  }
0x87: {  	s7 =	sadd.s32 $0x2710, s6  }
0x88: {  	[spmem:s3] =	stream.indirect.scatter.add.f32 [tilespmem:s29], [sflag:$0x3], $0x80, s7, s28, $0xb8;
	[tilespmem:$0x1DEA0] =	vst v63  }
0x89: {  	_ =	swait.ge [sflag:s17], $0x2800  }
0x8a: {  	[sflag:s17] =	ssyncset.done $0x0  }
0x8b: {  	[sflag:s17] =	ssyncadd.s32 $0xFFFFD800  }
0x8c: {  	_ =	swait.ge [sflag:s2], $0x2800  }
0x8d: {  	[sflag:s2] =	ssyncset.done $0x0  }
0x8e: {  	s7 =	sadd.s32 $0xA0, s6;
	[sflag:s2] =	ssyncadd.s32 $0xFFFFD800  }
0x8f: {  	[tilespmem:s29], [sflag:$0x1] =	stream.indirect.gather [hbm4b:s1+s28], $0x80, s7, s28, $0xb8;
	[tilespmem:$0x1DEA0] =	vst v63  }
.Ltmp2:
0x90: {  	_ = 	snop;
	(pc) =	sbr.rel @p1 .LBB2_6-.Ltmp2, $4  }
0x91: {  	s6 =	sadd.s32 $0x2760, s6  }
0x92: {  	[spmem:s3] =	stream.indirect.scatter.add.f32 [tilespmem:s31], [sflag:$0x3], $0x80, s6, s28, $0xb8;
	[tilespmem:$0x1DEA0] =	vst v63  }
0x93: {  	_ =	swait.ge [sflag:s17], $0x2800  }
0x94: {  	[sflag:s17] =	ssyncset.done $0x0  }
0x95: {  	[sflag:s17] =	ssyncadd.s32 $0xFFFFD800  }
0x96: {  	_ =	swait.ge [sflag:s30], $0x2800  }
0x97: {  	[sflag:s30] =	ssyncset.done $0x0  }
0x98: {  	s5 =	simm.s32 $0x4DD0;
	[sflag:s30] =	ssyncadd.s32 $0xFFFFD800  }
0x99: {  	[spmem:s3] =	stream.indirect.scatter.add.f32 [tilespmem:s29], [sflag:$0x3], $0x80, s5, s28, $0xb8;
	[tilespmem:$0x1DEA0] =	vst v63  }
0x9a: {  	_ =	swait.ge [sflag:s17], $0x2800  }
0x9b: {  	[sflag:s17] =	ssyncset.done $0x0  }
0x9c: {  	[sflag:s17] =	ssyncadd.s32 $0xFFFFD800  }
0x9d: {  	s8 =	sshll.u32 s0, $0x6;
	[bflag:$0x0] =	sbarrier.arrive $0xFFFF  }
0x9e: {  	s5 =	sor.u32 $0x1C03, s8;
	s6 =	rddreg [dreg:$0x7]  }
0x9f: {  	[hbm:s6], [sflag:s5] =	dma.local [spmem:s18], $0x500  }
0xa0: {  	_ =	swait.ge [sflag:s17], $0x500  }
0xa1: {  	[sflag:s17] =	ssyncset.done $0x0  }
0xa2: {  	s9 =	rddreg [dreg:$0x8];
	[sflag:s17] =	ssyncadd.s32 $0xFFFFFB00  }
0xa3: {  	[hbm:s9], [sflag:s5] =	dma.local [spmem:s19], $0x500  }
0xa4: {  	_ =	swait.ge [sflag:s17], $0x500  }
0xa5: {  	[sflag:s17] =	ssyncset.done $0x0  }
0xa6: {  	s10 =	rddreg [dreg:$0x9];
	[sflag:s17] =	ssyncadd.s32 $0xFFFFFB00  }
0xa7: {  	[hbm:s10], [sflag:s5] =	dma.local [spmem:s20], $0x500  }
0xa8: {  	_ =	swait.ge [sflag:s17], $0x500  }
0xa9: {  	[sflag:s17] =	ssyncset.done $0x0  }
0xaa: {  	s11 =	rddreg [dreg:$0xa];
	[sflag:s17] =	ssyncadd.s32 $0xFFFFFB00  }
0xab: {  	[hbm:s11], [sflag:s5] =	dma.local [spmem:s21], $0x500  }
0xac: {  	_ =	swait.ge [sflag:s17], $0x500  }
0xad: {  	[sflag:s17] =	ssyncset.done $0x0  }
0xae: {  	s12 =	rddreg [dreg:$0xb];
	[sflag:s17] =	ssyncadd.s32 $0xFFFFFB00  }
0xaf: {  	[hbm:s12], [sflag:s5] =	dma.local [spmem:s22], $0x500  }
0xb0: {  	_ =	swait.ge [sflag:s17], $0x500  }
0xb1: {  	[sflag:s17] =	ssyncset.done $0x0  }
0xb2: {  	[sflag:s17] =	ssyncadd.s32 $0xFFFFFB00  }
0xb3: {  	[hbm:s13], [sflag:s5] =	dma.local [spmem:s23], $0x500  }
0xb4: {  	_ =	swait.ge [sflag:s17], $0x500  }
0xb5: {  	[sflag:s17] =	ssyncset.done $0x0  }
0xb6: {  	[sflag:s17] =	ssyncadd.s32 $0xFFFFFB00  }
0xb7: {  	[hbm:s14], [sflag:s5] =	dma.local [spmem:s24], $0x500  }
0xb8: {  	_ =	swait.ge [sflag:s17], $0x500  }
0xb9: {  	[sflag:s17] =	ssyncset.done $0x0  }
0xba: {  	[sflag:s17] =	ssyncadd.s32 $0xFFFFFB00  }
0xbb: {  	[hbm:s15], [sflag:s5] =	dma.local @!p0 [spmem:s25], $0x500  }
0xbc: {  	s5 =	simm.s32 @!p0 $0x3  }
0xbd: {  	_ =	swait.ge @!p0 [sflag:s5], $0x500  }
0xbe: {  	s4 =	sadd.s32 $0x1, s4;
	s26 =	rddreg [dreg:$0x6]  }
0xbf: {  	p1 =	sne.s32 s4, s26  }
.Ltmp3:
0xc0: {  	_ = 	snop;
	(pc) =	sbr.rel @p1 .LBB2_1-.Ltmp3, $3  }
0xc1: {  	_ =	sdelay $0x1  }
0xc2: {  	[sflag:s5] =	ssyncset.done @!p0 $0x0  }
0xc3: {  	[sflag:s5] =	ssyncadd.s32 @!p0 $0xFFFFFB00  }
0xc4: {  	_ =	sfence.sel $0x180000  }
0xc5: {  	[bflag:$0x0] =	sbarrier.arrive $0xFFFF  }
0xc6: {  	_ =	strace $0x9000004A  }
0xc7: {  	[bflag:$0x2] =	sbarrier.arrive $0xFFFF  }
0xc8: {  	p0 =	sne.s32 s0, $0x0;
	s0 =	rddreg [dreg:$0x3]  }
0xc9: {  	s0 =	sadd.s32 @!p0 $0x100000, s0  }
0xca: {  	[sflag:s0] =	ssyncadd.tile.s32 @!p0 $0x1;
	_ =	shalt  }
.Lfunc_end2:
_tile_overlayer_lowered:
.L_overlay_start_2:
0xcb: {  	(tag) =	ssettag $0x2  }
0xcc: {  	s0 =	rddreg [dreg:$0x0];
	s2 =	stileid.u32  }
0xcd: {  	s1 =	rddreg [dreg:$0x1];
	p0 =	sne.s32 s2, $0x0  }
0xce: {  	s3 =	rddreg [dreg:$0x2];
	[bflag:$0x3] =	sbarrier.arrive $0xFFFF;
	s2 =	simm.s32 @!p0 $0x1C03  }
0xcf: {  	[timem:s3], [sflag:s2] =	dma.local @!p0 [hbm:s0], s1  }
0xd0: {  	s0 =	simm.s32 @!p0 $0x3  }
0xd1: {  	_ =	swait.ge @!p0 [sflag:s0], s1  }
0xd2: {  	s1 =	ssub.s32 @!p0 $0x0, s1;
	[sflag:s0] =	ssyncset.done @!p0 $0x0  }
0xd3: {  	[sflag:s0] =	ssyncadd.s32 @!p0 s1  }
0xd4: {  	[bflag:$0x3] =	sbarrier.arrive $0xFFFF  }
0xd5: {  	_ =	shalt  }

// kernel: kernel.16.cloned.1.call-start
scs
__scs_entry_jumppad:
0x0: {  	(pc) =	sbr.rel $0x88, $3  }
0x1: {  	(tag) =	ssettag $0x0;
	lr =	simm.s32 $0x1  }
0x2: {  	[smem:$0x3F91] =	sst lr;
	_ =	strace $0xD0000000  }
0x3: {  	_ = 	snop  }
0x4: {  	_ = 	snop  }
0x5: {  	_ = 	snop  }
0x6: {  	_ = 	snop  }
0x7: {  	_ = 	snop  }
__scs_overlays_trampoline_lowered:
0x8: {  	[smem:$0x3FA0] =	sst s0  }
0x9: {  	[smem:$0x3FA1] =	sst s1  }
0xa: {  	[smem:$0x3FA2] =	sst s2  }
0xb: {  	[smem:$0x3FA3] =	sst s3  }
0xc: {  	[smem:$0x3FA4] =	sst s4  }
0xd: {  	[smem:$0x3FA5] =	sst s5  }
0xe: {  	[smem:$0x3FA6] =	sst s6  }
0xf: {  	[smem:$0x3FA7] =	sst s7  }
0x10: {  	[smem:$0x3FA8] =	sst s8  }
0x11: {  	[smem:$0x3FA9] =	sst s9;
	s0 =	simm.s32 @!p0 $0x0  }
0x12: {  	s1 =	sld [smem:$0x3F8F];
	s0 =	simm.s32 @p0 $0x1  }
0x13: {  	[smem:$0x3FAA] =	sst s0;
	s0 =	simm.s32 @!p1 $0x0  }
0x14: {  	s2 =	sld [smem:$0x3F8E];
	s0 =	simm.s32 @p1 $0x1  }
0x15: {  	[smem:$0x3FAB] =	sst s0;
	s0 =	simm.s32 @!p2 $0x0  }
0x16: {  	s3 =	sld [smem:$0x3FDB];
	s0 =	simm.s32 @p2 $0x1  }
0x17: {  	s4 =	simm.s32 $0x1BF5;
	[smem:$0x3FAD] =	sst s0  }
0x18: {  	s0 =	sld [smem:$0x3F90];
	_ =	swait.ge [sflag:s4], $0x0  }
0x19: {  	s7 =	sld [smem:$0x3F91]  }
0x1a: {  	s8 =	sadd.s32 $0xFFFFE003, lr  }
0x1b: {  	s9 =	sadd.s32 $0xFFFFFEF7, lr;
	s5 =	simm.s32 $0xFFFFFFFF;
	p2 =	slt.u32 s8, $0xFFFFF086  }
0x1c: {  	p1 =	slt.u32 s9, $0xF7A;
	s5 =	simm.s32 @!p2 $0x0  }
0x1d: {  	s5 =	simm.s32 @p1 $0x1;
	p0 =	seq.s32 s7, s2  }
0x1e: {  	s7 =	smul.u32 @!p0 $0xF7A, s2;
	p2 =	seq.s32 @!p0 s5, $0x0  }
0x1f: {  	s9 =	smul.u32 $0xF7A, s1;
	s8 =	simm.s32 @!p0 $0x1BF5;
	p2 =	por !p2, p0  }
0x20: {  	[sflag:s8] =	ssyncset.s32 @!p0 $0xFFFFF086;
	s6 =	sadd.s32 @!p0 s3, s7;
	s7 =	simm.s32 @!p0 $0x108  }
0x21: {  	s3 =	sadd.s32 s3, s9;
	s6 =	sadd.s32 @!p0 $0x88, s6;
	s7 =	simm.s32 @p2 $0x1082  }
0x22: {  	[simem:s7], [sflag:s8] =	dma.local @!p0 [hbm:s6], $0xF7A  }
0x23: {  	s9 =	sor.u32 $0xD0000000, s2;
	s6 =	simm.s32 $0x108;
	_ =	swait.ge @!p0 [sflag:s8], $0x0  }
0x24: {  	s3 =	sadd.s32 $0x88, s3;
	s6 =	simm.s32 @!p1 $0x1082;
	[sflag:s4] =	ssyncset.s32 $0xFFFFF086  }
0x25: {  	[simem:s6], [sflag:s4] =	dma.local [hbm:s3], $0xF7A  }
0x26: {  	[smem:$0x3F91] =	sst s1;
	(tag) =	ssettag s2;
	_ =	strace s9  }
0x27: {  	s1 =	sld [smem:$0x3FA1]  }
0x28: {  	s2 =	sld [smem:$0x3FA2]  }
0x29: {  	s4 =	sld [smem:$0x3FA4]  }
0x2a: {  	p0 =	seq.s32 s5, $0x0;
	s5 =	sld [smem:$0x3FA5]  }
0x2b: {  	s6 =	sld [smem:$0x3FA6]  }
0x2c: {  	s7 =	sld [smem:$0x3FA7]  }
0x2d: {  	s3 =	simm.s32 $0x108;
	s8 =	sld [smem:$0x3FA8]  }
0x2e: {  	s3 =	simm.s32 @!p0 $0x1082;
	s9 =	sld [smem:$0x3FA9]  }
0x2f: {  	lr =	sadd.s32 s0, s3;
	s0 =	sld [smem:$0x3FA0]  }
0x30: {  	s3 =	sld [smem:$0x3FA3]  }
0x31: {  	[smem:$0x3FAC] =	sst s10  }
0x32: {  	s10 =	sld [smem:$0x3FAA];
	_ =	sdelay $0x3  }
0x33: {  	p0 =	seq.s32 s10, $0x1;
	s10 =	sld [smem:$0x3FAC];
	_ =	sdelay $0x3  }
0x34: {  	[smem:$0x3FAC] =	sst s10  }
0x35: {  	s10 =	sld [smem:$0x3FAB];
	_ =	sdelay $0x3  }
0x36: {  	p1 =	seq.s32 s10, $0x1;
	s10 =	sld [smem:$0x3FAC];
	_ =	sdelay $0x3  }
0x37: {  	[smem:$0x3FAC] =	sst s10  }
0x38: {  	s10 =	sld [smem:$0x3FAD]  }
0x39: {  	_ = 	snop;
	(pc) =	sbr.ind lr, $3  }
0x3a: {  	_ = 	snop  }
0x3b: {  	_ = 	snop  }
0x3c: {  	p2 =	seq.s32 s10, $0x1;
	s10 =	sld [smem:$0x3FAC]  }
0x3d: {  	_ =	shalt  }
0x3e: {  	_ =	shalt  }
0x3f: {  	_ =	shalt  }
0x40: {  	_ =	shalt  }
0x41: {  	_ =	shalt  }
0x42: {  	_ =	shalt  }
0x43: {  	_ =	shalt  }
0x44: {  	_ =	shalt  }
0x45: {  	_ =	shalt  }
0x46: {  	_ =	shalt  }
0x47: {  	_ =	shalt  }
0x48: {  	_ =	shalt  }
0x49: {  	_ =	shalt  }
0x4a: {  	_ =	shalt  }
0x4b: {  	_ =	shalt  }
0x4c: {  	_ =	shalt  }
0x4d: {  	_ =	shalt  }
0x4e: {  	_ =	shalt  }
0x4f: {  	_ =	shalt  }
0x50: {  	_ =	shalt  }
0x51: {  	_ =	shalt  }
0x52: {  	_ =	shalt  }
0x53: {  	_ =	shalt  }
0x54: {  	_ =	shalt  }
0x55: {  	_ =	shalt  }
0x56: {  	_ =	shalt  }
0x57: {  	_ =	shalt  }
0x58: {  	_ =	shalt  }
0x59: {  	_ =	shalt  }
0x5a: {  	_ =	shalt  }
0x5b: {  	_ =	shalt  }
0x5c: {  	_ =	shalt  }
0x5d: {  	_ =	shalt  }
0x5e: {  	_ =	shalt  }
0x5f: {  	_ =	shalt  }
0x60: {  	_ =	shalt  }
0x61: {  	_ =	shalt  }
0x62: {  	_ =	shalt  }
0x63: {  	_ =	shalt  }
0x64: {  	_ =	shalt  }
0x65: {  	_ =	shalt  }
0x66: {  	_ =	shalt  }
0x67: {  	_ =	shalt  }
0x68: {  	_ =	shalt  }
0x69: {  	_ =	shalt  }
0x6a: {  	_ =	shalt  }
0x6b: {  	_ =	shalt  }
0x6c: {  	_ =	shalt  }
0x6d: {  	_ =	shalt  }
0x6e: {  	_ =	shalt  }
0x6f: {  	_ =	shalt  }
0x70: {  	_ =	shalt  }
0x71: {  	_ =	shalt  }
0x72: {  	_ =	shalt  }
0x73: {  	_ =	shalt  }
0x74: {  	_ =	shalt  }
0x75: {  	_ =	shalt  }
0x76: {  	_ =	shalt  }
0x77: {  	_ =	shalt  }
0x78: {  	_ =	shalt  }
0x79: {  	_ =	shalt  }
0x7a: {  	_ =	shalt  }
0x7b: {  	_ =	shalt  }
0x7c: {  	_ =	shalt  }
0x7d: {  	_ =	shalt  }
0x7e: {  	_ =	shalt  }
0x7f: {  	_ =	shalt  }
0x80: {  	_ =	shalt  }
0x81: {  	_ =	shalt  }
0x82: {  	_ =	shalt  }
0x83: {  	_ =	shalt  }
0x84: {  	_ =	shalt  }
0x85: {  	_ =	shalt  }
0x86: {  	_ =	shalt  }
0x87: {  	_ =	shalt  }
.Lfunc_end0:
.L_simem_size_0:
called_computation.1_lowered:
.L_overlay_start_0:
0x88: {  	s2 =	sld [smem:$0x3FD9]  }
0x89: {  	s3 =	sld [smem:$0x3FFE];
	_ =	sdelay $0x1  }
0x8a: {  	s1 =	srdreg.scid  }
0x8b: {  	s0 =	sand.u32 $0x1, s1  }
0x8c: {  	s17 =	sshll.u32 s0, $0xA;
	s2 =	sadd.s32 s3, s2  }
0x8d: {  	s2 =	sadd.s32 s2, s17  }
0x8e: {  	[smem:$0x3FB8] =	sst s2  }
0x8f: {  	_ = 	snop  }
0x90: {  	s2 =	sld [smem:$0x3FD0];
	(tm) =	ssettm $0x1  }
0x91: {  	s18 =	sld [smem:$0x3FFB];
	_ =	sdelay $0x3  }
0x92: {  	_ =	strace s18  }
0x93: {  	s3 =	sld [smem:$0x3FFC];
	_ =	sdelay $0x3  }
0x94: {  	_ =	strace s3  }
0x95: {  	s3 =	sld [smem:$0x3FFD];
	_ =	sdelay $0x3  }
0x96: {  	_ =	strace s3  }
0x97: {  	_ =	strace $0x8FFFFFFF  }
0x98: {  	s19 =	sld [smem:$0x3FDB];
	_ =	sdelay $0x1  }
0x99: {  	s4 =	simm.s32 $_scs_section_size  }
0x9a: {  	s5 =	simm.s32 $_size__tile_overlayer_lowered;
	s6 =	simm.s32 $_tile_overlayer_lowered  }
0x9b: {  	s22 =	simm.s32 $0x1BFF;
	s21 =	sshll.u32 s6, $0x1;
	s3 =	sadd.s32 s4, s19  }
0x9c: {  	s7 =	simm.s32 $0x0;
	s20 =	sshll.u32 s5, $0x1;
	s5 =	sadd.s32 s21, s3  }
0x9d: {  	[timem:s7], [sflag:s22] =	dma.local [hbm:s5], s20  }
0x9e: {  	_ =	swait.ge [sflag:s22], s20  }
0x9f: {  	s4 =	ssub.s32 $0x0, s20;
	[sflag:s22] =	ssyncset.done $0x0  }
0xa0: {  	[sflag:s22] =	ssyncadd.s32 s4;
	_ =	sdelay $0x1  }
0xa1: {  	s23 =	simm.s32 $0x1B8B  }
0xa2: {  	_ =	swait.ge [sflag:s23], $0x1  }
0xa3: {  	[sflag:s23] =	ssyncset.done $0x0  }
0xa4: {  	s25 =	simm.s32 $0x1B8E;
	s24 =	sld [smem:$0x3FFE];
	[sflag:s23] =	ssyncadd.s32 $0xFFFFFFFF  }
0xa5: {  	s26 =	simm.s32 $execute0_lowered;
	[smem:$0x3FD2] =	sst s25  }
0xa6: {  	s5 =	sshll.u32 s26, $0x1;
	_ =	strace $0x80000046;
	[dreg:$0x1] =	wrdreg $0xFFFFFFFF  }
0xa7: {  	s28 =	simm.s32 $_size_execute0_lowered;
	s3 =	sadd.s32 s3, s5;
	[dreg:$0x0] =	wrdreg $0x0  }
0xa8: {  	s5 =	sshll.u32 s28, $0x1;
	[dreg:$0x2] =	wrdreg s3  }
0xa9: {  	[dreg:$0x3] =	wrdreg s5  }
0xaa: {  	[dreg:$0x4] =	wrdreg $0xC0  }
0xab: {  	_ =	task [dreg:s7], $0x5FFFF  }
0xac: {  	[dreg:$0x1] =	wrdreg $0xFFFFFFFF  }
0xad: {  	[dreg:$0x0] =	wrdreg $0x60  }
0xae: {  	[dreg:$0x2] =	wrdreg s2  }
0xaf: {  	[dreg:$0x3] =	wrdreg s24  }
0xb0: {  	[dreg:$0x4] =	wrdreg $0xA6200  }
0xb1: {  	[dreg:$0x5] =	wrdreg $0xA  }
0xb2: {  	_ =	task.clear_ibuf [dreg:s7], $0x6FFFF;
	_ =	strace $0x90000046  }
0xb3: {  	s29 =	simm.s32 $0xA;
	_ =	strace $0x80000048  }
0xb4: {  	_ =	swait.ge [sflag:s29], $0x1  }
0xb5: {  	[sflag:s29] =	ssyncadd.s32 $0xFFFFFFFF  }
0xb6: {  	_ =	strace $0x90000048  }
0xb7: {  	_ =	sfence  }
0xb8: {  	s30 =	sld [smem:$0x0];
	_ =	sdelay $0x2  }
0xb9: {  	s31 =	sshll.u32 s1, $0xD;
	s1 =	sshrl.u32 s1, $0x2  }
0xba: {  	s3 =	sand.u32 $0x4000, s31;
	s1 =	sadd.s32 s1, s30  }
0xbb: {  	s0 =	sor.u32 s3, s0;
	s1 =	sshll.u32 s1, $0x11  }
0xbc: {  	s0 =	sor.u32 s1, s0  }
0xbd: {  	s0 =	sadd.s32 $0x8F2B, s0  }
0xbe: {  	[sflag:s0] =	ssyncadd.remote.s32 $0x1  }
0xbf: {  	_ =	sfence.sel $0xFFFF  }
0xc0: {  	[dreg:$0x0] =	wrdreg $0xFFFFFFFF;
	(pc) =	sbr.abs _section_cstart, $3  }
0xc1: {  	[dreg:$0x1] =	wrdreg $0xFFFFFFFF  }
0xc2: {  	_ =	task.clear_ibuf [dreg:s7], $0x2FFFF;
	_ =	strace $0x9FFFFFFF  }
0xc3: {  	(tm) =	ssettm $0x7FFFFFFF  }
tec
execute0_lowered:
.L_overlay_start_1:
0x0: {  	(tag) =	ssettag $0x1  }
0x1: {  	s1 =	rddreg [dreg:$0x0]  }
0x2: {  	s5 =	rddreg [dreg:$0x1]  }
0x3: {  	s0 =	srdreg.scid;
	s3 =	rddreg [dreg:$0x2]  }
0x4: {  	s28 =	simm.s32 $0x50;
	s2 =	sand.u32 $0x1, s0;
	s0 =	stileid.u32  }
0x5: {  	s4 =	sshll.u32 s2, $0x4;
	s7 =	ssub.s32 $0x2, s2;
	s2 =	smul.u32 $0x138800, s2  }
0x6: {  	s29 =	simm.s32 $0x4E20;
	s30 =	simm.s32 $0x1;
	s13 =	smul.u32 $0x2800, s0  }
0x7: {  	s31 =	simm.s32 $0x7620;
	s11 =	smul.u32 $0xA000, s0;
	s6 =	sor.u32 s0, s4  }
0x8: {  	s4 =	simm.s32 $0x0;
	s8 =	sshrl.u32 s7, $0x1;
	s6 =	smul.u32 $0x4E2, s6  }
0x9: {  	[smem:$0x7FF] =	sst s4;
	s7 =	ssub.s32 s7, s8;
	s20 =	sadd.s32 s2, s13  }
0xa: {  	s21 =	sadd.s32 $0x28000, s13;
	s23 =	sadd.s32 $0x50000, s13;
	s18 =	sadd.s32 s13, s3  }
0xb: {  	s16 =	sadd.s32 $0x78000, s13;
	s17 =	sadd.s32 $0xA0000, s13;
	_ =	strace $0x80000047  }
0xc: {  	s7 =	smax.u32 s7, $0x1;
	s22 =	sadd.s32 s2, s21;
	s10 =	sadd.s32 s2, s23  }
0xd: {  	s25 =	sadd.s32 s2, s16;
	s8 =	sadd.s32 s23, s3;
	s26 =	sadd.s32 s2, s17  }
0xe: {  	s12 =	sadd.s32 s16, s3;
	s18 =	sshrl.u32 s18, $0x3;
	s6 =	sadd.s32 s6, s5  }
0xf: {  	s5 =	sadd.s32 $0x4F9800, s5;
	[dreg:$0x6] =	wrdreg s7;
	s19 =	sadd.s32 $0xDA00, s6  }
0x10: {  	s24 =	sshrl.u32 s10, $0x3;
	s6 =	sadd.s32 $0x3C00, s6;
	[dreg:$0x4] =	wrdreg s19  }
0x11: {  	s7 =	sadd.s32 s21, s3;
	[dreg:$0x5] =	wrdreg s6;
	s6 =	sshrl.u32 s20, $0x3  }
0x12: {  	s19 =	sor.u32 $0x70, s0;
	s20 =	sadd.s32 $0xC8000, s13;
	s6 =	sadd.s32 s5, s6  }
0x13: {  	s21 =	smul.u32 $0x2800, s19;
	s9 =	sadd.s32 s2, s20;
	s23 =	sadd.s32 s20, s3  }
0x14: {  	p0 =	sgt.u32 s19, $0x7C;
	s19 =	sshrl.u32 s7, $0x3;
	s20 =	sshrl.u32 s8, $0x3  }
0x15: {  	[dreg:$0x7] =	wrdreg s6;
	s6 =	sshrl.u32 s22, $0x3;
	s22 =	sadd.s32 $0xF0000, s13  }
0x16: {  	s23 =	sshrl.u32 s23, $0x3;
	s6 =	sadd.s32 s5, s6;
	s14 =	sadd.s32 s2, s22  }
0x17: {  	s2 =	sadd.s32 s2, s21;
	[dreg:$0x8] =	wrdreg s6;
	s6 =	sadd.s32 s5, s24  }
0x18: {  	s10 =	sshrl.u32 s14, $0x3;
	s2 =	sshrl.u32 s2, $0x3;
	s24 =	sadd.s32 s22, s3  }
0x19: {  	[dreg:$0x9] =	wrdreg s6;
	s6 =	sshrl.u32 s25, $0x3;
	s14 =	sadd.s32 s5, s10  }
0x1a: {  	s15 =	sadd.s32 s5, s2;
	s25 =	sadd.s32 s21, s3;
	s2 =	sshrl.u32 s11, $0x2  }
0x1b: {  	s21 =	sshrl.u32 s12, $0x3;
	s24 =	sshrl.u32 s24, $0x3;
	s6 =	sadd.s32 s5, s6  }
0x1c: {  	s16 =	sadd.s32 s2, s3;
	[dreg:$0xa] =	wrdreg s6;
	s6 =	sshrl.u32 s26, $0x3  }
0x1d: {  	s25 =	sshrl.u32 @!p0 s25, $0x3;
	s2 =	simm.s32 $0x2;
	s6 =	sadd.s32 s5, s6  }
0x1e: {  	s26 =	sadd.s32 s17, s3;
	[dreg:$0xb] =	wrdreg s6;
	s6 =	sshrl.u32 s9, $0x3  }
0x1f: {  	v0 =	vimm.f32 $0.0e+00;
	s17 =	simm.s32 $0x3;
	s22 =	sshrl.u32 s26, $0x3;
	s13 =	sadd.s32 s5, s6  }
.LBB2_1:
0x20: {  	s5 =	simm.s32 $0x0;
	s6 =	simm.s32 $0x0  }
.LBB2_2:
0x21: {  	p1 =	sne.s32 s6, $0x1FC0  }
.Ltmp0:
0x22: {  	_ = 	snop;
	(pc) =	sbr.rel @p1 .LBB2_2-.Ltmp0, $4  }
0x23: {  	s7 =	sand.u32 $0x1E00, s6  }
0x24: {  	s8 =	sand.u32 $0x70, s5;
	s7 =	sshrl.u32 s7, $0x2  }
0x25: {  	s7 =	sor.u32 s8, s7  }
0x26: {  	s5 =	sadd.s32 $0x10, s5;
	s6 =	sadd.s32 $0x40, s6;
	[tilespmem:s7+$0x9E20] =	vst v0  }
0x27: {  	p2 =	sgt.u32 s0, $0x7C  }
0x28: {  	s6 =	simm.s32 @!p2 $0x9E20;
	s5 =	sadd.s32 @!p2 $0x0, s16;
	s7 =	simm.s32 @!p2 $0x4  }
0x29: {  	[spmem:s5] =	stream.linear.scatter @!p2 [tilespmem:s6], [sflag:$0x4], $0x800, $0x38;
	[tilespmem:$0x1DEA0] =	vst v63  }
0x2a: {  	_ =	swait.ge @!p2 [sflag:s7], $0x800  }
0x2b: {  	[sflag:s7] =	ssyncset.done @!p2 $0x0  }
0x2c: {  	s8 =	sadd.s32 @!p2 $0x800, s5;
	[sflag:s7] =	ssyncadd.s32 @!p2 $0xFFFFF800  }
0x2d: {  	[spmem:s8] =	stream.linear.scatter @!p2 [tilespmem:s6], [sflag:$0x4], $0x800, $0x38;
	[tilespmem:$0x1DEA0] =	vst v63  }
0x2e: {  	p1 =	por p2, p2;
	_ =	swait.ge @!p2 [sflag:s7], $0x800  }
0x2f: {  	[sflag:s7] =	ssyncset.done @!p1 $0x0  }
0x30: {  	s8 =	sadd.s32 @!p2 $0x1000, s5;
	[sflag:s7] =	ssyncadd.s32 @!p1 $0xFFFFF800  }
0x31: {  	[spmem:s8] =	stream.linear.scatter @!p1 [tilespmem:s6], [sflag:$0x4], $0x800, $0x38;
	[tilespmem:$0x1DEA0] =	vst v63  }
0x32: {  	_ =	swait.ge @!p1 [sflag:s7], $0x800  }
0x33: {  	[sflag:s7] =	ssyncset.done @!p1 $0x0  }
0x34: {  	s8 =	sadd.s32 @!p2 $0x1800, s5;
	[sflag:s7] =	ssyncadd.s32 @!p1 $0xFFFFF800  }
0x35: {  	[spmem:s8] =	stream.linear.scatter @!p1 [tilespmem:s6], [sflag:$0x4], $0x800, $0x38;
	[tilespmem:$0x1DEA0] =	vst v63  }
0x36: {  	_ =	swait.ge @!p1 [sflag:s7], $0x800  }
0x37: {  	s8 =	sadd.s32 @!p2 $0x2000, s5;
	s5 =	sadd.s32 $0x10, s0;
	[sflag:s7] =	ssyncset.done @!p1 $0x0  }
0x38: {  	p2 =	sgt.u32 s5, $0x7C;
	[sflag:s7] =	ssyncadd.s32 @!p1 $0xFFFFF800;
	s7 =	simm.s32 @!p1 $0x3  }
0x39: {  	[spmem:s8] =	stream.linear.scatter @!p1 [tilespmem:s6], [sflag:$0x3], $0x800, $0x38;
	[tilespmem:$0x1DEA0] =	vst v63  }
0x3a: {  	s26 =	simm.s32 @!p2 $0x9E20;
	_ =	swait.ge @!p1 [sflag:s7], $0x800  }
0x3b: {  	s6 =	simm.s32 $0x140000;
	s8 =	simm.s32 @!p2 $0x28000;
	[sflag:s7] =	ssyncset.done @!p1 $0x0  }
.LBB2_4:
0x3c: {  	s8 =	sadd.s32 @!p2 s8, s16;
	s9 =	simm.s32 @!p2 $0x4;
	[sflag:s7] =	ssyncadd.s32 @!p1 $0xFFFFF800  }
0x3d: {  	[spmem:s8] =	stream.linear.scatter @!p2 [tilespmem:s26], [sflag:$0x4], $0x800, $0x38;
	[tilespmem:$0x1DEA0] =	vst v63  }
0x3e: {  	s7 =	sadd.s32 @!p2 $0x800, s8;
	s10 =	sadd.s32 @!p2 $0x1000, s8;
	_ =	swait.ge @!p2 [sflag:s9], $0x800  }
0x3f: {  	s11 =	sadd.s32 @!p2 $0x1800, s8;
	s8 =	sadd.s32 @!p2 $0x2000, s8;
	[sflag:s9] =	ssyncset.done @!p2 $0x0  }
0x40: {  	s12 =	smov.u32 s6;
	s6 =	sadd.s32 $0xA0000, s6;
	[sflag:s9] =	ssyncadd.s32 @!p2 $0xFFFFF800  }
0x41: {  	[spmem:s7] =	stream.linear.scatter @!p2 [tilespmem:s26], [sflag:$0x4], $0x800, $0x38;
	[tilespmem:$0x1DEA0] =	vst v63  }
0x42: {  	p1 =	por p2, p2;
	p3 =	sne.s32 s6, $0x500000;
	_ =	swait.ge @!p2 [sflag:s9], $0x800  }
0x43: {  	[sflag:s9] =	ssyncset.done @!p1 $0x0  }
0x44: {  	[sflag:s9] =	ssyncadd.s32 @!p1 $0xFFFFF800  }
0x45: {  	[spmem:s10] =	stream.linear.scatter @!p1 [tilespmem:s26], [sflag:$0x4], $0x800, $0x38;
	[tilespmem:$0x1DEA0] =	vst v63  }
0x46: {  	_ =	swait.ge @!p1 [sflag:s9], $0x800  }
0x47: {  	[sflag:s9] =	ssyncset.done @!p1 $0x0  }
0x48: {  	[sflag:s9] =	ssyncadd.s32 @!p1 $0xFFFFF800  }
0x49: {  	[spmem:s11] =	stream.linear.scatter @!p1 [tilespmem:s26], [sflag:$0x4], $0x800, $0x38;
	[tilespmem:$0x1DEA0] =	vst v63  }
0x4a: {  	_ =	swait.ge @!p1 [sflag:s9], $0x800  }
.Ltmp1:
0x4b: {  	[sflag:s9] =	ssyncset.done @!p1 $0x0;
	(pc) =	sbr.rel @p3 .LBB2_4-.Ltmp1, $4  }
0x4c: {  	s5 =	sadd.s32 $0x10, s5;
	s7 =	simm.s32 @!p1 $0x3;
	[sflag:s9] =	ssyncadd.s32 @!p1 $0xFFFFF800  }
0x4d: {  	[spmem:s8] =	stream.linear.scatter @!p1 [tilespmem:s26], [sflag:$0x3], $0x800, $0x38;
	[tilespmem:$0x1DEA0] =	vst v63  }
0x4e: {  	p2 =	sgt.u32 s5, $0x7C;
	_ =	swait.ge @!p1 [sflag:s7], $0x800  }
0x4f: {  	s8 =	sshra.s32 @!p2 s12, $0x2;
	s26 =	simm.s32 @!p2 $0x9E20;
	[sflag:s7] =	ssyncset.done @!p1 $0x0  }
0x50: {  	s5 =	sadd.s32 @!p2 s8, s16;
	s6 =	simm.s32 @!p2 $0x4;
	[sflag:s7] =	ssyncadd.s32 @!p1 $0xFFFFF800  }
0x51: {  	[spmem:s5] =	stream.linear.scatter @!p2 [tilespmem:s26], [sflag:$0x4], $0x800, $0x38;
	[tilespmem:$0x1DEA0] =	vst v63  }
0x52: {  	_ =	swait.ge @!p2 [sflag:s6], $0x800  }
0x53: {  	[sflag:s6] =	ssyncset.done @!p2 $0x0  }
0x54: {  	s7 =	sadd.s32 @!p2 $0x800, s5;
	[sflag:s6] =	ssyncadd.s32 @!p2 $0xFFFFF800  }
0x55: {  	[spmem:s7] =	stream.linear.scatter @!p2 [tilespmem:s26], [sflag:$0x4], $0x800, $0x38;
	[tilespmem:$0x1DEA0] =	vst v63  }
0x56: {  	p1 =	por p2, p2;
	_ =	swait.ge @!p2 [sflag:s6], $0x800  }
0x57: {  	[sflag:s6] =	ssyncset.done @!p1 $0x0  }
0x58: {  	s7 =	sadd.s32 @!p2 $0x1000, s5;
	[sflag:s6] =	ssyncadd.s32 @!p1 $0xFFFFF800  }
0x59: {  	[spmem:s7] =	stream.linear.scatter @!p1 [tilespmem:s26], [sflag:$0x4], $0x800, $0x38;
	[tilespmem:$0x1DEA0] =	vst v63  }
0x5a: {  	_ =	swait.ge @!p1 [sflag:s6], $0x800  }
0x5b: {  	[sflag:s6] =	ssyncset.done @!p1 $0x0  }
0x5c: {  	s7 =	sadd.s32 @!p2 $0x1800, s5;
	[sflag:s6] =	ssyncadd.s32 @!p1 $0xFFFFF800  }
0x5d: {  	[spmem:s7] =	stream.linear.scatter @!p1 [tilespmem:s26], [sflag:$0x4], $0x800, $0x38;
	[tilespmem:$0x1DEA0] =	vst v63  }
0x5e: {  	_ =	swait.ge @!p1 [sflag:s6], $0x800  }
0x5f: {  	[sflag:s6] =	ssyncset.done @!p1 $0x0  }
0x60: {  	s5 =	sadd.s32 @!p2 $0x2000, s5;
	[sflag:s6] =	ssyncadd.s32 @!p1 $0xFFFFF800;
	s6 =	simm.s32 @!p1 $0x3  }
0x61: {  	[spmem:s5] =	stream.linear.scatter @!p1 [tilespmem:s26], [sflag:$0x3], $0x800, $0x38;
	[tilespmem:$0x1DEA0] =	vst v63  }
0x62: {  	_ =	swait.ge @!p1 [sflag:s6], $0x800  }
0x63: {  	[sflag:s6] =	ssyncset.done @!p1 $0x0  }
0x64: {  	s26 =	simm.s32 $0x0;
	s7 =	rddreg [dreg:$0x4];
	[sflag:s6] =	ssyncadd.s32 @!p1 $0xFFFFF800  }
0x65: {  	[tilespmem:s26], [sflag:$0x3] =	stream.linear.gather [hbm4b:s7+s26], $0x2710, $0x38;
	[tilespmem:$0x1DEA0] =	vst v63  }
0x66: {  	_ =	swait.ge [sflag:s17], $0x2710  }
0x67: {  	[sflag:s17] =	ssyncset.done $0x0  }
0x68: {  	s9 =	simm.s32 $0x2710;
	s8 =	rddreg [dreg:$0x5];
	[sflag:s17] =	ssyncadd.s32 $0xFFFFD8F0  }
0x69: {  	[tilespmem:s9], [sflag:$0x3] =	stream.linear.gather [hbm4b:s8+s26], $0x2710, $0x38;
	[tilespmem:$0x1DEA0] =	vst v63  }
0x6a: {  	_ =	swait.ge [sflag:s17], $0x2710  }
0x6b: {  	[sflag:s17] =	ssyncset.done $0x0  }
0x6c: {  	[sflag:s17] =	ssyncadd.s32 $0xFFFFD8F0  }
0x6d: {  	[bflag:$0x0] =	sbarrier.arrive $0xFFFF  }
0x6e: {  	[tilespmem:s29], [sflag:$0x1] =	stream.indirect.gather [hbm4b:s1+s28], $0x80, s26, s28, $0xb8;
	[tilespmem:$0x1DEA0] =	vst v63  }
0x6f: {  	_ =	swait.ge [sflag:s30], $0x2800  }
0x70: {  	[sflag:s30] =	ssyncset.done $0x0  }
0x71: {  	s10 =	simm.s32 $0x50;
	[sflag:s30] =	ssyncadd.s32 $0xFFFFD800  }
0x72: {  	[tilespmem:s31], [sflag:$0x2] =	stream.indirect.gather [hbm4b:s1+s28], $0x80, s10, s28, $0xb8;
	[tilespmem:$0x1DEA0] =	vst v63  }
0x73: {  	s11 =	simm.s32 $0x2710  }
0x74: {  	[spmem:s3] =	stream.indirect.scatter.add.f32 [tilespmem:s29], [sflag:$0x3], $0x80, s11, s28, $0xb8;
	[tilespmem:$0x1DEA0] =	vst v63  }
0x75: {  	_ =	swait.ge [sflag:s17], $0x2800  }
0x76: {  	[sflag:s17] =	ssyncset.done $0x0  }
0x77: {  	[sflag:s17] =	ssyncadd.s32 $0xFFFFD800  }
0x78: {  	_ =	swait.ge [sflag:s2], $0x2800  }
0x79: {  	[sflag:s2] =	ssyncset.done $0x0  }
0x7a: {  	s12 =	simm.s32 $0xA0;
	[sflag:s2] =	ssyncadd.s32 $0xFFFFD800  }
0x7b: {  	[tilespmem:s29], [sflag:$0x1] =	stream.indirect.gather [hbm4b:s1+s28], $0x80, s12, s28, $0xb8;
	[tilespmem:$0x1DEA0] =	vst v63  }
0x7c: {  	s26 =	simm.s32 $0x2760  }
0x7d: {  	[spmem:s3] =	stream.indirect.scatter.add.f32 [tilespmem:s31], [sflag:$0x3], $0x80, s26, s28, $0xb8;
	[tilespmem:$0x1DEA0] =	vst v63  }
0x7e: {  	_ =	swait.ge [sflag:s17], $0x2800  }
0x7f: {  	s5 =	simm.s32 $0x280;
	[sflag:s17] =	ssyncset.done $0x0  }
.LBB2_6:
0x80: {  	p1 =	sne.s32 s5, $0x9880  }
0x81: {  	[sflag:s17] =	ssyncadd.s32 $0xFFFFD800;
	s6 =	smov.u32 s5;
	s5 =	sadd.s32 $0x280, s5  }
0x82: {  	_ = 	snop  }
0x83: {  	_ =	swait.ge [sflag:s30], $0x2800  }
0x84: {  	s6 =	sshra.s32 s6, $0x2;
	[sflag:s30] =	ssyncset.done $0x0  }
0x85: {  	s7 =	sadd.s32 $0x50, s6;
	[sflag:s30] =	ssyncadd.s32 $0xFFFFD800  }
0x86: {  	[tilespmem:s31], [sflag:$0x2] =	stream.indirect.gather [hbm4b:s1+s28], $0x80, s7, s28, $0xb8;
	[tilespmem:$0x1DEA0] =	vst v63  }
0x87: {  	s7 =	sadd.s32 $0x2710, s6  }
0x88: {  	[spmem:s3] =	stream.indirect.scatter.add.f32 [tilespmem:s29], [sflag:$0x3], $0x80, s7, s28, $0xb8;
	[tilespmem:$0x1DEA0] =	vst v63  }
0x89: {  	_ =	swait.ge [sflag:s17], $0x2800  }
0x8a: {  	[sflag:s17] =	ssyncset.done $0x0  }
0x8b: {  	[sflag:s17] =	ssyncadd.s32 $0xFFFFD800  }
0x8c: {  	_ =	swait.ge [sflag:s2], $0x2800  }
0x8d: {  	[sflag:s2] =	ssyncset.done $0x0  }
0x8e: {  	s7 =	sadd.s32 $0xA0, s6;
	[sflag:s2] =	ssyncadd.s32 $0xFFFFD800  }
0x8f: {  	[tilespmem:s29], [sflag:$0x1] =	stream.indirect.gather [hbm4b:s1+s28], $0x80, s7, s28, $0xb8;
	[tilespmem:$0x1DEA0] =	vst v63  }
.Ltmp2:
0x90: {  	_ = 	snop;
	(pc) =	sbr.rel @p1 .LBB2_6-.Ltmp2, $4  }
0x91: {  	s6 =	sadd.s32 $0x2760, s6  }
0x92: {  	[spmem:s3] =	stream.indirect.scatter.add.f32 [tilespmem:s31], [sflag:$0x3], $0x80, s6, s28, $0xb8;
	[tilespmem:$0x1DEA0] =	vst v63  }
0x93: {  	_ =	swait.ge [sflag:s17], $0x2800  }
0x94: {  	[sflag:s17] =	ssyncset.done $0x0  }
0x95: {  	[sflag:s17] =	ssyncadd.s32 $0xFFFFD800  }
0x96: {  	_ =	swait.ge [sflag:s30], $0x2800  }
0x97: {  	[sflag:s30] =	ssyncset.done $0x0  }
0x98: {  	s5 =	simm.s32 $0x4DD0;
	[sflag:s30] =	ssyncadd.s32 $0xFFFFD800  }
0x99: {  	[spmem:s3] =	stream.indirect.scatter.add.f32 [tilespmem:s29], [sflag:$0x3], $0x80, s5, s28, $0xb8;
	[tilespmem:$0x1DEA0] =	vst v63  }
0x9a: {  	_ =	swait.ge [sflag:s17], $0x2800  }
0x9b: {  	[sflag:s17] =	ssyncset.done $0x0  }
0x9c: {  	[sflag:s17] =	ssyncadd.s32 $0xFFFFD800  }
0x9d: {  	s8 =	sshll.u32 s0, $0x6;
	[bflag:$0x0] =	sbarrier.arrive $0xFFFF  }
0x9e: {  	s5 =	sor.u32 $0x1C03, s8;
	s6 =	rddreg [dreg:$0x7]  }
0x9f: {  	[hbm:s6], [sflag:s5] =	dma.local [spmem:s18], $0x500  }
0xa0: {  	_ =	swait.ge [sflag:s17], $0x500  }
0xa1: {  	[sflag:s17] =	ssyncset.done $0x0  }
0xa2: {  	s9 =	rddreg [dreg:$0x8];
	[sflag:s17] =	ssyncadd.s32 $0xFFFFFB00  }
0xa3: {  	[hbm:s9], [sflag:s5] =	dma.local [spmem:s19], $0x500  }
0xa4: {  	_ =	swait.ge [sflag:s17], $0x500  }
0xa5: {  	[sflag:s17] =	ssyncset.done $0x0  }
0xa6: {  	s10 =	rddreg [dreg:$0x9];
	[sflag:s17] =	ssyncadd.s32 $0xFFFFFB00  }
0xa7: {  	[hbm:s10], [sflag:s5] =	dma.local [spmem:s20], $0x500  }
0xa8: {  	_ =	swait.ge [sflag:s17], $0x500  }
0xa9: {  	[sflag:s17] =	ssyncset.done $0x0  }
0xaa: {  	s11 =	rddreg [dreg:$0xa];
	[sflag:s17] =	ssyncadd.s32 $0xFFFFFB00  }
0xab: {  	[hbm:s11], [sflag:s5] =	dma.local [spmem:s21], $0x500  }
0xac: {  	_ =	swait.ge [sflag:s17], $0x500  }
0xad: {  	[sflag:s17] =	ssyncset.done $0x0  }
0xae: {  	s12 =	rddreg [dreg:$0xb];
	[sflag:s17] =	ssyncadd.s32 $0xFFFFFB00  }
0xaf: {  	[hbm:s12], [sflag:s5] =	dma.local [spmem:s22], $0x500  }
0xb0: {  	_ =	swait.ge [sflag:s17], $0x500  }
0xb1: {  	[sflag:s17] =	ssyncset.done $0x0  }
0xb2: {  	[sflag:s17] =	ssyncadd.s32 $0xFFFFFB00  }
0xb3: {  	[hbm:s13], [sflag:s5] =	dma.local [spmem:s23], $0x500  }
0xb4: {  	_ =	swait.ge [sflag:s17], $0x500  }
0xb5: {  	[sflag:s17] =	ssyncset.done $0x0  }
0xb6: {  	[sflag:s17] =	ssyncadd.s32 $0xFFFFFB00  }
0xb7: {  	[hbm:s14], [sflag:s5] =	dma.local [spmem:s24], $0x500  }
0xb8: {  	_ =	swait.ge [sflag:s17], $0x500  }
0xb9: {  	[sflag:s17] =	ssyncset.done $0x0  }
0xba: {  	[sflag:s17] =	ssyncadd.s32 $0xFFFFFB00  }
0xbb: {  	[hbm:s15], [sflag:s5] =	dma.local @!p0 [spmem:s25], $0x500  }
0xbc: {  	s5 =	simm.s32 @!p0 $0x3  }
0xbd: {  	_ =	swait.ge @!p0 [sflag:s5], $0x500  }
0xbe: {  	s4 =	sadd.s32 $0x1, s4;
	s26 =	rddreg [dreg:$0x6]  }
0xbf: {  	p1 =	sne.s32 s4, s26  }
.Ltmp3:
0xc0: {  	_ = 	snop;
	(pc) =	sbr.rel @p1 .LBB2_1-.Ltmp3, $3  }
0xc1: {  	_ =	sdelay $0x1  }
0xc2: {  	[sflag:s5] =	ssyncset.done @!p0 $0x0  }
0xc3: {  	[sflag:s5] =	ssyncadd.s32 @!p0 $0xFFFFFB00  }
0xc4: {  	_ =	sfence.sel $0x180000  }
0xc5: {  	[bflag:$0x0] =	sbarrier.arrive $0xFFFF  }
0xc6: {  	_ =	strace $0x90000047  }
0xc7: {  	[bflag:$0x2] =	sbarrier.arrive $0xFFFF  }
0xc8: {  	p0 =	sne.s32 s0, $0x0;
	s0 =	rddreg [dreg:$0x3]  }
0xc9: {  	s0 =	sadd.s32 @!p0 $0x100000, s0  }
0xca: {  	[sflag:s0] =	ssyncadd.tile.s32 @!p0 $0x1;
	_ =	shalt  }
.Lfunc_end2:
_tile_overlayer_lowered:
.L_overlay_start_2:
0xcb: {  	(tag) =	ssettag $0x2  }
0xcc: {  	s0 =	rddreg [dreg:$0x0];
	s2 =	stileid.u32  }
0xcd: {  	s1 =	rddreg [dreg:$0x1];
	p0 =	sne.s32 s2, $0x0  }
0xce: {  	s3 =	rddreg [dreg:$0x2];
	[bflag:$0x3] =	sbarrier.arrive $0xFFFF;
	s2 =	simm.s32 @!p0 $0x1C03  }
0xcf: {  	[timem:s3], [sflag:s2] =	dma.local @!p0 [hbm:s0], s1  }
0xd0: {  	s0 =	simm.s32 @!p0 $0x3  }
0xd1: {  	_ =	swait.ge @!p0 [sflag:s0], s1  }
0xd2: {  	s1 =	ssub.s32 @!p0 $0x0, s1;
	[sflag:s0] =	ssyncset.done @!p0 $0x0  }
0xd3: {  	[sflag:s0] =	ssyncadd.s32 @!p0 s1  }
0xd4: {  	[bflag:$0x3] =	sbarrier.arrive $0xFFFF  }
0xd5: {  	_ =	shalt  }

// kernel: kernel.19.cloned.1.call-start
scs
__scs_entry_jumppad:
0x0: {  	(pc) =	sbr.rel $0x88, $3  }
0x1: {  	(tag) =	ssettag $0x0;
	lr =	simm.s32 $0x1  }
0x2: {  	[smem:$0x3F91] =	sst lr;
	_ =	strace $0xD0000000  }
0x3: {  	_ = 	snop  }
0x4: {  	_ = 	snop  }
0x5: {  	_ = 	snop  }
0x6: {  	_ = 	snop  }
0x7: {  	_ = 	snop  }
__scs_overlays_trampoline_lowered:
0x8: {  	[smem:$0x3FA0] =	sst s0  }
0x9: {  	[smem:$0x3FA1] =	sst s1  }
0xa: {  	[smem:$0x3FA2] =	sst s2  }
0xb: {  	[smem:$0x3FA3] =	sst s3  }
0xc: {  	[smem:$0x3FA4] =	sst s4  }
0xd: {  	[smem:$0x3FA5] =	sst s5  }
0xe: {  	[smem:$0x3FA6] =	sst s6  }
0xf: {  	[smem:$0x3FA7] =	sst s7  }
0x10: {  	[smem:$0x3FA8] =	sst s8  }
0x11: {  	[smem:$0x3FA9] =	sst s9;
	s0 =	simm.s32 @!p0 $0x0  }
0x12: {  	s1 =	sld [smem:$0x3F8F];
	s0 =	simm.s32 @p0 $0x1  }
0x13: {  	[smem:$0x3FAA] =	sst s0;
	s0 =	simm.s32 @!p1 $0x0  }
0x14: {  	s2 =	sld [smem:$0x3F8E];
	s0 =	simm.s32 @p1 $0x1  }
0x15: {  	[smem:$0x3FAB] =	sst s0;
	s0 =	simm.s32 @!p2 $0x0  }
0x16: {  	s3 =	sld [smem:$0x3FDB];
	s0 =	simm.s32 @p2 $0x1  }
0x17: {  	s4 =	simm.s32 $0x1BF5;
	[smem:$0x3FAD] =	sst s0  }
0x18: {  	s0 =	sld [smem:$0x3F90];
	_ =	swait.ge [sflag:s4], $0x0  }
0x19: {  	s7 =	sld [smem:$0x3F91]  }
0x1a: {  	s8 =	sadd.s32 $0xFFFFE003, lr  }
0x1b: {  	s9 =	sadd.s32 $0xFFFFFEF7, lr;
	s5 =	simm.s32 $0xFFFFFFFF;
	p2 =	slt.u32 s8, $0xFFFFF086  }
0x1c: {  	p1 =	slt.u32 s9, $0xF7A;
	s5 =	simm.s32 @!p2 $0x0  }
0x1d: {  	s5 =	simm.s32 @p1 $0x1;
	p0 =	seq.s32 s7, s2  }
0x1e: {  	s7 =	smul.u32 @!p0 $0xF7A, s2;
	p2 =	seq.s32 @!p0 s5, $0x0  }
0x1f: {  	s9 =	smul.u32 $0xF7A, s1;
	s8 =	simm.s32 @!p0 $0x1BF5;
	p2 =	por !p2, p0  }
0x20: {  	[sflag:s8] =	ssyncset.s32 @!p0 $0xFFFFF086;
	s6 =	sadd.s32 @!p0 s3, s7;
	s7 =	simm.s32 @!p0 $0x108  }
0x21: {  	s3 =	sadd.s32 s3, s9;
	s6 =	sadd.s32 @!p0 $0x88, s6;
	s7 =	simm.s32 @p2 $0x1082  }
0x22: {  	[simem:s7], [sflag:s8] =	dma.local @!p0 [hbm:s6], $0xF7A  }
0x23: {  	s9 =	sor.u32 $0xD0000000, s2;
	s6 =	simm.s32 $0x108;
	_ =	swait.ge @!p0 [sflag:s8], $0x0  }
0x24: {  	s3 =	sadd.s32 $0x88, s3;
	s6 =	simm.s32 @!p1 $0x1082;
	[sflag:s4] =	ssyncset.s32 $0xFFFFF086  }
0x25: {  	[simem:s6], [sflag:s4] =	dma.local [hbm:s3], $0xF7A  }
0x26: {  	[smem:$0x3F91] =	sst s1;
	(tag) =	ssettag s2;
	_ =	strace s9  }
0x27: {  	s1 =	sld [smem:$0x3FA1]  }
0x28: {  	s2 =	sld [smem:$0x3FA2]  }
0x29: {  	s4 =	sld [smem:$0x3FA4]  }
0x2a: {  	p0 =	seq.s32 s5, $0x0;
	s5 =	sld [smem:$0x3FA5]  }
0x2b: {  	s6 =	sld [smem:$0x3FA6]  }
0x2c: {  	s7 =	sld [smem:$0x3FA7]  }
0x2d: {  	s3 =	simm.s32 $0x108;
	s8 =	sld [smem:$0x3FA8]  }
0x2e: {  	s3 =	simm.s32 @!p0 $0x1082;
	s9 =	sld [smem:$0x3FA9]  }
0x2f: {  	lr =	sadd.s32 s0, s3;
	s0 =	sld [smem:$0x3FA0]  }
0x30: {  	s3 =	sld [smem:$0x3FA3]  }
0x31: {  	[smem:$0x3FAC] =	sst s10  }
0x32: {  	s10 =	sld [smem:$0x3FAA];
	_ =	sdelay $0x3  }
0x33: {  	p0 =	seq.s32 s10, $0x1;
	s10 =	sld [smem:$0x3FAC];
	_ =	sdelay $0x3  }
0x34: {  	[smem:$0x3FAC] =	sst s10  }
0x35: {  	s10 =	sld [smem:$0x3FAB];
	_ =	sdelay $0x3  }
0x36: {  	p1 =	seq.s32 s10, $0x1;
	s10 =	sld [smem:$0x3FAC];
	_ =	sdelay $0x3  }
0x37: {  	[smem:$0x3FAC] =	sst s10  }
0x38: {  	s10 =	sld [smem:$0x3FAD]  }
0x39: {  	_ = 	snop;
	(pc) =	sbr.ind lr, $3  }
0x3a: {  	_ = 	snop  }
0x3b: {  	_ = 	snop  }
0x3c: {  	p2 =	seq.s32 s10, $0x1;
	s10 =	sld [smem:$0x3FAC]  }
0x3d: {  	_ =	shalt  }
0x3e: {  	_ =	shalt  }
0x3f: {  	_ =	shalt  }
0x40: {  	_ =	shalt  }
0x41: {  	_ =	shalt  }
0x42: {  	_ =	shalt  }
0x43: {  	_ =	shalt  }
0x44: {  	_ =	shalt  }
0x45: {  	_ =	shalt  }
0x46: {  	_ =	shalt  }
0x47: {  	_ =	shalt  }
0x48: {  	_ =	shalt  }
0x49: {  	_ =	shalt  }
0x4a: {  	_ =	shalt  }
0x4b: {  	_ =	shalt  }
0x4c: {  	_ =	shalt  }
0x4d: {  	_ =	shalt  }
0x4e: {  	_ =	shalt  }
0x4f: {  	_ =	shalt  }
0x50: {  	_ =	shalt  }
0x51: {  	_ =	shalt  }
0x52: {  	_ =	shalt  }
0x53: {  	_ =	shalt  }
0x54: {  	_ =	shalt  }
0x55: {  	_ =	shalt  }
0x56: {  	_ =	shalt  }
0x57: {  	_ =	shalt  }
0x58: {  	_ =	shalt  }
0x59: {  	_ =	shalt  }
0x5a: {  	_ =	shalt  }
0x5b: {  	_ =	shalt  }
0x5c: {  	_ =	shalt  }
0x5d: {  	_ =	shalt  }
0x5e: {  	_ =	shalt  }
0x5f: {  	_ =	shalt  }
0x60: {  	_ =	shalt  }
0x61: {  	_ =	shalt  }
0x62: {  	_ =	shalt  }
0x63: {  	_ =	shalt  }
0x64: {  	_ =	shalt  }
0x65: {  	_ =	shalt  }
0x66: {  	_ =	shalt  }
0x67: {  	_ =	shalt  }
0x68: {  	_ =	shalt  }
0x69: {  	_ =	shalt  }
0x6a: {  	_ =	shalt  }
0x6b: {  	_ =	shalt  }
0x6c: {  	_ =	shalt  }
0x6d: {  	_ =	shalt  }
0x6e: {  	_ =	shalt  }
0x6f: {  	_ =	shalt  }
0x70: {  	_ =	shalt  }
0x71: {  	_ =	shalt  }
0x72: {  	_ =	shalt  }
0x73: {  	_ =	shalt  }
0x74: {  	_ =	shalt  }
0x75: {  	_ =	shalt  }
0x76: {  	_ =	shalt  }
0x77: {  	_ =	shalt  }
0x78: {  	_ =	shalt  }
0x79: {  	_ =	shalt  }
0x7a: {  	_ =	shalt  }
0x7b: {  	_ =	shalt  }
0x7c: {  	_ =	shalt  }
0x7d: {  	_ =	shalt  }
0x7e: {  	_ =	shalt  }
0x7f: {  	_ =	shalt  }
0x80: {  	_ =	shalt  }
0x81: {  	_ =	shalt  }
0x82: {  	_ =	shalt  }
0x83: {  	_ =	shalt  }
0x84: {  	_ =	shalt  }
0x85: {  	_ =	shalt  }
0x86: {  	_ =	shalt  }
0x87: {  	_ =	shalt  }
.Lfunc_end0:
.L_simem_size_0:
called_computation.2_lowered:
.L_overlay_start_0:
0x88: {  	s2 =	sld [smem:$0x3FD9]  }
0x89: {  	s3 =	sld [smem:$0x3FFE];
	_ =	sdelay $0x1  }
0x8a: {  	s1 =	srdreg.scid  }
0x8b: {  	s0 =	sand.u32 $0x1, s1  }
0x8c: {  	s17 =	sshll.u32 s0, $0xA;
	s2 =	sadd.s32 s3, s2  }
0x8d: {  	s2 =	sadd.s32 s2, s17  }
0x8e: {  	[smem:$0x3FB8] =	sst s2  }
0x8f: {  	_ = 	snop  }
0x90: {  	s2 =	sld [smem:$0x3FD0];
	(tm) =	ssettm $0x1  }
0x91: {  	s18 =	sld [smem:$0x3FFB];
	_ =	sdelay $0x3  }
0x92: {  	_ =	strace s18  }
0x93: {  	s3 =	sld [smem:$0x3FFC];
	_ =	sdelay $0x3  }
0x94: {  	_ =	strace s3  }
0x95: {  	s3 =	sld [smem:$0x3FFD];
	_ =	sdelay $0x3  }
0x96: {  	_ =	strace s3  }
0x97: {  	_ =	strace $0x8FFFFFFF  }
0x98: {  	s19 =	sld [smem:$0x3FDB];
	_ =	sdelay $0x1  }
0x99: {  	s4 =	simm.s32 $_scs_section_size  }
0x9a: {  	s5 =	simm.s32 $_size__tile_overlayer_lowered;
	s6 =	simm.s32 $_tile_overlayer_lowered  }
0x9b: {  	s22 =	simm.s32 $0x1BFF;
	s21 =	sshll.u32 s6, $0x1;
	s3 =	sadd.s32 s4, s19  }
0x9c: {  	s7 =	simm.s32 $0x0;
	s20 =	sshll.u32 s5, $0x1;
	s5 =	sadd.s32 s21, s3  }
0x9d: {  	[timem:s7], [sflag:s22] =	dma.local [hbm:s5], s20  }
0x9e: {  	_ =	swait.ge [sflag:s22], s20  }
0x9f: {  	s4 =	ssub.s32 $0x0, s20;
	[sflag:s22] =	ssyncset.done $0x0  }
0xa0: {  	[sflag:s22] =	ssyncadd.s32 s4;
	_ =	sdelay $0x1  }
0xa1: {  	s23 =	simm.s32 $0x1B8B  }
0xa2: {  	_ =	swait.ge [sflag:s23], $0x1  }
0xa3: {  	[sflag:s23] =	ssyncset.done $0x0  }
0xa4: {  	s25 =	simm.s32 $0x1B8E;
	s24 =	sld [smem:$0x3FFE];
	[sflag:s23] =	ssyncadd.s32 $0xFFFFFFFF  }
0xa5: {  	s26 =	simm.s32 $execute0_lowered;
	[smem:$0x3FD2] =	sst s25  }
0xa6: {  	s5 =	sshll.u32 s26, $0x1;
	_ =	strace $0x8000004C;
	[dreg:$0x1] =	wrdreg $0xFFFFFFFF  }
0xa7: {  	s28 =	simm.s32 $_size_execute0_lowered;
	s3 =	sadd.s32 s3, s5;
	[dreg:$0x0] =	wrdreg $0x0  }
0xa8: {  	s5 =	sshll.u32 s28, $0x1;
	[dreg:$0x2] =	wrdreg s3  }
0xa9: {  	[dreg:$0x3] =	wrdreg s5  }
0xaa: {  	[dreg:$0x4] =	wrdreg $0xC0  }
0xab: {  	_ =	task [dreg:s7], $0x5FFFF  }
0xac: {  	[dreg:$0x1] =	wrdreg $0xFFFFFFFF  }
0xad: {  	[dreg:$0x0] =	wrdreg $0x60  }
0xae: {  	[dreg:$0x2] =	wrdreg s2  }
0xaf: {  	[dreg:$0x3] =	wrdreg s24  }
0xb0: {  	[dreg:$0x4] =	wrdreg $0xA6200  }
0xb1: {  	[dreg:$0x5] =	wrdreg $0x9  }
0xb2: {  	_ =	task.clear_ibuf [dreg:s7], $0x6FFFF;
	_ =	strace $0x9000004C  }
0xb3: {  	s29 =	simm.s32 $0x9;
	_ =	strace $0x8000004E  }
0xb4: {  	_ =	swait.ge [sflag:s29], $0x1  }
0xb5: {  	[sflag:s29] =	ssyncadd.s32 $0xFFFFFFFF  }
0xb6: {  	_ =	strace $0x9000004E  }
0xb7: {  	_ =	sfence  }
0xb8: {  	s30 =	sld [smem:$0x0];
	_ =	sdelay $0x2  }
0xb9: {  	s31 =	sshll.u32 s1, $0xD;
	s1 =	sshrl.u32 s1, $0x2  }
0xba: {  	s3 =	sand.u32 $0x4000, s31;
	s1 =	sadd.s32 s1, s30  }
0xbb: {  	s0 =	sor.u32 s3, s0;
	s1 =	sshll.u32 s1, $0x11  }
0xbc: {  	s0 =	sor.u32 s1, s0  }
0xbd: {  	s0 =	sadd.s32 $0x8F2B, s0  }
0xbe: {  	[sflag:s0] =	ssyncadd.remote.s32 $0x1  }
0xbf: {  	_ =	sfence.sel $0xFFFF  }
0xc0: {  	[dreg:$0x0] =	wrdreg $0xFFFFFFFF;
	(pc) =	sbr.abs _section_cstart, $3  }
0xc1: {  	[dreg:$0x1] =	wrdreg $0xFFFFFFFF  }
0xc2: {  	_ =	task.clear_ibuf [dreg:s7], $0x2FFFF;
	_ =	strace $0x9FFFFFFF  }
0xc3: {  	(tm) =	ssettm $0x7FFFFFFF  }
tec
execute0_lowered:
.L_overlay_start_1:
0x0: {  	(tag) =	ssettag $0x1  }
0x1: {  	s1 =	rddreg [dreg:$0x0]  }
0x2: {  	s5 =	rddreg [dreg:$0x1]  }
0x3: {  	s0 =	srdreg.scid;
	s3 =	rddreg [dreg:$0x2]  }
0x4: {  	s28 =	simm.s32 $0x50;
	s2 =	sand.u32 $0x1, s0;
	s0 =	stileid.u32  }
0x5: {  	s4 =	sshll.u32 s2, $0x4;
	s7 =	ssub.s32 $0x2, s2;
	s2 =	smul.u32 $0x138800, s2  }
0x6: {  	s29 =	simm.s32 $0x4E20;
	s30 =	simm.s32 $0x1;
	s13 =	smul.u32 $0x2800, s0  }
0x7: {  	s31 =	simm.s32 $0x7620;
	s11 =	smul.u32 $0xA000, s0;
	s6 =	sor.u32 s0, s4  }
0x8: {  	s4 =	simm.s32 $0x0;
	s8 =	sshrl.u32 s7, $0x1;
	s6 =	smul.u32 $0x4E2, s6  }
0x9: {  	[smem:$0x7FF] =	sst s4;
	s7 =	ssub.s32 s7, s8;
	s20 =	sadd.s32 s2, s13  }
0xa: {  	s21 =	sadd.s32 $0x28000, s13;
	s23 =	sadd.s32 $0x50000, s13;
	s18 =	sadd.s32 s13, s3  }
0xb: {  	s16 =	sadd.s32 $0x78000, s13;
	s17 =	sadd.s32 $0xA0000, s13;
	_ =	strace $0x8000004D  }
0xc: {  	s7 =	smax.u32 s7, $0x1;
	s22 =	sadd.s32 s2, s21;
	s10 =	sadd.s32 s2, s23  }
0xd: {  	s25 =	sadd.s32 s2, s16;
	s8 =	sadd.s32 s23, s3;
	s26 =	sadd.s32 s2, s17  }
0xe: {  	s12 =	sadd.s32 s16, s3;
	s18 =	sshrl.u32 s18, $0x3;
	s6 =	sadd.s32 s6, s5  }
0xf: {  	s5 =	sadd.s32 $0x4F9800, s5;
	[dreg:$0x6] =	wrdreg s7;
	s19 =	sadd.s32 $0xDA00, s6  }
0x10: {  	s24 =	sshrl.u32 s10, $0x3;
	s6 =	sadd.s32 $0x3C00, s6;
	[dreg:$0x4] =	wrdreg s19  }
0x11: {  	s7 =	sadd.s32 s21, s3;
	[dreg:$0x5] =	wrdreg s6;
	s6 =	sshrl.u32 s20, $0x3  }
0x12: {  	s19 =	sor.u32 $0x70, s0;
	s20 =	sadd.s32 $0xC8000, s13;
	s6 =	sadd.s32 s5, s6  }
0x13: {  	s21 =	smul.u32 $0x2800, s19;
	s9 =	sadd.s32 s2, s20;
	s23 =	sadd.s32 s20, s3  }
0x14: {  	p0 =	sgt.u32 s19, $0x7C;
	s19 =	sshrl.u32 s7, $0x3;
	s20 =	sshrl.u32 s8, $0x3  }
0x15: {  	[dreg:$0x7] =	wrdreg s6;
	s6 =	sshrl.u32 s22, $0x3;
	s22 =	sadd.s32 $0xF0000, s13  }
0x16: {  	s23 =	sshrl.u32 s23, $0x3;
	s6 =	sadd.s32 s5, s6;
	s14 =	sadd.s32 s2, s22  }
0x17: {  	s2 =	sadd.s32 s2, s21;
	[dreg:$0x8] =	wrdreg s6;
	s6 =	sadd.s32 s5, s24  }
0x18: {  	s10 =	sshrl.u32 s14, $0x3;
	s2 =	sshrl.u32 s2, $0x3;
	s24 =	sadd.s32 s22, s3  }
0x19: {  	[dreg:$0x9] =	wrdreg s6;
	s6 =	sshrl.u32 s25, $0x3;
	s14 =	sadd.s32 s5, s10  }
0x1a: {  	s15 =	sadd.s32 s5, s2;
	s25 =	sadd.s32 s21, s3;
	s2 =	sshrl.u32 s11, $0x2  }
0x1b: {  	s21 =	sshrl.u32 s12, $0x3;
	s24 =	sshrl.u32 s24, $0x3;
	s6 =	sadd.s32 s5, s6  }
0x1c: {  	s16 =	sadd.s32 s2, s3;
	[dreg:$0xa] =	wrdreg s6;
	s6 =	sshrl.u32 s26, $0x3  }
0x1d: {  	s25 =	sshrl.u32 @!p0 s25, $0x3;
	s2 =	simm.s32 $0x2;
	s6 =	sadd.s32 s5, s6  }
0x1e: {  	s26 =	sadd.s32 s17, s3;
	[dreg:$0xb] =	wrdreg s6;
	s6 =	sshrl.u32 s9, $0x3  }
0x1f: {  	v0 =	vimm.f32 $0.0e+00;
	s17 =	simm.s32 $0x3;
	s22 =	sshrl.u32 s26, $0x3;
	s13 =	sadd.s32 s5, s6  }
.LBB2_1:
0x20: {  	s5 =	simm.s32 $0x0;
	s6 =	simm.s32 $0x0  }
.LBB2_2:
0x21: {  	p1 =	sne.s32 s6, $0x1FC0  }
.Ltmp0:
0x22: {  	_ = 	snop;
	(pc) =	sbr.rel @p1 .LBB2_2-.Ltmp0, $4  }
0x23: {  	s7 =	sand.u32 $0x1E00, s6  }
0x24: {  	s8 =	sand.u32 $0x70, s5;
	s7 =	sshrl.u32 s7, $0x2  }
0x25: {  	s7 =	sor.u32 s8, s7  }
0x26: {  	s5 =	sadd.s32 $0x10, s5;
	s6 =	sadd.s32 $0x40, s6;
	[tilespmem:s7+$0x9E20] =	vst v0  }
0x27: {  	p2 =	sgt.u32 s0, $0x7C  }
0x28: {  	s6 =	simm.s32 @!p2 $0x9E20;
	s5 =	sadd.s32 @!p2 $0x0, s16;
	s7 =	simm.s32 @!p2 $0x4  }
0x29: {  	[spmem:s5] =	stream.linear.scatter @!p2 [tilespmem:s6], [sflag:$0x4], $0x800, $0x38;
	[tilespmem:$0x1DEA0] =	vst v63  }
0x2a: {  	_ =	swait.ge @!p2 [sflag:s7], $0x800  }
0x2b: {  	[sflag:s7] =	ssyncset.done @!p2 $0x0  }
0x2c: {  	s8 =	sadd.s32 @!p2 $0x800, s5;
	[sflag:s7] =	ssyncadd.s32 @!p2 $0xFFFFF800  }
0x2d: {  	[spmem:s8] =	stream.linear.scatter @!p2 [tilespmem:s6], [sflag:$0x4], $0x800, $0x38;
	[tilespmem:$0x1DEA0] =	vst v63  }
0x2e: {  	p1 =	por p2, p2;
	_ =	swait.ge @!p2 [sflag:s7], $0x800  }
0x2f: {  	[sflag:s7] =	ssyncset.done @!p1 $0x0  }
0x30: {  	s8 =	sadd.s32 @!p2 $0x1000, s5;
	[sflag:s7] =	ssyncadd.s32 @!p1 $0xFFFFF800  }
0x31: {  	[spmem:s8] =	stream.linear.scatter @!p1 [tilespmem:s6], [sflag:$0x4], $0x800, $0x38;
	[tilespmem:$0x1DEA0] =	vst v63  }
0x32: {  	_ =	swait.ge @!p1 [sflag:s7], $0x800  }
0x33: {  	[sflag:s7] =	ssyncset.done @!p1 $0x0  }
0x34: {  	s8 =	sadd.s32 @!p2 $0x1800, s5;
	[sflag:s7] =	ssyncadd.s32 @!p1 $0xFFFFF800  }
0x35: {  	[spmem:s8] =	stream.linear.scatter @!p1 [tilespmem:s6], [sflag:$0x4], $0x800, $0x38;
	[tilespmem:$0x1DEA0] =	vst v63  }
0x36: {  	_ =	swait.ge @!p1 [sflag:s7], $0x800  }
0x37: {  	s8 =	sadd.s32 @!p2 $0x2000, s5;
	s5 =	sadd.s32 $0x10, s0;
	[sflag:s7] =	ssyncset.done @!p1 $0x0  }
0x38: {  	p2 =	sgt.u32 s5, $0x7C;
	[sflag:s7] =	ssyncadd.s32 @!p1 $0xFFFFF800;
	s7 =	simm.s32 @!p1 $0x3  }
0x39: {  	[spmem:s8] =	stream.linear.scatter @!p1 [tilespmem:s6], [sflag:$0x3], $0x800, $0x38;
	[tilespmem:$0x1DEA0] =	vst v63  }
0x3a: {  	s26 =	simm.s32 @!p2 $0x9E20;
	_ =	swait.ge @!p1 [sflag:s7], $0x800  }
0x3b: {  	s6 =	simm.s32 $0x140000;
	s8 =	simm.s32 @!p2 $0x28000;
	[sflag:s7] =	ssyncset.done @!p1 $0x0  }
.LBB2_4:
0x3c: {  	s8 =	sadd.s32 @!p2 s8, s16;
	s9 =	simm.s32 @!p2 $0x4;
	[sflag:s7] =	ssyncadd.s32 @!p1 $0xFFFFF800  }
0x3d: {  	[spmem:s8] =	stream.linear.scatter @!p2 [tilespmem:s26], [sflag:$0x4], $0x800, $0x38;
	[tilespmem:$0x1DEA0] =	vst v63  }
0x3e: {  	s7 =	sadd.s32 @!p2 $0x800, s8;
	s10 =	sadd.s32 @!p2 $0x1000, s8;
	_ =	swait.ge @!p2 [sflag:s9], $0x800  }
0x3f: {  	s11 =	sadd.s32 @!p2 $0x1800, s8;
	s8 =	sadd.s32 @!p2 $0x2000, s8;
	[sflag:s9] =	ssyncset.done @!p2 $0x0  }
0x40: {  	s12 =	smov.u32 s6;
	s6 =	sadd.s32 $0xA0000, s6;
	[sflag:s9] =	ssyncadd.s32 @!p2 $0xFFFFF800  }
0x41: {  	[spmem:s7] =	stream.linear.scatter @!p2 [tilespmem:s26], [sflag:$0x4], $0x800, $0x38;
	[tilespmem:$0x1DEA0] =	vst v63  }
0x42: {  	p1 =	por p2, p2;
	p3 =	sne.s32 s6, $0x500000;
	_ =	swait.ge @!p2 [sflag:s9], $0x800  }
0x43: {  	[sflag:s9] =	ssyncset.done @!p1 $0x0  }
0x44: {  	[sflag:s9] =	ssyncadd.s32 @!p1 $0xFFFFF800  }
0x45: {  	[spmem:s10] =	stream.linear.scatter @!p1 [tilespmem:s26], [sflag:$0x4], $0x800, $0x38;
	[tilespmem:$0x1DEA0] =	vst v63  }
0x46: {  	_ =	swait.ge @!p1 [sflag:s9], $0x800  }
0x47: {  	[sflag:s9] =	ssyncset.done @!p1 $0x0  }
0x48: {  	[sflag:s9] =	ssyncadd.s32 @!p1 $0xFFFFF800  }
0x49: {  	[spmem:s11] =	stream.linear.scatter @!p1 [tilespmem:s26], [sflag:$0x4], $0x800, $0x38;
	[tilespmem:$0x1DEA0] =	vst v63  }
0x4a: {  	_ =	swait.ge @!p1 [sflag:s9], $0x800  }
.Ltmp1:
0x4b: {  	[sflag:s9] =	ssyncset.done @!p1 $0x0;
	(pc) =	sbr.rel @p3 .LBB2_4-.Ltmp1, $4  }
0x4c: {  	s5 =	sadd.s32 $0x10, s5;
	s7 =	simm.s32 @!p1 $0x3;
	[sflag:s9] =	ssyncadd.s32 @!p1 $0xFFFFF800  }
0x4d: {  	[spmem:s8] =	stream.linear.scatter @!p1 [tilespmem:s26], [sflag:$0x3], $0x800, $0x38;
	[tilespmem:$0x1DEA0] =	vst v63  }
0x4e: {  	p2 =	sgt.u32 s5, $0x7C;
	_ =	swait.ge @!p1 [sflag:s7], $0x800  }
0x4f: {  	s8 =	sshra.s32 @!p2 s12, $0x2;
	s26 =	simm.s32 @!p2 $0x9E20;
	[sflag:s7] =	ssyncset.done @!p1 $0x0  }
0x50: {  	s5 =	sadd.s32 @!p2 s8, s16;
	s6 =	simm.s32 @!p2 $0x4;
	[sflag:s7] =	ssyncadd.s32 @!p1 $0xFFFFF800  }
0x51: {  	[spmem:s5] =	stream.linear.scatter @!p2 [tilespmem:s26], [sflag:$0x4], $0x800, $0x38;
	[tilespmem:$0x1DEA0] =	vst v63  }
0x52: {  	_ =	swait.ge @!p2 [sflag:s6], $0x800  }
0x53: {  	[sflag:s6] =	ssyncset.done @!p2 $0x0  }
0x54: {  	s7 =	sadd.s32 @!p2 $0x800, s5;
	[sflag:s6] =	ssyncadd.s32 @!p2 $0xFFFFF800  }
0x55: {  	[spmem:s7] =	stream.linear.scatter @!p2 [tilespmem:s26], [sflag:$0x4], $0x800, $0x38;
	[tilespmem:$0x1DEA0] =	vst v63  }
0x56: {  	p1 =	por p2, p2;
	_ =	swait.ge @!p2 [sflag:s6], $0x800  }
0x57: {  	[sflag:s6] =	ssyncset.done @!p1 $0x0  }
0x58: {  	s7 =	sadd.s32 @!p2 $0x1000, s5;
	[sflag:s6] =	ssyncadd.s32 @!p1 $0xFFFFF800  }
0x59: {  	[spmem:s7] =	stream.linear.scatter @!p1 [tilespmem:s26], [sflag:$0x4], $0x800, $0x38;
	[tilespmem:$0x1DEA0] =	vst v63  }
0x5a: {  	_ =	swait.ge @!p1 [sflag:s6], $0x800  }
0x5b: {  	[sflag:s6] =	ssyncset.done @!p1 $0x0  }
0x5c: {  	s7 =	sadd.s32 @!p2 $0x1800, s5;
	[sflag:s6] =	ssyncadd.s32 @!p1 $0xFFFFF800  }
0x5d: {  	[spmem:s7] =	stream.linear.scatter @!p1 [tilespmem:s26], [sflag:$0x4], $0x800, $0x38;
	[tilespmem:$0x1DEA0] =	vst v63  }
0x5e: {  	_ =	swait.ge @!p1 [sflag:s6], $0x800  }
0x5f: {  	[sflag:s6] =	ssyncset.done @!p1 $0x0  }
0x60: {  	s5 =	sadd.s32 @!p2 $0x2000, s5;
	[sflag:s6] =	ssyncadd.s32 @!p1 $0xFFFFF800;
	s6 =	simm.s32 @!p1 $0x3  }
0x61: {  	[spmem:s5] =	stream.linear.scatter @!p1 [tilespmem:s26], [sflag:$0x3], $0x800, $0x38;
	[tilespmem:$0x1DEA0] =	vst v63  }
0x62: {  	_ =	swait.ge @!p1 [sflag:s6], $0x800  }
0x63: {  	[sflag:s6] =	ssyncset.done @!p1 $0x0  }
0x64: {  	s26 =	simm.s32 $0x0;
	s7 =	rddreg [dreg:$0x4];
	[sflag:s6] =	ssyncadd.s32 @!p1 $0xFFFFF800  }
0x65: {  	[tilespmem:s26], [sflag:$0x3] =	stream.linear.gather [hbm4b:s7+s26], $0x2710, $0x38;
	[tilespmem:$0x1DEA0] =	vst v63  }
0x66: {  	_ =	swait.ge [sflag:s17], $0x2710  }
0x67: {  	[sflag:s17] =	ssyncset.done $0x0  }
0x68: {  	s9 =	simm.s32 $0x2710;
	s8 =	rddreg [dreg:$0x5];
	[sflag:s17] =	ssyncadd.s32 $0xFFFFD8F0  }
0x69: {  	[tilespmem:s9], [sflag:$0x3] =	stream.linear.gather [hbm4b:s8+s26], $0x2710, $0x38;
	[tilespmem:$0x1DEA0] =	vst v63  }
0x6a: {  	_ =	swait.ge [sflag:s17], $0x2710  }
0x6b: {  	[sflag:s17] =	ssyncset.done $0x0  }
0x6c: {  	[sflag:s17] =	ssyncadd.s32 $0xFFFFD8F0  }
0x6d: {  	[bflag:$0x0] =	sbarrier.arrive $0xFFFF  }
0x6e: {  	[tilespmem:s29], [sflag:$0x1] =	stream.indirect.gather [hbm4b:s1+s28], $0x80, s26, s28, $0xb8;
	[tilespmem:$0x1DEA0] =	vst v63  }
0x6f: {  	_ =	swait.ge [sflag:s30], $0x2800  }
0x70: {  	[sflag:s30] =	ssyncset.done $0x0  }
0x71: {  	s10 =	simm.s32 $0x50;
	[sflag:s30] =	ssyncadd.s32 $0xFFFFD800  }
0x72: {  	[tilespmem:s31], [sflag:$0x2] =	stream.indirect.gather [hbm4b:s1+s28], $0x80, s10, s28, $0xb8;
	[tilespmem:$0x1DEA0] =	vst v63  }
0x73: {  	s11 =	simm.s32 $0x2710  }
0x74: {  	[spmem:s3] =	stream.indirect.scatter.add.f32 [tilespmem:s29], [sflag:$0x3], $0x80, s11, s28, $0xb8;
	[tilespmem:$0x1DEA0] =	vst v63  }
0x75: {  	_ =	swait.ge [sflag:s17], $0x2800  }
0x76: {  	[sflag:s17] =	ssyncset.done $0x0  }
0x77: {  	[sflag:s17] =	ssyncadd.s32 $0xFFFFD800  }
0x78: {  	_ =	swait.ge [sflag:s2], $0x2800  }
0x79: {  	[sflag:s2] =	ssyncset.done $0x0  }
0x7a: {  	s12 =	simm.s32 $0xA0;
	[sflag:s2] =	ssyncadd.s32 $0xFFFFD800  }
0x7b: {  	[tilespmem:s29], [sflag:$0x1] =	stream.indirect.gather [hbm4b:s1+s28], $0x80, s12, s28, $0xb8;
	[tilespmem:$0x1DEA0] =	vst v63  }
0x7c: {  	s26 =	simm.s32 $0x2760  }
0x7d: {  	[spmem:s3] =	stream.indirect.scatter.add.f32 [tilespmem:s31], [sflag:$0x3], $0x80, s26, s28, $0xb8;
	[tilespmem:$0x1DEA0] =	vst v63  }
0x7e: {  	_ =	swait.ge [sflag:s17], $0x2800  }
0x7f: {  	s5 =	simm.s32 $0x280;
	[sflag:s17] =	ssyncset.done $0x0  }
.LBB2_6:
0x80: {  	p1 =	sne.s32 s5, $0x9880  }
0x81: {  	[sflag:s17] =	ssyncadd.s32 $0xFFFFD800;
	s6 =	smov.u32 s5;
	s5 =	sadd.s32 $0x280, s5  }
0x82: {  	_ = 	snop  }
0x83: {  	_ =	swait.ge [sflag:s30], $0x2800  }
0x84: {  	s6 =	sshra.s32 s6, $0x2;
	[sflag:s30] =	ssyncset.done $0x0  }
0x85: {  	s7 =	sadd.s32 $0x50, s6;
	[sflag:s30] =	ssyncadd.s32 $0xFFFFD800  }
0x86: {  	[tilespmem:s31], [sflag:$0x2] =	stream.indirect.gather [hbm4b:s1+s28], $0x80, s7, s28, $0xb8;
	[tilespmem:$0x1DEA0] =	vst v63  }
0x87: {  	s7 =	sadd.s32 $0x2710, s6  }
0x88: {  	[spmem:s3] =	stream.indirect.scatter.add.f32 [tilespmem:s29], [sflag:$0x3], $0x80, s7, s28, $0xb8;
	[tilespmem:$0x1DEA0] =	vst v63  }
0x89: {  	_ =	swait.ge [sflag:s17], $0x2800  }
0x8a: {  	[sflag:s17] =	ssyncset.done $0x0  }
0x8b: {  	[sflag:s17] =	ssyncadd.s32 $0xFFFFD800  }
0x8c: {  	_ =	swait.ge [sflag:s2], $0x2800  }
0x8d: {  	[sflag:s2] =	ssyncset.done $0x0  }
0x8e: {  	s7 =	sadd.s32 $0xA0, s6;
	[sflag:s2] =	ssyncadd.s32 $0xFFFFD800  }
0x8f: {  	[tilespmem:s29], [sflag:$0x1] =	stream.indirect.gather [hbm4b:s1+s28], $0x80, s7, s28, $0xb8;
	[tilespmem:$0x1DEA0] =	vst v63  }
.Ltmp2:
0x90: {  	_ = 	snop;
	(pc) =	sbr.rel @p1 .LBB2_6-.Ltmp2, $4  }
0x91: {  	s6 =	sadd.s32 $0x2760, s6  }
0x92: {  	[spmem:s3] =	stream.indirect.scatter.add.f32 [tilespmem:s31], [sflag:$0x3], $0x80, s6, s28, $0xb8;
	[tilespmem:$0x1DEA0] =	vst v63  }
0x93: {  	_ =	swait.ge [sflag:s17], $0x2800  }
0x94: {  	[sflag:s17] =	ssyncset.done $0x0  }
0x95: {  	[sflag:s17] =	ssyncadd.s32 $0xFFFFD800  }
0x96: {  	_ =	swait.ge [sflag:s30], $0x2800  }
0x97: {  	[sflag:s30] =	ssyncset.done $0x0  }
0x98: {  	s5 =	simm.s32 $0x4DD0;
	[sflag:s30] =	ssyncadd.s32 $0xFFFFD800  }
0x99: {  	[spmem:s3] =	stream.indirect.scatter.add.f32 [tilespmem:s29], [sflag:$0x3], $0x80, s5, s28, $0xb8;
	[tilespmem:$0x1DEA0] =	vst v63  }
0x9a: {  	_ =	swait.ge [sflag:s17], $0x2800  }
0x9b: {  	[sflag:s17] =	ssyncset.done $0x0  }
0x9c: {  	[sflag:s17] =	ssyncadd.s32 $0xFFFFD800  }
0x9d: {  	s8 =	sshll.u32 s0, $0x6;
	[bflag:$0x0] =	sbarrier.arrive $0xFFFF  }
0x9e: {  	s5 =	sor.u32 $0x1C03, s8;
	s6 =	rddreg [dreg:$0x7]  }
0x9f: {  	[hbm:s6], [sflag:s5] =	dma.local [spmem:s18], $0x500  }
0xa0: {  	_ =	swait.ge [sflag:s17], $0x500  }
0xa1: {  	[sflag:s17] =	ssyncset.done $0x0  }
0xa2: {  	s9 =	rddreg [dreg:$0x8];
	[sflag:s17] =	ssyncadd.s32 $0xFFFFFB00  }
0xa3: {  	[hbm:s9], [sflag:s5] =	dma.local [spmem:s19], $0x500  }
0xa4: {  	_ =	swait.ge [sflag:s17], $0x500  }
0xa5: {  	[sflag:s17] =	ssyncset.done $0x0  }
0xa6: {  	s10 =	rddreg [dreg:$0x9];
	[sflag:s17] =	ssyncadd.s32 $0xFFFFFB00  }
0xa7: {  	[hbm:s10], [sflag:s5] =	dma.local [spmem:s20], $0x500  }
0xa8: {  	_ =	swait.ge [sflag:s17], $0x500  }
0xa9: {  	[sflag:s17] =	ssyncset.done $0x0  }
0xaa: {  	s11 =	rddreg [dreg:$0xa];
	[sflag:s17] =	ssyncadd.s32 $0xFFFFFB00  }
0xab: {  	[hbm:s11], [sflag:s5] =	dma.local [spmem:s21], $0x500  }
0xac: {  	_ =	swait.ge [sflag:s17], $0x500  }
0xad: {  	[sflag:s17] =	ssyncset.done $0x0  }
0xae: {  	s12 =	rddreg [dreg:$0xb];
	[sflag:s17] =	ssyncadd.s32 $0xFFFFFB00  }
0xaf: {  	[hbm:s12], [sflag:s5] =	dma.local [spmem:s22], $0x500  }
0xb0: {  	_ =	swait.ge [sflag:s17], $0x500  }
0xb1: {  	[sflag:s17] =	ssyncset.done $0x0  }
0xb2: {  	[sflag:s17] =	ssyncadd.s32 $0xFFFFFB00  }
0xb3: {  	[hbm:s13], [sflag:s5] =	dma.local [spmem:s23], $0x500  }
0xb4: {  	_ =	swait.ge [sflag:s17], $0x500  }
0xb5: {  	[sflag:s17] =	ssyncset.done $0x0  }
0xb6: {  	[sflag:s17] =	ssyncadd.s32 $0xFFFFFB00  }
0xb7: {  	[hbm:s14], [sflag:s5] =	dma.local [spmem:s24], $0x500  }
0xb8: {  	_ =	swait.ge [sflag:s17], $0x500  }
0xb9: {  	[sflag:s17] =	ssyncset.done $0x0  }
0xba: {  	[sflag:s17] =	ssyncadd.s32 $0xFFFFFB00  }
0xbb: {  	[hbm:s15], [sflag:s5] =	dma.local @!p0 [spmem:s25], $0x500  }
0xbc: {  	s5 =	simm.s32 @!p0 $0x3  }
0xbd: {  	_ =	swait.ge @!p0 [sflag:s5], $0x500  }
0xbe: {  	s4 =	sadd.s32 $0x1, s4;
	s26 =	rddreg [dreg:$0x6]  }
0xbf: {  	p1 =	sne.s32 s4, s26  }
.Ltmp3:
0xc0: {  	_ = 	snop;
	(pc) =	sbr.rel @p1 .LBB2_1-.Ltmp3, $3  }
0xc1: {  	_ =	sdelay $0x1  }
0xc2: {  	[sflag:s5] =	ssyncset.done @!p0 $0x0  }
0xc3: {  	[sflag:s5] =	ssyncadd.s32 @!p0 $0xFFFFFB00  }
0xc4: {  	_ =	sfence.sel $0x180000  }
0xc5: {  	[bflag:$0x0] =	sbarrier.arrive $0xFFFF  }
0xc6: {  	_ =	strace $0x9000004D  }
0xc7: {  	[bflag:$0x2] =	sbarrier.arrive $0xFFFF  }
0xc8: {  	p0 =	sne.s32 s0, $0x0;
	s0 =	rddreg [dreg:$0x3]  }
0xc9: {  	s0 =	sadd.s32 @!p0 $0x100000, s0  }
0xca: {  	[sflag:s0] =	ssyncadd.tile.s32 @!p0 $0x1;
	_ =	shalt  }
.Lfunc_end2:
_tile_overlayer_lowered:
.L_overlay_start_2:
0xcb: {  	(tag) =	ssettag $0x2  }
0xcc: {  	s0 =	rddreg [dreg:$0x0];
	s2 =	stileid.u32  }
0xcd: {  	s1 =	rddreg [dreg:$0x1];
	p0 =	sne.s32 s2, $0x0  }
0xce: {  	s3 =	rddreg [dreg:$0x2];
	[bflag:$0x3] =	sbarrier.arrive $0xFFFF;
	s2 =	simm.s32 @!p0 $0x1C03  }
0xcf: {  	[timem:s3], [sflag:s2] =	dma.local @!p0 [hbm:s0], s1  }
0xd0: {  	s0 =	simm.s32 @!p0 $0x3  }
0xd1: {  	_ =	swait.ge @!p0 [sflag:s0], s1  }
0xd2: {  	s1 =	ssub.s32 @!p0 $0x0, s1;
	[sflag:s0] =	ssyncset.done @!p0 $0x0  }
0xd3: {  	[sflag:s0] =	ssyncadd.s32 @!p0 s1  }
0xd4: {  	[bflag:$0x3] =	sbarrier.arrive $0xFFFF  }
0xd5: {  	_ =	shalt  }

// kernel: kernel.22.cloned.1.call-start
scs
__scs_entry_jumppad:
0x0: {  	(pc) =	sbr.rel $0x88, $3  }
0x1: {  	(tag) =	ssettag $0x0;
	lr =	simm.s32 $0x1  }
0x2: {  	[smem:$0x3F91] =	sst lr;
	_ =	strace $0xD0000000  }
0x3: {  	_ = 	snop  }
0x4: {  	_ = 	snop  }
0x5: {  	_ = 	snop  }
0x6: {  	_ = 	snop  }
0x7: {  	_ = 	snop  }
__scs_overlays_trampoline_lowered:
0x8: {  	[smem:$0x3FA0] =	sst s0  }
0x9: {  	[smem:$0x3FA1] =	sst s1  }
0xa: {  	[smem:$0x3FA2] =	sst s2  }
0xb: {  	[smem:$0x3FA3] =	sst s3  }
0xc: {  	[smem:$0x3FA4] =	sst s4  }
0xd: {  	[smem:$0x3FA5] =	sst s5  }
0xe: {  	[smem:$0x3FA6] =	sst s6  }
0xf: {  	[smem:$0x3FA7] =	sst s7  }
0x10: {  	[smem:$0x3FA8] =	sst s8  }
0x11: {  	[smem:$0x3FA9] =	sst s9;
	s0 =	simm.s32 @!p0 $0x0  }
0x12: {  	s1 =	sld [smem:$0x3F8F];
	s0 =	simm.s32 @p0 $0x1  }
0x13: {  	[smem:$0x3FAA] =	sst s0;
	s0 =	simm.s32 @!p1 $0x0  }
0x14: {  	s2 =	sld [smem:$0x3F8E];
	s0 =	simm.s32 @p1 $0x1  }
0x15: {  	[smem:$0x3FAB] =	sst s0;
	s0 =	simm.s32 @!p2 $0x0  }
0x16: {  	s3 =	sld [smem:$0x3FDB];
	s0 =	simm.s32 @p2 $0x1  }
0x17: {  	s4 =	simm.s32 $0x1BF5;
	[smem:$0x3FAD] =	sst s0  }
0x18: {  	s0 =	sld [smem:$0x3F90];
	_ =	swait.ge [sflag:s4], $0x0  }
0x19: {  	s7 =	sld [smem:$0x3F91]  }
0x1a: {  	s8 =	sadd.s32 $0xFFFFE003, lr  }
0x1b: {  	s9 =	sadd.s32 $0xFFFFFEF7, lr;
	s5 =	simm.s32 $0xFFFFFFFF;
	p2 =	slt.u32 s8, $0xFFFFF086  }
0x1c: {  	p1 =	slt.u32 s9, $0xF7A;
	s5 =	simm.s32 @!p2 $0x0  }
0x1d: {  	s5 =	simm.s32 @p1 $0x1;
	p0 =	seq.s32 s7, s2  }
0x1e: {  	s7 =	smul.u32 @!p0 $0xF7A, s2;
	p2 =	seq.s32 @!p0 s5, $0x0  }
0x1f: {  	s9 =	smul.u32 $0xF7A, s1;
	s8 =	simm.s32 @!p0 $0x1BF5;
	p2 =	por !p2, p0  }
0x20: {  	[sflag:s8] =	ssyncset.s32 @!p0 $0xFFFFF086;
	s6 =	sadd.s32 @!p0 s3, s7;
	s7 =	simm.s32 @!p0 $0x108  }
0x21: {  	s3 =	sadd.s32 s3, s9;
	s6 =	sadd.s32 @!p0 $0x88, s6;
	s7 =	simm.s32 @p2 $0x1082  }
0x22: {  	[simem:s7], [sflag:s8] =	dma.local @!p0 [hbm:s6], $0xF7A  }
0x23: {  	s9 =	sor.u32 $0xD0000000, s2;
	s6 =	simm.s32 $0x108;
	_ =	swait.ge @!p0 [sflag:s8], $0x0  }
0x24: {  	s3 =	sadd.s32 $0x88, s3;
	s6 =	simm.s32 @!p1 $0x1082;
	[sflag:s4] =	ssyncset.s32 $0xFFFFF086  }
0x25: {  	[simem:s6], [sflag:s4] =	dma.local [hbm:s3], $0xF7A  }
0x26: {  	[smem:$0x3F91] =	sst s1;
	(tag) =	ssettag s2;
	_ =	strace s9  }
0x27: {  	s1 =	sld [smem:$0x3FA1]  }
0x28: {  	s2 =	sld [smem:$0x3FA2]  }
0x29: {  	s4 =	sld [smem:$0x3FA4]  }
0x2a: {  	p0 =	seq.s32 s5, $0x0;
	s5 =	sld [smem:$0x3FA5]  }
0x2b: {  	s6 =	sld [smem:$0x3FA6]  }
0x2c: {  	s7 =	sld [smem:$0x3FA7]  }
0x2d: {  	s3 =	simm.s32 $0x108;
	s8 =	sld [smem:$0x3FA8]  }
0x2e: {  	s3 =	simm.s32 @!p0 $0x1082;
	s9 =	sld [smem:$0x3FA9]  }
0x2f: {  	lr =	sadd.s32 s0, s3;
	s0 =	sld [smem:$0x3FA0]  }
0x30: {  	s3 =	sld [smem:$0x3FA3]  }
0x31: {  	[smem:$0x3FAC] =	sst s10  }
0x32: {  	s10 =	sld [smem:$0x3FAA];
	_ =	sdelay $0x3  }
0x33: {  	p0 =	seq.s32 s10, $0x1;
	s10 =	sld [smem:$0x3FAC];
	_ =	sdelay $0x3  }
0x34: {  	[smem:$0x3FAC] =	sst s10  }
0x35: {  	s10 =	sld [smem:$0x3FAB];
	_ =	sdelay $0x3  }
0x36: {  	p1 =	seq.s32 s10, $0x1;
	s10 =	sld [smem:$0x3FAC];
	_ =	sdelay $0x3  }
0x37: {  	[smem:$0x3FAC] =	sst s10  }
0x38: {  	s10 =	sld [smem:$0x3FAD]  }
0x39: {  	_ = 	snop;
	(pc) =	sbr.ind lr, $3  }
0x3a: {  	_ = 	snop  }
0x3b: {  	_ = 	snop  }
0x3c: {  	p2 =	seq.s32 s10, $0x1;
	s10 =	sld [smem:$0x3FAC]  }
0x3d: {  	_ =	shalt  }
0x3e: {  	_ =	shalt  }
0x3f: {  	_ =	shalt  }
0x40: {  	_ =	shalt  }
0x41: {  	_ =	shalt  }
0x42: {  	_ =	shalt  }
0x43: {  	_ =	shalt  }
0x44: {  	_ =	shalt  }
0x45: {  	_ =	shalt  }
0x46: {  	_ =	shalt  }
0x47: {  	_ =	shalt  }
0x48: {  	_ =	shalt  }
0x49: {  	_ =	shalt  }
0x4a: {  	_ =	shalt  }
0x4b: {  	_ =	shalt  }
0x4c: {  	_ =	shalt  }
0x4d: {  	_ =	shalt  }
0x4e: {  	_ =	shalt  }
0x4f: {  	_ =	shalt  }
0x50: {  	_ =	shalt  }
0x51: {  	_ =	shalt  }
0x52: {  	_ =	shalt  }
0x53: {  	_ =	shalt  }
0x54: {  	_ =	shalt  }
0x55: {  	_ =	shalt  }
0x56: {  	_ =	shalt  }
0x57: {  	_ =	shalt  }
0x58: {  	_ =	shalt  }
0x59: {  	_ =	shalt  }
0x5a: {  	_ =	shalt  }
0x5b: {  	_ =	shalt  }
0x5c: {  	_ =	shalt  }
0x5d: {  	_ =	shalt  }
0x5e: {  	_ =	shalt  }
0x5f: {  	_ =	shalt  }
0x60: {  	_ =	shalt  }
0x61: {  	_ =	shalt  }
0x62: {  	_ =	shalt  }
0x63: {  	_ =	shalt  }
0x64: {  	_ =	shalt  }
0x65: {  	_ =	shalt  }
0x66: {  	_ =	shalt  }
0x67: {  	_ =	shalt  }
0x68: {  	_ =	shalt  }
0x69: {  	_ =	shalt  }
0x6a: {  	_ =	shalt  }
0x6b: {  	_ =	shalt  }
0x6c: {  	_ =	shalt  }
0x6d: {  	_ =	shalt  }
0x6e: {  	_ =	shalt  }
0x6f: {  	_ =	shalt  }
0x70: {  	_ =	shalt  }
0x71: {  	_ =	shalt  }
0x72: {  	_ =	shalt  }
0x73: {  	_ =	shalt  }
0x74: {  	_ =	shalt  }
0x75: {  	_ =	shalt  }
0x76: {  	_ =	shalt  }
0x77: {  	_ =	shalt  }
0x78: {  	_ =	shalt  }
0x79: {  	_ =	shalt  }
0x7a: {  	_ =	shalt  }
0x7b: {  	_ =	shalt  }
0x7c: {  	_ =	shalt  }
0x7d: {  	_ =	shalt  }
0x7e: {  	_ =	shalt  }
0x7f: {  	_ =	shalt  }
0x80: {  	_ =	shalt  }
0x81: {  	_ =	shalt  }
0x82: {  	_ =	shalt  }
0x83: {  	_ =	shalt  }
0x84: {  	_ =	shalt  }
0x85: {  	_ =	shalt  }
0x86: {  	_ =	shalt  }
0x87: {  	_ =	shalt  }
.Lfunc_end0:
.L_simem_size_0:
called_computation.3_lowered:
.L_overlay_start_0:
0x88: {  	s2 =	sld [smem:$0x3FD9]  }
0x89: {  	s3 =	sld [smem:$0x3FFE];
	_ =	sdelay $0x1  }
0x8a: {  	s1 =	srdreg.scid  }
0x8b: {  	s0 =	sand.u32 $0x1, s1  }
0x8c: {  	s17 =	sshll.u32 s0, $0xA;
	s2 =	sadd.s32 s3, s2  }
0x8d: {  	s2 =	sadd.s32 s2, s17  }
0x8e: {  	[smem:$0x3FB8] =	sst s2  }
0x8f: {  	_ = 	snop  }
0x90: {  	s2 =	sld [smem:$0x3FD0];
	(tm) =	ssettm $0x1  }
0x91: {  	s18 =	sld [smem:$0x3FFB];
	_ =	sdelay $0x3  }
0x92: {  	_ =	strace s18  }
0x93: {  	s3 =	sld [smem:$0x3FFC];
	_ =	sdelay $0x3  }
0x94: {  	_ =	strace s3  }
0x95: {  	s3 =	sld [smem:$0x3FFD];
	_ =	sdelay $0x3  }
0x96: {  	_ =	strace s3  }
0x97: {  	_ =	strace $0x8FFFFFFF  }
0x98: {  	s19 =	sld [smem:$0x3FDB];
	_ =	sdelay $0x1  }
0x99: {  	s4 =	simm.s32 $_scs_section_size  }
0x9a: {  	s5 =	simm.s32 $_size__tile_overlayer_lowered;
	s6 =	simm.s32 $_tile_overlayer_lowered  }
0x9b: {  	s22 =	simm.s32 $0x1BFF;
	s21 =	sshll.u32 s6, $0x1;
	s3 =	sadd.s32 s4, s19  }
0x9c: {  	s7 =	simm.s32 $0x0;
	s20 =	sshll.u32 s5, $0x1;
	s5 =	sadd.s32 s21, s3  }
0x9d: {  	[timem:s7], [sflag:s22] =	dma.local [hbm:s5], s20  }
0x9e: {  	_ =	swait.ge [sflag:s22], s20  }
0x9f: {  	s4 =	ssub.s32 $0x0, s20;
	[sflag:s22] =	ssyncset.done $0x0  }
0xa0: {  	[sflag:s22] =	ssyncadd.s32 s4;
	_ =	sdelay $0x1  }
0xa1: {  	s23 =	simm.s32 $0x1B8B  }
0xa2: {  	_ =	swait.ge [sflag:s23], $0x1  }
0xa3: {  	[sflag:s23] =	ssyncset.done $0x0  }
0xa4: {  	s25 =	simm.s32 $0x1B8E;
	s24 =	sld [smem:$0x3FFE];
	[sflag:s23] =	ssyncadd.s32 $0xFFFFFFFF  }
0xa5: {  	s26 =	simm.s32 $execute0_lowered;
	[smem:$0x3FD2] =	sst s25  }
0xa6: {  	s5 =	sshll.u32 s26, $0x1;
	_ =	strace $0x8000004F;
	[dreg:$0x1] =	wrdreg $0xFFFFFFFF  }
0xa7: {  	s28 =	simm.s32 $_size_execute0_lowered;
	s3 =	sadd.s32 s3, s5;
	[dreg:$0x0] =	wrdreg $0x0  }
0xa8: {  	s5 =	sshll.u32 s28, $0x1;
	[dreg:$0x2] =	wrdreg s3  }
0xa9: {  	[dreg:$0x3] =	wrdreg s5  }
0xaa: {  	[dreg:$0x4] =	wrdreg $0xC0  }
0xab: {  	_ =	task [dreg:s7], $0x5FFFF  }
0xac: {  	[dreg:$0x1] =	wrdreg $0xFFFFFFFF  }
0xad: {  	[dreg:$0x0] =	wrdreg $0x60  }
0xae: {  	[dreg:$0x2] =	wrdreg s2  }
0xaf: {  	[dreg:$0x3] =	wrdreg s24  }
0xb0: {  	[dreg:$0x4] =	wrdreg $0xA6E00  }
0xb1: {  	[dreg:$0x5] =	wrdreg $0x9  }
0xb2: {  	_ =	task.clear_ibuf [dreg:s7], $0x6FFFF;
	_ =	strace $0x9000004F  }
0xb3: {  	s29 =	simm.s32 $0x9;
	_ =	strace $0x80000051  }
0xb4: {  	_ =	swait.ge [sflag:s29], $0x1  }
0xb5: {  	[sflag:s29] =	ssyncadd.s32 $0xFFFFFFFF  }
0xb6: {  	_ =	strace $0x90000051  }
0xb7: {  	_ =	sfence  }
0xb8: {  	s30 =	sld [smem:$0x0];
	_ =	sdelay $0x2  }
0xb9: {  	s31 =	sshll.u32 s1, $0xD;
	s1 =	sshrl.u32 s1, $0x2  }
0xba: {  	s3 =	sand.u32 $0x4000, s31;
	s1 =	sadd.s32 s1, s30  }
0xbb: {  	s0 =	sor.u32 s3, s0;
	s1 =	sshll.u32 s1, $0x11  }
0xbc: {  	s0 =	sor.u32 s1, s0  }
0xbd: {  	s0 =	sadd.s32 $0x8F2B, s0  }
0xbe: {  	[sflag:s0] =	ssyncadd.remote.s32 $0x1  }
0xbf: {  	_ =	sfence.sel $0xFFFF  }
0xc0: {  	[dreg:$0x0] =	wrdreg $0xFFFFFFFF;
	(pc) =	sbr.abs _section_cstart, $3  }
0xc1: {  	[dreg:$0x1] =	wrdreg $0xFFFFFFFF  }
0xc2: {  	_ =	task.clear_ibuf [dreg:s7], $0x2FFFF;
	_ =	strace $0x9FFFFFFF  }
0xc3: {  	(tm) =	ssettm $0x7FFFFFFF  }
tec
execute0_lowered:
.L_overlay_start_1:
0x0: {  	(tag) =	ssettag $0x1  }
0x1: {  	s1 =	rddreg [dreg:$0x0]  }
0x2: {  	s16 =	rddreg [dreg:$0x1]  }
0x3: {  	s2 =	rddreg [dreg:$0x2]  }
0x4: {  	s3 =	simm.s32 $0x0;
	s0 =	srdreg.scid;
	s28 =	stileid.u32  }
0x5: {  	s29 =	simm.s32 $0xF0;
	s31 =	simm.s32 $0x79E0;
	[smem:$0x7FF] =	sst s3  }
0x6: {  	s0 =	sand.u32 $0x1, s0;
	s13 =	sadd.s32 $0x17800, s16;
	s18 =	sor.u32 $0x10, s28  }
0x7: {  	s19 =	sor.u32 $0x20, s28;
	s20 =	sor.u32 $0x30, s28;
	s15 =	smul.u32 $0x138800, s0  }
0x8: {  	s4 =	ssub.s32 $0x2, s0;
	s6 =	sshll.u32 s0, $0x4;
	s0 =	smul.u32 $0x2800, s28  }
0x9: {  	s12 =	sor.u32 $0x40, s28;
	s14 =	sor.u32 s28, s6;
	s6 =	smul.u32 $0x2800, s20  }
0xa: {  	s9 =	sor.u32 $0x50, s28;
	s5 =	sshrl.u32 s4, $0x1;
	s20 =	smul.u32 $0xA000, s20  }
0xb: {  	s21 =	sor.u32 $0x60, s28;
	s11 =	ssub.s32 s4, s5;
	s4 =	smul.u32 $0x2800, s18  }
0xc: {  	_ =	strace $0x80000050;
	s22 =	sadd.s32 s15, s0;
	s5 =	smul.u32 $0x2800, s19  }
0xd: {  	s18 =	smul.u32 $0xA000, s18;
	s0 =	sadd.s32 s0, s2;
	s7 =	sshrl.u32 s22, $0x3  }
0xe: {  	s25 =	sadd.s32 s15, s6;
	s22 =	sor.u32 $0x70, s28;
	s11 =	smax.u32 s11, $0x1  }
0xf: {  	s20 =	sshrl.u32 s20, $0x2;
	s6 =	sadd.s32 s6, s2;
	s0 =	sshrl.u32 s0, $0x3  }
0x10: {  	s8 =	sadd.s32 s15, s4;
	s7 =	sadd.s32 s13, s7;
	s24 =	sadd.s32 s15, s5  }
0x11: {  	[dreg:$0x14] =	wrdreg s11;
	s18 =	sshrl.u32 s18, $0x2;
	p0 =	sgt.u32 s22, $0x7C  }
0x12: {  	s4 =	sadd.s32 s4, s2;
	[dreg:$0x4] =	wrdreg s7;
	s23 =	sshrl.u32 s8, $0x3  }
0x13: {  	s10 =	sshrl.u32 s24, $0x3;
	s8 =	sshrl.u32 s25, $0x3;
	s7 =	sadd.s32 s13, s23  }
0x14: {  	s8 =	sadd.s32 s13, s8;
	[dreg:$0x5] =	wrdreg s7;
	s7 =	smul.u32 $0x2800, s12  }
0x15: {  	s10 =	sadd.s32 s13, s10;
	[dreg:$0x7] =	wrdreg s8;
	s8 =	smul.u32 $0x2800, s9  }
0x16: {  	s5 =	sadd.s32 s5, s2;
	[dreg:$0x6] =	wrdreg s10;
	s10 =	smul.u32 $0x2800, s21  }
0x17: {  	[dreg:$0x1d] =	wrdreg s0;
	s18 =	sadd.s32 s18, s2;
	s12 =	smul.u32 $0xA000, s12  }
0x18: {  	[dreg:$0x16] =	wrdreg s18;
	s9 =	smul.u32 $0xA000, s9;
	s17 =	sadd.s32 s15, s7  }
0x19: {  	s24 =	sadd.s32 s15, s8;
	s30 =	sadd.s32 s15, s10;
	s12 =	sshrl.u32 s12, $0x2  }
0x1a: {  	s9 =	sshrl.u32 s9, $0x2;
	s23 =	sshrl.u32 s17, $0x3;
	s17 =	smul.u32 $0x2800, s22  }
0x1b: {  	s26 =	sshrl.u32 s24, $0x3;
	s25 =	sshrl.u32 s30, $0x3;
	s12 =	sadd.s32 s12, s2  }
0x1c: {  	s9 =	sadd.s32 s9, s2;
	s23 =	sadd.s32 s13, s23;
	[dreg:$0x19] =	wrdreg s12  }
0x1d: {  	[dreg:$0x8] =	wrdreg s23;
	s23 =	sadd.s32 s13, s26;
	s15 =	sadd.s32 s15, s17  }
0x1e: {  	[dreg:$0x9] =	wrdreg s23;
	s23 =	sadd.s32 s13, s25;
	s15 =	sshrl.u32 s15, $0x3  }
0x1f: {  	s26 =	smul.u32 $0x27100, s14;
	[dreg:$0xa] =	wrdreg s23;
	s13 =	sadd.s32 s13, s15  }
0x20: {  	s23 =	smul.u32 $0x2710, s14;
	[dreg:$0xb] =	wrdreg s13;
	s13 =	sadd.s32 $0x551800, s16  }
0x21: {  	s7 =	sadd.s32 s7, s2;
	[dreg:$0x1a] =	wrdreg s9;
	s24 =	sadd.s32 s13, s26  }
0x22: {  	s15 =	sadd.s32 $0xDA00, s16;
	[dreg:$0xc] =	wrdreg s24;
	s24 =	sshrl.u32 s23, $0x3  }
0x23: {  	s14 =	sadd.s32 $0x547A00, s16;
	s16 =	sadd.s32 $0x3C00, s16;
	s26 =	sadd.s32 s15, s24  }
0x24: {  	s25 =	sadd.s32 $0x50, s23;
	s30 =	sadd.s32 s16, s24;
	[dreg:$0xd] =	wrdreg s26  }
0x25: {  	s24 =	sadd.s32 s14, s24;
	[dreg:$0xe] =	wrdreg s30;
	s30 =	sshll.u32 s25, $0x4  }
0x26: {  	[dreg:$0xf] =	wrdreg s24;
	s24 =	sshrl.u32 s25, $0x3;
	s26 =	sadd.s32 s13, s30  }
0x27: {  	s8 =	sadd.s32 s8, s2;
	s30 =	sadd.s32 s15, s24;
	[dreg:$0x10] =	wrdreg s26  }
0x28: {  	s25 =	sadd.s32 $0xA0, s23;
	[dreg:$0x11] =	wrdreg s30;
	s26 =	sadd.s32 s16, s24  }
0x29: {  	s24 =	sadd.s32 s14, s24;
	s30 =	smul.u32 $0xA000, s28;
	s28 =	simm.s32 $0x140  }
0x2a: {  	[dreg:$0x12] =	wrdreg s26;
	s26 =	sadd.s32 $0xF0, s23;
	s23 =	smul.u32 $0xA000, s19  }
0x2b: {  	[dreg:$0x13] =	wrdreg s24;
	s24 =	smul.u32 $0xA000, s21;
	s21 =	sshrl.u32 s5, $0x3  }
0x2c: {  	s5 =	simm.s32 $0x3;
	s30 =	sshrl.u32 s30, $0x2;
	[dreg:$0x1f] =	wrdreg s21  }
0x2d: {  	s21 =	simm.s32 $0x9;
	s19 =	sadd.s32 s30, s2;
	s11 =	sshrl.u32 s23, $0x2  }
0x2e: {  	s23 =	sadd.s32 s20, s2;
	s30 =	smul.u32 $0xA000, s22;
	s20 =	sshrl.u32 s4, $0x3  }
0x2f: {  	s22 =	sshrl.u32 s6, $0x3;
	s4 =	simm.s32 $0x1;
	[dreg:$0x15] =	wrdreg s19  }
0x30: {  	s6 =	simm.s32 $0x7;
	s11 =	sadd.s32 s11, s2;
	[dreg:$0x18] =	wrdreg s23  }
0x31: {  	s19 =	sadd.s32 s10, s2;
	s10 =	sadd.s32 s17, s2;
	[dreg:$0x1e] =	wrdreg s20  }
0x32: {  	[smem:$0x7F9] =	sst s22;
	s23 =	sshrl.u32 s7, $0x3;
	s20 =	simm.s32 $0x51E0  }
0x33: {  	s22 =	simm.s32 $0xA0;
	s7 =	simm.s32 $0x2;
	[dreg:$0x17] =	wrdreg s11  }
0x34: {  	s11 =	sshrl.u32 s24, $0x2;
	s18 =	sshrl.u32 s30, $0x2;
	[smem:$0x7FA] =	sst s23  }
0x35: {  	s24 =	sshrl.u32 s8, $0x3;
	s30 =	sshrl.u32 s19, $0x3;
	s0 =	sshrl.u32 @!p0 s10, $0x3  }
0x36: {  	s23 =	simm.s32 $0x50;
	s8 =	simm.s32 $0x4;
	[smem:$0x7FB] =	sst s24  }
0x37: {  	s10 =	simm.s32 $0x5;
	s12 =	sadd.s32 s11, s2;
	[smem:$0x7FC] =	sst s30  }
0x38: {  	s9 =	sadd.s32 s18, s2;
	[smem:$0x7FD] =	sst s0;
	s24 =	simm.s32 $0x1E0  }
0x39: {  	s0 =	simm.s32 $0x190;
	s11 =	simm.s32 $0x6;
	[dreg:$0x1b] =	wrdreg s12  }
0x3a: {  	v0 =	vimm.f32 $0.0e+00;
	s18 =	simm.s32 $0x0;
	[dreg:$0x1c] =	wrdreg s9;
	s9 =	simm.s32 $0x8  }
.LBB2_1:
0x3b: {  	s12 =	sand.u32 $0xFE00, s3  }
0x3c: {  	[smem:$0x7F8] =	sst s18;
	s17 =	sand.u32 $0x70, s3;
	s30 =	sshrl.u32 s12, $0x2  }
0x3d: {  	s12 =	simm.s32 $0x40;
	s18 =	sor.u32 s17, s30;
	s17 =	simm.s32 $0x0  }
.LBB2_2:
0x3e: {  	p1 =	sne.s32 s12, $0x9FC0  }
0x3f: {  	[tilespmem:s18+$0x51E0] =	vst v0;
	s17 =	sadd.s32 $0x10, s17;
	s18 =	smov.u32 s12;
	s12 =	sadd.s32 $0x40, s12  }
.Ltmp0:
0x40: {  	(pc) =	sbr.rel @p1 .LBB2_2-.Ltmp0, $4  }
0x41: {  	_ = 	snop  }
0x42: {  	s18 =	sand.u32 $0xFE00, s18  }
0x43: {  	s19 =	sand.u32 $0x70, s17;
	s18 =	sshrl.u32 s18, $0x2  }
0x44: {  	s18 =	sor.u32 s19, s18  }
0x45: {  	[tilespmem:s18+$0x51E0] =	vst v0;
	s12 =	rddreg [dreg:$0x15]  }
0x46: {  	[spmem:s12] =	stream.linear.scatter [tilespmem:s20], [sflag:$0x9], $0x2800, $0x38;
	[tilespmem:$0x1DF60] =	vst v63  }
0x47: {  	_ =	swait.ge [sflag:s21], $0x2800  }
0x48: {  	[sflag:s21] =	ssyncset.done $0x0  }
0x49: {  	s30 =	rddreg [dreg:$0x16];
	[sflag:s21] =	ssyncadd.s32 $0xFFFFD800  }
0x4a: {  	[spmem:s30] =	stream.linear.scatter [tilespmem:s20], [sflag:$0x9], $0x2800, $0x38;
	[tilespmem:$0x1DF60] =	vst v63  }
0x4b: {  	_ =	swait.ge [sflag:s21], $0x2800  }
0x4c: {  	[sflag:s21] =	ssyncset.done $0x0  }
0x4d: {  	s17 =	rddreg [dreg:$0x17];
	[sflag:s21] =	ssyncadd.s32 $0xFFFFD800  }
0x4e: {  	[spmem:s17] =	stream.linear.scatter [tilespmem:s20], [sflag:$0x9], $0x2800, $0x38;
	[tilespmem:$0x1DF60] =	vst v63  }
0x4f: {  	_ =	swait.ge [sflag:s21], $0x2800  }
0x50: {  	[sflag:s21] =	ssyncset.done $0x0  }
0x51: {  	s18 =	rddreg [dreg:$0x18];
	[sflag:s21] =	ssyncadd.s32 $0xFFFFD800  }
0x52: {  	[spmem:s18] =	stream.linear.scatter [tilespmem:s20], [sflag:$0x9], $0x2800, $0x38;
	[tilespmem:$0x1DF60] =	vst v63  }
0x53: {  	_ =	swait.ge [sflag:s21], $0x2800  }
0x54: {  	[sflag:s21] =	ssyncset.done $0x0  }
0x55: {  	s19 =	rddreg [dreg:$0x19];
	[sflag:s21] =	ssyncadd.s32 $0xFFFFD800  }
0x56: {  	[spmem:s19] =	stream.linear.scatter [tilespmem:s20], [sflag:$0x9], $0x2800, $0x38;
	[tilespmem:$0x1DF60] =	vst v63  }
0x57: {  	_ =	swait.ge [sflag:s21], $0x2800  }
0x58: {  	[sflag:s21] =	ssyncset.done $0x0  }
0x59: {  	s30 =	rddreg [dreg:$0x1a];
	[sflag:s21] =	ssyncadd.s32 $0xFFFFD800  }
0x5a: {  	[spmem:s30] =	stream.linear.scatter [tilespmem:s20], [sflag:$0x9], $0x2800, $0x38;
	[tilespmem:$0x1DF60] =	vst v63  }
0x5b: {  	_ =	swait.ge [sflag:s21], $0x2800  }
0x5c: {  	[sflag:s21] =	ssyncset.done $0x0  }
0x5d: {  	s17 =	rddreg [dreg:$0x1b];
	[sflag:s21] =	ssyncadd.s32 $0xFFFFD800  }
0x5e: {  	[spmem:s17] =	stream.linear.scatter [tilespmem:s20], [sflag:$0x9], $0x2800, $0x38;
	[tilespmem:$0x1DF60] =	vst v63  }
0x5f: {  	_ =	swait.ge [sflag:s21], $0x2800  }
0x60: {  	[sflag:s21] =	ssyncset.done $0x0  }
0x61: {  	s12 =	simm.s32 @!p0 $0x51E0;
	s17 =	rddreg [dreg:$0x1c];
	[sflag:s21] =	ssyncadd.s32 $0xFFFFD800  }
0x62: {  	[spmem:s17] =	stream.linear.scatter @!p0 [tilespmem:s12], [sflag:$0x9], $0x2800, $0x38;
	[tilespmem:$0x1DF60] =	vst v63  }
0x63: {  	s12 =	simm.s32 @!p0 $0x9  }
0x64: {  	_ =	swait.ge @!p0 [sflag:s12], $0x2800  }
0x65: {  	[sflag:s12] =	ssyncset.done @!p0 $0x0  }
0x66: {  	[sflag:s12] =	ssyncadd.s32 @!p0 $0xFFFFD800  }
0x67: {  	[bflag:$0x0] =	sbarrier.arrive $0xFFFF  }
0x68: {  	s17 =	simm.s32 $0x0;
	s18 =	rddreg [dreg:$0xd]  }
0x69: {  	[tilespmem:s17], [sflag:$0x9] =	stream.linear.gather [hbm4b:s18+s17], $0x50, $0x38;
	[tilespmem:$0x1DF60] =	vst v63  }
0x6a: {  	_ =	swait.ge [sflag:s21], $0x50  }
0x6b: {  	[sflag:s21] =	ssyncset.done $0x0  }
0x6c: {  	s19 =	rddreg [dreg:$0xe];
	[sflag:s21] =	ssyncadd.s32 $0xFFFFFFB0  }
0x6d: {  	[tilespmem:s22], [sflag:$0x9] =	stream.linear.gather [hbm4b:s19+s17], $0x50, $0x38;
	[tilespmem:$0x1DF60] =	vst v63  }
0x6e: {  	_ =	swait.ge [sflag:s21], $0x50  }
0x6f: {  	[sflag:s21] =	ssyncset.done $0x0  }
0x70: {  	[sflag:s21] =	ssyncadd.s32 $0xFFFFFFB0  }
0x71: {  	[tilespmem:s24], [sflag:$0x1] =	stream.indirect.gather [hbm4b:s1+s23], $0x80, s17, s23, $0xb8;
	[tilespmem:$0x1DF60] =	vst v63  }
0x72: {  	s30 =	rddreg [dreg:$0xc]  }
0x73: {  	[tilespmem:s20], [sflag:$0x3] =	stream.linear.gather [hbm4b:s30+s17], $0x2800, $0x38;
	[tilespmem:$0x1DF60] =	vst v63  }
0x74: {  	s18 =	rddreg [dreg:$0xf]  }
0x75: {  	[tilespmem:s28], [sflag:$0x7] =	stream.linear.gather [hbm4b:s18+s17], $0x50, $0x38;
	[tilespmem:$0x1DF60] =	vst v63  }
0x76: {  	s19 =	rddreg [dreg:$0x11]  }
0x77: {  	[tilespmem:s23], [sflag:$0x9] =	stream.linear.gather [hbm4b:s19+s17], $0x50, $0x38;
	[tilespmem:$0x1DF60] =	vst v63  }
0x78: {  	_ =	swait.ge [sflag:s21], $0x50  }
0x79: {  	[sflag:s21] =	ssyncset.done $0x0  }
0x7a: {  	s30 =	rddreg [dreg:$0x12];
	[sflag:s21] =	ssyncadd.s32 $0xFFFFFFB0  }
0x7b: {  	[tilespmem:s29], [sflag:$0x9] =	stream.linear.gather [hbm4b:s30+s17], $0x50, $0x38;
	[tilespmem:$0x1DF60] =	vst v63  }
0x7c: {  	_ =	swait.ge [sflag:s21], $0x50  }
0x7d: {  	[sflag:s21] =	ssyncset.done $0x0  }
0x7e: {  	s18 =	simm.s32 $0x29E0;
	[sflag:s21] =	ssyncadd.s32 $0xFFFFFFB0  }
0x7f: {  	[tilespmem:s18], [sflag:$0x2] =	stream.indirect.gather [hbm4b:s1+s23], $0x80, s23, s23, $0xb8;
	[tilespmem:$0x1DF60] =	vst v63  }
0x80: {  	s19 =	rddreg [dreg:$0x10]  }
0x81: {  	[tilespmem:s31], [sflag:$0x4] =	stream.linear.gather [hbm4b:s19+s17], $0x2800, $0x38;
	[tilespmem:$0x1DF60] =	vst v63  }
0x82: {  	s30 =	rddreg [dreg:$0x13]  }
0x83: {  	[tilespmem:s0], [sflag:$0x8] =	stream.linear.gather [hbm4b:s30+s17], $0x50, $0x38;
	[tilespmem:$0x1DF60] =	vst v63  }
.LBB2_4:
0x84: {  	_ =	swait.ge [sflag:s4], $0x2800  }
0x85: {  	[sflag:s4] =	ssyncset.done $0x0  }
0x86: {  	[sflag:s4] =	ssyncadd.s32 $0xFFFFD800  }
0x87: {  	_ =	swait.ge [sflag:s5], $0x2800  }
0x88: {  	[sflag:s5] =	ssyncset.done $0x0  }
0x89: {  	[sflag:s5] =	ssyncadd.s32 $0xFFFFD800  }
0x8a: {  	_ =	swait.ge [sflag:s6], $0x50  }
0x8b: {  	[sflag:s6] =	ssyncset.done $0x0  }
0x8c: {  	s12 =	simm.s32 $0x0;
	[sflag:s6] =	ssyncadd.s32 $0xFFFFFFB0  }
0x8d: {  	v1 =	vld [tilespmem:s12+$0x140];
	_ =	sdelay $0x4  }
0x8e: {  	v2 =	vbroadcast v1, $0x0  }
0x8f: {  	s18 =	simm.s32 $0xA260;
	v3 =	vbroadcast v1, $0x1  }
0x90: {  	v4 =	vbroadcast v1, $0x2;
	[tilespmem:s18+$0xFFFFFF80] =	vst v2  }
0x91: {  	v60 =	vbroadcast v1, $0x5;
	[tilespmem:s18+$0xFFFFFF90] =	vst v3  }
0x92: {  	v61 =	vbroadcast v1, $0x8;
	[tilespmem:s18+$0xFFFFFFA0] =	vst v4  }
0x93: {  	v62 =	vbroadcast v1, $0xB;
	[tilespmem:s18+$0xFFFFFFD0] =	vst v60  }
0x94: {  	v63 =	vbroadcast v1, $0xE;
	[tilespmem:s18+$0x0] =	vst v61  }
0x95: {  	v2 =	vbroadcast v1, $0x3;
	[tilespmem:s18+$0x30] =	vst v62  }
0x96: {  	v3 =	vbroadcast v1, $0x4;
	[tilespmem:s18+$0x60] =	vst v63  }
0x97: {  	[tilespmem:s18+$0xFFFFFFB0] =	vst v2;
	v2 =	vbroadcast v1, $0x6  }
0x98: {  	[tilespmem:s18+$0xFFFFFFC0] =	vst v3;
	v3 =	vbroadcast v1, $0x7  }
0x99: {  	[tilespmem:s18+$0xFFFFFFE0] =	vst v2;
	v2 =	vbroadcast v1, $0x9  }
0x9a: {  	[tilespmem:s18+$0xFFFFFFF0] =	vst v3;
	v3 =	vbroadcast v1, $0xA  }
0x9b: {  	[tilespmem:s18+$0x10] =	vst v2;
	v2 =	vbroadcast v1, $0xC  }
0x9c: {  	[tilespmem:s18+$0x20] =	vst v3;
	v3 =	vbroadcast v1, $0xD  }
0x9d: {  	v1 =	vbroadcast v1, $0xF;
	[tilespmem:s18+$0x40] =	vst v2  }
0x9e: {  	[tilespmem:s18+$0x50] =	vst v3  }
0x9f: {  	s19 =	simm.s32 $0x10;
	s12 =	simm.s32 $0x80;
	[tilespmem:s18+$0x70] =	vst v1  }
.LBB2_5:
0xa0: {  	p1 =	sne.s32 s12, $0x100;
	v1 =	vld [tilespmem:s19+$0x140];
	_ =	sdelay $0x4  }
0xa1: {  	v2 =	vbroadcast v1, $0x0;
	v3 =	vbroadcast v1, $0x1  }
0xa2: {  	s18 =	sadd.s32 $0x100, s18;
	v4 =	vbroadcast v1, $0x2;
	v5 =	vbroadcast v1, $0x3  }
0xa3: {  	v6 =	vbroadcast v1, $0x5;
	[tilespmem:s18+$0xFFFFFF80] =	vst v2;
	v2 =	vbroadcast v1, $0x4  }
0xa4: {  	v7 =	vbroadcast v1, $0x7;
	[tilespmem:s18+$0xFFFFFF90] =	vst v3;
	v3 =	vbroadcast v1, $0x6  }
0xa5: {  	v8 =	vbroadcast v1, $0x9;
	[tilespmem:s18+$0xFFFFFFA0] =	vst v4;
	v4 =	vbroadcast v1, $0x8  }
0xa6: {  	v9 =	vbroadcast v1, $0xB;
	[tilespmem:s18+$0xFFFFFFB0] =	vst v5;
	v5 =	vbroadcast v1, $0xA  }
0xa7: {  	v10 =	vbroadcast v1, $0xD;
	[tilespmem:s18+$0xFFFFFFC0] =	vst v2;
	v2 =	vbroadcast v1, $0xC  }
0xa8: {  	[tilespmem:s18+$0xFFFFFFD0] =	vst v6;
	v6 =	vbroadcast v1, $0xE;
	v1 =	vbroadcast v1, $0xF  }
0xa9: {  	[tilespmem:s18+$0xFFFFFFE0] =	vst v3  }
0xaa: {  	[tilespmem:s18+$0xFFFFFFF0] =	vst v7  }
0xab: {  	[tilespmem:s18+$0x0] =	vst v4  }
0xac: {  	[tilespmem:s18+$0x10] =	vst v8  }
0xad: {  	[tilespmem:s18+$0x20] =	vst v5  }
.Ltmp1:
0xae: {  	[tilespmem:s18+$0x30] =	vst v9;
	(pc) =	sbr.rel @p1 .LBB2_5-.Ltmp1, $4  }
0xaf: {  	[tilespmem:s18+$0x40] =	vst v2  }
0xb0: {  	[tilespmem:s18+$0x50] =	vst v10  }
0xb1: {  	[tilespmem:s18+$0x60] =	vst v6  }
0xb2: {  	s19 =	sshra.s32 s12, $0x2;
	s12 =	sadd.s32 $0x40, s12;
	[tilespmem:s18+$0x70] =	vst v1  }
0xb3: {  	v1 =	vld [tilespmem:s19+$0x140];
	_ =	sdelay $0x4  }
0xb4: {  	v2 =	vbroadcast v1, $0x0  }
0xb5: {  	s12 =	sadd.s32 $0x100, s18;
	v3 =	vbroadcast v1, $0x1  }
0xb6: {  	v4 =	vbroadcast v1, $0x2;
	[tilespmem:s12+$0xFFFFFF80] =	vst v2  }
0xb7: {  	v2 =	vbroadcast v1, $0x3;
	[tilespmem:s12+$0xFFFFFF90] =	vst v3  }
0xb8: {  	v3 =	vbroadcast v1, $0x4;
	[tilespmem:s12+$0xFFFFFFA0] =	vst v4  }
0xb9: {  	v4 =	vbroadcast v1, $0x5;
	[tilespmem:s12+$0xFFFFFFB0] =	vst v2  }
0xba: {  	v2 =	vbroadcast v1, $0x6;
	[tilespmem:s12+$0xFFFFFFC0] =	vst v3  }
0xbb: {  	v3 =	vbroadcast v1, $0x7;
	[tilespmem:s12+$0xFFFFFFD0] =	vst v4  }
0xbc: {  	v4 =	vbroadcast v1, $0x8;
	[tilespmem:s12+$0xFFFFFFE0] =	vst v2  }
0xbd: {  	v2 =	vbroadcast v1, $0x9;
	[tilespmem:s12+$0xFFFFFFF0] =	vst v3  }
0xbe: {  	v3 =	vbroadcast v1, $0xA;
	[tilespmem:s12+$0x0] =	vst v4  }
0xbf: {  	v4 =	vbroadcast v1, $0xB;
	[tilespmem:s12+$0x10] =	vst v2  }
0xc0: {  	v2 =	vbroadcast v1, $0xC;
	[tilespmem:s12+$0x20] =	vst v3  }
0xc1: {  	v3 =	vbroadcast v1, $0xD;
	[tilespmem:s12+$0x30] =	vst v4  }
0xc2: {  	v4 =	vbroadcast v1, $0xE;
	[tilespmem:s12+$0x40] =	vst v2  }
0xc3: {  	v1 =	vbroadcast v1, $0xF;
	[tilespmem:s12+$0x50] =	vst v3  }
0xc4: {  	[tilespmem:s12+$0x60] =	vst v4  }
0xc5: {  	s19 =	simm.s32 $0xA1E0;
	[tilespmem:s12+$0x70] =	vst v1  }
0xc6: {  	s18 =	simm.s32 $0x0;
	v1 =	vld [tilespmem:s19+$0x0]  }
0xc7: {  	v2 =	vld [tilespmem:s18+$0x250]  }
0xc8: {  	v3 =	vld [tilespmem:s18+$0x1E0]  }
0xc9: {  	v4 =	vld [tilespmem:s18+$0x5250]  }
0xca: {  	v5 =	vld [tilespmem:s18+$0x1F0]  }
0xcb: {  	v6 =	vld [tilespmem:s18+$0x200]  }
0xcc: {  	v7 =	vld [tilespmem:s18+$0x210]  }
0xcd: {  	v10 =	vld [tilespmem:s18+$0x220]  }
0xce: {  	v11 =	vld [tilespmem:s18+$0x230];
	v2 =	vmul.f32 v2, v1  }
0xcf: {  	v12 =	vld [tilespmem:s18+$0x240]  }
0xd0: {  	v2 =	vadd.f32 v2, v4;
	v4 =	vld [tilespmem:s18+$0x51E0]  }
0xd1: {  	v13 =	vld [tilespmem:s18+$0x51F0]  }
0xd2: {  	v14 =	vld [tilespmem:s18+$0x5200]  }
0xd3: {  	v9 =	vld [tilespmem:s18+$0x5210];
	[tilespmem:s18+$0x5250] =	vst v2;
	v2 =	vmul.f32 v3, v1  }
0xd4: {  	v15 =	vmul.f32 v5, v1;
	v5 =	vld [tilespmem:s18+$0x5220]  }
0xd5: {  	v8 =	vld [tilespmem:s18+$0x5230];
	v16 =	vmul.f32 v6, v1;
	v17 =	vadd.f32 v2, v4  }
0xd6: {  	s12 =	simm.s32 $0xA1F0;
	v7 =	vmul.f32 v7, v1;
	v6 =	vmul.f32 v10, v1;
	v10 =	vadd.f32 v15, v13;
	v4 =	vld [tilespmem:s18+$0x5240]  }
0xd7: {  	s30 =	simm.s32 $0x400;
	s19 =	simm.s32 $0x80;
	v3 =	vmul.f32 v11, v1;
	v11 =	vadd.f32 v16, v14;
	v2 =	vmul.f32 v12, v1;
	v1 =	vld [tilespmem:s12+$0x0];
	[tilespmem:s18+$0x51E0] =	vst v17  }
.LBB2_7:
0xd8: {  	p1 =	sne.s32 s30, $0x9E00;
	v12 =	vld [tilespmem:s19+$0x250];
	[tilespmem:s18+$0x51F0] =	vst v10;
	v7 =	vadd.f32 v7, v9  }
0xd9: {  	v9 =	vld [tilespmem:s19+$0x1E0];
	[tilespmem:s18+$0x5200] =	vst v11;
	v5 =	vadd.f32 v6, v5  }
0xda: {  	v6 =	vld [tilespmem:s19+$0x5250];
	[tilespmem:s18+$0x5210] =	vst v7;
	v3 =	vadd.f32 v3, v8  }
0xdb: {  	v7 =	vld [tilespmem:s19+$0x1F0];
	[tilespmem:s18+$0x5220] =	vst v5;
	v2 =	vadd.f32 v2, v4  }
0xdc: {  	v4 =	vld [tilespmem:s19+$0x200];
	[tilespmem:s18+$0x5230] =	vst v3  }
0xdd: {  	v3 =	vld [tilespmem:s19+$0x210];
	v5 =	vmul.f32 v12, v1;
	[tilespmem:s18+$0x5240] =	vst v2;
	s18 =	smov.u32 s19  }
0xde: {  	v8 =	vmul.f32 v9, v1;
	v2 =	vld [tilespmem:s18+$0x220]  }
0xdf: {  	v10 =	vld [tilespmem:s18+$0x230];
	v5 =	vadd.f32 v5, v6  }
0xe0: {  	v11 =	vmul.f32 v7, v1;
	v12 =	vld [tilespmem:s18+$0x240]  }
0xe1: {  	v13 =	vld [tilespmem:s18+$0x51E0];
	v14 =	vmul.f32 v4, v1;
	[tilespmem:s18+$0x5250] =	vst v5  }
0xe2: {  	v4 =	vld [tilespmem:s18+$0x51F0];
	v7 =	vmul.f32 v3, v1  }
0xe3: {  	v15 =	vld [tilespmem:s18+$0x5200];
	v6 =	vmul.f32 v2, v1  }
.Ltmp2:
0xe4: {  	v9 =	vld [tilespmem:s18+$0x5210];
	v3 =	vmul.f32 v10, v1;
	(pc) =	sbr.rel @p1 .LBB2_7-.Ltmp2, $4  }
0xe5: {  	v5 =	vld [tilespmem:s18+$0x5220];
	v2 =	vmul.f32 v12, v1  }
0xe6: {  	v12 =	vadd.f32 v8, v13;
	v8 =	vld [tilespmem:s18+$0x5230]  }
0xe7: {  	s12 =	sadd.s32 $0x10, s12;
	v10 =	vadd.f32 v11, v4;
	v4 =	vld [tilespmem:s18+$0x5240]  }
0xe8: {  	s19 =	sshra.s32 s30, $0x2;
	s30 =	sadd.s32 $0x200, s30;
	v1 =	vld [tilespmem:s12+$0x0];
	[tilespmem:s18+$0x51E0] =	vst v12;
	v11 =	vadd.f32 v14, v15  }
0xe9: {  	v12 =	vld [tilespmem:s19+$0x250]  }
0xea: {  	v13 =	vld [tilespmem:s19+$0x1E0]  }
0xeb: {  	v14 =	vld [tilespmem:s19+$0x5250]  }
0xec: {  	v15 =	vld [tilespmem:s19+$0x1F0]  }
0xed: {  	v16 =	vld [tilespmem:s19+$0x200]  }
0xee: {  	v17 =	vld [tilespmem:s19+$0x210]  }
0xef: {  	v18 =	vld [tilespmem:s19+$0x220]  }
0xf0: {  	v19 =	vld [tilespmem:s19+$0x230]  }
0xf1: {  	v48 =	vld [tilespmem:s19+$0x240]  }
0xf2: {  	v20 =	vld [tilespmem:s19+$0x51E0];
	[tilespmem:s18+$0x51F0] =	vst v10;
	v7 =	vadd.f32 v7, v9  }
0xf3: {  	v49 =	vld [tilespmem:s19+$0x51F0];
	[tilespmem:s18+$0x5200] =	vst v11;
	v5 =	vadd.f32 v6, v5  }
0xf4: {  	v50 =	vld [tilespmem:s19+$0x5200];
	[tilespmem:s18+$0x5210] =	vst v7;
	v3 =	vadd.f32 v3, v8;
	v12 =	vmul.f32 v12, v1  }
0xf5: {  	v52 =	vld [tilespmem:s19+$0x5210];
	[tilespmem:s18+$0x5220] =	vst v5;
	v2 =	vadd.f32 v2, v4;
	v51 =	vmul.f32 v13, v1  }
0xf6: {  	v56 =	vld [tilespmem:s19+$0x5240];
	[tilespmem:s18+$0x5230] =	vst v3;
	v53 =	vmul.f32 v15, v1;
	v12 =	vadd.f32 v12, v14  }
0xf7: {  	v54 =	vld [tilespmem:s19+$0x5220];
	v3 =	vmul.f32 v16, v1;
	[tilespmem:s18+$0x5240] =	vst v2;
	v7 =	vadd.f32 v51, v20  }
0xf8: {  	v55 =	vld [tilespmem:s19+$0x5230];
	v2 =	vmul.f32 v17, v1;
	v57 =	vmul.f32 v18, v1;
	v4 =	vadd.f32 v53, v49;
	[tilespmem:s19+$0x5250] =	vst v12  }
0xf9: {  	v58 =	vmul.f32 v19, v1;
	v1 =	vmul.f32 v48, v1;
	v3 =	vadd.f32 v3, v50;
	[tilespmem:s19+$0x51E0] =	vst v7  }
0xfa: {  	v2 =	vadd.f32 v2, v52;
	[tilespmem:s19+$0x51F0] =	vst v4  }
0xfb: {  	v1 =	vadd.f32 v1, v56;
	[tilespmem:s19+$0x5200] =	vst v3  }
0xfc: {  	v3 =	vadd.f32 v57, v54;
	[tilespmem:s19+$0x5210] =	vst v2  }
0xfd: {  	v2 =	vadd.f32 v58, v55;
	[tilespmem:s19+$0x5240] =	vst v1  }
0xfe: {  	[tilespmem:s19+$0x5220] =	vst v3  }
0xff: {  	[tilespmem:s19+$0x5230] =	vst v2  }
0x100: {  	[spmem:s2] =	stream.indirect.scatter.add.f32 [tilespmem:s20], [sflag:$0x5], $0x80, s22, s23, $0xb8;
	[tilespmem:$0x1DF60] =	vst v63  }
0x101: {  	_ =	swait.ge [sflag:s7], $0x2800  }
0x102: {  	[sflag:s7] =	ssyncset.done $0x0  }
0x103: {  	[sflag:s7] =	ssyncadd.s32 $0xFFFFD800  }
0x104: {  	_ =	swait.ge [sflag:s8], $0x2800  }
0x105: {  	[sflag:s8] =	ssyncset.done $0x0  }
0x106: {  	[sflag:s8] =	ssyncadd.s32 $0xFFFFD800  }
0x107: {  	_ =	swait.ge [sflag:s9], $0x50  }
0x108: {  	[sflag:s9] =	ssyncset.done $0x0  }
0x109: {  	s18 =	simm.s32 $0x0;
	[sflag:s9] =	ssyncadd.s32 $0xFFFFFFB0  }
0x10a: {  	v1 =	vld [tilespmem:s18+$0x190];
	_ =	sdelay $0x4  }
0x10b: {  	v2 =	vbroadcast v1, $0x0  }
0x10c: {  	s19 =	simm.s32 $0xA260;
	v3 =	vbroadcast v1, $0x1  }
0x10d: {  	v59 =	vbroadcast v1, $0x2;
	[tilespmem:s19+$0xFFFFFF80] =	vst v2  }
0x10e: {  	v60 =	vbroadcast v1, $0x5;
	[tilespmem:s19+$0xFFFFFF90] =	vst v3  }
0x10f: {  	v61 =	vbroadcast v1, $0x8;
	[tilespmem:s19+$0xFFFFFFA0] =	vst v59  }
0x110: {  	v62 =	vbroadcast v1, $0xB;
	[tilespmem:s19+$0xFFFFFFD0] =	vst v60  }
0x111: {  	v63 =	vbroadcast v1, $0xE;
	[tilespmem:s19+$0x0] =	vst v61  }
0x112: {  	v2 =	vbroadcast v1, $0x3;
	[tilespmem:s19+$0x30] =	vst v62  }
0x113: {  	v3 =	vbroadcast v1, $0x4;
	[tilespmem:s19+$0x60] =	vst v63  }
0x114: {  	[tilespmem:s19+$0xFFFFFFB0] =	vst v2;
	v2 =	vbroadcast v1, $0x6  }
0x115: {  	[tilespmem:s19+$0xFFFFFFC0] =	vst v3;
	v3 =	vbroadcast v1, $0x7  }
0x116: {  	[tilespmem:s19+$0xFFFFFFE0] =	vst v2;
	v2 =	vbroadcast v1, $0x9  }
0x117: {  	[tilespmem:s19+$0xFFFFFFF0] =	vst v3;
	v3 =	vbroadcast v1, $0xA  }
0x118: {  	[tilespmem:s19+$0x10] =	vst v2;
	v2 =	vbroadcast v1, $0xC  }
0x119: {  	[tilespmem:s19+$0x20] =	vst v3;
	v3 =	vbroadcast v1, $0xD  }
0x11a: {  	v1 =	vbroadcast v1, $0xF;
	[tilespmem:s19+$0x40] =	vst v2  }
0x11b: {  	[tilespmem:s19+$0x50] =	vst v3  }
0x11c: {  	s30 =	simm.s32 $0x10;
	s12 =	simm.s32 $0x80;
	[tilespmem:s19+$0x70] =	vst v1  }
.LBB2_9:
0x11d: {  	p1 =	sne.s32 s12, $0x100;
	v1 =	vld [tilespmem:s30+$0x190];
	_ =	sdelay $0x4  }
0x11e: {  	v2 =	vbroadcast v1, $0x0;
	v3 =	vbroadcast v1, $0x1  }
0x11f: {  	s19 =	sadd.s32 $0x100, s19;
	v4 =	vbroadcast v1, $0x2;
	v5 =	vbroadcast v1, $0x3  }
0x120: {  	v6 =	vbroadcast v1, $0x5;
	[tilespmem:s19+$0xFFFFFF80] =	vst v2;
	v2 =	vbroadcast v1, $0x4  }
0x121: {  	v7 =	vbroadcast v1, $0x7;
	[tilespmem:s19+$0xFFFFFF90] =	vst v3;
	v3 =	vbroadcast v1, $0x6  }
0x122: {  	v8 =	vbroadcast v1, $0x9;
	[tilespmem:s19+$0xFFFFFFA0] =	vst v4;
	v4 =	vbroadcast v1, $0x8  }
0x123: {  	v9 =	vbroadcast v1, $0xB;
	[tilespmem:s19+$0xFFFFFFB0] =	vst v5;
	v5 =	vbroadcast v1, $0xA  }
0x124: {  	v10 =	vbroadcast v1, $0xD;
	[tilespmem:s19+$0xFFFFFFC0] =	vst v2;
	v2 =	vbroadcast v1, $0xC  }
0x125: {  	[tilespmem:s19+$0xFFFFFFD0] =	vst v6;
	v6 =	vbroadcast v1, $0xE;
	v1 =	vbroadcast v1, $0xF  }
0x126: {  	[tilespmem:s19+$0xFFFFFFE0] =	vst v3  }
0x127: {  	[tilespmem:s19+$0xFFFFFFF0] =	vst v7  }
0x128: {  	[tilespmem:s19+$0x0] =	vst v4  }
0x129: {  	[tilespmem:s19+$0x10] =	vst v8  }
0x12a: {  	[tilespmem:s19+$0x20] =	vst v5  }
.Ltmp3:
0x12b: {  	[tilespmem:s19+$0x30] =	vst v9;
	(pc) =	sbr.rel @p1 .LBB2_9-.Ltmp3, $4  }
0x12c: {  	[tilespmem:s19+$0x40] =	vst v2  }
0x12d: {  	[tilespmem:s19+$0x50] =	vst v10  }
0x12e: {  	[tilespmem:s19+$0x60] =	vst v6  }
0x12f: {  	s30 =	sshra.s32 s12, $0x2;
	s12 =	sadd.s32 $0x40, s12;
	[tilespmem:s19+$0x70] =	vst v1  }
0x130: {  	v1 =	vld [tilespmem:s30+$0x190];
	_ =	sdelay $0x4  }
0x131: {  	v2 =	vbroadcast v1, $0x0  }
0x132: {  	s12 =	sadd.s32 $0x100, s19;
	v3 =	vbroadcast v1, $0x1  }
0x133: {  	v4 =	vbroadcast v1, $0x2;
	[tilespmem:s12+$0xFFFFFF80] =	vst v2  }
0x134: {  	v2 =	vbroadcast v1, $0x3;
	[tilespmem:s12+$0xFFFFFF90] =	vst v3  }
0x135: {  	v3 =	vbroadcast v1, $0x4;
	[tilespmem:s12+$0xFFFFFFA0] =	vst v4  }
0x136: {  	v4 =	vbroadcast v1, $0x5;
	[tilespmem:s12+$0xFFFFFFB0] =	vst v2  }
0x137: {  	v2 =	vbroadcast v1, $0x6;
	[tilespmem:s12+$0xFFFFFFC0] =	vst v3  }
0x138: {  	v3 =	vbroadcast v1, $0x7;
	[tilespmem:s12+$0xFFFFFFD0] =	vst v4  }
0x139: {  	v4 =	vbroadcast v1, $0x8;
	[tilespmem:s12+$0xFFFFFFE0] =	vst v2  }
0x13a: {  	v2 =	vbroadcast v1, $0x9;
	[tilespmem:s12+$0xFFFFFFF0] =	vst v3  }
0x13b: {  	v3 =	vbroadcast v1, $0xA;
	[tilespmem:s12+$0x0] =	vst v4  }
0x13c: {  	v4 =	vbroadcast v1, $0xB;
	[tilespmem:s12+$0x10] =	vst v2  }
0x13d: {  	v2 =	vbroadcast v1, $0xC;
	[tilespmem:s12+$0x20] =	vst v3  }
0x13e: {  	v3 =	vbroadcast v1, $0xD;
	[tilespmem:s12+$0x30] =	vst v4  }
0x13f: {  	v4 =	vbroadcast v1, $0xE;
	[tilespmem:s12+$0x40] =	vst v2  }
0x140: {  	v1 =	vbroadcast v1, $0xF;
	[tilespmem:s12+$0x50] =	vst v3  }
0x141: {  	[tilespmem:s12+$0x60] =	vst v4  }
0x142: {  	s19 =	simm.s32 $0xA1E0;
	[tilespmem:s12+$0x70] =	vst v1  }
0x143: {  	v1 =	vld [tilespmem:s19+$0x0]  }
0x144: {  	v2 =	vld [tilespmem:s18+$0x2A50]  }
0x145: {  	v3 =	vld [tilespmem:s18+$0x29E0]  }
0x146: {  	v4 =	vld [tilespmem:s18+$0x7A50]  }
0x147: {  	v5 =	vld [tilespmem:s18+$0x29F0]  }
0x148: {  	v6 =	vld [tilespmem:s18+$0x2A00]  }
0x149: {  	v7 =	vld [tilespmem:s18+$0x2A10]  }
0x14a: {  	v10 =	vld [tilespmem:s18+$0x2A20]  }
0x14b: {  	v11 =	vld [tilespmem:s18+$0x2A30];
	v2 =	vmul.f32 v2, v1  }
0x14c: {  	v12 =	vld [tilespmem:s18+$0x2A40]  }
0x14d: {  	v2 =	vadd.f32 v2, v4;
	v4 =	vld [tilespmem:s18+$0x79E0]  }
0x14e: {  	v13 =	vld [tilespmem:s18+$0x79F0]  }
0x14f: {  	v14 =	vld [tilespmem:s18+$0x7A00]  }
0x150: {  	v9 =	vld [tilespmem:s18+$0x7A10];
	[tilespmem:s18+$0x7A50] =	vst v2;
	v2 =	vmul.f32 v3, v1  }
0x151: {  	v15 =	vmul.f32 v5, v1;
	v5 =	vld [tilespmem:s18+$0x7A20]  }
0x152: {  	v8 =	vld [tilespmem:s18+$0x7A30];
	v16 =	vmul.f32 v6, v1;
	v17 =	vadd.f32 v2, v4  }
0x153: {  	s12 =	simm.s32 $0xA1F0;
	v7 =	vmul.f32 v7, v1;
	v6 =	vmul.f32 v10, v1;
	v10 =	vadd.f32 v15, v13;
	v4 =	vld [tilespmem:s18+$0x7A40]  }
0x154: {  	s30 =	simm.s32 $0x400;
	s19 =	simm.s32 $0x80;
	v3 =	vmul.f32 v11, v1;
	v11 =	vadd.f32 v16, v14;
	v2 =	vmul.f32 v12, v1;
	v1 =	vld [tilespmem:s12+$0x0];
	[tilespmem:s18+$0x79E0] =	vst v17  }
.LBB2_11:
0x155: {  	p1 =	sne.s32 s30, $0x9E00;
	v12 =	vld [tilespmem:s19+$0x2A50];
	[tilespmem:s18+$0x79F0] =	vst v10;
	v7 =	vadd.f32 v7, v9  }
0x156: {  	v9 =	vld [tilespmem:s19+$0x29E0];
	[tilespmem:s18+$0x7A00] =	vst v11;
	v5 =	vadd.f32 v6, v5  }
0x157: {  	v6 =	vld [tilespmem:s19+$0x7A50];
	[tilespmem:s18+$0x7A10] =	vst v7;
	v3 =	vadd.f32 v3, v8  }
0x158: {  	v7 =	vld [tilespmem:s19+$0x29F0];
	[tilespmem:s18+$0x7A20] =	vst v5;
	v2 =	vadd.f32 v2, v4  }
0x159: {  	v4 =	vld [tilespmem:s19+$0x2A00];
	[tilespmem:s18+$0x7A30] =	vst v3  }
0x15a: {  	v3 =	vld [tilespmem:s19+$0x2A10];
	v5 =	vmul.f32 v12, v1;
	[tilespmem:s18+$0x7A40] =	vst v2;
	s18 =	smov.u32 s19  }
0x15b: {  	v8 =	vmul.f32 v9, v1;
	v2 =	vld [tilespmem:s18+$0x2A20]  }
0x15c: {  	v10 =	vld [tilespmem:s18+$0x2A30];
	v5 =	vadd.f32 v5, v6  }
0x15d: {  	v11 =	vmul.f32 v7, v1;
	v12 =	vld [tilespmem:s18+$0x2A40]  }
0x15e: {  	v13 =	vld [tilespmem:s18+$0x79E0];
	v14 =	vmul.f32 v4, v1;
	[tilespmem:s18+$0x7A50] =	vst v5  }
0x15f: {  	v4 =	vld [tilespmem:s18+$0x79F0];
	v7 =	vmul.f32 v3, v1  }
0x160: {  	v15 =	vld [tilespmem:s18+$0x7A00];
	v6 =	vmul.f32 v2, v1  }
.Ltmp4:
0x161: {  	v9 =	vld [tilespmem:s18+$0x7A10];
	v3 =	vmul.f32 v10, v1;
	(pc) =	sbr.rel @p1 .LBB2_11-.Ltmp4, $4  }
0x162: {  	v5 =	vld [tilespmem:s18+$0x7A20];
	v2 =	vmul.f32 v12, v1  }
0x163: {  	v12 =	vadd.f32 v8, v13;
	v8 =	vld [tilespmem:s18+$0x7A30]  }
0x164: {  	s12 =	sadd.s32 $0x10, s12;
	v10 =	vadd.f32 v11, v4;
	v4 =	vld [tilespmem:s18+$0x7A40]  }
0x165: {  	s19 =	sshra.s32 s30, $0x2;
	s30 =	sadd.s32 $0x200, s30;
	v1 =	vld [tilespmem:s12+$0x0];
	[tilespmem:s18+$0x79E0] =	vst v12;
	v11 =	vadd.f32 v14, v15  }
0x166: {  	v12 =	vld [tilespmem:s19+$0x2A50]  }
0x167: {  	v13 =	vld [tilespmem:s19+$0x29E0]  }
0x168: {  	v14 =	vld [tilespmem:s19+$0x7A50]  }
0x169: {  	v15 =	vld [tilespmem:s19+$0x29F0]  }
0x16a: {  	v16 =	vld [tilespmem:s19+$0x2A00]  }
0x16b: {  	v17 =	vld [tilespmem:s19+$0x2A10]  }
0x16c: {  	v18 =	vld [tilespmem:s19+$0x2A20]  }
0x16d: {  	v19 =	vld [tilespmem:s19+$0x2A30]  }
0x16e: {  	v53 =	vld [tilespmem:s19+$0x2A40]  }
0x16f: {  	v20 =	vld [tilespmem:s19+$0x79E0];
	[tilespmem:s18+$0x79F0] =	vst v10;
	v7 =	vadd.f32 v7, v9  }
0x170: {  	v54 =	vld [tilespmem:s19+$0x79F0];
	[tilespmem:s18+$0x7A00] =	vst v11;
	v5 =	vadd.f32 v6, v5  }
0x171: {  	v55 =	vld [tilespmem:s19+$0x7A00];
	[tilespmem:s18+$0x7A10] =	vst v7;
	v3 =	vadd.f32 v3, v8;
	v12 =	vmul.f32 v12, v1  }
0x172: {  	v57 =	vld [tilespmem:s19+$0x7A10];
	[tilespmem:s18+$0x7A20] =	vst v5;
	v2 =	vadd.f32 v2, v4;
	v56 =	vmul.f32 v13, v1  }
0x173: {  	v61 =	vld [tilespmem:s19+$0x7A40];
	[tilespmem:s18+$0x7A30] =	vst v3;
	v58 =	vmul.f32 v15, v1;
	v12 =	vadd.f32 v12, v14  }
0x174: {  	v59 =	vld [tilespmem:s19+$0x7A20];
	v3 =	vmul.f32 v16, v1;
	[tilespmem:s18+$0x7A40] =	vst v2;
	v7 =	vadd.f32 v56, v20  }
0x175: {  	v60 =	vld [tilespmem:s19+$0x7A30];
	v2 =	vmul.f32 v17, v1;
	v62 =	vmul.f32 v18, v1;
	v4 =	vadd.f32 v58, v54;
	[tilespmem:s19+$0x7A50] =	vst v12  }
0x176: {  	v63 =	vmul.f32 v19, v1;
	v1 =	vmul.f32 v53, v1;
	v3 =	vadd.f32 v3, v55;
	[tilespmem:s19+$0x79E0] =	vst v7  }
0x177: {  	v2 =	vadd.f32 v2, v57;
	[tilespmem:s19+$0x79F0] =	vst v4  }
0x178: {  	v1 =	vadd.f32 v1, v61;
	[tilespmem:s19+$0x7A00] =	vst v3  }
0x179: {  	v3 =	vadd.f32 v62, v59;
	[tilespmem:s19+$0x7A10] =	vst v2  }
0x17a: {  	v2 =	vadd.f32 v63, v60;
	[tilespmem:s19+$0x7A40] =	vst v1  }
0x17b: {  	[tilespmem:s19+$0x7A20] =	vst v3  }
0x17c: {  	s12 =	smul.u32 $0xA0, s17;
	[tilespmem:s19+$0x7A30] =	vst v2  }
0x17d: {  	[spmem:s2] =	stream.indirect.scatter.add.f32 [tilespmem:s31], [sflag:$0x6], $0x80, s29, s23, $0xb8;
	[tilespmem:$0x1DF60] =	vst v63  }
0x17e: {  	s18 =	sadd.s32 s12, s25;
	_ =	swait.ge [sflag:s10], $0x2800  }
0x17f: {  	s19 =	sshrl.u32 s18, $0x3;
	[sflag:s10] =	ssyncset.done $0x0  }
0x180: {  	s30 =	sadd.s32 s15, s19;
	[sflag:s10] =	ssyncadd.s32 $0xFFFFD800  }
0x181: {  	[tilespmem:s3], [sflag:$0x9] =	stream.linear.gather [hbm4b:s30+s3], $0x50, $0x38;
	[tilespmem:$0x1DF60] =	vst v63  }
0x182: {  	_ =	swait.ge [sflag:s21], $0x50  }
0x183: {  	[sflag:s21] =	ssyncset.done $0x0  }
0x184: {  	s30 =	sadd.s32 s16, s19;
	[sflag:s21] =	ssyncadd.s32 $0xFFFFFFB0  }
0x185: {  	[tilespmem:s22], [sflag:$0x9] =	stream.linear.gather [hbm4b:s30+s3], $0x50, $0x38;
	[tilespmem:$0x1DF60] =	vst v63  }
0x186: {  	_ =	swait.ge [sflag:s21], $0x50  }
0x187: {  	s18 =	sshll.u32 s18, $0x4;
	[sflag:s21] =	ssyncset.done $0x0  }
0x188: {  	s18 =	sand.u32 $0x1FFFFF00, s18;
	[sflag:s21] =	ssyncadd.s32 $0xFFFFFFB0  }
0x189: {  	[tilespmem:s24], [sflag:$0x1] =	stream.indirect.gather [hbm4b:s1+s23], $0x80, s3, s23, $0xb8;
	[tilespmem:$0x1DF60] =	vst v63  }
0x18a: {  	p1 =	seq.s32 s17, $0x3D;
	s18 =	sadd.s32 s13, s18  }
0x18b: {  	[tilespmem:s20], [sflag:$0x3] =	stream.linear.gather [hbm4b:s18+s3], $0x2800, $0x38;
	[tilespmem:$0x1DF60] =	vst v63  }
.Ltmp5:
0x18c: {  	s30 =	sadd.s32 s14, s19;
	(pc) =	sbr.rel @p1 .LBB2_14-.Ltmp5, $4  }
0x18d: {  	[tilespmem:s28], [sflag:$0x7] =	stream.linear.gather [hbm4b:s30+s3], $0x50, $0x38;
	[tilespmem:$0x1DF60] =	vst v63  }
0x18e: {  	_ =	swait.ge [sflag:s11], $0x2800  }
0x18f: {  	[sflag:s11] =	ssyncset.done $0x0  }
0x190: {  	[sflag:s11] =	ssyncadd.s32 $0xFFFFD800  }
0x191: {  	s12 =	sadd.s32 s12, s26  }
0x192: {  	s18 =	sshrl.u32 s12, $0x3  }
0x193: {  	s19 =	sadd.s32 s15, s18  }
0x194: {  	[tilespmem:s23], [sflag:$0x9] =	stream.linear.gather [hbm4b:s19+s3], $0x50, $0x38;
	[tilespmem:$0x1DF60] =	vst v63  }
0x195: {  	_ =	swait.ge [sflag:s21], $0x50  }
0x196: {  	[sflag:s21] =	ssyncset.done $0x0  }
0x197: {  	s30 =	sadd.s32 s16, s18;
	[sflag:s21] =	ssyncadd.s32 $0xFFFFFFB0  }
0x198: {  	[tilespmem:s29], [sflag:$0x9] =	stream.linear.gather [hbm4b:s30+s3], $0x50, $0x38;
	[tilespmem:$0x1DF60] =	vst v63  }
0x199: {  	_ =	swait.ge [sflag:s21], $0x50  }
0x19a: {  	[sflag:s21] =	ssyncset.done $0x0  }
0x19b: {  	s12 =	sshll.u32 s12, $0x4;
	s30 =	simm.s32 $0x29E0;
	[sflag:s21] =	ssyncadd.s32 $0xFFFFFFB0  }
0x19c: {  	[tilespmem:s30], [sflag:$0x2] =	stream.indirect.gather [hbm4b:s1+s23], $0x80, s23, s23, $0xb8;
	[tilespmem:$0x1DF60] =	vst v63  }
.Ltmp6:
0x19d: {  	s12 =	sand.u32 $0x1FFFFF00, s12;
	(pc) =	sbr.rel .LBB2_4-.Ltmp6, $4  }
0x19e: {  	s12 =	sadd.s32 s13, s12  }
0x19f: {  	[tilespmem:s31], [sflag:$0x4] =	stream.linear.gather [hbm4b:s12+s3], $0x2800, $0x38;
	[tilespmem:$0x1DF60] =	vst v63  }
0x1a0: {  	s17 =	sadd.s32 $0x1, s17;
	s30 =	sadd.s32 s14, s18  }
0x1a1: {  	[tilespmem:s0], [sflag:$0x8] =	stream.linear.gather [hbm4b:s30+s3], $0x50, $0x38;
	[tilespmem:$0x1DF60] =	vst v63  }
.LBB2_14:
0x1a2: {  	_ =	swait.ge [sflag:s4], $0x2800  }
0x1a3: {  	[sflag:s4] =	ssyncset.done $0x0  }
0x1a4: {  	[sflag:s4] =	ssyncadd.s32 $0xFFFFD800  }
0x1a5: {  	_ =	swait.ge [sflag:s5], $0x2800  }
0x1a6: {  	[sflag:s5] =	ssyncset.done $0x0  }
0x1a7: {  	[sflag:s5] =	ssyncadd.s32 $0xFFFFD800  }
0x1a8: {  	_ =	swait.ge [sflag:s6], $0x50  }
0x1a9: {  	[sflag:s6] =	ssyncset.done $0x0  }
0x1aa: {  	s17 =	simm.s32 $0x0;
	[sflag:s6] =	ssyncadd.s32 $0xFFFFFFB0  }
0x1ab: {  	v1 =	vld [tilespmem:s17+$0x140];
	_ =	sdelay $0x4  }
0x1ac: {  	v2 =	vbroadcast v1, $0x0  }
0x1ad: {  	s18 =	simm.s32 $0xA260;
	v3 =	vbroadcast v1, $0x1  }
0x1ae: {  	v4 =	vbroadcast v1, $0x2;
	[tilespmem:s18+$0xFFFFFF80] =	vst v2  }
0x1af: {  	v60 =	vbroadcast v1, $0x5;
	[tilespmem:s18+$0xFFFFFF90] =	vst v3  }
0x1b0: {  	v61 =	vbroadcast v1, $0x8;
	[tilespmem:s18+$0xFFFFFFA0] =	vst v4  }
0x1b1: {  	v62 =	vbroadcast v1, $0xB;
	[tilespmem:s18+$0xFFFFFFD0] =	vst v60  }
0x1b2: {  	v63 =	vbroadcast v1, $0xE;
	[tilespmem:s18+$0x0] =	vst v61  }
0x1b3: {  	v2 =	vbroadcast v1, $0x3;
	[tilespmem:s18+$0x30] =	vst v62  }
0x1b4: {  	v3 =	vbroadcast v1, $0x4;
	[tilespmem:s18+$0x60] =	vst v63  }
0x1b5: {  	[tilespmem:s18+$0xFFFFFFB0] =	vst v2;
	v2 =	vbroadcast v1, $0x6  }
0x1b6: {  	[tilespmem:s18+$0xFFFFFFC0] =	vst v3;
	v3 =	vbroadcast v1, $0x7  }
0x1b7: {  	[tilespmem:s18+$0xFFFFFFE0] =	vst v2;
	v2 =	vbroadcast v1, $0x9  }
0x1b8: {  	[tilespmem:s18+$0xFFFFFFF0] =	vst v3;
	v3 =	vbroadcast v1, $0xA  }
0x1b9: {  	[tilespmem:s18+$0x10] =	vst v2;
	v2 =	vbroadcast v1, $0xC  }
0x1ba: {  	[tilespmem:s18+$0x20] =	vst v3;
	v3 =	vbroadcast v1, $0xD  }
0x1bb: {  	v1 =	vbroadcast v1, $0xF;
	[tilespmem:s18+$0x40] =	vst v2  }
0x1bc: {  	[tilespmem:s18+$0x50] =	vst v3  }
0x1bd: {  	s19 =	simm.s32 $0x10;
	s12 =	simm.s32 $0x80;
	[tilespmem:s18+$0x70] =	vst v1  }
.LBB2_15:
0x1be: {  	p1 =	sne.s32 s12, $0x100;
	v1 =	vld [tilespmem:s19+$0x140];
	_ =	sdelay $0x4  }
0x1bf: {  	v2 =	vbroadcast v1, $0x0;
	v3 =	vbroadcast v1, $0x1  }
0x1c0: {  	s18 =	sadd.s32 $0x100, s18;
	v4 =	vbroadcast v1, $0x2;
	v5 =	vbroadcast v1, $0x3  }
0x1c1: {  	v6 =	vbroadcast v1, $0x5;
	[tilespmem:s18+$0xFFFFFF80] =	vst v2;
	v2 =	vbroadcast v1, $0x4  }
0x1c2: {  	v7 =	vbroadcast v1, $0x7;
	[tilespmem:s18+$0xFFFFFF90] =	vst v3;
	v3 =	vbroadcast v1, $0x6  }
0x1c3: {  	v8 =	vbroadcast v1, $0x9;
	[tilespmem:s18+$0xFFFFFFA0] =	vst v4;
	v4 =	vbroadcast v1, $0x8  }
0x1c4: {  	v9 =	vbroadcast v1, $0xB;
	[tilespmem:s18+$0xFFFFFFB0] =	vst v5;
	v5 =	vbroadcast v1, $0xA  }
0x1c5: {  	v10 =	vbroadcast v1, $0xD;
	[tilespmem:s18+$0xFFFFFFC0] =	vst v2;
	v2 =	vbroadcast v1, $0xC  }
0x1c6: {  	[tilespmem:s18+$0xFFFFFFD0] =	vst v6;
	v6 =	vbroadcast v1, $0xE;
	v1 =	vbroadcast v1, $0xF  }
0x1c7: {  	[tilespmem:s18+$0xFFFFFFE0] =	vst v3  }
0x1c8: {  	[tilespmem:s18+$0xFFFFFFF0] =	vst v7  }
0x1c9: {  	[tilespmem:s18+$0x0] =	vst v4  }
0x1ca: {  	[tilespmem:s18+$0x10] =	vst v8  }
0x1cb: {  	[tilespmem:s18+$0x20] =	vst v5  }
.Ltmp7:
0x1cc: {  	[tilespmem:s18+$0x30] =	vst v9;
	(pc) =	sbr.rel @p1 .LBB2_15-.Ltmp7, $4  }
0x1cd: {  	[tilespmem:s18+$0x40] =	vst v2  }
0x1ce: {  	[tilespmem:s18+$0x50] =	vst v10  }
0x1cf: {  	[tilespmem:s18+$0x60] =	vst v6  }
0x1d0: {  	s19 =	sshra.s32 s12, $0x2;
	s12 =	sadd.s32 $0x40, s12;
	[tilespmem:s18+$0x70] =	vst v1  }
0x1d1: {  	v1 =	vld [tilespmem:s19+$0x140];
	_ =	sdelay $0x4  }
0x1d2: {  	v2 =	vbroadcast v1, $0x0  }
0x1d3: {  	s12 =	sadd.s32 $0x100, s18;
	v3 =	vbroadcast v1, $0x1  }
0x1d4: {  	v4 =	vbroadcast v1, $0x2;
	[tilespmem:s12+$0xFFFFFF80] =	vst v2  }
0x1d5: {  	v2 =	vbroadcast v1, $0x3;
	[tilespmem:s12+$0xFFFFFF90] =	vst v3  }
0x1d6: {  	v3 =	vbroadcast v1, $0x4;
	[tilespmem:s12+$0xFFFFFFA0] =	vst v4  }
0x1d7: {  	v4 =	vbroadcast v1, $0x5;
	[tilespmem:s12+$0xFFFFFFB0] =	vst v2  }
0x1d8: {  	v2 =	vbroadcast v1, $0x6;
	[tilespmem:s12+$0xFFFFFFC0] =	vst v3  }
0x1d9: {  	v3 =	vbroadcast v1, $0x7;
	[tilespmem:s12+$0xFFFFFFD0] =	vst v4  }
0x1da: {  	v4 =	vbroadcast v1, $0x8;
	[tilespmem:s12+$0xFFFFFFE0] =	vst v2  }
0x1db: {  	v2 =	vbroadcast v1, $0x9;
	[tilespmem:s12+$0xFFFFFFF0] =	vst v3  }
0x1dc: {  	v3 =	vbroadcast v1, $0xA;
	[tilespmem:s12+$0x0] =	vst v4  }
0x1dd: {  	v4 =	vbroadcast v1, $0xB;
	[tilespmem:s12+$0x10] =	vst v2  }
0x1de: {  	v2 =	vbroadcast v1, $0xC;
	[tilespmem:s12+$0x20] =	vst v3  }
0x1df: {  	v3 =	vbroadcast v1, $0xD;
	[tilespmem:s12+$0x30] =	vst v4  }
0x1e0: {  	v4 =	vbroadcast v1, $0xE;
	[tilespmem:s12+$0x40] =	vst v2  }
0x1e1: {  	v1 =	vbroadcast v1, $0xF;
	[tilespmem:s12+$0x50] =	vst v3  }
0x1e2: {  	[tilespmem:s12+$0x60] =	vst v4  }
0x1e3: {  	s30 =	simm.s32 $0xA1E0;
	[tilespmem:s12+$0x70] =	vst v1  }
0x1e4: {  	v1 =	vld [tilespmem:s30+$0x0]  }
0x1e5: {  	v2 =	vld [tilespmem:s17+$0x250]  }
0x1e6: {  	v3 =	vld [tilespmem:s17+$0x1E0]  }
0x1e7: {  	v4 =	vld [tilespmem:s17+$0x5250]  }
0x1e8: {  	v5 =	vld [tilespmem:s17+$0x1F0]  }
0x1e9: {  	v6 =	vld [tilespmem:s17+$0x200]  }
0x1ea: {  	v7 =	vld [tilespmem:s17+$0x210]  }
0x1eb: {  	v10 =	vld [tilespmem:s17+$0x220]  }
0x1ec: {  	v11 =	vld [tilespmem:s17+$0x230];
	v2 =	vmul.f32 v2, v1  }
0x1ed: {  	v12 =	vld [tilespmem:s17+$0x240]  }
0x1ee: {  	v2 =	vadd.f32 v2, v4;
	v4 =	vld [tilespmem:s17+$0x51E0]  }
0x1ef: {  	v13 =	vld [tilespmem:s17+$0x51F0]  }
0x1f0: {  	v14 =	vld [tilespmem:s17+$0x5200]  }
0x1f1: {  	v9 =	vld [tilespmem:s17+$0x5210];
	[tilespmem:s17+$0x5250] =	vst v2;
	v2 =	vmul.f32 v3, v1  }
0x1f2: {  	v15 =	vmul.f32 v5, v1;
	v5 =	vld [tilespmem:s17+$0x5220]  }
0x1f3: {  	v8 =	vld [tilespmem:s17+$0x5230];
	v16 =	vmul.f32 v6, v1;
	v17 =	vadd.f32 v2, v4  }
0x1f4: {  	s12 =	simm.s32 $0xA1F0;
	v7 =	vmul.f32 v7, v1;
	v6 =	vmul.f32 v10, v1;
	v10 =	vadd.f32 v15, v13;
	v4 =	vld [tilespmem:s17+$0x5240]  }
0x1f5: {  	s18 =	simm.s32 $0x80;
	s19 =	simm.s32 $0x400;
	v3 =	vmul.f32 v11, v1;
	v11 =	vadd.f32 v16, v14;
	v2 =	vmul.f32 v12, v1;
	v1 =	vld [tilespmem:s12+$0x0];
	[tilespmem:s17+$0x51E0] =	vst v17  }
.LBB2_17:
0x1f6: {  	p1 =	sne.s32 s19, $0x9E00;
	v12 =	vld [tilespmem:s18+$0x250];
	[tilespmem:s17+$0x51F0] =	vst v10;
	v7 =	vadd.f32 v7, v9  }
0x1f7: {  	v9 =	vld [tilespmem:s18+$0x1E0];
	[tilespmem:s17+$0x5200] =	vst v11;
	v5 =	vadd.f32 v6, v5  }
0x1f8: {  	v6 =	vld [tilespmem:s18+$0x5250];
	[tilespmem:s17+$0x5210] =	vst v7;
	v3 =	vadd.f32 v3, v8  }
0x1f9: {  	v7 =	vld [tilespmem:s18+$0x1F0];
	[tilespmem:s17+$0x5220] =	vst v5;
	v2 =	vadd.f32 v2, v4  }
0x1fa: {  	v4 =	vld [tilespmem:s18+$0x200];
	[tilespmem:s17+$0x5230] =	vst v3  }
0x1fb: {  	v3 =	vld [tilespmem:s18+$0x210];
	v5 =	vmul.f32 v12, v1;
	[tilespmem:s17+$0x5240] =	vst v2;
	s17 =	smov.u32 s18  }
0x1fc: {  	v8 =	vmul.f32 v9, v1;
	v2 =	vld [tilespmem:s17+$0x220]  }
0x1fd: {  	v10 =	vld [tilespmem:s17+$0x230];
	v5 =	vadd.f32 v5, v6  }
0x1fe: {  	v11 =	vmul.f32 v7, v1;
	v12 =	vld [tilespmem:s17+$0x240]  }
0x1ff: {  	v13 =	vld [tilespmem:s17+$0x51E0];
	v14 =	vmul.f32 v4, v1;
	[tilespmem:s17+$0x5250] =	vst v5  }
0x200: {  	v4 =	vld [tilespmem:s17+$0x51F0];
	v7 =	vmul.f32 v3, v1  }
0x201: {  	v15 =	vld [tilespmem:s17+$0x5200];
	v6 =	vmul.f32 v2, v1  }
.Ltmp8:
0x202: {  	v9 =	vld [tilespmem:s17+$0x5210];
	v3 =	vmul.f32 v10, v1;
	(pc) =	sbr.rel @p1 .LBB2_17-.Ltmp8, $4  }
0x203: {  	v5 =	vld [tilespmem:s17+$0x5220];
	v2 =	vmul.f32 v12, v1  }
0x204: {  	v12 =	vadd.f32 v8, v13;
	v8 =	vld [tilespmem:s17+$0x5230]  }
0x205: {  	s12 =	sadd.s32 $0x10, s12;
	v10 =	vadd.f32 v11, v4;
	v4 =	vld [tilespmem:s17+$0x5240]  }
0x206: {  	s18 =	sshra.s32 s19, $0x2;
	s19 =	sadd.s32 $0x200, s19;
	v1 =	vld [tilespmem:s12+$0x0];
	[tilespmem:s17+$0x51E0] =	vst v12;
	v11 =	vadd.f32 v14, v15  }
0x207: {  	v12 =	vld [tilespmem:s18+$0x250]  }
0x208: {  	v13 =	vld [tilespmem:s18+$0x1E0]  }
0x209: {  	v14 =	vld [tilespmem:s18+$0x5250]  }
0x20a: {  	v15 =	vld [tilespmem:s18+$0x1F0]  }
0x20b: {  	v16 =	vld [tilespmem:s18+$0x200]  }
0x20c: {  	v17 =	vld [tilespmem:s18+$0x210]  }
0x20d: {  	v18 =	vld [tilespmem:s18+$0x220]  }
0x20e: {  	v19 =	vld [tilespmem:s18+$0x230]  }
0x20f: {  	v53 =	vld [tilespmem:s18+$0x240]  }
0x210: {  	v20 =	vld [tilespmem:s18+$0x51E0];
	[tilespmem:s17+$0x51F0] =	vst v10;
	v7 =	vadd.f32 v7, v9  }
0x211: {  	v54 =	vld [tilespmem:s18+$0x51F0];
	[tilespmem:s17+$0x5200] =	vst v11;
	v5 =	vadd.f32 v6, v5  }
0x212: {  	v55 =	vld [tilespmem:s18+$0x5200];
	[tilespmem:s17+$0x5210] =	vst v7;
	v3 =	vadd.f32 v3, v8;
	v12 =	vmul.f32 v12, v1  }
0x213: {  	v57 =	vld [tilespmem:s18+$0x5210];
	[tilespmem:s17+$0x5220] =	vst v5;
	v2 =	vadd.f32 v2, v4;
	v56 =	vmul.f32 v13, v1  }
0x214: {  	v61 =	vld [tilespmem:s18+$0x5240];
	[tilespmem:s17+$0x5230] =	vst v3;
	v58 =	vmul.f32 v15, v1;
	v12 =	vadd.f32 v12, v14  }
0x215: {  	v59 =	vld [tilespmem:s18+$0x5220];
	v3 =	vmul.f32 v16, v1;
	[tilespmem:s17+$0x5240] =	vst v2;
	v7 =	vadd.f32 v56, v20  }
0x216: {  	v60 =	vld [tilespmem:s18+$0x5230];
	v2 =	vmul.f32 v17, v1;
	v62 =	vmul.f32 v18, v1;
	v4 =	vadd.f32 v58, v54;
	[tilespmem:s18+$0x5250] =	vst v12  }
0x217: {  	v63 =	vmul.f32 v19, v1;
	v1 =	vmul.f32 v53, v1;
	v3 =	vadd.f32 v3, v55;
	[tilespmem:s18+$0x51E0] =	vst v7  }
0x218: {  	v2 =	vadd.f32 v2, v57;
	[tilespmem:s18+$0x51F0] =	vst v4  }
0x219: {  	v1 =	vadd.f32 v1, v61;
	[tilespmem:s18+$0x5200] =	vst v3  }
0x21a: {  	v3 =	vadd.f32 v62, v59;
	[tilespmem:s18+$0x5210] =	vst v2  }
0x21b: {  	v2 =	vadd.f32 v63, v60;
	[tilespmem:s18+$0x5240] =	vst v1  }
0x21c: {  	[tilespmem:s18+$0x5220] =	vst v3  }
0x21d: {  	[tilespmem:s18+$0x5230] =	vst v2  }
0x21e: {  	[spmem:s2] =	stream.indirect.scatter.add.f32 [tilespmem:s20], [sflag:$0x9], $0x80, s22, s23, $0xb8;
	[tilespmem:$0x1DF60] =	vst v63  }
0x21f: {  	_ =	swait.ge [sflag:s21], $0x2800  }
0x220: {  	[sflag:s21] =	ssyncset.done $0x0  }
0x221: {  	[sflag:s21] =	ssyncadd.s32 $0xFFFFD800  }
0x222: {  	s12 =	stileid.u32;
	[bflag:$0x0] =	sbarrier.arrive $0xFFFF  }
0x223: {  	s12 =	sshll.u32 s12, $0x6;
	s19 =	rddreg [dreg:$0x4]  }
0x224: {  	s12 =	sor.u32 $0x1C09, s12;
	s30 =	rddreg [dreg:$0x1d]  }
0x225: {  	[hbm:s19], [sflag:s12] =	dma.local [spmem:s30], $0x500  }
0x226: {  	_ =	swait.ge [sflag:s21], $0x500  }
0x227: {  	[sflag:s21] =	ssyncset.done $0x0;
	s19 =	rddreg [dreg:$0x5]  }
0x228: {  	s30 =	rddreg [dreg:$0x1e];
	[sflag:s21] =	ssyncadd.s32 $0xFFFFFB00  }
0x229: {  	[hbm:s19], [sflag:s12] =	dma.local [spmem:s30], $0x500  }
0x22a: {  	_ =	swait.ge [sflag:s21], $0x500  }
0x22b: {  	[sflag:s21] =	ssyncset.done $0x0;
	s19 =	rddreg [dreg:$0x6]  }
0x22c: {  	s30 =	rddreg [dreg:$0x1f];
	[sflag:s21] =	ssyncadd.s32 $0xFFFFFB00  }
0x22d: {  	[hbm:s19], [sflag:s12] =	dma.local [spmem:s30], $0x500  }
0x22e: {  	_ =	swait.ge [sflag:s21], $0x500  }
0x22f: {  	s30 =	sld [smem:$0x7F9]  }
0x230: {  	[sflag:s21] =	ssyncset.done $0x0  }
0x231: {  	s19 =	rddreg [dreg:$0x7];
	[sflag:s21] =	ssyncadd.s32 $0xFFFFFB00  }
0x232: {  	[hbm:s19], [sflag:s12] =	dma.local [spmem:s30], $0x500  }
0x233: {  	_ =	swait.ge [sflag:s21], $0x500  }
0x234: {  	s30 =	sld [smem:$0x7FA]  }
0x235: {  	[sflag:s21] =	ssyncset.done $0x0  }
0x236: {  	s19 =	rddreg [dreg:$0x8];
	[sflag:s21] =	ssyncadd.s32 $0xFFFFFB00  }
0x237: {  	[hbm:s19], [sflag:s12] =	dma.local [spmem:s30], $0x500  }
0x238: {  	_ =	swait.ge [sflag:s21], $0x500  }
0x239: {  	s30 =	sld [smem:$0x7FB]  }
0x23a: {  	[sflag:s21] =	ssyncset.done $0x0  }
0x23b: {  	s19 =	rddreg [dreg:$0x9];
	[sflag:s21] =	ssyncadd.s32 $0xFFFFFB00  }
0x23c: {  	[hbm:s19], [sflag:s12] =	dma.local [spmem:s30], $0x500  }
0x23d: {  	_ =	swait.ge [sflag:s21], $0x500  }
0x23e: {  	s30 =	sld [smem:$0x7FC]  }
0x23f: {  	[sflag:s21] =	ssyncset.done $0x0  }
0x240: {  	s19 =	rddreg [dreg:$0xa];
	[sflag:s21] =	ssyncadd.s32 $0xFFFFFB00  }
0x241: {  	[hbm:s19], [sflag:s12] =	dma.local [spmem:s30], $0x500  }
0x242: {  	_ =	swait.ge [sflag:s21], $0x500  }
0x243: {  	s18 =	sld [smem:$0x7FD]  }
0x244: {  	[sflag:s21] =	ssyncset.done $0x0  }
0x245: {  	s17 =	rddreg [dreg:$0xb];
	[sflag:s21] =	ssyncadd.s32 $0xFFFFFB00  }
0x246: {  	[hbm:s17], [sflag:s12] =	dma.local @!p0 [spmem:s18], $0x500  }
0x247: {  	s12 =	simm.s32 @!p0 $0x9  }
0x248: {  	_ =	swait.ge @!p0 [sflag:s12], $0x500  }
0x249: {  	s19 =	sld [smem:$0x7F8];
	_ =	sdelay $0x2  }
0x24a: {  	s30 =	rddreg [dreg:$0x14];
	s18 =	sadd.s32 $0x1, s19  }
0x24b: {  	p1 =	sne.s32 s18, s30  }
.Ltmp9:
0x24c: {  	_ = 	snop;
	(pc) =	sbr.rel @p1 .LBB2_1-.Ltmp9, $3  }
0x24d: {  	_ =	sdelay $0x1  }
0x24e: {  	[sflag:s12] =	ssyncset.done @!p0 $0x0  }
0x24f: {  	[sflag:s12] =	ssyncadd.s32 @!p0 $0xFFFFFB00  }
0x250: {  	_ =	sfence.sel $0x180000  }
0x251: {  	[bflag:$0x0] =	sbarrier.arrive $0xFFFF  }
0x252: {  	_ =	strace $0x90000050  }
0x253: {  	s0 =	stileid.u32;
	[bflag:$0x2] =	sbarrier.arrive $0xFFFF  }
0x254: {  	p0 =	sne.s32 s0, $0x0;
	s0 =	rddreg [dreg:$0x3]  }
0x255: {  	s0 =	sadd.s32 @!p0 $0x100000, s0  }
0x256: {  	[sflag:s0] =	ssyncadd.tile.s32 @!p0 $0x1;
	_ =	shalt  }
.Lfunc_end2:
_tile_overlayer_lowered:
.L_overlay_start_2:
0x257: {  	(tag) =	ssettag $0x2  }
0x258: {  	s0 =	rddreg [dreg:$0x0];
	s2 =	stileid.u32  }
0x259: {  	s1 =	rddreg [dreg:$0x1];
	p0 =	sne.s32 s2, $0x0  }
0x25a: {  	s3 =	rddreg [dreg:$0x2];
	[bflag:$0x3] =	sbarrier.arrive $0xFFFF;
	s2 =	simm.s32 @!p0 $0x1C09  }
0x25b: {  	[timem:s3], [sflag:s2] =	dma.local @!p0 [hbm:s0], s1  }
0x25c: {  	s0 =	simm.s32 @!p0 $0x9  }
0x25d: {  	_ =	swait.ge @!p0 [sflag:s0], s1  }
0x25e: {  	s1 =	ssub.s32 @!p0 $0x0, s1;
	[sflag:s0] =	ssyncset.done @!p0 $0x0  }
0x25f: {  	[sflag:s0] =	ssyncadd.s32 @!p0 s1  }
0x260: {  	[bflag:$0x3] =	sbarrier.arrive $0xFFFF  }
0x261: {  	_ =	shalt  }

</sc_bundles>
